<compile_context>
chip_gen: v7x
topology: tpu7x:2x2x1
jax: 0.10.2.dev20260603
libtpu: 0.0.44.dev20260713+nightly
codegen_flags: <defaults>
</compile_context>

<pallas_src>
import functools

import jax
import jax.numpy as jnp
from jax import lax
from jax.experimental import pallas as pl
from jax.experimental.pallas import tpu as pltpu
from jax.experimental.pallas import tpu_sc as plsc

NC = 2
NS = 16
W = NC * NS
L = 16
C = 128
G = 8
NBUF = 2


def _zero16():
    return jnp.zeros((L,), jnp.float32)


def _mesh():
    return plsc.VectorSubcoreMesh(
        core_axis_name="c", subcore_axis_name="s",
        num_cores=NC, num_subcores=NS)


def _make_deg(PN, EP):
    NCHW = EP // (C * W)
    NG = NCHW // G
    NWR = PN // NS

    @functools.partial(
        pl.kernel,
        out_type=(jax.ShapeDtypeStruct((PN,), jnp.float32),
                  jax.ShapeDtypeStruct((PN,), jnp.float32)),
        mesh=_mesh(),
        compiler_params=pltpu.CompilerParams(needs_layout_passes=False),
        scratch_types=[
            pltpu.VMEM_SHARED((PN,), jnp.float32),
            pltpu.VMEM((G, C), jnp.int32),
            pltpu.VMEM((C,), jnp.float32),
            pltpu.VMEM((NWR,), jnp.float32),
        ],
    )
    def deg_kernel(col_hbm, deg0_hbm, deg1_hbm, deg_sp, cidx, ones_v, zbuf):
        cid = lax.axis_index("c")
        sid = lax.axis_index("s")
        w = cid * NS + sid
        ebase = w * NCHW

        for i in range(C // L):
            ones_v[pl.ds(i * L, L)] = _zero16() + jnp.float32(1.0)

        def zb(i, _):
            zbuf[pl.ds(i * L, L)] = _zero16()
            return 0
        lax.fori_loop(0, NWR // L, zb, 0)
        pltpu.sync_copy(zbuf, deg_sp.at[pl.ds(sid * NWR, NWR)])
        plsc.subcore_barrier()

        def deg_body(g, _):
            pltpu.sync_copy(col_hbm.at[pl.ds(ebase + g * G, G), :], cidx)
            for b in range(G):
                pltpu.sync_copy(ones_v, deg_sp.at[cidx.at[b]], add=True)
            return 0
        lax.fori_loop(0, NG, deg_body, 0)
        plsc.subcore_barrier()

        @pl.when(cid == 0)
        def _():
            pltpu.sync_copy(deg_sp.at[pl.ds(sid * NWR, NWR)],
                            deg0_hbm.at[pl.ds(sid * NWR, NWR)])

        @pl.when(cid == 1)
        def _():
            pltpu.sync_copy(deg_sp.at[pl.ds(sid * NWR, NWR)],
                            deg1_hbm.at[pl.ds(sid * NWR, NWR)])

    return deg_kernel


def _make_edge(PN, D, EP):
    NCHW = EP // (C * W)
    NG = NCHW // G
    NWR = PN // NS
    DN = D // L

    @functools.partial(
        pl.kernel,
        out_type=(jax.ShapeDtypeStruct((PN, D), jnp.float32),
                  jax.ShapeDtypeStruct((PN, D), jnp.float32)),
        mesh=_mesh(),
        compiler_params=pltpu.CompilerParams(needs_layout_passes=False),
        scratch_types=[
            pltpu.VMEM_SHARED((PN, D), jnp.float32),
            pltpu.VMEM((2, G, C), jnp.int32),
            pltpu.VMEM((2, G, C), jnp.int32),
        ] + [pltpu.VMEM((C, D), jnp.float32) for _ in range(NBUF)]
          + [pltpu.SemaphoreType.DMA for _ in range(NBUF)]
          + [pltpu.SemaphoreType.DMA],
    )
    def edge_kernel(t_hbm, row_hbm, col_hbm, u0_hbm, u1_hbm,
                    u_sp, ridx, cidx, *rest):
        bufs = rest[:NBUF]
        sems = rest[NBUF:2 * NBUF]
        isem = rest[2 * NBUF]
        cid = lax.axis_index("c")
        sid = lax.axis_index("s")
        w = cid * NS + sid
        ebase = w * NCHW

        def zero_buf(i, _):
            for c in range(DN):
                bufs[0][i, pl.ds(c * L, L)] = _zero16()
            return 0
        lax.fori_loop(0, C, zero_buf, 0)
        for k in range(NWR // C):
            pltpu.sync_copy(
                bufs[0], u_sp.at[pl.ds(sid * NWR + k * C, C), :])
        plsc.subcore_barrier()

        pltpu.async_copy(row_hbm.at[pl.ds(ebase, G), :], ridx.at[0], isem)
        pltpu.async_copy(col_hbm.at[pl.ds(ebase, G), :], cidx.at[0], isem)

        def gpair(g2, _):
            for p in (0, 1):
                g = 2 * g2 + p
                base = ebase + g * G
                pltpu.make_async_copy(
                    row_hbm.at[pl.ds(base, G), :], ridx.at[p], isem).wait()
                pltpu.make_async_copy(
                    col_hbm.at[pl.ds(base, G), :], cidx.at[p], isem).wait()

                @pl.when(g + 1 < NG)
                def _():
                    nb = ebase + (g + 1) * G
                    pltpu.async_copy(row_hbm.at[pl.ds(nb, G), :],
                                     ridx.at[1 - p], isem)
                    pltpu.async_copy(col_hbm.at[pl.ds(nb, G), :],
                                     cidx.at[1 - p], isem)

                pend = [
                    pltpu.async_copy(t_hbm.at[ridx.at[p, b]],
                                     bufs[b], sems[b])
                    for b in range(NBUF)]
                for b in range(G):
                    pend[b].wait()
                    pltpu.sync_copy(bufs[b % NBUF],
                                    u_sp.at[cidx.at[p, b]], add=True)
                    if b + NBUF < G:
                        pend.append(pltpu.async_copy(
                            t_hbm.at[ridx.at[p, b + NBUF]],
                            bufs[b % NBUF], sems[b % NBUF]))
            return 0
        lax.fori_loop(0, NG // 2, gpair, 0)
        plsc.subcore_barrier()

        @pl.when(cid == 0)
        def _():
            pltpu.sync_copy(u_sp.at[pl.ds(sid * NWR, NWR), :],
                            u0_hbm.at[pl.ds(sid * NWR, NWR), :])

        @pl.when(cid == 1)
        def _():
            pltpu.sync_copy(u_sp.at[pl.ds(sid * NWR, NWR), :],
                            u1_hbm.at[pl.ds(sid * NWR, NWR), :])

    return edge_kernel



def _prep_body(x_ref, d0_ref, d1_ref, t_ref, dis_ref, dis2_ref):
    deg = d0_ref[...] + d1_ref[...] + jnp.float32(1.0)
    dis = lax.rsqrt(deg)
    dis_ref[...] = dis
    dis2_ref[...] = jnp.float32(1.0) / deg
    t_ref[...] = x_ref[...] * dis


def _upd_body(u0_ref, u1_ref, t_ref, dis2_ref, o_ref):
    o_ref[...] = (u0_ref[...] + u1_ref[...] + t_ref[...]) * dis2_ref[...]


def _fin_body(u0_ref, u1_ref, t_ref, dis_ref, o_ref, acc_ref):
    i = pl.program_id(0)

    @pl.when(i == 0)
    def _():
        acc_ref[0] = jnp.float32(0.0)

    v = (u0_ref[...] + u1_ref[...] + t_ref[...]) * dis_ref[...]
    acc_ref[0] += jnp.sum(v * v)

    @pl.when(i == pl.num_programs(0) - 1)
    def _():
        o_ref[...] = jnp.sqrt(acc_ref[0]).reshape(1, 1)


@functools.lru_cache(maxsize=None)
def _get_kernels(PN, D, EP):
    deg_k = _make_deg(PN, EP)
    edge_k = _make_edge(PN, D, EP)
    fvec = jax.ShapeDtypeStruct((PN, D), jnp.float32)
    fcol = jax.ShapeDtypeStruct((PN, 1), jnp.float32)
    NB = 8
    B = PN // NB
    vspec = pl.BlockSpec((B, D), lambda i: (i, 0))
    cspec = pl.BlockSpec((B, 1), lambda i: (i, 0))
    prep = pl.pallas_call(
        _prep_body, grid=(NB,),
        in_specs=[vspec, cspec, cspec],
        out_specs=(vspec, cspec, cspec),
        out_shape=(fvec, fcol, fcol))
    upd = pl.pallas_call(
        _upd_body, grid=(NB,),
        in_specs=[vspec, vspec, vspec, cspec],
        out_specs=vspec,
        out_shape=fvec)
    fin = pl.pallas_call(
        _fin_body, grid=(NB,),
        in_specs=[vspec, vspec, vspec, cspec],
        out_specs=pl.BlockSpec((1, 1), lambda i: (0, 0)),
        out_shape=jax.ShapeDtypeStruct((1, 1), jnp.float32),
        scratch_shapes=[pltpu.SMEM((1,), jnp.float32)])
    return deg_k, edge_k, prep, upd, fin


def kernel(x, adj, pool):
    N, D = x.shape
    E = adj.shape[1]
    PN = ((N + NS * 128 - 1) // (NS * 128)) * (NS * 128)
    EP = ((E + W * G * C * 2 - 1) // (W * G * C * 2)) * (W * G * C * 2)
    xp = jnp.pad(x, ((0, PN - N), (0, 0)))
    spare = max(PN - N, 1)
    padi = (N + jnp.arange(EP - E, dtype=jnp.int32) % spare).astype(jnp.int32)
    rowp = jnp.concatenate([adj[0], padi]).reshape(EP // C, C)
    colp = jnp.concatenate([adj[1], padi]).reshape(EP // C, C)

    deg_k, edge_k, prep, upd, fin = _get_kernels(PN, D, EP)
    deg0, deg1 = deg_k(colp)
    t, dis, dis2 = prep(xp, deg0.reshape(PN, 1), deg1.reshape(PN, 1))
    for r in range(3):
        u0, u1 = edge_k(t, rowp, colp)
        if r < 2:
            t = upd(u0, u1, t, dis2)
    out = fin(u0, u1, t, dis)
    return out[0, 0]

# --- scband reference (transcript-rebuilt; emitter-appended) ---
"""Pipeline reference for scband-akx-25520695673513 (READ-ONLY COPY).

The authoritative reference and input builder live on the scoring server;
editing this copy changes nothing except your own understanding.
"""

import jax, jax.numpy as jnp
import numpy as np

N = 10000
E = 320000
D = 128
K = 3

def setup_inputs(seed: int = 0) -> dict:
    key = jax.random.key(seed)
    k1, k2 = jax.random.split(key)
    x = jax.random.normal(k1, (N, D), dtype=jnp.float32)
    adj = jax.random.randint(k2, (2, E), 0, N, dtype=jnp.int32)
    return {"x": x, "adj": adj, "pool": 0}

def reference(x, adj, pool):
    # SGConv(K=3) with lin = Identity, i.e. K rounds of GCN-normalized propagation
    row, col = adj[0], adj[1]
    # gcn_norm: add self loops with weight 1
    loop = jnp.arange(N, dtype=row.dtype)
    row = jnp.concatenate([row, loop])
    col = jnp.concatenate([col, loop])
    w = jnp.ones(row.shape[0], dtype=x.dtype)
    deg = jnp.zeros((N,), dtype=x.dtype).at[col].add(w)
    deg_inv_sqrt = jnp.where(deg > 0, 1.0 / jnp.sqrt(deg), 0.0)
    norm = deg_inv_sqrt[row] * deg_inv_sqrt[col]
    h = x
    for _ in range(K):
        msg = h[row] * norm[:, None]          # gather + scale
        h = jnp.zeros_like(h).at[col].add(msg)  # scatter-add at destinations
    # pool is passed as int 0, so neither 'mean' nor 'sum' branch fires in the
    # original torch module; output is norm of the unpooled propagated features.
    return jnp.linalg.norm(h)

if __name__ == "__main__":
    import jax
    _d = setup_inputs()
    print(jax.jit(kernel)(*tuple(_d.values())))

</pallas_src>

<mosaic_0001>
#map = affine_map<(d0, d1) -> (0, 0)>
module attributes {stable_mosaic.version = 14 : i64} {
  func.func @edge_kernel(%arg0: i32, %arg1: i32, %arg2: memref<10240x128xf32, #tpu.memory_space<hbm>>, %arg3: memref<2560x128xi32, #tpu.memory_space<hbm>>, %arg4: memref<2560x128xi32, #tpu.memory_space<hbm>>, %arg5: memref<10240x128xf32, #tpu.memory_space<hbm>>, %arg6: memref<10240x128xf32, #tpu.memory_space<hbm>>, %arg7: memref<10240x128xf32, #tpu.memory_space<vmem_shared>>, %arg8: memref<2x8x128xi32, #tpu.memory_space<vmem>>, %arg9: memref<2x8x128xi32, #tpu.memory_space<vmem>>, %arg10: memref<128x128xf32, #tpu.memory_space<vmem>>, %arg11: memref<128x128xf32, #tpu.memory_space<vmem>>, %arg12: memref<!tpu.dma_semaphore, #tpu.memory_space<semaphore_mem>>, %arg13: memref<!tpu.dma_semaphore, #tpu.memory_space<semaphore_mem>>, %arg14: memref<!tpu.dma_semaphore, #tpu.memory_space<semaphore_mem>>) attributes {dimension_semantics = [#tpu.dimension_semantics<core_parallel>, #tpu.dimension_semantics<subcore_parallel>], iteration_bounds = array<i64: 2, 16>, scalar_prefetch = 0 : i64, scratch_operands = 8 : i64, tpu.core_type = #tpu.core_type<sc_vector_subcore>, window_params = [{transform_indices = #map}, {transform_indices = #map}, {transform_indices = #map}, {transform_indices = #map}, {transform_indices = #map}]} {
    %mul3A = arith.constant 16 : i32
    %mul3A_0 = arith.muli %arg0, %mul3A : i32
    %add3A = arith.addi %mul3A_0, %arg1 : i32
    %mul3A_1 = arith.constant 80 : i32
    %mul3A_2 = arith.muli %add3A, %mul3A_1 : i32
    %scan3A = arith.constant 0 : i32
    %scan3A_3 = arith.constant 0 : i32
    %scan3A_4 = arith.constant 128 : i32
    %scan3A_5 = arith.addi %scan3A_3, %scan3A_4 : i32
    %scan3A_6 = arith.constant 1 : i32
    %scan3A_7 = scf.for %scan3A_69 = %scan3A_3 to %scan3A_5 step %scan3A_6 iter_args(%scan3A_70 = %scan3A) -> (i32)  : i32 {
      %broadcast_in_dim3A = arith.constant 0.000000e+00 : f32
      %broadcast_in_dim3A_71 = vector.broadcast %broadcast_in_dim3A : f32 to vector<16xf32>
      %swap3A = arith.index_cast %scan3A_69 : i32 to index
      %swap3A_72 = arith.constant 0 : index
      %swap3A_73 = tpu.vector_load %arg10[%swap3A, %swap3A_72] {strides = array<i32>} : memref<128x128xf32, #tpu.memory_space<vmem>>, vector<16xf32>,
      tpu.vector_store %arg10[%swap3A, %swap3A_72], %broadcast_in_dim3A_71 {strides = array<i32>} : memref<128x128xf32, #tpu.memory_space<vmem>>, vector<16xf32>,
      %broadcast_in_dim3A_74 = arith.constant 0.000000e+00 : f32
      %broadcast_in_dim3A_75 = vector.broadcast %broadcast_in_dim3A_74 : f32 to vector<16xf32>
      %swap3A_76 = arith.index_cast %scan3A_69 : i32 to index
      %swap3A_77 = arith.constant 16 : index
      %swap3A_78 = tpu.vector_load %arg10[%swap3A_76, %swap3A_77] {strides = array<i32>} : memref<128x128xf32, #tpu.memory_space<vmem>>, vector<16xf32>,
      tpu.vector_store %arg10[%swap3A_76, %swap3A_77], %broadcast_in_dim3A_75 {strides = array<i32>} : memref<128x128xf32, #tpu.memory_space<vmem>>, vector<16xf32>,
      %broadcast_in_dim3A_79 = arith.constant 0.000000e+00 : f32
      %broadcast_in_dim3A_80 = vector.broadcast %broadcast_in_dim3A_79 : f32 to vector<16xf32>
      %swap3A_81 = arith.index_cast %scan3A_69 : i32 to index
      %swap3A_82 = arith.constant 32 : index
      %swap3A_83 = tpu.vector_load %arg10[%swap3A_81, %swap3A_82] {strides = array<i32>} : memref<128x128xf32, #tpu.memory_space<vmem>>, vector<16xf32>,
      tpu.vector_store %arg10[%swap3A_81, %swap3A_82], %broadcast_in_dim3A_80 {strides = array<i32>} : memref<128x128xf32, #tpu.memory_space<vmem>>, vector<16xf32>,
      %broadcast_in_dim3A_84 = arith.constant 0.000000e+00 : f32
      %broadcast_in_dim3A_85 = vector.broadcast %broadcast_in_dim3A_84 : f32 to vector<16xf32>
      %swap3A_86 = arith.index_cast %scan3A_69 : i32 to index
      %swap3A_87 = arith.constant 48 : index
      %swap3A_88 = tpu.vector_load %arg10[%swap3A_86, %swap3A_87] {strides = array<i32>} : memref<128x128xf32, #tpu.memory_space<vmem>>, vector<16xf32>,
      tpu.vector_store %arg10[%swap3A_86, %swap3A_87], %broadcast_in_dim3A_85 {strides = array<i32>} : memref<128x128xf32, #tpu.memory_space<vmem>>, vector<16xf32>,
      %broadcast_in_dim3A_89 = arith.constant 0.000000e+00 : f32
      %broadcast_in_dim3A_90 = vector.broadcast %broadcast_in_dim3A_89 : f32 to vector<16xf32>
      %swap3A_91 = arith.index_cast %scan3A_69 : i32 to index
      %swap3A_92 = arith.constant 64 : index
      %swap3A_93 = tpu.vector_load %arg10[%swap3A_91, %swap3A_92] {strides = array<i32>} : memref<128x128xf32, #tpu.memory_space<vmem>>, vector<16xf32>,
      tpu.vector_store %arg10[%swap3A_91, %swap3A_92], %broadcast_in_dim3A_90 {strides = array<i32>} : memref<128x128xf32, #tpu.memory_space<vmem>>, vector<16xf32>,
      %broadcast_in_dim3A_94 = arith.constant 0.000000e+00 : f32
      %broadcast_in_dim3A_95 = vector.broadcast %broadcast_in_dim3A_94 : f32 to vector<16xf32>
      %swap3A_96 = arith.index_cast %scan3A_69 : i32 to index
      %swap3A_97 = arith.constant 80 : index
      %swap3A_98 = tpu.vector_load %arg10[%swap3A_96, %swap3A_97] {strides = array<i32>} : memref<128x128xf32, #tpu.memory_space<vmem>>, vector<16xf32>,
      tpu.vector_store %arg10[%swap3A_96, %swap3A_97], %broadcast_in_dim3A_95 {strides = array<i32>} : memref<128x128xf32, #tpu.memory_space<vmem>>, vector<16xf32>,
      %broadcast_in_dim3A_99 = arith.constant 0.000000e+00 : f32
      %broadcast_in_dim3A_100 = vector.broadcast %broadcast_in_dim3A_99 : f32 to vector<16xf32>
      %swap3A_101 = arith.index_cast %scan3A_69 : i32 to index
      %swap3A_102 = arith.constant 96 : index
      %swap3A_103 = tpu.vector_load %arg10[%swap3A_101, %swap3A_102] {strides = array<i32>} : memref<128x128xf32, #tpu.memory_space<vmem>>, vector<16xf32>,
      tpu.vector_store %arg10[%swap3A_101, %swap3A_102], %broadcast_in_dim3A_100 {strides = array<i32>} : memref<128x128xf32, #tpu.memory_space<vmem>>, vector<16xf32>,
      %broadcast_in_dim3A_104 = arith.constant 0.000000e+00 : f32
      %broadcast_in_dim3A_105 = vector.broadcast %broadcast_in_dim3A_104 : f32 to vector<16xf32>
      %swap3A_106 = arith.index_cast %scan3A_69 : i32 to index
      %swap3A_107 = arith.constant 112 : index
      %swap3A_108 = tpu.vector_load %arg10[%swap3A_106, %swap3A_107] {strides = array<i32>} : memref<128x128xf32, #tpu.memory_space<vmem>>, vector<16xf32>,
      tpu.vector_store %arg10[%swap3A_106, %swap3A_107], %broadcast_in_dim3A_105 {strides = array<i32>} : memref<128x128xf32, #tpu.memory_space<vmem>>, vector<16xf32>,
      %scan3A_109 = arith.constant 0 : i32
      scf.yield %scan3A_109 : i32
    }
    %scan3A_8 = arith.constant 128 : i32
    %mul3A_9 = arith.constant 640 : i32
    %mul3A_10 = arith.muli %arg1, %mul3A_9 : i32
    %add3A_11 = arith.constant 0 : i32
    %add3A_12 = arith.addi %mul3A_10, %add3A_11 : i32
    "tpu.region"() ({
      %run_scoped3A = tpu.sem_alloc : memref<!tpu.dma_semaphore, #tpu.memory_space<semaphore_mem>>
      %dma_start3A_69 = arith.constant 0 : i32
      %dma_start3A_70 = tpu.memref_slice %arg7[%add3A_12, %dma_start3A_69] : memref<10240x128xf32, #tpu.memory_space<vmem_shared>> -> memref<128x128xf32, #tpu.memory_space<vmem_shared>>
      %dma_start3A_71 = arith.constant 0 : i32
      %dma_start3A_72 = tpu.memref_slice %arg7[%add3A_12, %dma_start3A_71] : memref<10240x128xf32, #tpu.memory_space<vmem_shared>> -> memref<128x128xf32, #tpu.memory_space<vmem_shared>>
      tpu.enqueue_dma source(%arg10 : memref<128x128xf32, #tpu.memory_space<vmem>>) target(%dma_start3A_72 : memref<128x128xf32, #tpu.memory_space<vmem_shared>>) target_semaphore(%run_scoped3A : memref<!tpu.dma_semaphore, #tpu.memory_space<semaphore_mem>>)
      %dma_wait3A = arith.constant 0 : i32
      %dma_wait3A_73 = tpu.memref_slice %arg7[%add3A_12, %dma_wait3A] : memref<10240x128xf32, #tpu.memory_space<vmem_shared>> -> memref<128x128xf32, #tpu.memory_space<vmem_shared>>
      %dma_wait3A_74 = arith.constant 0 : i32
      %dma_wait3A_75 = tpu.memref_slice %arg7[%add3A_12, %dma_wait3A_74] : memref<10240x128xf32, #tpu.memory_space<vmem_shared>> -> memref<128x128xf32, #tpu.memory_space<vmem_shared>>
      tpu.wait_dma2 semaphore(%run_scoped3A : memref<!tpu.dma_semaphore, #tpu.memory_space<semaphore_mem>>) src(%arg10 : memref<128x128xf32, #tpu.memory_space<vmem>>) dst(%dma_wait3A_75 : memref<128x128xf32, #tpu.memory_space<vmem_shared>>)
      tpu.yield
    }) : () -> ()
    %mul3A_13 = arith.constant 640 : i32
    %mul3A_14 = arith.muli %arg1, %mul3A_13 : i32
    %add3A_15 = arith.constant 128 : i32
    %add3A_16 = arith.addi %mul3A_14, %add3A_15 : i32
    "tpu.region"() ({
      %run_scoped3A = tpu.sem_alloc : memref<!tpu.dma_semaphore, #tpu.memory_space<semaphore_mem>>
      %dma_start3A_69 = arith.constant 0 : i32
      %dma_start3A_70 = tpu.memref_slice %arg7[%add3A_16, %dma_start3A_69] : memref<10240x128xf32, #tpu.memory_space<vmem_shared>> -> memref<128x128xf32, #tpu.memory_space<vmem_shared>>
      %dma_start3A_71 = arith.constant 0 : i32
      %dma_start3A_72 = tpu.memref_slice %arg7[%add3A_16, %dma_start3A_71] : memref<10240x128xf32, #tpu.memory_space<vmem_shared>> -> memref<128x128xf32, #tpu.memory_space<vmem_shared>>
      tpu.enqueue_dma source(%arg10 : memref<128x128xf32, #tpu.memory_space<vmem>>) target(%dma_start3A_72 : memref<128x128xf32, #tpu.memory_space<vmem_shared>>) target_semaphore(%run_scoped3A : memref<!tpu.dma_semaphore, #tpu.memory_space<semaphore_mem>>)
      %dma_wait3A = arith.constant 0 : i32
      %dma_wait3A_73 = tpu.memref_slice %arg7[%add3A_16, %dma_wait3A] : memref<10240x128xf32, #tpu.memory_space<vmem_shared>> -> memref<128x128xf32, #tpu.memory_space<vmem_shared>>
      %dma_wait3A_74 = arith.constant 0 : i32
      %dma_wait3A_75 = tpu.memref_slice %arg7[%add3A_16, %dma_wait3A_74] : memref<10240x128xf32, #tpu.memory_space<vmem_shared>> -> memref<128x128xf32, #tpu.memory_space<vmem_shared>>
      tpu.wait_dma2 semaphore(%run_scoped3A : memref<!tpu.dma_semaphore, #tpu.memory_space<semaphore_mem>>) src(%arg10 : memref<128x128xf32, #tpu.memory_space<vmem>>) dst(%dma_wait3A_75 : memref<128x128xf32, #tpu.memory_space<vmem_shared>>)
      tpu.yield
    }) : () -> ()
    %mul3A_17 = arith.constant 640 : i32
    %mul3A_18 = arith.muli %arg1, %mul3A_17 : i32
    %add3A_19 = arith.constant 256 : i32
    %add3A_20 = arith.addi %mul3A_18, %add3A_19 : i32
    "tpu.region"() ({
      %run_scoped3A = tpu.sem_alloc : memref<!tpu.dma_semaphore, #tpu.memory_space<semaphore_mem>>
      %dma_start3A_69 = arith.constant 0 : i32
      %dma_start3A_70 = tpu.memref_slice %arg7[%add3A_20, %dma_start3A_69] : memref<10240x128xf32, #tpu.memory_space<vmem_shared>> -> memref<128x128xf32, #tpu.memory_space<vmem_shared>>
      %dma_start3A_71 = arith.constant 0 : i32
      %dma_start3A_72 = tpu.memref_slice %arg7[%add3A_20, %dma_start3A_71] : memref<10240x128xf32, #tpu.memory_space<vmem_shared>> -> memref<128x128xf32, #tpu.memory_space<vmem_shared>>
      tpu.enqueue_dma source(%arg10 : memref<128x128xf32, #tpu.memory_space<vmem>>) target(%dma_start3A_72 : memref<128x128xf32, #tpu.memory_space<vmem_shared>>) target_semaphore(%run_scoped3A : memref<!tpu.dma_semaphore, #tpu.memory_space<semaphore_mem>>)
      %dma_wait3A = arith.constant 0 : i32
      %dma_wait3A_73 = tpu.memref_slice %arg7[%add3A_20, %dma_wait3A] : memref<10240x128xf32, #tpu.memory_space<vmem_shared>> -> memref<128x128xf32, #tpu.memory_space<vmem_shared>>
      %dma_wait3A_74 = arith.constant 0 : i32
      %dma_wait3A_75 = tpu.memref_slice %arg7[%add3A_20, %dma_wait3A_74] : memref<10240x128xf32, #tpu.memory_space<vmem_shared>> -> memref<128x128xf32, #tpu.memory_space<vmem_shared>>
      tpu.wait_dma2 semaphore(%run_scoped3A : memref<!tpu.dma_semaphore, #tpu.memory_space<semaphore_mem>>) src(%arg10 : memref<128x128xf32, #tpu.memory_space<vmem>>) dst(%dma_wait3A_75 : memref<128x128xf32, #tpu.memory_space<vmem_shared>>)
      tpu.yield
    }) : () -> ()
    %mul3A_21 = arith.constant 640 : i32
    %mul3A_22 = arith.muli %arg1, %mul3A_21 : i32
    %add3A_23 = arith.constant 384 : i32
    %add3A_24 = arith.addi %mul3A_22, %add3A_23 : i32
    "tpu.region"() ({
      %run_scoped3A = tpu.sem_alloc : memref<!tpu.dma_semaphore, #tpu.memory_space<semaphore_mem>>
      %dma_start3A_69 = arith.constant 0 : i32
      %dma_start3A_70 = tpu.memref_slice %arg7[%add3A_24, %dma_start3A_69] : memref<10240x128xf32, #tpu.memory_space<vmem_shared>> -> memref<128x128xf32, #tpu.memory_space<vmem_shared>>
      %dma_start3A_71 = arith.constant 0 : i32
      %dma_start3A_72 = tpu.memref_slice %arg7[%add3A_24, %dma_start3A_71] : memref<10240x128xf32, #tpu.memory_space<vmem_shared>> -> memref<128x128xf32, #tpu.memory_space<vmem_shared>>
      tpu.enqueue_dma source(%arg10 : memref<128x128xf32, #tpu.memory_space<vmem>>) target(%dma_start3A_72 : memref<128x128xf32, #tpu.memory_space<vmem_shared>>) target_semaphore(%run_scoped3A : memref<!tpu.dma_semaphore, #tpu.memory_space<semaphore_mem>>)
      %dma_wait3A = arith.constant 0 : i32
      %dma_wait3A_73 = tpu.memref_slice %arg7[%add3A_24, %dma_wait3A] : memref<10240x128xf32, #tpu.memory_space<vmem_shared>> -> memref<128x128xf32, #tpu.memory_space<vmem_shared>>
      %dma_wait3A_74 = arith.constant 0 : i32
      %dma_wait3A_75 = tpu.memref_slice %arg7[%add3A_24, %dma_wait3A_74] : memref<10240x128xf32, #tpu.memory_space<vmem_shared>> -> memref<128x128xf32, #tpu.memory_space<vmem_shared>>
      tpu.wait_dma2 semaphore(%run_scoped3A : memref<!tpu.dma_semaphore, #tpu.memory_space<semaphore_mem>>) src(%arg10 : memref<128x128xf32, #tpu.memory_space<vmem>>) dst(%dma_wait3A_75 : memref<128x128xf32, #tpu.memory_space<vmem_shared>>)
      tpu.yield
    }) : () -> ()
    %mul3A_25 = arith.constant 640 : i32
    %mul3A_26 = arith.muli %arg1, %mul3A_25 : i32
    %add3A_27 = arith.constant 512 : i32
    %add3A_28 = arith.addi %mul3A_26, %add3A_27 : i32
    "tpu.region"() ({
      %run_scoped3A = tpu.sem_alloc : memref<!tpu.dma_semaphore, #tpu.memory_space<semaphore_mem>>
      %dma_start3A_69 = arith.constant 0 : i32
      %dma_start3A_70 = tpu.memref_slice %arg7[%add3A_28, %dma_start3A_69] : memref<10240x128xf32, #tpu.memory_space<vmem_shared>> -> memref<128x128xf32, #tpu.memory_space<vmem_shared>>
      %dma_start3A_71 = arith.constant 0 : i32
      %dma_start3A_72 = tpu.memref_slice %arg7[%add3A_28, %dma_start3A_71] : memref<10240x128xf32, #tpu.memory_space<vmem_shared>> -> memref<128x128xf32, #tpu.memory_space<vmem_shared>>
      tpu.enqueue_dma source(%arg10 : memref<128x128xf32, #tpu.memory_space<vmem>>) target(%dma_start3A_72 : memref<128x128xf32, #tpu.memory_space<vmem_shared>>) target_semaphore(%run_scoped3A : memref<!tpu.dma_semaphore, #tpu.memory_space<semaphore_mem>>)
      %dma_wait3A = arith.constant 0 : i32
      %dma_wait3A_73 = tpu.memref_slice %arg7[%add3A_28, %dma_wait3A] : memref<10240x128xf32, #tpu.memory_space<vmem_shared>> -> memref<128x128xf32, #tpu.memory_space<vmem_shared>>
      %dma_wait3A_74 = arith.constant 0 : i32
      %dma_wait3A_75 = tpu.memref_slice %arg7[%add3A_28, %dma_wait3A_74] : memref<10240x128xf32, #tpu.memory_space<vmem_shared>> -> memref<128x128xf32, #tpu.memory_space<vmem_shared>>
      tpu.wait_dma2 semaphore(%run_scoped3A : memref<!tpu.dma_semaphore, #tpu.memory_space<semaphore_mem>>) src(%arg10 : memref<128x128xf32, #tpu.memory_space<vmem>>) dst(%dma_wait3A_75 : memref<128x128xf32, #tpu.memory_space<vmem_shared>>)
      tpu.yield
    }) : () -> ()
    %barrier3A = arith.constant 0 : index
    tpu.barrier barrier_id(%barrier3A)
    %dma_start3A = arith.constant 0 : i32
    %dma_start3A_29 = arith.constant 0 : i32
    %dma_start3A_30 = arith.constant 0 : i32
    %dma_start3A_31 = tpu.memref_slice %arg8[%dma_start3A, %dma_start3A_29, %dma_start3A_30] : memref<2x8x128xi32, #tpu.memory_space<vmem>> -> memref<1x8x128xi32, #tpu.memory_space<vmem>>
    %dma_start3A_32 = tpu.memref_squeeze %dma_start3A_31 : memref<1x8x128xi32, #tpu.memory_space<vmem>> -> memref<8x128xi32, #tpu.memory_space<vmem>>
    %dma_start3A_33 = arith.constant 0 : i32
    %dma_start3A_34 = tpu.memref_slice %arg3[%mul3A_2, %dma_start3A_33] : memref<2560x128xi32, #tpu.memory_space<hbm>> -> memref<8x128xi32, #tpu.memory_space<hbm>>
    %dma_start3A_35 = arith.constant 0 : i32
    %dma_start3A_36 = arith.constant 0 : i32
    %dma_start3A_37 = tpu.memref_slice %arg8[%dma_start3A, %dma_start3A_35, %dma_start3A_36] : memref<2x8x128xi32, #tpu.memory_space<vmem>> -> memref<1x8x128xi32, #tpu.memory_space<vmem>>
    %dma_start3A_38 = tpu.memref_squeeze %dma_start3A_37 : memref<1x8x128xi32, #tpu.memory_space<vmem>> -> memref<8x128xi32, #tpu.memory_space<vmem>>
    %dma_start3A_39 = arith.constant 0 : i32
    %dma_start3A_40 = tpu.memref_slice %arg3[%mul3A_2, %dma_start3A_39] : memref<2560x128xi32, #tpu.memory_space<hbm>> -> memref<8x128xi32, #tpu.memory_space<hbm>>
    tpu.enqueue_dma source(%dma_start3A_40 : memref<8x128xi32, #tpu.memory_space<hbm>>) target(%dma_start3A_38 : memref<8x128xi32, #tpu.memory_space<vmem>>) target_semaphore(%arg14 : memref<!tpu.dma_semaphore, #tpu.memory_space<semaphore_mem>>)
    %dma_start3A_41 = arith.constant 0 : i32
    %dma_start3A_42 = arith.constant 0 : i32
    %dma_start3A_43 = arith.constant 0 : i32
    %dma_start3A_44 = tpu.memref_slice %arg9[%dma_start3A_41, %dma_start3A_42, %dma_start3A_43] : memref<2x8x128xi32, #tpu.memory_space<vmem>> -> memref<1x8x128xi32, #tpu.memory_space<vmem>>
    %dma_start3A_45 = tpu.memref_squeeze %dma_start3A_44 : memref<1x8x128xi32, #tpu.memory_space<vmem>> -> memref<8x128xi32, #tpu.memory_space<vmem>>
    %dma_start3A_46 = arith.constant 0 : i32
    %dma_start3A_47 = tpu.memref_slice %arg4[%mul3A_2, %dma_start3A_46] : memref<2560x128xi32, #tpu.memory_space<hbm>> -> memref<8x128xi32, #tpu.memory_space<hbm>>
    %dma_start3A_48 = arith.constant 0 : i32
    %dma_start3A_49 = arith.constant 0 : i32
    %dma_start3A_50 = tpu.memref_slice %arg9[%dma_start3A_41, %dma_start3A_48, %dma_start3A_49] : memref<2x8x128xi32, #tpu.memory_space<vmem>> -> memref<1x8x128xi32, #tpu.memory_space<vmem>>
    %dma_start3A_51 = tpu.memref_squeeze %dma_start3A_50 : memref<1x8x128xi32, #tpu.memory_space<vmem>> -> memref<8x128xi32, #tpu.memory_space<vmem>>
    %dma_start3A_52 = arith.constant 0 : i32
    %dma_start3A_53 = tpu.memref_slice %arg4[%mul3A_2, %dma_start3A_52] : memref<2560x128xi32, #tpu.memory_space<hbm>> -> memref<8x128xi32, #tpu.memory_space<hbm>>
    tpu.enqueue_dma source(%dma_start3A_53 : memref<8x128xi32, #tpu.memory_space<hbm>>) target(%dma_start3A_51 : memref<8x128xi32, #tpu.memory_space<vmem>>) target_semaphore(%arg14 : memref<!tpu.dma_semaphore, #tpu.memory_space<semaphore_mem>>)
    %scan3A_54 = arith.constant 0 : i32
    %scan3A_55 = arith.constant 0 : i32
    %scan3A_56 = arith.constant 5 : i32
    %scan3A_57 = arith.addi %scan3A_55, %scan3A_56 : i32
    %scan3A_58 = arith.constant 1 : i32
    %scan3A_59 = scf.for %scan3A_69 = %scan3A_55 to %scan3A_57 step %scan3A_58 iter_args(%scan3A_70 = %scan3A_54) -> (i32)  : i32 {
      %mul3A_71 = arith.constant 2 : i32
      %mul3A_72 = arith.muli %mul3A_71, %scan3A_69 : i32
      %add3A_73 = arith.constant 0 : i32
      %add3A_74 = arith.addi %mul3A_72, %add3A_73 : i32
      %mul3A_75 = arith.constant 8 : i32
      %mul3A_76 = arith.muli %add3A_74, %mul3A_75 : i32
      %add3A_77 = arith.addi %mul3A_2, %mul3A_76 : i32
      %dma_wait3A = arith.constant 0 : i32
      %dma_wait3A_78 = arith.constant 0 : i32
      %dma_wait3A_79 = arith.constant 0 : i32
      %dma_wait3A_80 = tpu.memref_slice %arg8[%dma_wait3A, %dma_wait3A_78, %dma_wait3A_79] : memref<2x8x128xi32, #tpu.memory_space<vmem>> -> memref<1x8x128xi32, #tpu.memory_space<vmem>>
      %dma_wait3A_81 = tpu.memref_squeeze %dma_wait3A_80 : memref<1x8x128xi32, #tpu.memory_space<vmem>> -> memref<8x128xi32, #tpu.memory_space<vmem>>
      %dma_wait3A_82 = arith.constant 0 : i32
      %dma_wait3A_83 = tpu.memref_slice %arg3[%add3A_77, %dma_wait3A_82] : memref<2560x128xi32, #tpu.memory_space<hbm>> -> memref<8x128xi32, #tpu.memory_space<hbm>>
      %dma_wait3A_84 = arith.constant 0 : i32
      %dma_wait3A_85 = arith.constant 0 : i32
      %dma_wait3A_86 = tpu.memref_slice %arg8[%dma_wait3A, %dma_wait3A_84, %dma_wait3A_85] : memref<2x8x128xi32, #tpu.memory_space<vmem>> -> memref<1x8x128xi32, #tpu.memory_space<vmem>>
      %dma_wait3A_87 = tpu.memref_squeeze %dma_wait3A_86 : memref<1x8x128xi32, #tpu.memory_space<vmem>> -> memref<8x128xi32, #tpu.memory_space<vmem>>
      %dma_wait3A_88 = arith.constant 0 : i32
      %dma_wait3A_89 = tpu.memref_slice %arg3[%add3A_77, %dma_wait3A_88] : memref<2560x128xi32, #tpu.memory_space<hbm>> -> memref<8x128xi32, #tpu.memory_space<hbm>>
      tpu.wait_dma2 semaphore(%arg14 : memref<!tpu.dma_semaphore, #tpu.memory_space<semaphore_mem>>) src(%dma_wait3A_89 : memref<8x128xi32, #tpu.memory_space<hbm>>) dst(%dma_wait3A_87 : memref<8x128xi32, #tpu.memory_space<vmem>>)
      %dma_wait3A_90 = arith.constant 0 : i32
      %dma_wait3A_91 = arith.constant 0 : i32
      %dma_wait3A_92 = arith.constant 0 : i32
      %dma_wait3A_93 = tpu.memref_slice %arg9[%dma_wait3A_90, %dma_wait3A_91, %dma_wait3A_92] : memref<2x8x128xi32, #tpu.memory_space<vmem>> -> memref<1x8x128xi32, #tpu.memory_space<vmem>>
      %dma_wait3A_94 = tpu.memref_squeeze %dma_wait3A_93 : memref<1x8x128xi32, #tpu.memory_space<vmem>> -> memref<8x128xi32, #tpu.memory_space<vmem>>
      %dma_wait3A_95 = arith.constant 0 : i32
      %dma_wait3A_96 = tpu.memref_slice %arg4[%add3A_77, %dma_wait3A_95] : memref<2560x128xi32, #tpu.memory_space<hbm>> -> memref<8x128xi32, #tpu.memory_space<hbm>>
      %dma_wait3A_97 = arith.constant 0 : i32
      %dma_wait3A_98 = arith.constant 0 : i32
      %dma_wait3A_99 = tpu.memref_slice %arg9[%dma_wait3A_90, %dma_wait3A_97, %dma_wait3A_98] : memref<2x8x128xi32, #tpu.memory_space<vmem>> -> memref<1x8x128xi32, #tpu.memory_space<vmem>>
      %dma_wait3A_100 = tpu.memref_squeeze %dma_wait3A_99 : memref<1x8x128xi32, #tpu.memory_space<vmem>> -> memref<8x128xi32, #tpu.memory_space<vmem>>
      %dma_wait3A_101 = arith.constant 0 : i32
      %dma_wait3A_102 = tpu.memref_slice %arg4[%add3A_77, %dma_wait3A_101] : memref<2560x128xi32, #tpu.memory_space<hbm>> -> memref<8x128xi32, #tpu.memory_space<hbm>>
      tpu.wait_dma2 semaphore(%arg14 : memref<!tpu.dma_semaphore, #tpu.memory_space<semaphore_mem>>) src(%dma_wait3A_102 : memref<8x128xi32, #tpu.memory_space<hbm>>) dst(%dma_wait3A_100 : memref<8x128xi32, #tpu.memory_space<vmem>>)
      %add3A_103 = arith.constant 1 : i32
      %add3A_104 = arith.addi %add3A_74, %add3A_103 : i32
      %lt3A = arith.constant 10 : i32
      %lt3A_105 = arith.cmpi slt, %add3A_104, %lt3A : i32
      %convert_element_type3A_106 = arith.extui %lt3A_105 : i1 to i32
      %cond3A_107 = arith.constant 0 : i32
      %cond3A_108 = arith.cmpi ne, %convert_element_type3A_106, %cond3A_107 : i32
      scf.if %cond3A_108 {
        %add3A_437 = arith.constant 1 : i32
        %add3A_438 = arith.addi %add3A_74, %add3A_437 : i32
        %mul3A_439 = arith.constant 8 : i32
        %mul3A_440 = arith.muli %add3A_438, %mul3A_439 : i32
        %add3A_441 = arith.addi %mul3A_2, %mul3A_440 : i32
        %dma_start3A_442 = arith.constant 1 : i32
        %dma_start3A_443 = arith.constant 0 : i32
        %dma_start3A_444 = arith.constant 0 : i32
        %dma_start3A_445 = tpu.memref_slice %arg8[%dma_start3A_442, %dma_start3A_443, %dma_start3A_444] : memref<2x8x128xi32, #tpu.memory_space<vmem>> -> memref<1x8x128xi32, #tpu.memory_space<vmem>>
        %dma_start3A_446 = tpu.memref_squeeze %dma_start3A_445 : memref<1x8x128xi32, #tpu.memory_space<vmem>> -> memref<8x128xi32, #tpu.memory_space<vmem>>
        %dma_start3A_447 = arith.constant 0 : i32
        %dma_start3A_448 = tpu.memref_slice %arg3[%add3A_441, %dma_start3A_447] : memref<2560x128xi32, #tpu.memory_space<hbm>> -> memref<8x128xi32, #tpu.memory_space<hbm>>
        %dma_start3A_449 = arith.constant 0 : i32
        %dma_start3A_450 = arith.constant 0 : i32
        %dma_start3A_451 = tpu.memref_slice %arg8[%dma_start3A_442, %dma_start3A_449, %dma_start3A_450] : memref<2x8x128xi32, #tpu.memory_space<vmem>> -> memref<1x8x128xi32, #tpu.memory_space<vmem>>
        %dma_start3A_452 = tpu.memref_squeeze %dma_start3A_451 : memref<1x8x128xi32, #tpu.memory_space<vmem>> -> memref<8x128xi32, #tpu.memory_space<vmem>>
        %dma_start3A_453 = arith.constant 0 : i32
        %dma_start3A_454 = tpu.memref_slice %arg3[%add3A_441, %dma_start3A_453] : memref<2560x128xi32, #tpu.memory_space<hbm>> -> memref<8x128xi32, #tpu.memory_space<hbm>>
        tpu.enqueue_dma source(%dma_start3A_454 : memref<8x128xi32, #tpu.memory_space<hbm>>) target(%dma_start3A_452 : memref<8x128xi32, #tpu.memory_space<vmem>>) target_semaphore(%arg14 : memref<!tpu.dma_semaphore, #tpu.memory_space<semaphore_mem>>)
        %dma_start3A_455 = arith.constant 1 : i32
        %dma_start3A_456 = arith.constant 0 : i32
        %dma_start3A_457 = arith.constant 0 : i32
        %dma_start3A_458 = tpu.memref_slice %arg9[%dma_start3A_455, %dma_start3A_456, %dma_start3A_457] : memref<2x8x128xi32, #tpu.memory_space<vmem>> -> memref<1x8x128xi32, #tpu.memory_space<vmem>>
        %dma_start3A_459 = tpu.memref_squeeze %dma_start3A_458 : memref<1x8x128xi32, #tpu.memory_space<vmem>> -> memref<8x128xi32, #tpu.memory_space<vmem>>
        %dma_start3A_460 = arith.constant 0 : i32
        %dma_start3A_461 = tpu.memref_slice %arg4[%add3A_441, %dma_start3A_460] : memref<2560x128xi32, #tpu.memory_space<hbm>> -> memref<8x128xi32, #tpu.memory_space<hbm>>
        %dma_start3A_462 = arith.constant 0 : i32
        %dma_start3A_463 = arith.constant 0 : i32
        %dma_start3A_464 = tpu.memref_slice %arg9[%dma_start3A_455, %dma_start3A_462, %dma_start3A_463] : memref<2x8x128xi32, #tpu.memory_space<vmem>> -> memref<1x8x128xi32, #tpu.memory_space<vmem>>
        %dma_start3A_465 = tpu.memref_squeeze %dma_start3A_464 : memref<1x8x128xi32, #tpu.memory_space<vmem>> -> memref<8x128xi32, #tpu.memory_space<vmem>>
        %dma_start3A_466 = arith.constant 0 : i32
        %dma_start3A_467 = tpu.memref_slice %arg4[%add3A_441, %dma_start3A_466] : memref<2560x128xi32, #tpu.memory_space<hbm>> -> memref<8x128xi32, #tpu.memory_space<hbm>>
        tpu.enqueue_dma source(%dma_start3A_467 : memref<8x128xi32, #tpu.memory_space<hbm>>) target(%dma_start3A_465 : memref<8x128xi32, #tpu.memory_space<vmem>>) target_semaphore(%arg14 : memref<!tpu.dma_semaphore, #tpu.memory_space<semaphore_mem>>)
      } else {
      }
      %dma_start3A_109 = arith.constant 0 : i32
      %dma_start3A_110 = arith.constant 0 : i32
      %dma_start3A_111 = arith.constant 0 : i32
      %dma_start3A_112 = tpu.memref_slice %arg8[%dma_start3A_109, %dma_start3A_110, %dma_start3A_111] : memref<2x8x128xi32, #tpu.memory_space<vmem>> -> memref<1x1x128xi32, #tpu.memory_space<vmem>>
      %dma_start3A_113 = tpu.memref_squeeze %dma_start3A_112 : memref<1x1x128xi32, #tpu.memory_space<vmem>> -> memref<128xi32, #tpu.memory_space<vmem>>
      %dma_start3A_114 = arith.constant 0 : i32
      %dma_start3A_115 = arith.constant 0 : i32
      %dma_start3A_116 = tpu.memref_slice %arg2[%dma_start3A_114, %dma_start3A_115] : memref<10240x128xf32, #tpu.memory_space<hbm>> -> memref<10240x128xf32, #tpu.memory_space<hbm>>
      tpu.enqueue_indirect_dma source(%dma_start3A_116 : memref<10240x128xf32, #tpu.memory_space<hbm>>) target(%arg10 : memref<128x128xf32, #tpu.memory_space<vmem>>) offsets(%dma_start3A_113 : memref<128xi32, #tpu.memory_space<vmem>>) semaphore(%arg12 : memref<!tpu.dma_semaphore, #tpu.memory_space<semaphore_mem>>)
      %dma_start3A_117 = arith.constant 0 : i32
      %dma_start3A_118 = arith.constant 1 : i32
      %dma_start3A_119 = arith.constant 0 : i32
      %dma_start3A_120 = tpu.memref_slice %arg8[%dma_start3A_117, %dma_start3A_118, %dma_start3A_119] : memref<2x8x128xi32, #tpu.memory_space<vmem>> -> memref<1x1x128xi32, #tpu.memory_space<vmem>>
      %dma_start3A_121 = tpu.memref_squeeze %dma_start3A_120 : memref<1x1x128xi32, #tpu.memory_space<vmem>> -> memref<128xi32, #tpu.memory_space<vmem>>
      %dma_start3A_122 = arith.constant 0 : i32
      %dma_start3A_123 = arith.constant 0 : i32
      %dma_start3A_124 = tpu.memref_slice %arg2[%dma_start3A_122, %dma_start3A_123] : memref<10240x128xf32, #tpu.memory_space<hbm>> -> memref<10240x128xf32, #tpu.memory_space<hbm>>
      tpu.enqueue_indirect_dma source(%dma_start3A_124 : memref<10240x128xf32, #tpu.memory_space<hbm>>) target(%arg11 : memref<128x128xf32, #tpu.memory_space<vmem>>) offsets(%dma_start3A_121 : memref<128xi32, #tpu.memory_space<vmem>>) semaphore(%arg13 : memref<!tpu.dma_semaphore, #tpu.memory_space<semaphore_mem>>)
      %dma_wait3A_125 = arith.constant 0 : i32
      %dma_wait3A_126 = arith.constant 0 : i32
      %dma_wait3A_127 = arith.constant 0 : i32
      %dma_wait3A_128 = tpu.memref_slice %arg8[%dma_wait3A_125, %dma_wait3A_126, %dma_wait3A_127] : memref<2x8x128xi32, #tpu.memory_space<vmem>> -> memref<1x1x128xi32, #tpu.memory_space<vmem>>
      %dma_wait3A_129 = tpu.memref_squeeze %dma_wait3A_128 : memref<1x1x128xi32, #tpu.memory_space<vmem>> -> memref<128xi32, #tpu.memory_space<vmem>>
      %dma_wait3A_130 = arith.constant 0 : i32
      %dma_wait3A_131 = arith.constant 0 : i32
      %dma_wait3A_132 = tpu.memref_slice %arg2[%dma_wait3A_130, %dma_wait3A_131] : memref<10240x128xf32, #tpu.memory_space<hbm>> -> memref<10240x128xf32, #tpu.memory_space<hbm>>
      tpu.wait_indirect_dma semaphore(%arg12 : memref<!tpu.dma_semaphore, #tpu.memory_space<semaphore_mem>>) src(%dma_wait3A_132 : memref<10240x128xf32, #tpu.memory_space<hbm>>) dst(%arg10 : memref<128x128xf32, #tpu.memory_space<vmem>>)
      %run_scoped3A = arith.constant 0 : i32
      %run_scoped3A_133 = arith.constant 0 : i32
      "tpu.region"() ({
        %run_scoped3A_437 = tpu.sem_alloc : memref<!tpu.dma_semaphore, #tpu.memory_space<semaphore_mem>>
        %dma_start3A_438 = arith.constant 0 : i32
        %dma_start3A_439 = tpu.memref_slice %arg9[%run_scoped3A, %run_scoped3A_133, %dma_start3A_438] : memref<2x8x128xi32, #tpu.memory_space<vmem>> -> memref<1x1x128xi32, #tpu.memory_space<vmem>>
        %dma_start3A_440 = tpu.memref_squeeze %dma_start3A_439 : memref<1x1x128xi32, #tpu.memory_space<vmem>> -> memref<128xi32, #tpu.memory_space<vmem>>
        %dma_start3A_441 = arith.constant 0 : i32
        %dma_start3A_442 = arith.constant 0 : i32
        %dma_start3A_443 = tpu.memref_slice %arg7[%dma_start3A_441, %dma_start3A_442] : memref<10240x128xf32, #tpu.memory_space<vmem_shared>> -> memref<10240x128xf32, #tpu.memory_space<vmem_shared>>
        tpu.enqueue_indirect_dma source(%arg10 : memref<128x128xf32, #tpu.memory_space<vmem>>) target(%dma_start3A_443 : memref<10240x128xf32, #tpu.memory_space<vmem_shared>>) offsets(%dma_start3A_440 : memref<128xi32, #tpu.memory_space<vmem>>) semaphore(%run_scoped3A_437 : memref<!tpu.dma_semaphore, #tpu.memory_space<semaphore_mem>>) {add = true}
        %dma_wait3A_444 = arith.constant 0 : i32
        %dma_wait3A_445 = tpu.memref_slice %arg9[%run_scoped3A, %run_scoped3A_133, %dma_wait3A_444] : memref<2x8x128xi32, #tpu.memory_space<vmem>> -> memref<1x1x128xi32, #tpu.memory_space<vmem>>
        %dma_wait3A_446 = tpu.memref_squeeze %dma_wait3A_445 : memref<1x1x128xi32, #tpu.memory_space<vmem>> -> memref<128xi32, #tpu.memory_space<vmem>>
        %dma_wait3A_447 = arith.constant 0 : i32
        %dma_wait3A_448 = arith.constant 0 : i32
        %dma_wait3A_449 = tpu.memref_slice %arg7[%dma_wait3A_447, %dma_wait3A_448] : memref<10240x128xf32, #tpu.memory_space<vmem_shared>> -> memref<10240x128xf32, #tpu.memory_space<vmem_shared>>
        tpu.wait_indirect_dma semaphore(%run_scoped3A_437 : memref<!tpu.dma_semaphore, #tpu.memory_space<semaphore_mem>>) src(%arg10 : memref<128x128xf32, #tpu.memory_space<vmem>>) dst(%dma_wait3A_449 : memref<10240x128xf32, #tpu.memory_space<vmem_shared>>)
        tpu.yield
      }) : () -> ()
      %dma_start3A_134 = arith.constant 0 : i32
      %dma_start3A_135 = arith.constant 2 : i32
      %dma_start3A_136 = arith.constant 0 : i32
      %dma_start3A_137 = tpu.memref_slice %arg8[%dma_start3A_134, %dma_start3A_135, %dma_start3A_136] : memref<2x8x128xi32, #tpu.memory_space<vmem>> -> memref<1x1x128xi32, #tpu.memory_space<vmem>>
      %dma_start3A_138 = tpu.memref_squeeze %dma_start3A_137 : memref<1x1x128xi32, #tpu.memory_space<vmem>> -> memref<128xi32, #tpu.memory_space<vmem>>
      %dma_start3A_139 = arith.constant 0 : i32
      %dma_start3A_140 = arith.constant 0 : i32
      %dma_start3A_141 = tpu.memref_slice %arg2[%dma_start3A_139, %dma_start3A_140] : memref<10240x128xf32, #tpu.memory_space<hbm>> -> memref<10240x128xf32, #tpu.memory_space<hbm>>
      tpu.enqueue_indirect_dma source(%dma_start3A_141 : memref<10240x128xf32, #tpu.memory_space<hbm>>) target(%arg10 : memref<128x128xf32, #tpu.memory_space<vmem>>) offsets(%dma_start3A_138 : memref<128xi32, #tpu.memory_space<vmem>>) semaphore(%arg12 : memref<!tpu.dma_semaphore, #tpu.memory_space<semaphore_mem>>)
      %dma_wait3A_142 = arith.constant 0 : i32
      %dma_wait3A_143 = arith.constant 1 : i32
      %dma_wait3A_144 = arith.constant 0 : i32
      %dma_wait3A_145 = tpu.memref_slice %arg8[%dma_wait3A_142, %dma_wait3A_143, %dma_wait3A_144] : memref<2x8x128xi32, #tpu.memory_space<vmem>> -> memref<1x1x128xi32, #tpu.memory_space<vmem>>
      %dma_wait3A_146 = tpu.memref_squeeze %dma_wait3A_145 : memref<1x1x128xi32, #tpu.memory_space<vmem>> -> memref<128xi32, #tpu.memory_space<vmem>>
      %dma_wait3A_147 = arith.constant 0 : i32
      %dma_wait3A_148 = arith.constant 0 : i32
      %dma_wait3A_149 = tpu.memref_slice %arg2[%dma_wait3A_147, %dma_wait3A_148] : memref<10240x128xf32, #tpu.memory_space<hbm>> -> memref<10240x128xf32, #tpu.memory_space<hbm>>
      tpu.wait_indirect_dma semaphore(%arg13 : memref<!tpu.dma_semaphore, #tpu.memory_space<semaphore_mem>>) src(%dma_wait3A_149 : memref<10240x128xf32, #tpu.memory_space<hbm>>) dst(%arg11 : memref<128x128xf32, #tpu.memory_space<vmem>>)
      %run_scoped3A_150 = arith.constant 0 : i32
      %run_scoped3A_151 = arith.constant 1 : i32
      "tpu.region"() ({
        %run_scoped3A_437 = tpu.sem_alloc : memref<!tpu.dma_semaphore, #tpu.memory_space<semaphore_mem>>
        %dma_start3A_438 = arith.constant 0 : i32
        %dma_start3A_439 = tpu.memref_slice %arg9[%run_scoped3A_150, %run_scoped3A_151, %dma_start3A_438] : memref<2x8x128xi32, #tpu.memory_space<vmem>> -> memref<1x1x128xi32, #tpu.memory_space<vmem>>
        %dma_start3A_440 = tpu.memref_squeeze %dma_start3A_439 : memref<1x1x128xi32, #tpu.memory_space<vmem>> -> memref<128xi32, #tpu.memory_space<vmem>>
        %dma_start3A_441 = arith.constant 0 : i32
        %dma_start3A_442 = arith.constant 0 : i32
        %dma_start3A_443 = tpu.memref_slice %arg7[%dma_start3A_441, %dma_start3A_442] : memref<10240x128xf32, #tpu.memory_space<vmem_shared>> -> memref<10240x128xf32, #tpu.memory_space<vmem_shared>>
        tpu.enqueue_indirect_dma source(%arg11 : memref<128x128xf32, #tpu.memory_space<vmem>>) target(%dma_start3A_443 : memref<10240x128xf32, #tpu.memory_space<vmem_shared>>) offsets(%dma_start3A_440 : memref<128xi32, #tpu.memory_space<vmem>>) semaphore(%run_scoped3A_437 : memref<!tpu.dma_semaphore, #tpu.memory_space<semaphore_mem>>) {add = true}
        %dma_wait3A_444 = arith.constant 0 : i32
        %dma_wait3A_445 = tpu.memref_slice %arg9[%run_scoped3A_150, %run_scoped3A_151, %dma_wait3A_444] : memref<2x8x128xi32, #tpu.memory_space<vmem>> -> memref<1x1x128xi32, #tpu.memory_space<vmem>>
        %dma_wait3A_446 = tpu.memref_squeeze %dma_wait3A_445 : memref<1x1x128xi32, #tpu.memory_space<vmem>> -> memref<128xi32, #tpu.memory_space<vmem>>
        %dma_wait3A_447 = arith.constant 0 : i32
        %dma_wait3A_448 = arith.constant 0 : i32
        %dma_wait3A_449 = tpu.memref_slice %arg7[%dma_wait3A_447, %dma_wait3A_448] : memref<10240x128xf32, #tpu.memory_space<vmem_shared>> -> memref<10240x128xf32, #tpu.memory_space<vmem_shared>>
        tpu.wait_indirect_dma semaphore(%run_scoped3A_437 : memref<!tpu.dma_semaphore, #tpu.memory_space<semaphore_mem>>) src(%arg11 : memref<128x128xf32, #tpu.memory_space<vmem>>) dst(%dma_wait3A_449 : memref<10240x128xf32, #tpu.memory_space<vmem_shared>>)
        tpu.yield
      }) : () -> ()
      %dma_start3A_152 = arith.constant 0 : i32
      %dma_start3A_153 = arith.constant 3 : i32
      %dma_start3A_154 = arith.constant 0 : i32
      %dma_start3A_155 = tpu.memref_slice %arg8[%dma_start3A_152, %dma_start3A_153, %dma_start3A_154] : memref<2x8x128xi32, #tpu.memory_space<vmem>> -> memref<1x1x128xi32, #tpu.memory_space<vmem>>
      %dma_start3A_156 = tpu.memref_squeeze %dma_start3A_155 : memref<1x1x128xi32, #tpu.memory_space<vmem>> -> memref<128xi32, #tpu.memory_space<vmem>>
      %dma_start3A_157 = arith.constant 0 : i32
      %dma_start3A_158 = arith.constant 0 : i32
      %dma_start3A_159 = tpu.memref_slice %arg2[%dma_start3A_157, %dma_start3A_158] : memref<10240x128xf32, #tpu.memory_space<hbm>> -> memref<10240x128xf32, #tpu.memory_space<hbm>>
      tpu.enqueue_indirect_dma source(%dma_start3A_159 : memref<10240x128xf32, #tpu.memory_space<hbm>>) target(%arg11 : memref<128x128xf32, #tpu.memory_space<vmem>>) offsets(%dma_start3A_156 : memref<128xi32, #tpu.memory_space<vmem>>) semaphore(%arg13 : memref<!tpu.dma_semaphore, #tpu.memory_space<semaphore_mem>>)
      %dma_wait3A_160 = arith.constant 0 : i32
      %dma_wait3A_161 = arith.constant 2 : i32
      %dma_wait3A_162 = arith.constant 0 : i32
      %dma_wait3A_163 = tpu.memref_slice %arg8[%dma_wait3A_160, %dma_wait3A_161, %dma_wait3A_162] : memref<2x8x128xi32, #tpu.memory_space<vmem>> -> memref<1x1x128xi32, #tpu.memory_space<vmem>>
      %dma_wait3A_164 = tpu.memref_squeeze %dma_wait3A_163 : memref<1x1x128xi32, #tpu.memory_space<vmem>> -> memref<128xi32, #tpu.memory_space<vmem>>
      %dma_wait3A_165 = arith.constant 0 : i32
      %dma_wait3A_166 = arith.constant 0 : i32
      %dma_wait3A_167 = tpu.memref_slice %arg2[%dma_wait3A_165, %dma_wait3A_166] : memref<10240x128xf32, #tpu.memory_space<hbm>> -> memref<10240x128xf32, #tpu.memory_space<hbm>>
      tpu.wait_indirect_dma semaphore(%arg12 : memref<!tpu.dma_semaphore, #tpu.memory_space<semaphore_mem>>) src(%dma_wait3A_167 : memref<10240x128xf32, #tpu.memory_space<hbm>>) dst(%arg10 : memref<128x128xf32, #tpu.memory_space<vmem>>)
      %run_scoped3A_168 = arith.constant 0 : i32
      %run_scoped3A_169 = arith.constant 2 : i32
      "tpu.region"() ({
        %run_scoped3A_437 = tpu.sem_alloc : memref<!tpu.dma_semaphore, #tpu.memory_space<semaphore_mem>>
        %dma_start3A_438 = arith.constant 0 : i32
        %dma_start3A_439 = tpu.memref_slice %arg9[%run_scoped3A_168, %run_scoped3A_169, %dma_start3A_438] : memref<2x8x128xi32, #tpu.memory_space<vmem>> -> memref<1x1x128xi32, #tpu.memory_space<vmem>>
        %dma_start3A_440 = tpu.memref_squeeze %dma_start3A_439 : memref<1x1x128xi32, #tpu.memory_space<vmem>> -> memref<128xi32, #tpu.memory_space<vmem>>
        %dma_start3A_441 = arith.constant 0 : i32
        %dma_start3A_442 = arith.constant 0 : i32
        %dma_start3A_443 = tpu.memref_slice %arg7[%dma_start3A_441, %dma_start3A_442] : memref<10240x128xf32, #tpu.memory_space<vmem_shared>> -> memref<10240x128xf32, #tpu.memory_space<vmem_shared>>
        tpu.enqueue_indirect_dma source(%arg10 : memref<128x128xf32, #tpu.memory_space<vmem>>) target(%dma_start3A_443 : memref<10240x128xf32, #tpu.memory_space<vmem_shared>>) offsets(%dma_start3A_440 : memref<128xi32, #tpu.memory_space<vmem>>) semaphore(%run_scoped3A_437 : memref<!tpu.dma_semaphore, #tpu.memory_space<semaphore_mem>>) {add = true}
        %dma_wait3A_444 = arith.constant 0 : i32
        %dma_wait3A_445 = tpu.memref_slice %arg9[%run_scoped3A_168, %run_scoped3A_169, %dma_wait3A_444] : memref<2x8x128xi32, #tpu.memory_space<vmem>> -> memref<1x1x128xi32, #tpu.memory_space<vmem>>
        %dma_wait3A_446 = tpu.memref_squeeze %dma_wait3A_445 : memref<1x1x128xi32, #tpu.memory_space<vmem>> -> memref<128xi32, #tpu.memory_space<vmem>>
        %dma_wait3A_447 = arith.constant 0 : i32
        %dma_wait3A_448 = arith.constant 0 : i32
        %dma_wait3A_449 = tpu.memref_slice %arg7[%dma_wait3A_447, %dma_wait3A_448] : memref<10240x128xf32, #tpu.memory_space<vmem_shared>> -> memref<10240x128xf32, #tpu.memory_space<vmem_shared>>
        tpu.wait_indirect_dma semaphore(%run_scoped3A_437 : memref<!tpu.dma_semaphore, #tpu.memory_space<semaphore_mem>>) src(%arg10 : memref<128x128xf32, #tpu.memory_space<vmem>>) dst(%dma_wait3A_449 : memref<10240x128xf32, #tpu.memory_space<vmem_shared>>)
        tpu.yield
      }) : () -> ()
      %dma_start3A_170 = arith.constant 0 : i32
      %dma_start3A_171 = arith.constant 4 : i32
      %dma_start3A_172 = arith.constant 0 : i32
      %dma_start3A_173 = tpu.memref_slice %arg8[%dma_start3A_170, %dma_start3A_171, %dma_start3A_172] : memref<2x8x128xi32, #tpu.memory_space<vmem>> -> memref<1x1x128xi32, #tpu.memory_space<vmem>>
      %dma_start3A_174 = tpu.memref_squeeze %dma_start3A_173 : memref<1x1x128xi32, #tpu.memory_space<vmem>> -> memref<128xi32, #tpu.memory_space<vmem>>
      %dma_start3A_175 = arith.constant 0 : i32
      %dma_start3A_176 = arith.constant 0 : i32
      %dma_start3A_177 = tpu.memref_slice %arg2[%dma_start3A_175, %dma_start3A_176] : memref<10240x128xf32, #tpu.memory_space<hbm>> -> memref<10240x128xf32, #tpu.memory_space<hbm>>
      tpu.enqueue_indirect_dma source(%dma_start3A_177 : memref<10240x128xf32, #tpu.memory_space<hbm>>) target(%arg10 : memref<128x128xf32, #tpu.memory_space<vmem>>) offsets(%dma_start3A_174 : memref<128xi32, #tpu.memory_space<vmem>>) semaphore(%arg12 : memref<!tpu.dma_semaphore, #tpu.memory_space<semaphore_mem>>)
      %dma_wait3A_178 = arith.constant 0 : i32
      %dma_wait3A_179 = arith.constant 3 : i32
      %dma_wait3A_180 = arith.constant 0 : i32
      %dma_wait3A_181 = tpu.memref_slice %arg8[%dma_wait3A_178, %dma_wait3A_179, %dma_wait3A_180] : memref<2x8x128xi32, #tpu.memory_space<vmem>> -> memref<1x1x128xi32, #tpu.memory_space<vmem>>
      %dma_wait3A_182 = tpu.memref_squeeze %dma_wait3A_181 : memref<1x1x128xi32, #tpu.memory_space<vmem>> -> memref<128xi32, #tpu.memory_space<vmem>>
      %dma_wait3A_183 = arith.constant 0 : i32
      %dma_wait3A_184 = arith.constant 0 : i32
      %dma_wait3A_185 = tpu.memref_slice %arg2[%dma_wait3A_183, %dma_wait3A_184] : memref<10240x128xf32, #tpu.memory_space<hbm>> -> memref<10240x128xf32, #tpu.memory_space<hbm>>
      tpu.wait_indirect_dma semaphore(%arg13 : memref<!tpu.dma_semaphore, #tpu.memory_space<semaphore_mem>>) src(%dma_wait3A_185 : memref<10240x128xf32, #tpu.memory_space<hbm>>) dst(%arg11 : memref<128x128xf32, #tpu.memory_space<vmem>>)
      %run_scoped3A_186 = arith.constant 0 : i32
      %run_scoped3A_187 = arith.constant 3 : i32
      "tpu.region"() ({
        %run_scoped3A_437 = tpu.sem_alloc : memref<!tpu.dma_semaphore, #tpu.memory_space<semaphore_mem>>
        %dma_start3A_438 = arith.constant 0 : i32
        %dma_start3A_439 = tpu.memref_slice %arg9[%run_scoped3A_186, %run_scoped3A_187, %dma_start3A_438] : memref<2x8x128xi32, #tpu.memory_space<vmem>> -> memref<1x1x128xi32, #tpu.memory_space<vmem>>
        %dma_start3A_440 = tpu.memref_squeeze %dma_start3A_439 : memref<1x1x128xi32, #tpu.memory_space<vmem>> -> memref<128xi32, #tpu.memory_space<vmem>>
        %dma_start3A_441 = arith.constant 0 : i32
        %dma_start3A_442 = arith.constant 0 : i32
        %dma_start3A_443 = tpu.memref_slice %arg7[%dma_start3A_441, %dma_start3A_442] : memref<10240x128xf32, #tpu.memory_space<vmem_shared>> -> memref<10240x128xf32, #tpu.memory_space<vmem_shared>>
        tpu.enqueue_indirect_dma source(%arg11 : memref<128x128xf32, #tpu.memory_space<vmem>>) target(%dma_start3A_443 : memref<10240x128xf32, #tpu.memory_space<vmem_shared>>) offsets(%dma_start3A_440 : memref<128xi32, #tpu.memory_space<vmem>>) semaphore(%run_scoped3A_437 : memref<!tpu.dma_semaphore, #tpu.memory_space<semaphore_mem>>) {add = true}
        %dma_wait3A_444 = arith.constant 0 : i32
        %dma_wait3A_445 = tpu.memref_slice %arg9[%run_scoped3A_186, %run_scoped3A_187, %dma_wait3A_444] : memref<2x8x128xi32, #tpu.memory_space<vmem>> -> memref<1x1x128xi32, #tpu.memory_space<vmem>>
        %dma_wait3A_446 = tpu.memref_squeeze %dma_wait3A_445 : memref<1x1x128xi32, #tpu.memory_space<vmem>> -> memref<128xi32, #tpu.memory_space<vmem>>
        %dma_wait3A_447 = arith.constant 0 : i32
        %dma_wait3A_448 = arith.constant 0 : i32
        %dma_wait3A_449 = tpu.memref_slice %arg7[%dma_wait3A_447, %dma_wait3A_448] : memref<10240x128xf32, #tpu.memory_space<vmem_shared>> -> memref<10240x128xf32, #tpu.memory_space<vmem_shared>>
        tpu.wait_indirect_dma semaphore(%run_scoped3A_437 : memref<!tpu.dma_semaphore, #tpu.memory_space<semaphore_mem>>) src(%arg11 : memref<128x128xf32, #tpu.memory_space<vmem>>) dst(%dma_wait3A_449 : memref<10240x128xf32, #tpu.memory_space<vmem_shared>>)
        tpu.yield
      }) : () -> ()
      %dma_start3A_188 = arith.constant 0 : i32
      %dma_start3A_189 = arith.constant 5 : i32
      %dma_start3A_190 = arith.constant 0 : i32
      %dma_start3A_191 = tpu.memref_slice %arg8[%dma_start3A_188, %dma_start3A_189, %dma_start3A_190] : memref<2x8x128xi32, #tpu.memory_space<vmem>> -> memref<1x1x128xi32, #tpu.memory_space<vmem>>
      %dma_start3A_192 = tpu.memref_squeeze %dma_start3A_191 : memref<1x1x128xi32, #tpu.memory_space<vmem>> -> memref<128xi32, #tpu.memory_space<vmem>>
      %dma_start3A_193 = arith.constant 0 : i32
      %dma_start3A_194 = arith.constant 0 : i32
      %dma_start3A_195 = tpu.memref_slice %arg2[%dma_start3A_193, %dma_start3A_194] : memref<10240x128xf32, #tpu.memory_space<hbm>> -> memref<10240x128xf32, #tpu.memory_space<hbm>>
      tpu.enqueue_indirect_dma source(%dma_start3A_195 : memref<10240x128xf32, #tpu.memory_space<hbm>>) target(%arg11 : memref<128x128xf32, #tpu.memory_space<vmem>>) offsets(%dma_start3A_192 : memref<128xi32, #tpu.memory_space<vmem>>) semaphore(%arg13 : memref<!tpu.dma_semaphore, #tpu.memory_space<semaphore_mem>>)
      %dma_wait3A_196 = arith.constant 0 : i32
      %dma_wait3A_197 = arith.constant 4 : i32
      %dma_wait3A_198 = arith.constant 0 : i32
      %dma_wait3A_199 = tpu.memref_slice %arg8[%dma_wait3A_196, %dma_wait3A_197, %dma_wait3A_198] : memref<2x8x128xi32, #tpu.memory_space<vmem>> -> memref<1x1x128xi32, #tpu.memory_space<vmem>>
      %dma_wait3A_200 = tpu.memref_squeeze %dma_wait3A_199 : memref<1x1x128xi32, #tpu.memory_space<vmem>> -> memref<128xi32, #tpu.memory_space<vmem>>
      %dma_wait3A_201 = arith.constant 0 : i32
      %dma_wait3A_202 = arith.constant 0 : i32
      %dma_wait3A_203 = tpu.memref_slice %arg2[%dma_wait3A_201, %dma_wait3A_202] : memref<10240x128xf32, #tpu.memory_space<hbm>> -> memref<10240x128xf32, #tpu.memory_space<hbm>>
      tpu.wait_indirect_dma semaphore(%arg12 : memref<!tpu.dma_semaphore, #tpu.memory_space<semaphore_mem>>) src(%dma_wait3A_203 : memref<10240x128xf32, #tpu.memory_space<hbm>>) dst(%arg10 : memref<128x128xf32, #tpu.memory_space<vmem>>)
      %run_scoped3A_204 = arith.constant 0 : i32
      %run_scoped3A_205 = arith.constant 4 : i32
      "tpu.region"() ({
        %run_scoped3A_437 = tpu.sem_alloc : memref<!tpu.dma_semaphore, #tpu.memory_space<semaphore_mem>>
        %dma_start3A_438 = arith.constant 0 : i32
        %dma_start3A_439 = tpu.memref_slice %arg9[%run_scoped3A_204, %run_scoped3A_205, %dma_start3A_438] : memref<2x8x128xi32, #tpu.memory_space<vmem>> -> memref<1x1x128xi32, #tpu.memory_space<vmem>>
        %dma_start3A_440 = tpu.memref_squeeze %dma_start3A_439 : memref<1x1x128xi32, #tpu.memory_space<vmem>> -> memref<128xi32, #tpu.memory_space<vmem>>
        %dma_start3A_441 = arith.constant 0 : i32
        %dma_start3A_442 = arith.constant 0 : i32
        %dma_start3A_443 = tpu.memref_slice %arg7[%dma_start3A_441, %dma_start3A_442] : memref<10240x128xf32, #tpu.memory_space<vmem_shared>> -> memref<10240x128xf32, #tpu.memory_space<vmem_shared>>
        tpu.enqueue_indirect_dma source(%arg10 : memref<128x128xf32, #tpu.memory_space<vmem>>) target(%dma_start3A_443 : memref<10240x128xf32, #tpu.memory_space<vmem_shared>>) offsets(%dma_start3A_440 : memref<128xi32, #tpu.memory_space<vmem>>) semaphore(%run_scoped3A_437 : memref<!tpu.dma_semaphore, #tpu.memory_space<semaphore_mem>>) {add = true}
        %dma_wait3A_444 = arith.constant 0 : i32
        %dma_wait3A_445 = tpu.memref_slice %arg9[%run_scoped3A_204, %run_scoped3A_205, %dma_wait3A_444] : memref<2x8x128xi32, #tpu.memory_space<vmem>> -> memref<1x1x128xi32, #tpu.memory_space<vmem>>
        %dma_wait3A_446 = tpu.memref_squeeze %dma_wait3A_445 : memref<1x1x128xi32, #tpu.memory_space<vmem>> -> memref<128xi32, #tpu.memory_space<vmem>>
        %dma_wait3A_447 = arith.constant 0 : i32
        %dma_wait3A_448 = arith.constant 0 : i32
        %dma_wait3A_449 = tpu.memref_slice %arg7[%dma_wait3A_447, %dma_wait3A_448] : memref<10240x128xf32, #tpu.memory_space<vmem_shared>> -> memref<10240x128xf32, #tpu.memory_space<vmem_shared>>
        tpu.wait_indirect_dma semaphore(%run_scoped3A_437 : memref<!tpu.dma_semaphore, #tpu.memory_space<semaphore_mem>>) src(%arg10 : memref<128x128xf32, #tpu.memory_space<vmem>>) dst(%dma_wait3A_449 : memref<10240x128xf32, #tpu.memory_space<vmem_shared>>)
        tpu.yield
      }) : () -> ()
      %dma_start3A_206 = arith.constant 0 : i32
      %dma_start3A_207 = arith.constant 6 : i32
      %dma_start3A_208 = arith.constant 0 : i32
      %dma_start3A_209 = tpu.memref_slice %arg8[%dma_start3A_206, %dma_start3A_207, %dma_start3A_208] : memref<2x8x128xi32, #tpu.memory_space<vmem>> -> memref<1x1x128xi32, #tpu.memory_space<vmem>>
      %dma_start3A_210 = tpu.memref_squeeze %dma_start3A_209 : memref<1x1x128xi32, #tpu.memory_space<vmem>> -> memref<128xi32, #tpu.memory_space<vmem>>
      %dma_start3A_211 = arith.constant 0 : i32
      %dma_start3A_212 = arith.constant 0 : i32
      %dma_start3A_213 = tpu.memref_slice %arg2[%dma_start3A_211, %dma_start3A_212] : memref<10240x128xf32, #tpu.memory_space<hbm>> -> memref<10240x128xf32, #tpu.memory_space<hbm>>
      tpu.enqueue_indirect_dma source(%dma_start3A_213 : memref<10240x128xf32, #tpu.memory_space<hbm>>) target(%arg10 : memref<128x128xf32, #tpu.memory_space<vmem>>) offsets(%dma_start3A_210 : memref<128xi32, #tpu.memory_space<vmem>>) semaphore(%arg12 : memref<!tpu.dma_semaphore, #tpu.memory_space<semaphore_mem>>)
      %dma_wait3A_214 = arith.constant 0 : i32
      %dma_wait3A_215 = arith.constant 5 : i32
      %dma_wait3A_216 = arith.constant 0 : i32
      %dma_wait3A_217 = tpu.memref_slice %arg8[%dma_wait3A_214, %dma_wait3A_215, %dma_wait3A_216] : memref<2x8x128xi32, #tpu.memory_space<vmem>> -> memref<1x1x128xi32, #tpu.memory_space<vmem>>
      %dma_wait3A_218 = tpu.memref_squeeze %dma_wait3A_217 : memref<1x1x128xi32, #tpu.memory_space<vmem>> -> memref<128xi32, #tpu.memory_space<vmem>>
      %dma_wait3A_219 = arith.constant 0 : i32
      %dma_wait3A_220 = arith.constant 0 : i32
      %dma_wait3A_221 = tpu.memref_slice %arg2[%dma_wait3A_219, %dma_wait3A_220] : memref<10240x128xf32, #tpu.memory_space<hbm>> -> memref<10240x128xf32, #tpu.memory_space<hbm>>
      tpu.wait_indirect_dma semaphore(%arg13 : memref<!tpu.dma_semaphore, #tpu.memory_space<semaphore_mem>>) src(%dma_wait3A_221 : memref<10240x128xf32, #tpu.memory_space<hbm>>) dst(%arg11 : memref<128x128xf32, #tpu.memory_space<vmem>>)
      %run_scoped3A_222 = arith.constant 0 : i32
      %run_scoped3A_223 = arith.constant 5 : i32
      "tpu.region"() ({
        %run_scoped3A_437 = tpu.sem_alloc : memref<!tpu.dma_semaphore, #tpu.memory_space<semaphore_mem>>
        %dma_start3A_438 = arith.constant 0 : i32
        %dma_start3A_439 = tpu.memref_slice %arg9[%run_scoped3A_222, %run_scoped3A_223, %dma_start3A_438] : memref<2x8x128xi32, #tpu.memory_space<vmem>> -> memref<1x1x128xi32, #tpu.memory_space<vmem>>
        %dma_start3A_440 = tpu.memref_squeeze %dma_start3A_439 : memref<1x1x128xi32, #tpu.memory_space<vmem>> -> memref<128xi32, #tpu.memory_space<vmem>>
        %dma_start3A_441 = arith.constant 0 : i32
        %dma_start3A_442 = arith.constant 0 : i32
        %dma_start3A_443 = tpu.memref_slice %arg7[%dma_start3A_441, %dma_start3A_442] : memref<10240x128xf32, #tpu.memory_space<vmem_shared>> -> memref<10240x128xf32, #tpu.memory_space<vmem_shared>>
        tpu.enqueue_indirect_dma source(%arg11 : memref<128x128xf32, #tpu.memory_space<vmem>>) target(%dma_start3A_443 : memref<10240x128xf32, #tpu.memory_space<vmem_shared>>) offsets(%dma_start3A_440 : memref<128xi32, #tpu.memory_space<vmem>>) semaphore(%run_scoped3A_437 : memref<!tpu.dma_semaphore, #tpu.memory_space<semaphore_mem>>) {add = true}
        %dma_wait3A_444 = arith.constant 0 : i32
        %dma_wait3A_445 = tpu.memref_slice %arg9[%run_scoped3A_222, %run_scoped3A_223, %dma_wait3A_444] : memref<2x8x128xi32, #tpu.memory_space<vmem>> -> memref<1x1x128xi32, #tpu.memory_space<vmem>>
        %dma_wait3A_446 = tpu.memref_squeeze %dma_wait3A_445 : memref<1x1x128xi32, #tpu.memory_space<vmem>> -> memref<128xi32, #tpu.memory_space<vmem>>
        %dma_wait3A_447 = arith.constant 0 : i32
        %dma_wait3A_448 = arith.constant 0 : i32
        %dma_wait3A_449 = tpu.memref_slice %arg7[%dma_wait3A_447, %dma_wait3A_448] : memref<10240x128xf32, #tpu.memory_space<vmem_shared>> -> memref<10240x128xf32, #tpu.memory_space<vmem_shared>>
        tpu.wait_indirect_dma semaphore(%run_scoped3A_437 : memref<!tpu.dma_semaphore, #tpu.memory_space<semaphore_mem>>) src(%arg11 : memref<128x128xf32, #tpu.memory_space<vmem>>) dst(%dma_wait3A_449 : memref<10240x128xf32, #tpu.memory_space<vmem_shared>>)
        tpu.yield
      }) : () -> ()
      %dma_start3A_224 = arith.constant 0 : i32
      %dma_start3A_225 = arith.constant 7 : i32
      %dma_start3A_226 = arith.constant 0 : i32
      %dma_start3A_227 = tpu.memref_slice %arg8[%dma_start3A_224, %dma_start3A_225, %dma_start3A_226] : memref<2x8x128xi32, #tpu.memory_space<vmem>> -> memref<1x1x128xi32, #tpu.memory_space<vmem>>
      %dma_start3A_228 = tpu.memref_squeeze %dma_start3A_227 : memref<1x1x128xi32, #tpu.memory_space<vmem>> -> memref<128xi32, #tpu.memory_space<vmem>>
      %dma_start3A_229 = arith.constant 0 : i32
      %dma_start3A_230 = arith.constant 0 : i32
      %dma_start3A_231 = tpu.memref_slice %arg2[%dma_start3A_229, %dma_start3A_230] : memref<10240x128xf32, #tpu.memory_space<hbm>> -> memref<10240x128xf32, #tpu.memory_space<hbm>>
      tpu.enqueue_indirect_dma source(%dma_start3A_231 : memref<10240x128xf32, #tpu.memory_space<hbm>>) target(%arg11 : memref<128x128xf32, #tpu.memory_space<vmem>>) offsets(%dma_start3A_228 : memref<128xi32, #tpu.memory_space<vmem>>) semaphore(%arg13 : memref<!tpu.dma_semaphore, #tpu.memory_space<semaphore_mem>>)
      %dma_wait3A_232 = arith.constant 0 : i32
      %dma_wait3A_233 = arith.constant 6 : i32
      %dma_wait3A_234 = arith.constant 0 : i32
      %dma_wait3A_235 = tpu.memref_slice %arg8[%dma_wait3A_232, %dma_wait3A_233, %dma_wait3A_234] : memref<2x8x128xi32, #tpu.memory_space<vmem>> -> memref<1x1x128xi32, #tpu.memory_space<vmem>>
      %dma_wait3A_236 = tpu.memref_squeeze %dma_wait3A_235 : memref<1x1x128xi32, #tpu.memory_space<vmem>> -> memref<128xi32, #tpu.memory_space<vmem>>
      %dma_wait3A_237 = arith.constant 0 : i32
      %dma_wait3A_238 = arith.constant 0 : i32
      %dma_wait3A_239 = tpu.memref_slice %arg2[%dma_wait3A_237, %dma_wait3A_238] : memref<10240x128xf32, #tpu.memory_space<hbm>> -> memref<10240x128xf32, #tpu.memory_space<hbm>>
      tpu.wait_indirect_dma semaphore(%arg12 : memref<!tpu.dma_semaphore, #tpu.memory_space<semaphore_mem>>) src(%dma_wait3A_239 : memref<10240x128xf32, #tpu.memory_space<hbm>>) dst(%arg10 : memref<128x128xf32, #tpu.memory_space<vmem>>)
      %run_scoped3A_240 = arith.constant 0 : i32
      %run_scoped3A_241 = arith.constant 6 : i32
      "tpu.region"() ({
        %run_scoped3A_437 = tpu.sem_alloc : memref<!tpu.dma_semaphore, #tpu.memory_space<semaphore_mem>>
        %dma_start3A_438 = arith.constant 0 : i32
        %dma_start3A_439 = tpu.memref_slice %arg9[%run_scoped3A_240, %run_scoped3A_241, %dma_start3A_438] : memref<2x8x128xi32, #tpu.memory_space<vmem>> -> memref<1x1x128xi32, #tpu.memory_space<vmem>>
        %dma_start3A_440 = tpu.memref_squeeze %dma_start3A_439 : memref<1x1x128xi32, #tpu.memory_space<vmem>> -> memref<128xi32, #tpu.memory_space<vmem>>
        %dma_start3A_441 = arith.constant 0 : i32
        %dma_start3A_442 = arith.constant 0 : i32
        %dma_start3A_443 = tpu.memref_slice %arg7[%dma_start3A_441, %dma_start3A_442] : memref<10240x128xf32, #tpu.memory_space<vmem_shared>> -> memref<10240x128xf32, #tpu.memory_space<vmem_shared>>
        tpu.enqueue_indirect_dma source(%arg10 : memref<128x128xf32, #tpu.memory_space<vmem>>) target(%dma_start3A_443 : memref<10240x128xf32, #tpu.memory_space<vmem_shared>>) offsets(%dma_start3A_440 : memref<128xi32, #tpu.memory_space<vmem>>) semaphore(%run_scoped3A_437 : memref<!tpu.dma_semaphore, #tpu.memory_space<semaphore_mem>>) {add = true}
        %dma_wait3A_444 = arith.constant 0 : i32
        %dma_wait3A_445 = tpu.memref_slice %arg9[%run_scoped3A_240, %run_scoped3A_241, %dma_wait3A_444] : memref<2x8x128xi32, #tpu.memory_space<vmem>> -> memref<1x1x128xi32, #tpu.memory_space<vmem>>
        %dma_wait3A_446 = tpu.memref_squeeze %dma_wait3A_445 : memref<1x1x128xi32, #tpu.memory_space<vmem>> -> memref<128xi32, #tpu.memory_space<vmem>>
        %dma_wait3A_447 = arith.constant 0 : i32
        %dma_wait3A_448 = arith.constant 0 : i32
        %dma_wait3A_449 = tpu.memref_slice %arg7[%dma_wait3A_447, %dma_wait3A_448] : memref<10240x128xf32, #tpu.memory_space<vmem_shared>> -> memref<10240x128xf32, #tpu.memory_space<vmem_shared>>
        tpu.wait_indirect_dma semaphore(%run_scoped3A_437 : memref<!tpu.dma_semaphore, #tpu.memory_space<semaphore_mem>>) src(%arg10 : memref<128x128xf32, #tpu.memory_space<vmem>>) dst(%dma_wait3A_449 : memref<10240x128xf32, #tpu.memory_space<vmem_shared>>)
        tpu.yield
      }) : () -> ()
      %dma_wait3A_242 = arith.constant 0 : i32
      %dma_wait3A_243 = arith.constant 7 : i32
      %dma_wait3A_244 = arith.constant 0 : i32
      %dma_wait3A_245 = tpu.memref_slice %arg8[%dma_wait3A_242, %dma_wait3A_243, %dma_wait3A_244] : memref<2x8x128xi32, #tpu.memory_space<vmem>> -> memref<1x1x128xi32, #tpu.memory_space<vmem>>
      %dma_wait3A_246 = tpu.memref_squeeze %dma_wait3A_245 : memref<1x1x128xi32, #tpu.memory_space<vmem>> -> memref<128xi32, #tpu.memory_space<vmem>>
      %dma_wait3A_247 = arith.constant 0 : i32
      %dma_wait3A_248 = arith.constant 0 : i32
      %dma_wait3A_249 = tpu.memref_slice %arg2[%dma_wait3A_247, %dma_wait3A_248] : memref<10240x128xf32, #tpu.memory_space<hbm>> -> memref<10240x128xf32, #tpu.memory_space<hbm>>
      tpu.wait_indirect_dma semaphore(%arg13 : memref<!tpu.dma_semaphore, #tpu.memory_space<semaphore_mem>>) src(%dma_wait3A_249 : memref<10240x128xf32, #tpu.memory_space<hbm>>) dst(%arg11 : memref<128x128xf32, #tpu.memory_space<vmem>>)
      %run_scoped3A_250 = arith.constant 0 : i32
      %run_scoped3A_251 = arith.constant 7 : i32
      "tpu.region"() ({
        %run_scoped3A_437 = tpu.sem_alloc : memref<!tpu.dma_semaphore, #tpu.memory_space<semaphore_mem>>
        %dma_start3A_438 = arith.constant 0 : i32
        %dma_start3A_439 = tpu.memref_slice %arg9[%run_scoped3A_250, %run_scoped3A_251, %dma_start3A_438] : memref<2x8x128xi32, #tpu.memory_space<vmem>> -> memref<1x1x128xi32, #tpu.memory_space<vmem>>
        %dma_start3A_440 = tpu.memref_squeeze %dma_start3A_439 : memref<1x1x128xi32, #tpu.memory_space<vmem>> -> memref<128xi32, #tpu.memory_space<vmem>>
        %dma_start3A_441 = arith.constant 0 : i32
        %dma_start3A_442 = arith.constant 0 : i32
        %dma_start3A_443 = tpu.memref_slice %arg7[%dma_start3A_441, %dma_start3A_442] : memref<10240x128xf32, #tpu.memory_space<vmem_shared>> -> memref<10240x128xf32, #tpu.memory_space<vmem_shared>>
        tpu.enqueue_indirect_dma source(%arg11 : memref<128x128xf32, #tpu.memory_space<vmem>>) target(%dma_start3A_443 : memref<10240x128xf32, #tpu.memory_space<vmem_shared>>) offsets(%dma_start3A_440 : memref<128xi32, #tpu.memory_space<vmem>>) semaphore(%run_scoped3A_437 : memref<!tpu.dma_semaphore, #tpu.memory_space<semaphore_mem>>) {add = true}
        %dma_wait3A_444 = arith.constant 0 : i32
        %dma_wait3A_445 = tpu.memref_slice %arg9[%run_scoped3A_250, %run_scoped3A_251, %dma_wait3A_444] : memref<2x8x128xi32, #tpu.memory_space<vmem>> -> memref<1x1x128xi32, #tpu.memory_space<vmem>>
        %dma_wait3A_446 = tpu.memref_squeeze %dma_wait3A_445 : memref<1x1x128xi32, #tpu.memory_space<vmem>> -> memref<128xi32, #tpu.memory_space<vmem>>
        %dma_wait3A_447 = arith.constant 0 : i32
        %dma_wait3A_448 = arith.constant 0 : i32
        %dma_wait3A_449 = tpu.memref_slice %arg7[%dma_wait3A_447, %dma_wait3A_448] : memref<10240x128xf32, #tpu.memory_space<vmem_shared>> -> memref<10240x128xf32, #tpu.memory_space<vmem_shared>>
        tpu.wait_indirect_dma semaphore(%run_scoped3A_437 : memref<!tpu.dma_semaphore, #tpu.memory_space<semaphore_mem>>) src(%arg11 : memref<128x128xf32, #tpu.memory_space<vmem>>) dst(%dma_wait3A_449 : memref<10240x128xf32, #tpu.memory_space<vmem_shared>>)
        tpu.yield
      }) : () -> ()
      %mul3A_252 = arith.constant 2 : i32
      %mul3A_253 = arith.muli %mul3A_252, %scan3A_69 : i32
      %add3A_254 = arith.constant 1 : i32
      %add3A_255 = arith.addi %mul3A_253, %add3A_254 : i32
      %mul3A_256 = arith.constant 8 : i32
      %mul3A_257 = arith.muli %add3A_255, %mul3A_256 : i32
      %add3A_258 = arith.addi %mul3A_2, %mul3A_257 : i32
      %dma_wait3A_259 = arith.constant 1 : i32
      %dma_wait3A_260 = arith.constant 0 : i32
      %dma_wait3A_261 = arith.constant 0 : i32
      %dma_wait3A_262 = tpu.memref_slice %arg8[%dma_wait3A_259, %dma_wait3A_260, %dma_wait3A_261] : memref<2x8x128xi32, #tpu.memory_space<vmem>> -> memref<1x8x128xi32, #tpu.memory_space<vmem>>
      %dma_wait3A_263 = tpu.memref_squeeze %dma_wait3A_262 : memref<1x8x128xi32, #tpu.memory_space<vmem>> -> memref<8x128xi32, #tpu.memory_space<vmem>>
      %dma_wait3A_264 = arith.constant 0 : i32
      %dma_wait3A_265 = tpu.memref_slice %arg3[%add3A_258, %dma_wait3A_264] : memref<2560x128xi32, #tpu.memory_space<hbm>> -> memref<8x128xi32, #tpu.memory_space<hbm>>
      %dma_wait3A_266 = arith.constant 0 : i32
      %dma_wait3A_267 = arith.constant 0 : i32
      %dma_wait3A_268 = tpu.memref_slice %arg8[%dma_wait3A_259, %dma_wait3A_266, %dma_wait3A_267] : memref<2x8x128xi32, #tpu.memory_space<vmem>> -> memref<1x8x128xi32, #tpu.memory_space<vmem>>
      %dma_wait3A_269 = tpu.memref_squeeze %dma_wait3A_268 : memref<1x8x128xi32, #tpu.memory_space<vmem>> -> memref<8x128xi32, #tpu.memory_space<vmem>>
      %dma_wait3A_270 = arith.constant 0 : i32
      %dma_wait3A_271 = tpu.memref_slice %arg3[%add3A_258, %dma_wait3A_270] : memref<2560x128xi32, #tpu.memory_space<hbm>> -> memref<8x128xi32, #tpu.memory_space<hbm>>
      tpu.wait_dma2 semaphore(%arg14 : memref<!tpu.dma_semaphore, #tpu.memory_space<semaphore_mem>>) src(%dma_wait3A_271 : memref<8x128xi32, #tpu.memory_space<hbm>>) dst(%dma_wait3A_269 : memref<8x128xi32, #tpu.memory_space<vmem>>)
      %dma_wait3A_272 = arith.constant 1 : i32
      %dma_wait3A_273 = arith.constant 0 : i32
      %dma_wait3A_274 = arith.constant 0 : i32
      %dma_wait3A_275 = tpu.memref_slice %arg9[%dma_wait3A_272, %dma_wait3A_273, %dma_wait3A_274] : memref<2x8x128xi32, #tpu.memory_space<vmem>> -> memref<1x8x128xi32, #tpu.memory_space<vmem>>
      %dma_wait3A_276 = tpu.memref_squeeze %dma_wait3A_275 : memref<1x8x128xi32, #tpu.memory_space<vmem>> -> memref<8x128xi32, #tpu.memory_space<vmem>>
      %dma_wait3A_277 = arith.constant 0 : i32
      %dma_wait3A_278 = tpu.memref_slice %arg4[%add3A_258, %dma_wait3A_277] : memref<2560x128xi32, #tpu.memory_space<hbm>> -> memref<8x128xi32, #tpu.memory_space<hbm>>
      %dma_wait3A_279 = arith.constant 0 : i32
      %dma_wait3A_280 = arith.constant 0 : i32
      %dma_wait3A_281 = tpu.memref_slice %arg9[%dma_wait3A_272, %dma_wait3A_279, %dma_wait3A_280] : memref<2x8x128xi32, #tpu.memory_space<vmem>> -> memref<1x8x128xi32, #tpu.memory_space<vmem>>
      %dma_wait3A_282 = tpu.memref_squeeze %dma_wait3A_281 : memref<1x8x128xi32, #tpu.memory_space<vmem>> -> memref<8x128xi32, #tpu.memory_space<vmem>>
      %dma_wait3A_283 = arith.constant 0 : i32
      %dma_wait3A_284 = tpu.memref_slice %arg4[%add3A_258, %dma_wait3A_283] : memref<2560x128xi32, #tpu.memory_space<hbm>> -> memref<8x128xi32, #tpu.memory_space<hbm>>
      tpu.wait_dma2 semaphore(%arg14 : memref<!tpu.dma_semaphore, #tpu.memory_space<semaphore_mem>>) src(%dma_wait3A_284 : memref<8x128xi32, #tpu.memory_space<hbm>>) dst(%dma_wait3A_282 : memref<8x128xi32, #tpu.memory_space<vmem>>)
      %add3A_285 = arith.constant 1 : i32
      %add3A_286 = arith.addi %add3A_255, %add3A_285 : i32
      %lt3A_287 = arith.constant 10 : i32
      %lt3A_288 = arith.cmpi slt, %add3A_286, %lt3A_287 : i32
      %convert_element_type3A_289 = arith.extui %lt3A_288 : i1 to i32
      %cond3A_290 = arith.constant 0 : i32
      %cond3A_291 = arith.cmpi ne, %convert_element_type3A_289, %cond3A_290 : i32
      scf.if %cond3A_291 {
        %add3A_437 = arith.constant 1 : i32
        %add3A_438 = arith.addi %add3A_255, %add3A_437 : i32
        %mul3A_439 = arith.constant 8 : i32
        %mul3A_440 = arith.muli %add3A_438, %mul3A_439 : i32
        %add3A_441 = arith.addi %mul3A_2, %mul3A_440 : i32
        %dma_start3A_442 = arith.constant 0 : i32
        %dma_start3A_443 = arith.constant 0 : i32
        %dma_start3A_444 = arith.constant 0 : i32
        %dma_start3A_445 = tpu.memref_slice %arg8[%dma_start3A_442, %dma_start3A_443, %dma_start3A_444] : memref<2x8x128xi32, #tpu.memory_space<vmem>> -> memref<1x8x128xi32, #tpu.memory_space<vmem>>
        %dma_start3A_446 = tpu.memref_squeeze %dma_start3A_445 : memref<1x8x128xi32, #tpu.memory_space<vmem>> -> memref<8x128xi32, #tpu.memory_space<vmem>>
        %dma_start3A_447 = arith.constant 0 : i32
        %dma_start3A_448 = tpu.memref_slice %arg3[%add3A_441, %dma_start3A_447] : memref<2560x128xi32, #tpu.memory_space<hbm>> -> memref<8x128xi32, #tpu.memory_space<hbm>>
        %dma_start3A_449 = arith.constant 0 : i32
        %dma_start3A_450 = arith.constant 0 : i32
        %dma_start3A_451 = tpu.memref_slice %arg8[%dma_start3A_442, %dma_start3A_449, %dma_start3A_450] : memref<2x8x128xi32, #tpu.memory_space<vmem>> -> memref<1x8x128xi32, #tpu.memory_space<vmem>>
        %dma_start3A_452 = tpu.memref_squeeze %dma_start3A_451 : memref<1x8x128xi32, #tpu.memory_space<vmem>> -> memref<8x128xi32, #tpu.memory_space<vmem>>
        %dma_start3A_453 = arith.constant 0 : i32
        %dma_start3A_454 = tpu.memref_slice %arg3[%add3A_441, %dma_start3A_453] : memref<2560x128xi32, #tpu.memory_space<hbm>> -> memref<8x128xi32, #tpu.memory_space<hbm>>
        tpu.enqueue_dma source(%dma_start3A_454 : memref<8x128xi32, #tpu.memory_space<hbm>>) target(%dma_start3A_452 : memref<8x128xi32, #tpu.memory_space<vmem>>) target_semaphore(%arg14 : memref<!tpu.dma_semaphore, #tpu.memory_space<semaphore_mem>>)
        %dma_start3A_455 = arith.constant 0 : i32
        %dma_start3A_456 = arith.constant 0 : i32
        %dma_start3A_457 = arith.constant 0 : i32
        %dma_start3A_458 = tpu.memref_slice %arg9[%dma_start3A_455, %dma_start3A_456, %dma_start3A_457] : memref<2x8x128xi32, #tpu.memory_space<vmem>> -> memref<1x8x128xi32, #tpu.memory_space<vmem>>
        %dma_start3A_459 = tpu.memref_squeeze %dma_start3A_458 : memref<1x8x128xi32, #tpu.memory_space<vmem>> -> memref<8x128xi32, #tpu.memory_space<vmem>>
        %dma_start3A_460 = arith.constant 0 : i32
        %dma_start3A_461 = tpu.memref_slice %arg4[%add3A_441, %dma_start3A_460] : memref<2560x128xi32, #tpu.memory_space<hbm>> -> memref<8x128xi32, #tpu.memory_space<hbm>>
        %dma_start3A_462 = arith.constant 0 : i32
        %dma_start3A_463 = arith.constant 0 : i32
        %dma_start3A_464 = tpu.memref_slice %arg9[%dma_start3A_455, %dma_start3A_462, %dma_start3A_463] : memref<2x8x128xi32, #tpu.memory_space<vmem>> -> memref<1x8x128xi32, #tpu.memory_space<vmem>>
        %dma_start3A_465 = tpu.memref_squeeze %dma_start3A_464 : memref<1x8x128xi32, #tpu.memory_space<vmem>> -> memref<8x128xi32, #tpu.memory_space<vmem>>
        %dma_start3A_466 = arith.constant 0 : i32
        %dma_start3A_467 = tpu.memref_slice %arg4[%add3A_441, %dma_start3A_466] : memref<2560x128xi32, #tpu.memory_space<hbm>> -> memref<8x128xi32, #tpu.memory_space<hbm>>
        tpu.enqueue_dma source(%dma_start3A_467 : memref<8x128xi32, #tpu.memory_space<hbm>>) target(%dma_start3A_465 : memref<8x128xi32, #tpu.memory_space<vmem>>) target_semaphore(%arg14 : memref<!tpu.dma_semaphore, #tpu.memory_space<semaphore_mem>>)
      } else {
      }
      %dma_start3A_292 = arith.constant 1 : i32
      %dma_start3A_293 = arith.constant 0 : i32
      %dma_start3A_294 = arith.constant 0 : i32
      %dma_start3A_295 = tpu.memref_slice %arg8[%dma_start3A_292, %dma_start3A_293, %dma_start3A_294] : memref<2x8x128xi32, #tpu.memory_space<vmem>> -> memref<1x1x128xi32, #tpu.memory_space<vmem>>
      %dma_start3A_296 = tpu.memref_squeeze %dma_start3A_295 : memref<1x1x128xi32, #tpu.memory_space<vmem>> -> memref<128xi32, #tpu.memory_space<vmem>>
      %dma_start3A_297 = arith.constant 0 : i32
      %dma_start3A_298 = arith.constant 0 : i32
      %dma_start3A_299 = tpu.memref_slice %arg2[%dma_start3A_297, %dma_start3A_298] : memref<10240x128xf32, #tpu.memory_space<hbm>> -> memref<10240x128xf32, #tpu.memory_space<hbm>>
      tpu.enqueue_indirect_dma source(%dma_start3A_299 : memref<10240x128xf32, #tpu.memory_space<hbm>>) target(%arg10 : memref<128x128xf32, #tpu.memory_space<vmem>>) offsets(%dma_start3A_296 : memref<128xi32, #tpu.memory_space<vmem>>) semaphore(%arg12 : memref<!tpu.dma_semaphore, #tpu.memory_space<semaphore_mem>>)
      %dma_start3A_300 = arith.constant 1 : i32
      %dma_start3A_301 = arith.constant 1 : i32
      %dma_start3A_302 = arith.constant 0 : i32
      %dma_start3A_303 = tpu.memref_slice %arg8[%dma_start3A_300, %dma_start3A_301, %dma_start3A_302] : memref<2x8x128xi32, #tpu.memory_space<vmem>> -> memref<1x1x128xi32, #tpu.memory_space<vmem>>
      %dma_start3A_304 = tpu.memref_squeeze %dma_start3A_303 : memref<1x1x128xi32, #tpu.memory_space<vmem>> -> memref<128xi32, #tpu.memory_space<vmem>>
      %dma_start3A_305 = arith.constant 0 : i32
      %dma_start3A_306 = arith.constant 0 : i32
      %dma_start3A_307 = tpu.memref_slice %arg2[%dma_start3A_305, %dma_start3A_306] : memref<10240x128xf32, #tpu.memory_space<hbm>> -> memref<10240x128xf32, #tpu.memory_space<hbm>>
      tpu.enqueue_indirect_dma source(%dma_start3A_307 : memref<10240x128xf32, #tpu.memory_space<hbm>>) target(%arg11 : memref<128x128xf32, #tpu.memory_space<vmem>>) offsets(%dma_start3A_304 : memref<128xi32, #tpu.memory_space<vmem>>) semaphore(%arg13 : memref<!tpu.dma_semaphore, #tpu.memory_space<semaphore_mem>>)
      %dma_wait3A_308 = arith.constant 1 : i32
      %dma_wait3A_309 = arith.constant 0 : i32
      %dma_wait3A_310 = arith.constant 0 : i32
      %dma_wait3A_311 = tpu.memref_slice %arg8[%dma_wait3A_308, %dma_wait3A_309, %dma_wait3A_310] : memref<2x8x128xi32, #tpu.memory_space<vmem>> -> memref<1x1x128xi32, #tpu.memory_space<vmem>>
      %dma_wait3A_312 = tpu.memref_squeeze %dma_wait3A_311 : memref<1x1x128xi32, #tpu.memory_space<vmem>> -> memref<128xi32, #tpu.memory_space<vmem>>
      %dma_wait3A_313 = arith.constant 0 : i32
      %dma_wait3A_314 = arith.constant 0 : i32
      %dma_wait3A_315 = tpu.memref_slice %arg2[%dma_wait3A_313, %dma_wait3A_314] : memref<10240x128xf32, #tpu.memory_space<hbm>> -> memref<10240x128xf32, #tpu.memory_space<hbm>>
      tpu.wait_indirect_dma semaphore(%arg12 : memref<!tpu.dma_semaphore, #tpu.memory_space<semaphore_mem>>) src(%dma_wait3A_315 : memref<10240x128xf32, #tpu.memory_space<hbm>>) dst(%arg10 : memref<128x128xf32, #tpu.memory_space<vmem>>)
      %run_scoped3A_316 = arith.constant 1 : i32
      %run_scoped3A_317 = arith.constant 0 : i32
      "tpu.region"() ({
        %run_scoped3A_437 = tpu.sem_alloc : memref<!tpu.dma_semaphore, #tpu.memory_space<semaphore_mem>>
        %dma_start3A_438 = arith.constant 0 : i32
        %dma_start3A_439 = tpu.memref_slice %arg9[%run_scoped3A_316, %run_scoped3A_317, %dma_start3A_438] : memref<2x8x128xi32, #tpu.memory_space<vmem>> -> memref<1x1x128xi32, #tpu.memory_space<vmem>>
        %dma_start3A_440 = tpu.memref_squeeze %dma_start3A_439 : memref<1x1x128xi32, #tpu.memory_space<vmem>> -> memref<128xi32, #tpu.memory_space<vmem>>
        %dma_start3A_441 = arith.constant 0 : i32
        %dma_start3A_442 = arith.constant 0 : i32
        %dma_start3A_443 = tpu.memref_slice %arg7[%dma_start3A_441, %dma_start3A_442] : memref<10240x128xf32, #tpu.memory_space<vmem_shared>> -> memref<10240x128xf32, #tpu.memory_space<vmem_shared>>
        tpu.enqueue_indirect_dma source(%arg10 : memref<128x128xf32, #tpu.memory_space<vmem>>) target(%dma_start3A_443 : memref<10240x128xf32, #tpu.memory_space<vmem_shared>>) offsets(%dma_start3A_440 : memref<128xi32, #tpu.memory_space<vmem>>) semaphore(%run_scoped3A_437 : memref<!tpu.dma_semaphore, #tpu.memory_space<semaphore_mem>>) {add = true}
        %dma_wait3A_444 = arith.constant 0 : i32
        %dma_wait3A_445 = tpu.memref_slice %arg9[%run_scoped3A_316, %run_scoped3A_317, %dma_wait3A_444] : memref<2x8x128xi32, #tpu.memory_space<vmem>> -> memref<1x1x128xi32, #tpu.memory_space<vmem>>
        %dma_wait3A_446 = tpu.memref_squeeze %dma_wait3A_445 : memref<1x1x128xi32, #tpu.memory_space<vmem>> -> memref<128xi32, #tpu.memory_space<vmem>>
        %dma_wait3A_447 = arith.constant 0 : i32
        %dma_wait3A_448 = arith.constant 0 : i32
        %dma_wait3A_449 = tpu.memref_slice %arg7[%dma_wait3A_447, %dma_wait3A_448] : memref<10240x128xf32, #tpu.memory_space<vmem_shared>> -> memref<10240x128xf32, #tpu.memory_space<vmem_shared>>
        tpu.wait_indirect_dma semaphore(%run_scoped3A_437 : memref<!tpu.dma_semaphore, #tpu.memory_space<semaphore_mem>>) src(%arg10 : memref<128x128xf32, #tpu.memory_space<vmem>>) dst(%dma_wait3A_449 : memref<10240x128xf32, #tpu.memory_space<vmem_shared>>)
        tpu.yield
      }) : () -> ()
      %dma_start3A_318 = arith.constant 1 : i32
      %dma_start3A_319 = arith.constant 2 : i32
      %dma_start3A_320 = arith.constant 0 : i32
      %dma_start3A_321 = tpu.memref_slice %arg8[%dma_start3A_318, %dma_start3A_319, %dma_start3A_320] : memref<2x8x128xi32, #tpu.memory_space<vmem>> -> memref<1x1x128xi32, #tpu.memory_space<vmem>>
      %dma_start3A_322 = tpu.memref_squeeze %dma_start3A_321 : memref<1x1x128xi32, #tpu.memory_space<vmem>> -> memref<128xi32, #tpu.memory_space<vmem>>
      %dma_start3A_323 = arith.constant 0 : i32
      %dma_start3A_324 = arith.constant 0 : i32
      %dma_start3A_325 = tpu.memref_slice %arg2[%dma_start3A_323, %dma_start3A_324] : memref<10240x128xf32, #tpu.memory_space<hbm>> -> memref<10240x128xf32, #tpu.memory_space<hbm>>
      tpu.enqueue_indirect_dma source(%dma_start3A_325 : memref<10240x128xf32, #tpu.memory_space<hbm>>) target(%arg10 : memref<128x128xf32, #tpu.memory_space<vmem>>) offsets(%dma_start3A_322 : memref<128xi32, #tpu.memory_space<vmem>>) semaphore(%arg12 : memref<!tpu.dma_semaphore, #tpu.memory_space<semaphore_mem>>)
      %dma_wait3A_326 = arith.constant 1 : i32
      %dma_wait3A_327 = arith.constant 1 : i32
      %dma_wait3A_328 = arith.constant 0 : i32
      %dma_wait3A_329 = tpu.memref_slice %arg8[%dma_wait3A_326, %dma_wait3A_327, %dma_wait3A_328] : memref<2x8x128xi32, #tpu.memory_space<vmem>> -> memref<1x1x128xi32, #tpu.memory_space<vmem>>
      %dma_wait3A_330 = tpu.memref_squeeze %dma_wait3A_329 : memref<1x1x128xi32, #tpu.memory_space<vmem>> -> memref<128xi32, #tpu.memory_space<vmem>>
      %dma_wait3A_331 = arith.constant 0 : i32
      %dma_wait3A_332 = arith.constant 0 : i32
      %dma_wait3A_333 = tpu.memref_slice %arg2[%dma_wait3A_331, %dma_wait3A_332] : memref<10240x128xf32, #tpu.memory_space<hbm>> -> memref<10240x128xf32, #tpu.memory_space<hbm>>
      tpu.wait_indirect_dma semaphore(%arg13 : memref<!tpu.dma_semaphore, #tpu.memory_space<semaphore_mem>>) src(%dma_wait3A_333 : memref<10240x128xf32, #tpu.memory_space<hbm>>) dst(%arg11 : memref<128x128xf32, #tpu.memory_space<vmem>>)
      %run_scoped3A_334 = arith.constant 1 : i32
      %run_scoped3A_335 = arith.constant 1 : i32
      "tpu.region"() ({
        %run_scoped3A_437 = tpu.sem_alloc : memref<!tpu.dma_semaphore, #tpu.memory_space<semaphore_mem>>
        %dma_start3A_438 = arith.constant 0 : i32
        %dma_start3A_439 = tpu.memref_slice %arg9[%run_scoped3A_334, %run_scoped3A_335, %dma_start3A_438] : memref<2x8x128xi32, #tpu.memory_space<vmem>> -> memref<1x1x128xi32, #tpu.memory_space<vmem>>
        %dma_start3A_440 = tpu.memref_squeeze %dma_start3A_439 : memref<1x1x128xi32, #tpu.memory_space<vmem>> -> memref<128xi32, #tpu.memory_space<vmem>>
        %dma_start3A_441 = arith.constant 0 : i32
        %dma_start3A_442 = arith.constant 0 : i32
        %dma_start3A_443 = tpu.memref_slice %arg7[%dma_start3A_441, %dma_start3A_442] : memref<10240x128xf32, #tpu.memory_space<vmem_shared>> -> memref<10240x128xf32, #tpu.memory_space<vmem_shared>>
        tpu.enqueue_indirect_dma source(%arg11 : memref<128x128xf32, #tpu.memory_space<vmem>>) target(%dma_start3A_443 : memref<10240x128xf32, #tpu.memory_space<vmem_shared>>) offsets(%dma_start3A_440 : memref<128xi32, #tpu.memory_space<vmem>>) semaphore(%run_scoped3A_437 : memref<!tpu.dma_semaphore, #tpu.memory_space<semaphore_mem>>) {add = true}
        %dma_wait3A_444 = arith.constant 0 : i32
        %dma_wait3A_445 = tpu.memref_slice %arg9[%run_scoped3A_334, %run_scoped3A_335, %dma_wait3A_444] : memref<2x8x128xi32, #tpu.memory_space<vmem>> -> memref<1x1x128xi32, #tpu.memory_space<vmem>>
        %dma_wait3A_446 = tpu.memref_squeeze %dma_wait3A_445 : memref<1x1x128xi32, #tpu.memory_space<vmem>> -> memref<128xi32, #tpu.memory_space<vmem>>
        %dma_wait3A_447 = arith.constant 0 : i32
        %dma_wait3A_448 = arith.constant 0 : i32
        %dma_wait3A_449 = tpu.memref_slice %arg7[%dma_wait3A_447, %dma_wait3A_448] : memref<10240x128xf32, #tpu.memory_space<vmem_shared>> -> memref<10240x128xf32, #tpu.memory_space<vmem_shared>>
        tpu.wait_indirect_dma semaphore(%run_scoped3A_437 : memref<!tpu.dma_semaphore, #tpu.memory_space<semaphore_mem>>) src(%arg11 : memref<128x128xf32, #tpu.memory_space<vmem>>) dst(%dma_wait3A_449 : memref<10240x128xf32, #tpu.memory_space<vmem_shared>>)
        tpu.yield
      }) : () -> ()
      %dma_start3A_336 = arith.constant 1 : i32
      %dma_start3A_337 = arith.constant 3 : i32
      %dma_start3A_338 = arith.constant 0 : i32
      %dma_start3A_339 = tpu.memref_slice %arg8[%dma_start3A_336, %dma_start3A_337, %dma_start3A_338] : memref<2x8x128xi32, #tpu.memory_space<vmem>> -> memref<1x1x128xi32, #tpu.memory_space<vmem>>
      %dma_start3A_340 = tpu.memref_squeeze %dma_start3A_339 : memref<1x1x128xi32, #tpu.memory_space<vmem>> -> memref<128xi32, #tpu.memory_space<vmem>>
      %dma_start3A_341 = arith.constant 0 : i32
      %dma_start3A_342 = arith.constant 0 : i32
      %dma_start3A_343 = tpu.memref_slice %arg2[%dma_start3A_341, %dma_start3A_342] : memref<10240x128xf32, #tpu.memory_space<hbm>> -> memref<10240x128xf32, #tpu.memory_space<hbm>>
      tpu.enqueue_indirect_dma source(%dma_start3A_343 : memref<10240x128xf32, #tpu.memory_space<hbm>>) target(%arg11 : memref<128x128xf32, #tpu.memory_space<vmem>>) offsets(%dma_start3A_340 : memref<128xi32, #tpu.memory_space<vmem>>) semaphore(%arg13 : memref<!tpu.dma_semaphore, #tpu.memory_space<semaphore_mem>>)
      %dma_wait3A_344 = arith.constant 1 : i32
      %dma_wait3A_345 = arith.constant 2 : i32
      %dma_wait3A_346 = arith.constant 0 : i32
      %dma_wait3A_347 = tpu.memref_slice %arg8[%dma_wait3A_344, %dma_wait3A_345, %dma_wait3A_346] : memref<2x8x128xi32, #tpu.memory_space<vmem>> -> memref<1x1x128xi32, #tpu.memory_space<vmem>>
      %dma_wait3A_348 = tpu.memref_squeeze %dma_wait3A_347 : memref<1x1x128xi32, #tpu.memory_space<vmem>> -> memref<128xi32, #tpu.memory_space<vmem>>
      %dma_wait3A_349 = arith.constant 0 : i32
      %dma_wait3A_350 = arith.constant 0 : i32
      %dma_wait3A_351 = tpu.memref_slice %arg2[%dma_wait3A_349, %dma_wait3A_350] : memref<10240x128xf32, #tpu.memory_space<hbm>> -> memref<10240x128xf32, #tpu.memory_space<hbm>>
      tpu.wait_indirect_dma semaphore(%arg12 : memref<!tpu.dma_semaphore, #tpu.memory_space<semaphore_mem>>) src(%dma_wait3A_351 : memref<10240x128xf32, #tpu.memory_space<hbm>>) dst(%arg10 : memref<128x128xf32, #tpu.memory_space<vmem>>)
      %run_scoped3A_352 = arith.constant 1 : i32
      %run_scoped3A_353 = arith.constant 2 : i32
      "tpu.region"() ({
        %run_scoped3A_437 = tpu.sem_alloc : memref<!tpu.dma_semaphore, #tpu.memory_space<semaphore_mem>>
        %dma_start3A_438 = arith.constant 0 : i32
        %dma_start3A_439 = tpu.memref_slice %arg9[%run_scoped3A_352, %run_scoped3A_353, %dma_start3A_438] : memref<2x8x128xi32, #tpu.memory_space<vmem>> -> memref<1x1x128xi32, #tpu.memory_space<vmem>>
        %dma_start3A_440 = tpu.memref_squeeze %dma_start3A_439 : memref<1x1x128xi32, #tpu.memory_space<vmem>> -> memref<128xi32, #tpu.memory_space<vmem>>
        %dma_start3A_441 = arith.constant 0 : i32
        %dma_start3A_442 = arith.constant 0 : i32
        %dma_start3A_443 = tpu.memref_slice %arg7[%dma_start3A_441, %dma_start3A_442] : memref<10240x128xf32, #tpu.memory_space<vmem_shared>> -> memref<10240x128xf32, #tpu.memory_space<vmem_shared>>
        tpu.enqueue_indirect_dma source(%arg10 : memref<128x128xf32, #tpu.memory_space<vmem>>) target(%dma_start3A_443 : memref<10240x128xf32, #tpu.memory_space<vmem_shared>>) offsets(%dma_start3A_440 : memref<128xi32, #tpu.memory_space<vmem>>) semaphore(%run_scoped3A_437 : memref<!tpu.dma_semaphore, #tpu.memory_space<semaphore_mem>>) {add = true}
        %dma_wait3A_444 = arith.constant 0 : i32
        %dma_wait3A_445 = tpu.memref_slice %arg9[%run_scoped3A_352, %run_scoped3A_353, %dma_wait3A_444] : memref<2x8x128xi32, #tpu.memory_space<vmem>> -> memref<1x1x128xi32, #tpu.memory_space<vmem>>
        %dma_wait3A_446 = tpu.memref_squeeze %dma_wait3A_445 : memref<1x1x128xi32, #tpu.memory_space<vmem>> -> memref<128xi32, #tpu.memory_space<vmem>>
        %dma_wait3A_447 = arith.constant 0 : i32
        %dma_wait3A_448 = arith.constant 0 : i32
        %dma_wait3A_449 = tpu.memref_slice %arg7[%dma_wait3A_447, %dma_wait3A_448] : memref<10240x128xf32, #tpu.memory_space<vmem_shared>> -> memref<10240x128xf32, #tpu.memory_space<vmem_shared>>
        tpu.wait_indirect_dma semaphore(%run_scoped3A_437 : memref<!tpu.dma_semaphore, #tpu.memory_space<semaphore_mem>>) src(%arg10 : memref<128x128xf32, #tpu.memory_space<vmem>>) dst(%dma_wait3A_449 : memref<10240x128xf32, #tpu.memory_space<vmem_shared>>)
        tpu.yield
      }) : () -> ()
      %dma_start3A_354 = arith.constant 1 : i32
      %dma_start3A_355 = arith.constant 4 : i32
      %dma_start3A_356 = arith.constant 0 : i32
      %dma_start3A_357 = tpu.memref_slice %arg8[%dma_start3A_354, %dma_start3A_355, %dma_start3A_356] : memref<2x8x128xi32, #tpu.memory_space<vmem>> -> memref<1x1x128xi32, #tpu.memory_space<vmem>>
      %dma_start3A_358 = tpu.memref_squeeze %dma_start3A_357 : memref<1x1x128xi32, #tpu.memory_space<vmem>> -> memref<128xi32, #tpu.memory_space<vmem>>
      %dma_start3A_359 = arith.constant 0 : i32
      %dma_start3A_360 = arith.constant 0 : i32
      %dma_start3A_361 = tpu.memref_slice %arg2[%dma_start3A_359, %dma_start3A_360] : memref<10240x128xf32, #tpu.memory_space<hbm>> -> memref<10240x128xf32, #tpu.memory_space<hbm>>
      tpu.enqueue_indirect_dma source(%dma_start3A_361 : memref<10240x128xf32, #tpu.memory_space<hbm>>) target(%arg10 : memref<128x128xf32, #tpu.memory_space<vmem>>) offsets(%dma_start3A_358 : memref<128xi32, #tpu.memory_space<vmem>>) semaphore(%arg12 : memref<!tpu.dma_semaphore, #tpu.memory_space<semaphore_mem>>)
      %dma_wait3A_362 = arith.constant 1 : i32
      %dma_wait3A_363 = arith.constant 3 : i32
      %dma_wait3A_364 = arith.constant 0 : i32
      %dma_wait3A_365 = tpu.memref_slice %arg8[%dma_wait3A_362, %dma_wait3A_363, %dma_wait3A_364] : memref<2x8x128xi32, #tpu.memory_space<vmem>> -> memref<1x1x128xi32, #tpu.memory_space<vmem>>
      %dma_wait3A_366 = tpu.memref_squeeze %dma_wait3A_365 : memref<1x1x128xi32, #tpu.memory_space<vmem>> -> memref<128xi32, #tpu.memory_space<vmem>>
      %dma_wait3A_367 = arith.constant 0 : i32
      %dma_wait3A_368 = arith.constant 0 : i32
      %dma_wait3A_369 = tpu.memref_slice %arg2[%dma_wait3A_367, %dma_wait3A_368] : memref<10240x128xf32, #tpu.memory_space<hbm>> -> memref<10240x128xf32, #tpu.memory_space<hbm>>
      tpu.wait_indirect_dma semaphore(%arg13 : memref<!tpu.dma_semaphore, #tpu.memory_space<semaphore_mem>>) src(%dma_wait3A_369 : memref<10240x128xf32, #tpu.memory_space<hbm>>) dst(%arg11 : memref<128x128xf32, #tpu.memory_space<vmem>>)
      %run_scoped3A_370 = arith.constant 1 : i32
      %run_scoped3A_371 = arith.constant 3 : i32
      "tpu.region"() ({
        %run_scoped3A_437 = tpu.sem_alloc : memref<!tpu.dma_semaphore, #tpu.memory_space<semaphore_mem>>
        %dma_start3A_438 = arith.constant 0 : i32
        %dma_start3A_439 = tpu.memref_slice %arg9[%run_scoped3A_370, %run_scoped3A_371, %dma_start3A_438] : memref<2x8x128xi32, #tpu.memory_space<vmem>> -> memref<1x1x128xi32, #tpu.memory_space<vmem>>
        %dma_start3A_440 = tpu.memref_squeeze %dma_start3A_439 : memref<1x1x128xi32, #tpu.memory_space<vmem>> -> memref<128xi32, #tpu.memory_space<vmem>>
        %dma_start3A_441 = arith.constant 0 : i32
        %dma_start3A_442 = arith.constant 0 : i32
        %dma_start3A_443 = tpu.memref_slice %arg7[%dma_start3A_441, %dma_start3A_442] : memref<10240x128xf32, #tpu.memory_space<vmem_shared>> -> memref<10240x128xf32, #tpu.memory_space<vmem_shared>>
        tpu.enqueue_indirect_dma source(%arg11 : memref<128x128xf32, #tpu.memory_space<vmem>>) target(%dma_start3A_443 : memref<10240x128xf32, #tpu.memory_space<vmem_shared>>) offsets(%dma_start3A_440 : memref<128xi32, #tpu.memory_space<vmem>>) semaphore(%run_scoped3A_437 : memref<!tpu.dma_semaphore, #tpu.memory_space<semaphore_mem>>) {add = true}
        %dma_wait3A_444 = arith.constant 0 : i32
        %dma_wait3A_445 = tpu.memref_slice %arg9[%run_scoped3A_370, %run_scoped3A_371, %dma_wait3A_444] : memref<2x8x128xi32, #tpu.memory_space<vmem>> -> memref<1x1x128xi32, #tpu.memory_space<vmem>>
        %dma_wait3A_446 = tpu.memref_squeeze %dma_wait3A_445 : memref<1x1x128xi32, #tpu.memory_space<vmem>> -> memref<128xi32, #tpu.memory_space<vmem>>
        %dma_wait3A_447 = arith.constant 0 : i32
        %dma_wait3A_448 = arith.constant 0 : i32
        %dma_wait3A_449 = tpu.memref_slice %arg7[%dma_wait3A_447, %dma_wait3A_448] : memref<10240x128xf32, #tpu.memory_space<vmem_shared>> -> memref<10240x128xf32, #tpu.memory_space<vmem_shared>>
        tpu.wait_indirect_dma semaphore(%run_scoped3A_437 : memref<!tpu.dma_semaphore, #tpu.memory_space<semaphore_mem>>) src(%arg11 : memref<128x128xf32, #tpu.memory_space<vmem>>) dst(%dma_wait3A_449 : memref<10240x128xf32, #tpu.memory_space<vmem_shared>>)
        tpu.yield
      }) : () -> ()
      %dma_start3A_372 = arith.constant 1 : i32
      %dma_start3A_373 = arith.constant 5 : i32
      %dma_start3A_374 = arith.constant 0 : i32
      %dma_start3A_375 = tpu.memref_slice %arg8[%dma_start3A_372, %dma_start3A_373, %dma_start3A_374] : memref<2x8x128xi32, #tpu.memory_space<vmem>> -> memref<1x1x128xi32, #tpu.memory_space<vmem>>
      %dma_start3A_376 = tpu.memref_squeeze %dma_start3A_375 : memref<1x1x128xi32, #tpu.memory_space<vmem>> -> memref<128xi32, #tpu.memory_space<vmem>>
      %dma_start3A_377 = arith.constant 0 : i32
      %dma_start3A_378 = arith.constant 0 : i32
      %dma_start3A_379 = tpu.memref_slice %arg2[%dma_start3A_377, %dma_start3A_378] : memref<10240x128xf32, #tpu.memory_space<hbm>> -> memref<10240x128xf32, #tpu.memory_space<hbm>>
      tpu.enqueue_indirect_dma source(%dma_start3A_379 : memref<10240x128xf32, #tpu.memory_space<hbm>>) target(%arg11 : memref<128x128xf32, #tpu.memory_space<vmem>>) offsets(%dma_start3A_376 : memref<128xi32, #tpu.memory_space<vmem>>) semaphore(%arg13 : memref<!tpu.dma_semaphore, #tpu.memory_space<semaphore_mem>>)
      %dma_wait3A_380 = arith.constant 1 : i32
      %dma_wait3A_381 = arith.constant 4 : i32
      %dma_wait3A_382 = arith.constant 0 : i32
      %dma_wait3A_383 = tpu.memref_slice %arg8[%dma_wait3A_380, %dma_wait3A_381, %dma_wait3A_382] : memref<2x8x128xi32, #tpu.memory_space<vmem>> -> memref<1x1x128xi32, #tpu.memory_space<vmem>>
      %dma_wait3A_384 = tpu.memref_squeeze %dma_wait3A_383 : memref<1x1x128xi32, #tpu.memory_space<vmem>> -> memref<128xi32, #tpu.memory_space<vmem>>
      %dma_wait3A_385 = arith.constant 0 : i32
      %dma_wait3A_386 = arith.constant 0 : i32
      %dma_wait3A_387 = tpu.memref_slice %arg2[%dma_wait3A_385, %dma_wait3A_386] : memref<10240x128xf32, #tpu.memory_space<hbm>> -> memref<10240x128xf32, #tpu.memory_space<hbm>>
      tpu.wait_indirect_dma semaphore(%arg12 : memref<!tpu.dma_semaphore, #tpu.memory_space<semaphore_mem>>) src(%dma_wait3A_387 : memref<10240x128xf32, #tpu.memory_space<hbm>>) dst(%arg10 : memref<128x128xf32, #tpu.memory_space<vmem>>)
      %run_scoped3A_388 = arith.constant 1 : i32
      %run_scoped3A_389 = arith.constant 4 : i32
      "tpu.region"() ({
        %run_scoped3A_437 = tpu.sem_alloc : memref<!tpu.dma_semaphore, #tpu.memory_space<semaphore_mem>>
        %dma_start3A_438 = arith.constant 0 : i32
        %dma_start3A_439 = tpu.memref_slice %arg9[%run_scoped3A_388, %run_scoped3A_389, %dma_start3A_438] : memref<2x8x128xi32, #tpu.memory_space<vmem>> -> memref<1x1x128xi32, #tpu.memory_space<vmem>>
        %dma_start3A_440 = tpu.memref_squeeze %dma_start3A_439 : memref<1x1x128xi32, #tpu.memory_space<vmem>> -> memref<128xi32, #tpu.memory_space<vmem>>
        %dma_start3A_441 = arith.constant 0 : i32
        %dma_start3A_442 = arith.constant 0 : i32
        %dma_start3A_443 = tpu.memref_slice %arg7[%dma_start3A_441, %dma_start3A_442] : memref<10240x128xf32, #tpu.memory_space<vmem_shared>> -> memref<10240x128xf32, #tpu.memory_space<vmem_shared>>
        tpu.enqueue_indirect_dma source(%arg10 : memref<128x128xf32, #tpu.memory_space<vmem>>) target(%dma_start3A_443 : memref<10240x128xf32, #tpu.memory_space<vmem_shared>>) offsets(%dma_start3A_440 : memref<128xi32, #tpu.memory_space<vmem>>) semaphore(%run_scoped3A_437 : memref<!tpu.dma_semaphore, #tpu.memory_space<semaphore_mem>>) {add = true}
        %dma_wait3A_444 = arith.constant 0 : i32
        %dma_wait3A_445 = tpu.memref_slice %arg9[%run_scoped3A_388, %run_scoped3A_389, %dma_wait3A_444] : memref<2x8x128xi32, #tpu.memory_space<vmem>> -> memref<1x1x128xi32, #tpu.memory_space<vmem>>
        %dma_wait3A_446 = tpu.memref_squeeze %dma_wait3A_445 : memref<1x1x128xi32, #tpu.memory_space<vmem>> -> memref<128xi32, #tpu.memory_space<vmem>>
        %dma_wait3A_447 = arith.constant 0 : i32
        %dma_wait3A_448 = arith.constant 0 : i32
        %dma_wait3A_449 = tpu.memref_slice %arg7[%dma_wait3A_447, %dma_wait3A_448] : memref<10240x128xf32, #tpu.memory_space<vmem_shared>> -> memref<10240x128xf32, #tpu.memory_space<vmem_shared>>
        tpu.wait_indirect_dma semaphore(%run_scoped3A_437 : memref<!tpu.dma_semaphore, #tpu.memory_space<semaphore_mem>>) src(%arg10 : memref<128x128xf32, #tpu.memory_space<vmem>>) dst(%dma_wait3A_449 : memref<10240x128xf32, #tpu.memory_space<vmem_shared>>)
        tpu.yield
      }) : () -> ()
      %dma_start3A_390 = arith.constant 1 : i32
      %dma_start3A_391 = arith.constant 6 : i32
      %dma_start3A_392 = arith.constant 0 : i32
      %dma_start3A_393 = tpu.memref_slice %arg8[%dma_start3A_390, %dma_start3A_391, %dma_start3A_392] : memref<2x8x128xi32, #tpu.memory_space<vmem>> -> memref<1x1x128xi32, #tpu.memory_space<vmem>>
      %dma_start3A_394 = tpu.memref_squeeze %dma_start3A_393 : memref<1x1x128xi32, #tpu.memory_space<vmem>> -> memref<128xi32, #tpu.memory_space<vmem>>
      %dma_start3A_395 = arith.constant 0 : i32
      %dma_start3A_396 = arith.constant 0 : i32
      %dma_start3A_397 = tpu.memref_slice %arg2[%dma_start3A_395, %dma_start3A_396] : memref<10240x128xf32, #tpu.memory_space<hbm>> -> memref<10240x128xf32, #tpu.memory_space<hbm>>
      tpu.enqueue_indirect_dma source(%dma_start3A_397 : memref<10240x128xf32, #tpu.memory_space<hbm>>) target(%arg10 : memref<128x128xf32, #tpu.memory_space<vmem>>) offsets(%dma_start3A_394 : memref<128xi32, #tpu.memory_space<vmem>>) semaphore(%arg12 : memref<!tpu.dma_semaphore, #tpu.memory_space<semaphore_mem>>)
      %dma_wait3A_398 = arith.constant 1 : i32
      %dma_wait3A_399 = arith.constant 5 : i32
      %dma_wait3A_400 = arith.constant 0 : i32
      %dma_wait3A_401 = tpu.memref_slice %arg8[%dma_wait3A_398, %dma_wait3A_399, %dma_wait3A_400] : memref<2x8x128xi32, #tpu.memory_space<vmem>> -> memref<1x1x128xi32, #tpu.memory_space<vmem>>
      %dma_wait3A_402 = tpu.memref_squeeze %dma_wait3A_401 : memref<1x1x128xi32, #tpu.memory_space<vmem>> -> memref<128xi32, #tpu.memory_space<vmem>>
      %dma_wait3A_403 = arith.constant 0 : i32
      %dma_wait3A_404 = arith.constant 0 : i32
      %dma_wait3A_405 = tpu.memref_slice %arg2[%dma_wait3A_403, %dma_wait3A_404] : memref<10240x128xf32, #tpu.memory_space<hbm>> -> memref<10240x128xf32, #tpu.memory_space<hbm>>
      tpu.wait_indirect_dma semaphore(%arg13 : memref<!tpu.dma_semaphore, #tpu.memory_space<semaphore_mem>>) src(%dma_wait3A_405 : memref<10240x128xf32, #tpu.memory_space<hbm>>) dst(%arg11 : memref<128x128xf32, #tpu.memory_space<vmem>>)
      %run_scoped3A_406 = arith.constant 1 : i32
      %run_scoped3A_407 = arith.constant 5 : i32
      "tpu.region"() ({
        %run_scoped3A_437 = tpu.sem_alloc : memref<!tpu.dma_semaphore, #tpu.memory_space<semaphore_mem>>
        %dma_start3A_438 = arith.constant 0 : i32
        %dma_start3A_439 = tpu.memref_slice %arg9[%run_scoped3A_406, %run_scoped3A_407, %dma_start3A_438] : memref<2x8x128xi32, #tpu.memory_space<vmem>> -> memref<1x1x128xi32, #tpu.memory_space<vmem>>
        %dma_start3A_440 = tpu.memref_squeeze %dma_start3A_439 : memref<1x1x128xi32, #tpu.memory_space<vmem>> -> memref<128xi32, #tpu.memory_space<vmem>>
        %dma_start3A_441 = arith.constant 0 : i32
        %dma_start3A_442 = arith.constant 0 : i32
        %dma_start3A_443 = tpu.memref_slice %arg7[%dma_start3A_441, %dma_start3A_442] : memref<10240x128xf32, #tpu.memory_space<vmem_shared>> -> memref<10240x128xf32, #tpu.memory_space<vmem_shared>>
        tpu.enqueue_indirect_dma source(%arg11 : memref<128x128xf32, #tpu.memory_space<vmem>>) target(%dma_start3A_443 : memref<10240x128xf32, #tpu.memory_space<vmem_shared>>) offsets(%dma_start3A_440 : memref<128xi32, #tpu.memory_space<vmem>>) semaphore(%run_scoped3A_437 : memref<!tpu.dma_semaphore, #tpu.memory_space<semaphore_mem>>) {add = true}
        %dma_wait3A_444 = arith.constant 0 : i32
        %dma_wait3A_445 = tpu.memref_slice %arg9[%run_scoped3A_406, %run_scoped3A_407, %dma_wait3A_444] : memref<2x8x128xi32, #tpu.memory_space<vmem>> -> memref<1x1x128xi32, #tpu.memory_space<vmem>>
        %dma_wait3A_446 = tpu.memref_squeeze %dma_wait3A_445 : memref<1x1x128xi32, #tpu.memory_space<vmem>> -> memref<128xi32, #tpu.memory_space<vmem>>
        %dma_wait3A_447 = arith.constant 0 : i32
        %dma_wait3A_448 = arith.constant 0 : i32
        %dma_wait3A_449 = tpu.memref_slice %arg7[%dma_wait3A_447, %dma_wait3A_448] : memref<10240x128xf32, #tpu.memory_space<vmem_shared>> -> memref<10240x128xf32, #tpu.memory_space<vmem_shared>>
        tpu.wait_indirect_dma semaphore(%run_scoped3A_437 : memref<!tpu.dma_semaphore, #tpu.memory_space<semaphore_mem>>) src(%arg11 : memref<128x128xf32, #tpu.memory_space<vmem>>) dst(%dma_wait3A_449 : memref<10240x128xf32, #tpu.memory_space<vmem_shared>>)
        tpu.yield
      }) : () -> ()
      %dma_start3A_408 = arith.constant 1 : i32
      %dma_start3A_409 = arith.constant 7 : i32
      %dma_start3A_410 = arith.constant 0 : i32
      %dma_start3A_411 = tpu.memref_slice %arg8[%dma_start3A_408, %dma_start3A_409, %dma_start3A_410] : memref<2x8x128xi32, #tpu.memory_space<vmem>> -> memref<1x1x128xi32, #tpu.memory_space<vmem>>
      %dma_start3A_412 = tpu.memref_squeeze %dma_start3A_411 : memref<1x1x128xi32, #tpu.memory_space<vmem>> -> memref<128xi32, #tpu.memory_space<vmem>>
      %dma_start3A_413 = arith.constant 0 : i32
      %dma_start3A_414 = arith.constant 0 : i32
      %dma_start3A_415 = tpu.memref_slice %arg2[%dma_start3A_413, %dma_start3A_414] : memref<10240x128xf32, #tpu.memory_space<hbm>> -> memref<10240x128xf32, #tpu.memory_space<hbm>>
      tpu.enqueue_indirect_dma source(%dma_start3A_415 : memref<10240x128xf32, #tpu.memory_space<hbm>>) target(%arg11 : memref<128x128xf32, #tpu.memory_space<vmem>>) offsets(%dma_start3A_412 : memref<128xi32, #tpu.memory_space<vmem>>) semaphore(%arg13 : memref<!tpu.dma_semaphore, #tpu.memory_space<semaphore_mem>>)
      %dma_wait3A_416 = arith.constant 1 : i32
      %dma_wait3A_417 = arith.constant 6 : i32
      %dma_wait3A_418 = arith.constant 0 : i32
      %dma_wait3A_419 = tpu.memref_slice %arg8[%dma_wait3A_416, %dma_wait3A_417, %dma_wait3A_418] : memref<2x8x128xi32, #tpu.memory_space<vmem>> -> memref<1x1x128xi32, #tpu.memory_space<vmem>>
      %dma_wait3A_420 = tpu.memref_squeeze %dma_wait3A_419 : memref<1x1x128xi32, #tpu.memory_space<vmem>> -> memref<128xi32, #tpu.memory_space<vmem>>
      %dma_wait3A_421 = arith.constant 0 : i32
      %dma_wait3A_422 = arith.constant 0 : i32
      %dma_wait3A_423 = tpu.memref_slice %arg2[%dma_wait3A_421, %dma_wait3A_422] : memref<10240x128xf32, #tpu.memory_space<hbm>> -> memref<10240x128xf32, #tpu.memory_space<hbm>>
      tpu.wait_indirect_dma semaphore(%arg12 : memref<!tpu.dma_semaphore, #tpu.memory_space<semaphore_mem>>) src(%dma_wait3A_423 : memref<10240x128xf32, #tpu.memory_space<hbm>>) dst(%arg10 : memref<128x128xf32, #tpu.memory_space<vmem>>)
      %run_scoped3A_424 = arith.constant 1 : i32
      %run_scoped3A_425 = arith.constant 6 : i32
      "tpu.region"() ({
        %run_scoped3A_437 = tpu.sem_alloc : memref<!tpu.dma_semaphore, #tpu.memory_space<semaphore_mem>>
        %dma_start3A_438 = arith.constant 0 : i32
        %dma_start3A_439 = tpu.memref_slice %arg9[%run_scoped3A_424, %run_scoped3A_425, %dma_start3A_438] : memref<2x8x128xi32, #tpu.memory_space<vmem>> -> memref<1x1x128xi32, #tpu.memory_space<vmem>>
        %dma_start3A_440 = tpu.memref_squeeze %dma_start3A_439 : memref<1x1x128xi32, #tpu.memory_space<vmem>> -> memref<128xi32, #tpu.memory_space<vmem>>
        %dma_start3A_441 = arith.constant 0 : i32
        %dma_start3A_442 = arith.constant 0 : i32
        %dma_start3A_443 = tpu.memref_slice %arg7[%dma_start3A_441, %dma_start3A_442] : memref<10240x128xf32, #tpu.memory_space<vmem_shared>> -> memref<10240x128xf32, #tpu.memory_space<vmem_shared>>
        tpu.enqueue_indirect_dma source(%arg10 : memref<128x128xf32, #tpu.memory_space<vmem>>) target(%dma_start3A_443 : memref<10240x128xf32, #tpu.memory_space<vmem_shared>>) offsets(%dma_start3A_440 : memref<128xi32, #tpu.memory_space<vmem>>) semaphore(%run_scoped3A_437 : memref<!tpu.dma_semaphore, #tpu.memory_space<semaphore_mem>>) {add = true}
        %dma_wait3A_444 = arith.constant 0 : i32
        %dma_wait3A_445 = tpu.memref_slice %arg9[%run_scoped3A_424, %run_scoped3A_425, %dma_wait3A_444] : memref<2x8x128xi32, #tpu.memory_space<vmem>> -> memref<1x1x128xi32, #tpu.memory_space<vmem>>
        %dma_wait3A_446 = tpu.memref_squeeze %dma_wait3A_445 : memref<1x1x128xi32, #tpu.memory_space<vmem>> -> memref<128xi32, #tpu.memory_space<vmem>>
        %dma_wait3A_447 = arith.constant 0 : i32
        %dma_wait3A_448 = arith.constant 0 : i32
        %dma_wait3A_449 = tpu.memref_slice %arg7[%dma_wait3A_447, %dma_wait3A_448] : memref<10240x128xf32, #tpu.memory_space<vmem_shared>> -> memref<10240x128xf32, #tpu.memory_space<vmem_shared>>
        tpu.wait_indirect_dma semaphore(%run_scoped3A_437 : memref<!tpu.dma_semaphore, #tpu.memory_space<semaphore_mem>>) src(%arg10 : memref<128x128xf32, #tpu.memory_space<vmem>>) dst(%dma_wait3A_449 : memref<10240x128xf32, #tpu.memory_space<vmem_shared>>)
        tpu.yield
      }) : () -> ()
      %dma_wait3A_426 = arith.constant 1 : i32
      %dma_wait3A_427 = arith.constant 7 : i32
      %dma_wait3A_428 = arith.constant 0 : i32
      %dma_wait3A_429 = tpu.memref_slice %arg8[%dma_wait3A_426, %dma_wait3A_427, %dma_wait3A_428] : memref<2x8x128xi32, #tpu.memory_space<vmem>> -> memref<1x1x128xi32, #tpu.memory_space<vmem>>
      %dma_wait3A_430 = tpu.memref_squeeze %dma_wait3A_429 : memref<1x1x128xi32, #tpu.memory_space<vmem>> -> memref<128xi32, #tpu.memory_space<vmem>>
      %dma_wait3A_431 = arith.constant 0 : i32
      %dma_wait3A_432 = arith.constant 0 : i32
      %dma_wait3A_433 = tpu.memref_slice %arg2[%dma_wait3A_431, %dma_wait3A_432] : memref<10240x128xf32, #tpu.memory_space<hbm>> -> memref<10240x128xf32, #tpu.memory_space<hbm>>
      tpu.wait_indirect_dma semaphore(%arg13 : memref<!tpu.dma_semaphore, #tpu.memory_space<semaphore_mem>>) src(%dma_wait3A_433 : memref<10240x128xf32, #tpu.memory_space<hbm>>) dst(%arg11 : memref<128x128xf32, #tpu.memory_space<vmem>>)
      %run_scoped3A_434 = arith.constant 1 : i32
      %run_scoped3A_435 = arith.constant 7 : i32
      "tpu.region"() ({
        %run_scoped3A_437 = tpu.sem_alloc : memref<!tpu.dma_semaphore, #tpu.memory_space<semaphore_mem>>
        %dma_start3A_438 = arith.constant 0 : i32
        %dma_start3A_439 = tpu.memref_slice %arg9[%run_scoped3A_434, %run_scoped3A_435, %dma_start3A_438] : memref<2x8x128xi32, #tpu.memory_space<vmem>> -> memref<1x1x128xi32, #tpu.memory_space<vmem>>
        %dma_start3A_440 = tpu.memref_squeeze %dma_start3A_439 : memref<1x1x128xi32, #tpu.memory_space<vmem>> -> memref<128xi32, #tpu.memory_space<vmem>>
        %dma_start3A_441 = arith.constant 0 : i32
        %dma_start3A_442 = arith.constant 0 : i32
        %dma_start3A_443 = tpu.memref_slice %arg7[%dma_start3A_441, %dma_start3A_442] : memref<10240x128xf32, #tpu.memory_space<vmem_shared>> -> memref<10240x128xf32, #tpu.memory_space<vmem_shared>>
        tpu.enqueue_indirect_dma source(%arg11 : memref<128x128xf32, #tpu.memory_space<vmem>>) target(%dma_start3A_443 : memref<10240x128xf32, #tpu.memory_space<vmem_shared>>) offsets(%dma_start3A_440 : memref<128xi32, #tpu.memory_space<vmem>>) semaphore(%run_scoped3A_437 : memref<!tpu.dma_semaphore, #tpu.memory_space<semaphore_mem>>) {add = true}
        %dma_wait3A_444 = arith.constant 0 : i32
        %dma_wait3A_445 = tpu.memref_slice %arg9[%run_scoped3A_434, %run_scoped3A_435, %dma_wait3A_444] : memref<2x8x128xi32, #tpu.memory_space<vmem>> -> memref<1x1x128xi32, #tpu.memory_space<vmem>>
        %dma_wait3A_446 = tpu.memref_squeeze %dma_wait3A_445 : memref<1x1x128xi32, #tpu.memory_space<vmem>> -> memref<128xi32, #tpu.memory_space<vmem>>
        %dma_wait3A_447 = arith.constant 0 : i32
        %dma_wait3A_448 = arith.constant 0 : i32
        %dma_wait3A_449 = tpu.memref_slice %arg7[%dma_wait3A_447, %dma_wait3A_448] : memref<10240x128xf32, #tpu.memory_space<vmem_shared>> -> memref<10240x128xf32, #tpu.memory_space<vmem_shared>>
        tpu.wait_indirect_dma semaphore(%run_scoped3A_437 : memref<!tpu.dma_semaphore, #tpu.memory_space<semaphore_mem>>) src(%arg11 : memref<128x128xf32, #tpu.memory_space<vmem>>) dst(%dma_wait3A_449 : memref<10240x128xf32, #tpu.memory_space<vmem_shared>>)
        tpu.yield
      }) : () -> ()
      %scan3A_436 = arith.constant 0 : i32
      scf.yield %scan3A_436 : i32
    }
    %scan3A_60 = arith.constant 5 : i32
    %barrier3A_61 = arith.constant 0 : index
    tpu.barrier barrier_id(%barrier3A_61)
    %eq3A = arith.constant 0 : i32
    %eq3A_62 = arith.cmpi eq, %arg0, %eq3A : i32
    %convert_element_type3A = arith.extui %eq3A_62 : i1 to i32
    %cond3A = arith.constant 0 : i32
    %cond3A_63 = arith.cmpi ne, %convert_element_type3A, %cond3A : i32
    scf.if %cond3A_63 {
      %mul3A_69 = arith.constant 640 : i32
      %mul3A_70 = arith.muli %arg1, %mul3A_69 : i32
      %mul3A_71 = arith.constant 640 : i32
      %mul3A_72 = arith.muli %arg1, %mul3A_71 : i32
      "tpu.region"() ({
        %run_scoped3A = tpu.sem_alloc : memref<!tpu.dma_semaphore, #tpu.memory_space<semaphore_mem>>
        %dma_start3A_73 = arith.constant 0 : i32
        %dma_start3A_74 = tpu.memref_slice %arg5[%mul3A_72, %dma_start3A_73] : memref<10240x128xf32, #tpu.memory_space<hbm>> -> memref<640x128xf32, #tpu.memory_space<hbm>>
        %dma_start3A_75 = arith.constant 0 : i32
        %dma_start3A_76 = tpu.memref_slice %arg7[%mul3A_70, %dma_start3A_75] : memref<10240x128xf32, #tpu.memory_space<vmem_shared>> -> memref<640x128xf32, #tpu.memory_space<vmem_shared>>
        tpu.enqueue_dma source(%dma_start3A_76 : memref<640x128xf32, #tpu.memory_space<vmem_shared>>) target(%dma_start3A_74 : memref<640x128xf32, #tpu.memory_space<hbm>>) target_semaphore(%run_scoped3A : memref<!tpu.dma_semaphore, #tpu.memory_space<semaphore_mem>>)
        %dma_wait3A = arith.constant 0 : i32
        %dma_wait3A_77 = tpu.memref_slice %arg5[%mul3A_72, %dma_wait3A] : memref<10240x128xf32, #tpu.memory_space<hbm>> -> memref<640x128xf32, #tpu.memory_space<hbm>>
        %dma_wait3A_78 = arith.constant 0 : i32
        %dma_wait3A_79 = tpu.memref_slice %arg7[%mul3A_70, %dma_wait3A_78] : memref<10240x128xf32, #tpu.memory_space<vmem_shared>> -> memref<640x128xf32, #tpu.memory_space<vmem_shared>>
        tpu.wait_dma2 semaphore(%run_scoped3A : memref<!tpu.dma_semaphore, #tpu.memory_space<semaphore_mem>>) src(%dma_wait3A_79 : memref<640x128xf32, #tpu.memory_space<vmem_shared>>) dst(%dma_wait3A_77 : memref<640x128xf32, #tpu.memory_space<hbm>>)
        tpu.yield
      }) : () -> ()
    } else {
    }
    %eq3A_64 = arith.constant 1 : i32
    %eq3A_65 = arith.cmpi eq, %arg0, %eq3A_64 : i32
    %convert_element_type3A_66 = arith.extui %eq3A_65 : i1 to i32
    %cond3A_67 = arith.constant 0 : i32
    %cond3A_68 = arith.cmpi ne, %convert_element_type3A_66, %cond3A_67 : i32
    scf.if %cond3A_68 {
      %mul3A_69 = arith.constant 640 : i32
      %mul3A_70 = arith.muli %arg1, %mul3A_69 : i32
      %mul3A_71 = arith.constant 640 : i32
      %mul3A_72 = arith.muli %arg1, %mul3A_71 : i32
      "tpu.region"() ({
        %run_scoped3A = tpu.sem_alloc : memref<!tpu.dma_semaphore, #tpu.memory_space<semaphore_mem>>
        %dma_start3A_73 = arith.constant 0 : i32
        %dma_start3A_74 = tpu.memref_slice %arg6[%mul3A_72, %dma_start3A_73] : memref<10240x128xf32, #tpu.memory_space<hbm>> -> memref<640x128xf32, #tpu.memory_space<hbm>>
        %dma_start3A_75 = arith.constant 0 : i32
        %dma_start3A_76 = tpu.memref_slice %arg7[%mul3A_70, %dma_start3A_75] : memref<10240x128xf32, #tpu.memory_space<vmem_shared>> -> memref<640x128xf32, #tpu.memory_space<vmem_shared>>
        tpu.enqueue_dma source(%dma_start3A_76 : memref<640x128xf32, #tpu.memory_space<vmem_shared>>) target(%dma_start3A_74 : memref<640x128xf32, #tpu.memory_space<hbm>>) target_semaphore(%run_scoped3A : memref<!tpu.dma_semaphore, #tpu.memory_space<semaphore_mem>>)
        %dma_wait3A = arith.constant 0 : i32
        %dma_wait3A_77 = tpu.memref_slice %arg6[%mul3A_72, %dma_wait3A] : memref<10240x128xf32, #tpu.memory_space<hbm>> -> memref<640x128xf32, #tpu.memory_space<hbm>>
        %dma_wait3A_78 = arith.constant 0 : i32
        %dma_wait3A_79 = tpu.memref_slice %arg7[%mul3A_70, %dma_wait3A_78] : memref<10240x128xf32, #tpu.memory_space<vmem_shared>> -> memref<640x128xf32, #tpu.memory_space<vmem_shared>>
        tpu.wait_dma2 semaphore(%run_scoped3A : memref<!tpu.dma_semaphore, #tpu.memory_space<semaphore_mem>>) src(%dma_wait3A_79 : memref<640x128xf32, #tpu.memory_space<vmem_shared>>) dst(%dma_wait3A_77 : memref<640x128xf32, #tpu.memory_space<hbm>>)
        tpu.yield
      }) : () -> ()
    } else {
    }
    return
  }
}

#map = affine_map<(d0, d1) -> (0, 0)>
module attributes {stable_mosaic.version = 14 : i64} {
  func.func @edge_kernel(%arg0: i32, %arg1: i32, %arg2: memref<10240x128xf32, #tpu.memory_space<hbm>>, %arg3: memref<2560x128xi32, #tpu.memory_space<hbm>>, %arg4: memref<2560x128xi32, #tpu.memory_space<hbm>>, %arg5: memref<10240x128xf32, #tpu.memory_space<hbm>>, %arg6: memref<10240x128xf32, #tpu.memory_space<hbm>>, %arg7: memref<10240x128xf32, #tpu.memory_space<vmem_shared>>, %arg8: memref<2x8x128xi32, #tpu.memory_space<vmem>>, %arg9: memref<2x8x128xi32, #tpu.memory_space<vmem>>, %arg10: memref<128x128xf32, #tpu.memory_space<vmem>>, %arg11: memref<128x128xf32, #tpu.memory_space<vmem>>, %arg12: memref<!tpu.dma_semaphore, #tpu.memory_space<semaphore_mem>>, %arg13: memref<!tpu.dma_semaphore, #tpu.memory_space<semaphore_mem>>, %arg14: memref<!tpu.dma_semaphore, #tpu.memory_space<semaphore_mem>>) attributes {dimension_semantics = [#tpu.dimension_semantics<core_parallel>, #tpu.dimension_semantics<subcore_parallel>], iteration_bounds = array<i64: 2, 16>, scalar_prefetch = 0 : i64, scratch_operands = 8 : i64, tpu.core_type = #tpu.core_type<sc_vector_subcore>, window_params = [{transform_indices = #map}, {transform_indices = #map}, {transform_indices = #map}, {transform_indices = #map}, {transform_indices = #map}]} {
    %mul3A = arith.constant 16 : i32
    %mul3A_0 = arith.muli %arg0, %mul3A : i32
    %add3A = arith.addi %mul3A_0, %arg1 : i32
    %mul3A_1 = arith.constant 80 : i32
    %mul3A_2 = arith.muli %add3A, %mul3A_1 : i32
    %scan3A = arith.constant 0 : i32
    %scan3A_3 = arith.constant 0 : i32
    %scan3A_4 = arith.constant 128 : i32
    %scan3A_5 = arith.addi %scan3A_3, %scan3A_4 : i32
    %scan3A_6 = arith.constant 1 : i32
    %scan3A_7 = scf.for %scan3A_69 = %scan3A_3 to %scan3A_5 step %scan3A_6 iter_args(%scan3A_70 = %scan3A) -> (i32)  : i32 {
      %broadcast_in_dim3A = arith.constant 0.000000e+00 : f32
      %broadcast_in_dim3A_71 = vector.broadcast %broadcast_in_dim3A : f32 to vector<16xf32>
      %swap3A = arith.index_cast %scan3A_69 : i32 to index
      %swap3A_72 = arith.constant 0 : index
      %swap3A_73 = tpu.vector_load %arg10[%swap3A, %swap3A_72] {strides = array<i32>} : memref<128x128xf32, #tpu.memory_space<vmem>>, vector<16xf32>,
      tpu.vector_store %arg10[%swap3A, %swap3A_72], %broadcast_in_dim3A_71 {strides = array<i32>} : memref<128x128xf32, #tpu.memory_space<vmem>>, vector<16xf32>,
      %broadcast_in_dim3A_74 = arith.constant 0.000000e+00 : f32
      %broadcast_in_dim3A_75 = vector.broadcast %broadcast_in_dim3A_74 : f32 to vector<16xf32>
      %swap3A_76 = arith.index_cast %scan3A_69 : i32 to index
      %swap3A_77 = arith.constant 16 : index
      %swap3A_78 = tpu.vector_load %arg10[%swap3A_76, %swap3A_77] {strides = array<i32>} : memref<128x128xf32, #tpu.memory_space<vmem>>, vector<16xf32>,
      tpu.vector_store %arg10[%swap3A_76, %swap3A_77], %broadcast_in_dim3A_75 {strides = array<i32>} : memref<128x128xf32, #tpu.memory_space<vmem>>, vector<16xf32>,
      %broadcast_in_dim3A_79 = arith.constant 0.000000e+00 : f32
      %broadcast_in_dim3A_80 = vector.broadcast %broadcast_in_dim3A_79 : f32 to vector<16xf32>
      %swap3A_81 = arith.index_cast %scan3A_69 : i32 to index
      %swap3A_82 = arith.constant 32 : index
      %swap3A_83 = tpu.vector_load %arg10[%swap3A_81, %swap3A_82] {strides = array<i32>} : memref<128x128xf32, #tpu.memory_space<vmem>>, vector<16xf32>,
      tpu.vector_store %arg10[%swap3A_81, %swap3A_82], %broadcast_in_dim3A_80 {strides = array<i32>} : memref<128x128xf32, #tpu.memory_space<vmem>>, vector<16xf32>,
      %broadcast_in_dim3A_84 = arith.constant 0.000000e+00 : f32
      %broadcast_in_dim3A_85 = vector.broadcast %broadcast_in_dim3A_84 : f32 to vector<16xf32>
      %swap3A_86 = arith.index_cast %scan3A_69 : i32 to index
      %swap3A_87 = arith.constant 48 : index
      %swap3A_88 = tpu.vector_load %arg10[%swap3A_86, %swap3A_87] {strides = array<i32>} : memref<128x128xf32, #tpu.memory_space<vmem>>, vector<16xf32>,
      tpu.vector_store %arg10[%swap3A_86, %swap3A_87], %broadcast_in_dim3A_85 {strides = array<i32>} : memref<128x128xf32, #tpu.memory_space<vmem>>, vector<16xf32>,
      %broadcast_in_dim3A_89 = arith.constant 0.000000e+00 : f32
      %broadcast_in_dim3A_90 = vector.broadcast %broadcast_in_dim3A_89 : f32 to vector<16xf32>
      %swap3A_91 = arith.index_cast %scan3A_69 : i32 to index
      %swap3A_92 = arith.constant 64 : index
      %swap3A_93 = tpu.vector_load %arg10[%swap3A_91, %swap3A_92] {strides = array<i32>} : memref<128x128xf32, #tpu.memory_space<vmem>>, vector<16xf32>,
      tpu.vector_store %arg10[%swap3A_91, %swap3A_92], %broadcast_in_dim3A_90 {strides = array<i32>} : memref<128x128xf32, #tpu.memory_space<vmem>>, vector<16xf32>,
      %broadcast_in_dim3A_94 = arith.constant 0.000000e+00 : f32
      %broadcast_in_dim3A_95 = vector.broadcast %broadcast_in_dim3A_94 : f32 to vector<16xf32>
      %swap3A_96 = arith.index_cast %scan3A_69 : i32 to index
      %swap3A_97 = arith.constant 80 : index
      %swap3A_98 = tpu.vector_load %arg10[%swap3A_96, %swap3A_97] {strides = array<i32>} : memref<128x128xf32, #tpu.memory_space<vmem>>, vector<16xf32>,
      tpu.vector_store %arg10[%swap3A_96, %swap3A_97], %broadcast_in_dim3A_95 {strides = array<i32>} : memref<128x128xf32, #tpu.memory_space<vmem>>, vector<16xf32>,
      %broadcast_in_dim3A_99 = arith.constant 0.000000e+00 : f32
      %broadcast_in_dim3A_100 = vector.broadcast %broadcast_in_dim3A_99 : f32 to vector<16xf32>
      %swap3A_101 = arith.index_cast %scan3A_69 : i32 to index
      %swap3A_102 = arith.constant 96 : index
      %swap3A_103 = tpu.vector_load %arg10[%swap3A_101, %swap3A_102] {strides = array<i32>} : memref<128x128xf32, #tpu.memory_space<vmem>>, vector<16xf32>,
      tpu.vector_store %arg10[%swap3A_101, %swap3A_102], %broadcast_in_dim3A_100 {strides = array<i32>} : memref<128x128xf32, #tpu.memory_space<vmem>>, vector<16xf32>,
      %broadcast_in_dim3A_104 = arith.constant 0.000000e+00 : f32
      %broadcast_in_dim3A_105 = vector.broadcast %broadcast_in_dim3A_104 : f32 to vector<16xf32>
      %swap3A_106 = arith.index_cast %scan3A_69 : i32 to index
      %swap3A_107 = arith.constant 112 : index
      %swap3A_108 = tpu.vector_load %arg10[%swap3A_106, %swap3A_107] {strides = array<i32>} : memref<128x128xf32, #tpu.memory_space<vmem>>, vector<16xf32>,
      tpu.vector_store %arg10[%swap3A_106, %swap3A_107], %broadcast_in_dim3A_105 {strides = array<i32>} : memref<128x128xf32, #tpu.memory_space<vmem>>, vector<16xf32>,
      %scan3A_109 = arith.constant 0 : i32
      scf.yield %scan3A_109 : i32
    }
    %scan3A_8 = arith.constant 128 : i32
    %mul3A_9 = arith.constant 640 : i32
    %mul3A_10 = arith.muli %arg1, %mul3A_9 : i32
    %add3A_11 = arith.constant 0 : i32
    %add3A_12 = arith.addi %mul3A_10, %add3A_11 : i32
    "tpu.region"() ({
      %run_scoped3A = tpu.sem_alloc : memref<!tpu.dma_semaphore, #tpu.memory_space<semaphore_mem>>
      %dma_start3A_69 = arith.constant 0 : i32
      %dma_start3A_70 = tpu.memref_slice %arg7[%add3A_12, %dma_start3A_69] : memref<10240x128xf32, #tpu.memory_space<vmem_shared>> -> memref<128x128xf32, #tpu.memory_space<vmem_shared>>
      %dma_start3A_71 = arith.constant 0 : i32
      %dma_start3A_72 = tpu.memref_slice %arg7[%add3A_12, %dma_start3A_71] : memref<10240x128xf32, #tpu.memory_space<vmem_shared>> -> memref<128x128xf32, #tpu.memory_space<vmem_shared>>
      tpu.enqueue_dma source(%arg10 : memref<128x128xf32, #tpu.memory_space<vmem>>) target(%dma_start3A_72 : memref<128x128xf32, #tpu.memory_space<vmem_shared>>) target_semaphore(%run_scoped3A : memref<!tpu.dma_semaphore, #tpu.memory_space<semaphore_mem>>)
      %dma_wait3A = arith.constant 0 : i32
      %dma_wait3A_73 = tpu.memref_slice %arg7[%add3A_12, %dma_wait3A] : memref<10240x128xf32, #tpu.memory_space<vmem_shared>> -> memref<128x128xf32, #tpu.memory_space<vmem_shared>>
      %dma_wait3A_74 = arith.constant 0 : i32
      %dma_wait3A_75 = tpu.memref_slice %arg7[%add3A_12, %dma_wait3A_74] : memref<10240x128xf32, #tpu.memory_space<vmem_shared>> -> memref<128x128xf32, #tpu.memory_space<vmem_shared>>
      tpu.wait_dma2 semaphore(%run_scoped3A : memref<!tpu.dma_semaphore, #tpu.memory_space<semaphore_mem>>) src(%arg10 : memref<128x128xf32, #tpu.memory_space<vmem>>) dst(%dma_wait3A_75 : memref<128x128xf32, #tpu.memory_space<vmem_shared>>)
      tpu.yield
    }) : () -> ()
    %mul3A_13 = arith.constant 640 : i32
    %mul3A_14 = arith.muli %arg1, %mul3A_13 : i32
    %add3A_15 = arith.constant 128 : i32
    %add3A_16 = arith.addi %mul3A_14, %add3A_15 : i32
    "tpu.region"() ({
      %run_scoped3A = tpu.sem_alloc : memref<!tpu.dma_semaphore, #tpu.memory_space<semaphore_mem>>
      %dma_start3A_69 = arith.constant 0 : i32
      %dma_start3A_70 = tpu.memref_slice %arg7[%add3A_16, %dma_start3A_69] : memref<10240x128xf32, #tpu.memory_space<vmem_shared>> -> memref<128x128xf32, #tpu.memory_space<vmem_shared>>
      %dma_start3A_71 = arith.constant 0 : i32
      %dma_start3A_72 = tpu.memref_slice %arg7[%add3A_16, %dma_start3A_71] : memref<10240x128xf32, #tpu.memory_space<vmem_shared>> -> memref<128x128xf32, #tpu.memory_space<vmem_shared>>
      tpu.enqueue_dma source(%arg10 : memref<128x128xf32, #tpu.memory_space<vmem>>) target(%dma_start3A_72 : memref<128x128xf32, #tpu.memory_space<vmem_shared>>) target_semaphore(%run_scoped3A : memref<!tpu.dma_semaphore, #tpu.memory_space<semaphore_mem>>)
      %dma_wait3A = arith.constant 0 : i32
      %dma_wait3A_73 = tpu.memref_slice %arg7[%add3A_16, %dma_wait3A] : memref<10240x128xf32, #tpu.memory_space<vmem_shared>> -> memref<128x128xf32, #tpu.memory_space<vmem_shared>>
      %dma_wait3A_74 = arith.constant 0 : i32
      %dma_wait3A_75 = tpu.memref_slice %arg7[%add3A_16, %dma_wait3A_74] : memref<10240x128xf32, #tpu.memory_space<vmem_shared>> -> memref<128x128xf32, #tpu.memory_space<vmem_shared>>
      tpu.wait_dma2 semaphore(%run_scoped3A : memref<!tpu.dma_semaphore, #tpu.memory_space<semaphore_mem>>) src(%arg10 : memref<128x128xf32, #tpu.memory_space<vmem>>) dst(%dma_wait3A_75 : memref<128x128xf32, #tpu.memory_space<vmem_shared>>)
      tpu.yield
    }) : () -> ()
    %mul3A_17 = arith.constant 640 : i32
    %mul3A_18 = arith.muli %arg1, %mul3A_17 : i32
    %add3A_19 = arith.constant 256 : i32
    %add3A_20 = arith.addi %mul3A_18, %add3A_19 : i32
    "tpu.region"() ({
      %run_scoped3A = tpu.sem_alloc : memref<!tpu.dma_semaphore, #tpu.memory_space<semaphore_mem>>
      %dma_start3A_69 = arith.constant 0 : i32
      %dma_start3A_70 = tpu.memref_slice %arg7[%add3A_20, %dma_start3A_69] : memref<10240x128xf32, #tpu.memory_space<vmem_shared>> -> memref<128x128xf32, #tpu.memory_space<vmem_shared>>
      %dma_start3A_71 = arith.constant 0 : i32
      %dma_start3A_72 = tpu.memref_slice %arg7[%add3A_20, %dma_start3A_71] : memref<10240x128xf32, #tpu.memory_space<vmem_shared>> -> memref<128x128xf32, #tpu.memory_space<vmem_shared>>
      tpu.enqueue_dma source(%arg10 : memref<128x128xf32, #tpu.memory_space<vmem>>) target(%dma_start3A_72 : memref<128x128xf32, #tpu.memory_space<vmem_shared>>) target_semaphore(%run_scoped3A : memref<!tpu.dma_semaphore, #tpu.memory_space<semaphore_mem>>)
      %dma_wait3A = arith.constant 0 : i32
      %dma_wait3A_73 = tpu.memref_slice %arg7[%add3A_20, %dma_wait3A] : memref<10240x128xf32, #tpu.memory_space<vmem_shared>> -> memref<128x128xf32, #tpu.memory_space<vmem_shared>>
      %dma_wait3A_74 = arith.constant 0 : i32
      %dma_wait3A_75 = tpu.memref_slice %arg7[%add3A_20, %dma_wait3A_74] : memref<10240x128xf32, #tpu.memory_space<vmem_shared>> -> memref<128x128xf32, #tpu.memory_space<vmem_shared>>
      tpu.wait_dma2 semaphore(%run_scoped3A : memref<!tpu.dma_semaphore, #tpu.memory_space<semaphore_mem>>) src(%arg10 : memref<128x128xf32, #tpu.memory_space<vmem>>) dst(%dma_wait3A_75 : memref<128x128xf32, #tpu.memory_space<vmem_shared>>)
      tpu.yield
    }) : () -> ()
    %mul3A_21 = arith.constant 640 : i32
    %mul3A_22 = arith.muli %arg1, %mul3A_21 : i32
    %add3A_23 = arith.constant 384 : i32
    %add3A_24 = arith.addi %mul3A_22, %add3A_23 : i32
    "tpu.region"() ({
      %run_scoped3A = tpu.sem_alloc : memref<!tpu.dma_semaphore, #tpu.memory_space<semaphore_mem>>
      %dma_start3A_69 = arith.constant 0 : i32
      %dma_start3A_70 = tpu.memref_slice %arg7[%add3A_24, %dma_start3A_69] : memref<10240x128xf32, #tpu.memory_space<vmem_shared>> -> memref<128x128xf32, #tpu.memory_space<vmem_shared>>
      %dma_start3A_71 = arith.constant 0 : i32
      %dma_start3A_72 = tpu.memref_slice %arg7[%add3A_24, %dma_start3A_71] : memref<10240x128xf32, #tpu.memory_space<vmem_shared>> -> memref<128x128xf32, #tpu.memory_space<vmem_shared>>
      tpu.enqueue_dma source(%arg10 : memref<128x128xf32, #tpu.memory_space<vmem>>) target(%dma_start3A_72 : memref<128x128xf32, #tpu.memory_space<vmem_shared>>) target_semaphore(%run_scoped3A : memref<!tpu.dma_semaphore, #tpu.memory_space<semaphore_mem>>)
      %dma_wait3A = arith.constant 0 : i32
      %dma_wait3A_73 = tpu.memref_slice %arg7[%add3A_24, %dma_wait3A] : memref<10240x128xf32, #tpu.memory_space<vmem_shared>> -> memref<128x128xf32, #tpu.memory_space<vmem_shared>>
      %dma_wait3A_74 = arith.constant 0 : i32
      %dma_wait3A_75 = tpu.memref_slice %arg7[%add3A_24, %dma_wait3A_74] : memref<10240x128xf32, #tpu.memory_space<vmem_shared>> -> memref<128x128xf32, #tpu.memory_space<vmem_shared>>
      tpu.wait_dma2 semaphore(%run_scoped3A : memref<!tpu.dma_semaphore, #tpu.memory_space<semaphore_mem>>) src(%arg10 : memref<128x128xf32, #tpu.memory_space<vmem>>) dst(%dma_wait3A_75 : memref<128x128xf32, #tpu.memory_space<vmem_shared>>)
      tpu.yield
    }) : () -> ()
    %mul3A_25 = arith.constant 640 : i32
    %mul3A_26 = arith.muli %arg1, %mul3A_25 : i32
    %add3A_27 = arith.constant 512 : i32
    %add3A_28 = arith.addi %mul3A_26, %add3A_27 : i32
    "tpu.region"() ({
      %run_scoped3A = tpu.sem_alloc : memref<!tpu.dma_semaphore, #tpu.memory_space<semaphore_mem>>
      %dma_start3A_69 = arith.constant 0 : i32
      %dma_start3A_70 = tpu.memref_slice %arg7[%add3A_28, %dma_start3A_69] : memref<10240x128xf32, #tpu.memory_space<vmem_shared>> -> memref<128x128xf32, #tpu.memory_space<vmem_shared>>
      %dma_start3A_71 = arith.constant 0 : i32
      %dma_start3A_72 = tpu.memref_slice %arg7[%add3A_28, %dma_start3A_71] : memref<10240x128xf32, #tpu.memory_space<vmem_shared>> -> memref<128x128xf32, #tpu.memory_space<vmem_shared>>
      tpu.enqueue_dma source(%arg10 : memref<128x128xf32, #tpu.memory_space<vmem>>) target(%dma_start3A_72 : memref<128x128xf32, #tpu.memory_space<vmem_shared>>) target_semaphore(%run_scoped3A : memref<!tpu.dma_semaphore, #tpu.memory_space<semaphore_mem>>)
      %dma_wait3A = arith.constant 0 : i32
      %dma_wait3A_73 = tpu.memref_slice %arg7[%add3A_28, %dma_wait3A] : memref<10240x128xf32, #tpu.memory_space<vmem_shared>> -> memref<128x128xf32, #tpu.memory_space<vmem_shared>>
      %dma_wait3A_74 = arith.constant 0 : i32
      %dma_wait3A_75 = tpu.memref_slice %arg7[%add3A_28, %dma_wait3A_74] : memref<10240x128xf32, #tpu.memory_space<vmem_shared>> -> memref<128x128xf32, #tpu.memory_space<vmem_shared>>
      tpu.wait_dma2 semaphore(%run_scoped3A : memref<!tpu.dma_semaphore, #tpu.memory_space<semaphore_mem>>) src(%arg10 : memref<128x128xf32, #tpu.memory_space<vmem>>) dst(%dma_wait3A_75 : memref<128x128xf32, #tpu.memory_space<vmem_shared>>)
      tpu.yield
    }) : () -> ()
    %barrier3A = arith.constant 0 : index
    tpu.barrier barrier_id(%barrier3A)
    %dma_start3A = arith.constant 0 : i32
    %dma_start3A_29 = arith.constant 0 : i32
    %dma_start3A_30 = arith.constant 0 : i32
    %dma_start3A_31 = tpu.memref_slice %arg8[%dma_start3A, %dma_start3A_29, %dma_start3A_30] : memref<2x8x128xi32, #tpu.memory_space<vmem>> -> memref<1x8x128xi32, #tpu.memory_space<vmem>>
    %dma_start3A_32 = tpu.memref_squeeze %dma_start3A_31 : memref<1x8x128xi32, #tpu.memory_space<vmem>> -> memref<8x128xi32, #tpu.memory_space<vmem>>
    %dma_start3A_33 = arith.constant 0 : i32
    %dma_start3A_34 = tpu.memref_slice %arg3[%mul3A_2, %dma_start3A_33] : memref<2560x128xi32, #tpu.memory_space<hbm>> -> memref<8x128xi32, #tpu.memory_space<hbm>>
    %dma_start3A_35 = arith.constant 0 : i32
    %dma_start3A_36 = arith.constant 0 : i32
    %dma_start3A_37 = tpu.memref_slice %arg8[%dma_start3A, %dma_start3A_35, %dma_start3A_36] : memref<2x8x128xi32, #tpu.memory_space<vmem>> -> memref<1x8x128xi32, #tpu.memory_space<vmem>>
    %dma_start3A_38 = tpu.memref_squeeze %dma_start3A_37 : memref<1x8x128xi32, #tpu.memory_space<vmem>> -> memref<8x128xi32, #tpu.memory_space<vmem>>
    %dma_start3A_39 = arith.constant 0 : i32
    %dma_start3A_40 = tpu.memref_slice %arg3[%mul3A_2, %dma_start3A_39] : memref<2560x128xi32, #tpu.memory_space<hbm>> -> memref<8x128xi32, #tpu.memory_space<hbm>>
    tpu.enqueue_dma source(%dma_start3A_40 : memref<8x128xi32, #tpu.memory_space<hbm>>) target(%dma_start3A_38 : memref<8x128xi32, #tpu.memory_space<vmem>>) target_semaphore(%arg14 : memref<!tpu.dma_semaphore, #tpu.memory_space<semaphore_mem>>)
    %dma_start3A_41 = arith.constant 0 : i32
    %dma_start3A_42 = arith.constant 0 : i32
    %dma_start3A_43 = arith.constant 0 : i32
    %dma_start3A_44 = tpu.memref_slice %arg9[%dma_start3A_41, %dma_start3A_42, %dma_start3A_43] : memref<2x8x128xi32, #tpu.memory_space<vmem>> -> memref<1x8x128xi32, #tpu.memory_space<vmem>>
    %dma_start3A_45 = tpu.memref_squeeze %dma_start3A_44 : memref<1x8x128xi32, #tpu.memory_space<vmem>> -> memref<8x128xi32, #tpu.memory_space<vmem>>
    %dma_start3A_46 = arith.constant 0 : i32
    %dma_start3A_47 = tpu.memref_slice %arg4[%mul3A_2, %dma_start3A_46] : memref<2560x128xi32, #tpu.memory_space<hbm>> -> memref<8x128xi32, #tpu.memory_space<hbm>>
    %dma_start3A_48 = arith.constant 0 : i32
    %dma_start3A_49 = arith.constant 0 : i32
    %dma_start3A_50 = tpu.memref_slice %arg9[%dma_start3A_41, %dma_start3A_48, %dma_start3A_49] : memref<2x8x128xi32, #tpu.memory_space<vmem>> -> memref<1x8x128xi32, #tpu.memory_space<vmem>>
    %dma_start3A_51 = tpu.memref_squeeze %dma_start3A_50 : memref<1x8x128xi32, #tpu.memory_space<vmem>> -> memref<8x128xi32, #tpu.memory_space<vmem>>
    %dma_start3A_52 = arith.constant 0 : i32
    %dma_start3A_53 = tpu.memref_slice %arg4[%mul3A_2, %dma_start3A_52] : memref<2560x128xi32, #tpu.memory_space<hbm>> -> memref<8x128xi32, #tpu.memory_space<hbm>>
    tpu.enqueue_dma source(%dma_start3A_53 : memref<8x128xi32, #tpu.memory_space<hbm>>) target(%dma_start3A_51 : memref<8x128xi32, #tpu.memory_space<vmem>>) target_semaphore(%arg14 : memref<!tpu.dma_semaphore, #tpu.memory_space<semaphore_mem>>)
    %scan3A_54 = arith.constant 0 : i32
    %scan3A_55 = arith.constant 0 : i32
    %scan3A_56 = arith.constant 5 : i32
    %scan3A_57 = arith.addi %scan3A_55, %scan3A_56 : i32
    %scan3A_58 = arith.constant 1 : i32
    %scan3A_59 = scf.for %scan3A_69 = %scan3A_55 to %scan3A_57 step %scan3A_58 iter_args(%scan3A_70 = %scan3A_54) -> (i32)  : i32 {
      %mul3A_71 = arith.constant 2 : i32
      %mul3A_72 = arith.muli %mul3A_71, %scan3A_69 : i32
      %add3A_73 = arith.constant 0 : i32
      %add3A_74 = arith.addi %mul3A_72, %add3A_73 : i32
      %mul3A_75 = arith.constant 8 : i32
      %mul3A_76 = arith.muli %add3A_74, %mul3A_75 : i32
      %add3A_77 = arith.addi %mul3A_2, %mul3A_76 : i32
      %dma_wait3A = arith.constant 0 : i32
      %dma_wait3A_78 = arith.constant 0 : i32
      %dma_wait3A_79 = arith.constant 0 : i32
      %dma_wait3A_80 = tpu.memref_slice %arg8[%dma_wait3A, %dma_wait3A_78, %dma_wait3A_79] : memref<2x8x128xi32, #tpu.memory_space<vmem>> -> memref<1x8x128xi32, #tpu.memory_space<vmem>>
      %dma_wait3A_81 = tpu.memref_squeeze %dma_wait3A_80 : memref<1x8x128xi32, #tpu.memory_space<vmem>> -> memref<8x128xi32, #tpu.memory_space<vmem>>
      %dma_wait3A_82 = arith.constant 0 : i32
      %dma_wait3A_83 = tpu.memref_slice %arg3[%add3A_77, %dma_wait3A_82] : memref<2560x128xi32, #tpu.memory_space<hbm>> -> memref<8x128xi32, #tpu.memory_space<hbm>>
      %dma_wait3A_84 = arith.constant 0 : i32
      %dma_wait3A_85 = arith.constant 0 : i32
      %dma_wait3A_86 = tpu.memref_slice %arg8[%dma_wait3A, %dma_wait3A_84, %dma_wait3A_85] : memref<2x8x128xi32, #tpu.memory_space<vmem>> -> memref<1x8x128xi32, #tpu.memory_space<vmem>>
      %dma_wait3A_87 = tpu.memref_squeeze %dma_wait3A_86 : memref<1x8x128xi32, #tpu.memory_space<vmem>> -> memref<8x128xi32, #tpu.memory_space<vmem>>
      %dma_wait3A_88 = arith.constant 0 : i32
      %dma_wait3A_89 = tpu.memref_slice %arg3[%add3A_77, %dma_wait3A_88] : memref<2560x128xi32, #tpu.memory_space<hbm>> -> memref<8x128xi32, #tpu.memory_space<hbm>>
      tpu.wait_dma2 semaphore(%arg14 : memref<!tpu.dma_semaphore, #tpu.memory_space<semaphore_mem>>) src(%dma_wait3A_89 : memref<8x128xi32, #tpu.memory_space<hbm>>) dst(%dma_wait3A_87 : memref<8x128xi32, #tpu.memory_space<vmem>>)
      %dma_wait3A_90 = arith.constant 0 : i32
      %dma_wait3A_91 = arith.constant 0 : i32
      %dma_wait3A_92 = arith.constant 0 : i32
      %dma_wait3A_93 = tpu.memref_slice %arg9[%dma_wait3A_90, %dma_wait3A_91, %dma_wait3A_92] : memref<2x8x128xi32, #tpu.memory_space<vmem>> -> memref<1x8x128xi32, #tpu.memory_space<vmem>>
      %dma_wait3A_94 = tpu.memref_squeeze %dma_wait3A_93 : memref<1x8x128xi32, #tpu.memory_space<vmem>> -> memref<8x128xi32, #tpu.memory_space<vmem>>
      %dma_wait3A_95 = arith.constant 0 : i32
      %dma_wait3A_96 = tpu.memref_slice %arg4[%add3A_77, %dma_wait3A_95] : memref<2560x128xi32, #tpu.memory_space<hbm>> -> memref<8x128xi32, #tpu.memory_space<hbm>>
      %dma_wait3A_97 = arith.constant 0 : i32
      %dma_wait3A_98 = arith.constant 0 : i32
      %dma_wait3A_99 = tpu.memref_slice %arg9[%dma_wait3A_90, %dma_wait3A_97, %dma_wait3A_98] : memref<2x8x128xi32, #tpu.memory_space<vmem>> -> memref<1x8x128xi32, #tpu.memory_space<vmem>>
      %dma_wait3A_100 = tpu.memref_squeeze %dma_wait3A_99 : memref<1x8x128xi32, #tpu.memory_space<vmem>> -> memref<8x128xi32, #tpu.memory_space<vmem>>
      %dma_wait3A_101 = arith.constant 0 : i32
      %dma_wait3A_102 = tpu.memref_slice %arg4[%add3A_77, %dma_wait3A_101] : memref<2560x128xi32, #tpu.memory_space<hbm>> -> memref<8x128xi32, #tpu.memory_space<hbm>>
      tpu.wait_dma2 semaphore(%arg14 : memref<!tpu.dma_semaphore, #tpu.memory_space<semaphore_mem>>) src(%dma_wait3A_102 : memref<8x128xi32, #tpu.memory_space<hbm>>) dst(%dma_wait3A_100 : memref<8x128xi32, #tpu.memory_space<vmem>>)
      %add3A_103 = arith.constant 1 : i32
      %add3A_104 = arith.addi %add3A_74, %add3A_103 : i32
      %lt3A = arith.constant 10 : i32
      %lt3A_105 = arith.cmpi slt, %add3A_104, %lt3A : i32
      %convert_element_type3A_106 = arith.extui %lt3A_105 : i1 to i32
      %cond3A_107 = arith.constant 0 : i32
      %cond3A_108 = arith.cmpi ne, %convert_element_type3A_106, %cond3A_107 : i32
      scf.if %cond3A_108 {
        %add3A_437 = arith.constant 1 : i32
        %add3A_438 = arith.addi %add3A_74, %add3A_437 : i32
        %mul3A_439 = arith.constant 8 : i32
        %mul3A_440 = arith.muli %add3A_438, %mul3A_439 : i32
        %add3A_441 = arith.addi %mul3A_2, %mul3A_440 : i32
        %dma_start3A_442 = arith.constant 1 : i32
        %dma_start3A_443 = arith.constant 0 : i32
        %dma_start3A_444 = arith.constant 0 : i32
        %dma_start3A_445 = tpu.memref_slice %arg8[%dma_start3A_442, %dma_start3A_443, %dma_start3A_444] : memref<2x8x128xi32, #tpu.memory_space<vmem>> -> memref<1x8x128xi32, #tpu.memory_space<vmem>>
        %dma_start3A_446 = tpu.memref_squeeze %dma_start3A_445 : memref<1x8x128xi32, #tpu.memory_space<vmem>> -> memref<8x128xi32, #tpu.memory_space<vmem>>
        %dma_start3A_447 = arith.constant 0 : i32
        %dma_start3A_448 = tpu.memref_slice %arg3[%add3A_441, %dma_start3A_447] : memref<2560x128xi32, #tpu.memory_space<hbm>> -> memref<8x128xi32, #tpu.memory_space<hbm>>
        %dma_start3A_449 = arith.constant 0 : i32
        %dma_start3A_450 = arith.constant 0 : i32
        %dma_start3A_451 = tpu.memref_slice %arg8[%dma_start3A_442, %dma_start3A_449, %dma_start3A_450] : memref<2x8x128xi32, #tpu.memory_space<vmem>> -> memref<1x8x128xi32, #tpu.memory_space<vmem>>
        %dma_start3A_452 = tpu.memref_squeeze %dma_start3A_451 : memref<1x8x128xi32, #tpu.memory_space<vmem>> -> memref<8x128xi32, #tpu.memory_space<vmem>>
        %dma_start3A_453 = arith.constant 0 : i32
        %dma_start3A_454 = tpu.memref_slice %arg3[%add3A_441, %dma_start3A_453] : memref<2560x128xi32, #tpu.memory_space<hbm>> -> memref<8x128xi32, #tpu.memory_space<hbm>>
        tpu.enqueue_dma source(%dma_start3A_454 : memref<8x128xi32, #tpu.memory_space<hbm>>) target(%dma_start3A_452 : memref<8x128xi32, #tpu.memory_space<vmem>>) target_semaphore(%arg14 : memref<!tpu.dma_semaphore, #tpu.memory_space<semaphore_mem>>)
        %dma_start3A_455 = arith.constant 1 : i32
        %dma_start3A_456 = arith.constant 0 : i32
        %dma_start3A_457 = arith.constant 0 : i32
        %dma_start3A_458 = tpu.memref_slice %arg9[%dma_start3A_455, %dma_start3A_456, %dma_start3A_457] : memref<2x8x128xi32, #tpu.memory_space<vmem>> -> memref<1x8x128xi32, #tpu.memory_space<vmem>>
        %dma_start3A_459 = tpu.memref_squeeze %dma_start3A_458 : memref<1x8x128xi32, #tpu.memory_space<vmem>> -> memref<8x128xi32, #tpu.memory_space<vmem>>
        %dma_start3A_460 = arith.constant 0 : i32
        %dma_start3A_461 = tpu.memref_slice %arg4[%add3A_441, %dma_start3A_460] : memref<2560x128xi32, #tpu.memory_space<hbm>> -> memref<8x128xi32, #tpu.memory_space<hbm>>
        %dma_start3A_462 = arith.constant 0 : i32
        %dma_start3A_463 = arith.constant 0 : i32
        %dma_start3A_464 = tpu.memref_slice %arg9[%dma_start3A_455, %dma_start3A_462, %dma_start3A_463] : memref<2x8x128xi32, #tpu.memory_space<vmem>> -> memref<1x8x128xi32, #tpu.memory_space<vmem>>
        %dma_start3A_465 = tpu.memref_squeeze %dma_start3A_464 : memref<1x8x128xi32, #tpu.memory_space<vmem>> -> memref<8x128xi32, #tpu.memory_space<vmem>>
        %dma_start3A_466 = arith.constant 0 : i32
        %dma_start3A_467 = tpu.memref_slice %arg4[%add3A_441, %dma_start3A_466] : memref<2560x128xi32, #tpu.memory_space<hbm>> -> memref<8x128xi32, #tpu.memory_space<hbm>>
        tpu.enqueue_dma source(%dma_start3A_467 : memref<8x128xi32, #tpu.memory_space<hbm>>) target(%dma_start3A_465 : memref<8x128xi32, #tpu.memory_space<vmem>>) target_semaphore(%arg14 : memref<!tpu.dma_semaphore, #tpu.memory_space<semaphore_mem>>)
      } else {
      }
      %dma_start3A_109 = arith.constant 0 : i32
      %dma_start3A_110 = arith.constant 0 : i32
      %dma_start3A_111 = arith.constant 0 : i32
      %dma_start3A_112 = tpu.memref_slice %arg8[%dma_start3A_109, %dma_start3A_110, %dma_start3A_111] : memref<2x8x128xi32, #tpu.memory_space<vmem>> -> memref<1x1x128xi32, #tpu.memory_space<vmem>>
      %dma_start3A_113 = tpu.memref_squeeze %dma_start3A_112 : memref<1x1x128xi32, #tpu.memory_space<vmem>> -> memref<128xi32, #tpu.memory_space<vmem>>
      %dma_start3A_114 = arith.constant 0 : i32
      %dma_start3A_115 = arith.constant 0 : i32
      %dma_start3A_116 = tpu.memref_slice %arg2[%dma_start3A_114, %dma_start3A_115] : memref<10240x128xf32, #tpu.memory_space<hbm>> -> memref<10240x128xf32, #tpu.memory_space<hbm>>
      tpu.enqueue_indirect_dma source(%dma_start3A_116 : memref<10240x128xf32, #tpu.memory_space<hbm>>) target(%arg10 : memref<128x128xf32, #tpu.memory_space<vmem>>) offsets(%dma_start3A_113 : memref<128xi32, #tpu.memory_space<vmem>>) semaphore(%arg12 : memref<!tpu.dma_semaphore, #tpu.memory_space<semaphore_mem>>)
      %dma_start3A_117 = arith.constant 0 : i32
      %dma_start3A_118 = arith.constant 1 : i32
      %dma_start3A_119 = arith.constant 0 : i32
      %dma_start3A_120 = tpu.memref_slice %arg8[%dma_start3A_117, %dma_start3A_118, %dma_start3A_119] : memref<2x8x128xi32, #tpu.memory_space<vmem>> -> memref<1x1x128xi32, #tpu.memory_space<vmem>>
      %dma_start3A_121 = tpu.memref_squeeze %dma_start3A_120 : memref<1x1x128xi32, #tpu.memory_space<vmem>> -> memref<128xi32, #tpu.memory_space<vmem>>
      %dma_start3A_122 = arith.constant 0 : i32
      %dma_start3A_123 = arith.constant 0 : i32
      %dma_start3A_124 = tpu.memref_slice %arg2[%dma_start3A_122, %dma_start3A_123] : memref<10240x128xf32, #tpu.memory_space<hbm>> -> memref<10240x128xf32, #tpu.memory_space<hbm>>
      tpu.enqueue_indirect_dma source(%dma_start3A_124 : memref<10240x128xf32, #tpu.memory_space<hbm>>) target(%arg11 : memref<128x128xf32, #tpu.memory_space<vmem>>) offsets(%dma_start3A_121 : memref<128xi32, #tpu.memory_space<vmem>>) semaphore(%arg13 : memref<!tpu.dma_semaphore, #tpu.memory_space<semaphore_mem>>)
      %dma_wait3A_125 = arith.constant 0 : i32
      %dma_wait3A_126 = arith.constant 0 : i32
      %dma_wait3A_127 = arith.constant 0 : i32
      %dma_wait3A_128 = tpu.memref_slice %arg8[%dma_wait3A_125, %dma_wait3A_126, %dma_wait3A_127] : memref<2x8x128xi32, #tpu.memory_space<vmem>> -> memref<1x1x128xi32, #tpu.memory_space<vmem>>
      %dma_wait3A_129 = tpu.memref_squeeze %dma_wait3A_128 : memref<1x1x128xi32, #tpu.memory_space<vmem>> -> memref<128xi32, #tpu.memory_space<vmem>>
      %dma_wait3A_130 = arith.constant 0 : i32
      %dma_wait3A_131 = arith.constant 0 : i32
      %dma_wait3A_132 = tpu.memref_slice %arg2[%dma_wait3A_130, %dma_wait3A_131] : memref<10240x128xf32, #tpu.memory_space<hbm>> -> memref<10240x128xf32, #tpu.memory_space<hbm>>
      tpu.wait_indirect_dma semaphore(%arg12 : memref<!tpu.dma_semaphore, #tpu.memory_space<semaphore_mem>>) src(%dma_wait3A_132 : memref<10240x128xf32, #tpu.memory_space<hbm>>) dst(%arg10 : memref<128x128xf32, #tpu.memory_space<vmem>>)
      %run_scoped3A = arith.constant 0 : i32
      %run_scoped3A_133 = arith.constant 0 : i32
      "tpu.region"() ({
        %run_scoped3A_437 = tpu.sem_alloc : memref<!tpu.dma_semaphore, #tpu.memory_space<semaphore_mem>>
        %dma_start3A_438 = arith.constant 0 : i32
        %dma_start3A_439 = tpu.memref_slice %arg9[%run_scoped3A, %run_scoped3A_133, %dma_start3A_438] : memref<2x8x128xi32, #tpu.memory_space<vmem>> -> memref<1x1x128xi32, #tpu.memory_space<vmem>>
        %dma_start3A_440 = tpu.memref_squeeze %dma_start3A_439 : memref<1x1x128xi32, #tpu.memory_space<vmem>> -> memref<128xi32, #tpu.memory_space<vmem>>
        %dma_start3A_441 = arith.constant 0 : i32
        %dma_start3A_442 = arith.constant 0 : i32
        %dma_start3A_443 = tpu.memref_slice %arg7[%dma_start3A_441, %dma_start3A_442] : memref<10240x128xf32, #tpu.memory_space<vmem_shared>> -> memref<10240x128xf32, #tpu.memory_space<vmem_shared>>
        tpu.enqueue_indirect_dma source(%arg10 : memref<128x128xf32, #tpu.memory_space<vmem>>) target(%dma_start3A_443 : memref<10240x128xf32, #tpu.memory_space<vmem_shared>>) offsets(%dma_start3A_440 : memref<128xi32, #tpu.memory_space<vmem>>) semaphore(%run_scoped3A_437 : memref<!tpu.dma_semaphore, #tpu.memory_space<semaphore_mem>>) {add = true}
        %dma_wait3A_444 = arith.constant 0 : i32
        %dma_wait3A_445 = tpu.memref_slice %arg9[%run_scoped3A, %run_scoped3A_133, %dma_wait3A_444] : memref<2x8x128xi32, #tpu.memory_space<vmem>> -> memref<1x1x128xi32, #tpu.memory_space<vmem>>
        %dma_wait3A_446 = tpu.memref_squeeze %dma_wait3A_445 : memref<1x1x128xi32, #tpu.memory_space<vmem>> -> memref<128xi32, #tpu.memory_space<vmem>>
        %dma_wait3A_447 = arith.constant 0 : i32
        %dma_wait3A_448 = arith.constant 0 : i32
        %dma_wait3A_449 = tpu.memref_slice %arg7[%dma_wait3A_447, %dma_wait3A_448] : memref<10240x128xf32, #tpu.memory_space<vmem_shared>> -> memref<10240x128xf32, #tpu.memory_space<vmem_shared>>
        tpu.wait_indirect_dma semaphore(%run_scoped3A_437 : memref<!tpu.dma_semaphore, #tpu.memory_space<semaphore_mem>>) src(%arg10 : memref<128x128xf32, #tpu.memory_space<vmem>>) dst(%dma_wait3A_449 : memref<10240x128xf32, #tpu.memory_space<vmem_shared>>)
        tpu.yield
      }) : () -> ()
      %dma_start3A_134 = arith.constant 0 : i32
      %dma_start3A_135 = arith.constant 2 : i32
      %dma_start3A_136 = arith.constant 0 : i32
      %dma_start3A_137 = tpu.memref_slice %arg8[%dma_start3A_134, %dma_start3A_135, %dma_start3A_136] : memref<2x8x128xi32, #tpu.memory_space<vmem>> -> memref<1x1x128xi32, #tpu.memory_space<vmem>>
      %dma_start3A_138 = tpu.memref_squeeze %dma_start3A_137 : memref<1x1x128xi32, #tpu.memory_space<vmem>> -> memref<128xi32, #tpu.memory_space<vmem>>
      %dma_start3A_139 = arith.constant 0 : i32
      %dma_start3A_140 = arith.constant 0 : i32
      %dma_start3A_141 = tpu.memref_slice %arg2[%dma_start3A_139, %dma_start3A_140] : memref<10240x128xf32, #tpu.memory_space<hbm>> -> memref<10240x128xf32, #tpu.memory_space<hbm>>
      tpu.enqueue_indirect_dma source(%dma_start3A_141 : memref<10240x128xf32, #tpu.memory_space<hbm>>) target(%arg10 : memref<128x128xf32, #tpu.memory_space<vmem>>) offsets(%dma_start3A_138 : memref<128xi32, #tpu.memory_space<vmem>>) semaphore(%arg12 : memref<!tpu.dma_semaphore, #tpu.memory_space<semaphore_mem>>)
      %dma_wait3A_142 = arith.constant 0 : i32
      %dma_wait3A_143 = arith.constant 1 : i32
      %dma_wait3A_144 = arith.constant 0 : i32
      %dma_wait3A_145 = tpu.memref_slice %arg8[%dma_wait3A_142, %dma_wait3A_143, %dma_wait3A_144] : memref<2x8x128xi32, #tpu.memory_space<vmem>> -> memref<1x1x128xi32, #tpu.memory_space<vmem>>
      %dma_wait3A_146 = tpu.memref_squeeze %dma_wait3A_145 : memref<1x1x128xi32, #tpu.memory_space<vmem>> -> memref<128xi32, #tpu.memory_space<vmem>>
      %dma_wait3A_147 = arith.constant 0 : i32
      %dma_wait3A_148 = arith.constant 0 : i32
      %dma_wait3A_149 = tpu.memref_slice %arg2[%dma_wait3A_147, %dma_wait3A_148] : memref<10240x128xf32, #tpu.memory_space<hbm>> -> memref<10240x128xf32, #tpu.memory_space<hbm>>
      tpu.wait_indirect_dma semaphore(%arg13 : memref<!tpu.dma_semaphore, #tpu.memory_space<semaphore_mem>>) src(%dma_wait3A_149 : memref<10240x128xf32, #tpu.memory_space<hbm>>) dst(%arg11 : memref<128x128xf32, #tpu.memory_space<vmem>>)
      %run_scoped3A_150 = arith.constant 0 : i32
      %run_scoped3A_151 = arith.constant 1 : i32
      "tpu.region"() ({
        %run_scoped3A_437 = tpu.sem_alloc : memref<!tpu.dma_semaphore, #tpu.memory_space<semaphore_mem>>
        %dma_start3A_438 = arith.constant 0 : i32
        %dma_start3A_439 = tpu.memref_slice %arg9[%run_scoped3A_150, %run_scoped3A_151, %dma_start3A_438] : memref<2x8x128xi32, #tpu.memory_space<vmem>> -> memref<1x1x128xi32, #tpu.memory_space<vmem>>
        %dma_start3A_440 = tpu.memref_squeeze %dma_start3A_439 : memref<1x1x128xi32, #tpu.memory_space<vmem>> -> memref<128xi32, #tpu.memory_space<vmem>>
        %dma_start3A_441 = arith.constant 0 : i32
        %dma_start3A_442 = arith.constant 0 : i32
        %dma_start3A_443 = tpu.memref_slice %arg7[%dma_start3A_441, %dma_start3A_442] : memref<10240x128xf32, #tpu.memory_space<vmem_shared>> -> memref<10240x128xf32, #tpu.memory_space<vmem_shared>>
        tpu.enqueue_indirect_dma source(%arg11 : memref<128x128xf32, #tpu.memory_space<vmem>>) target(%dma_start3A_443 : memref<10240x128xf32, #tpu.memory_space<vmem_shared>>) offsets(%dma_start3A_440 : memref<128xi32, #tpu.memory_space<vmem>>) semaphore(%run_scoped3A_437 : memref<!tpu.dma_semaphore, #tpu.memory_space<semaphore_mem>>) {add = true}
        %dma_wait3A_444 = arith.constant 0 : i32
        %dma_wait3A_445 = tpu.memref_slice %arg9[%run_scoped3A_150, %run_scoped3A_151, %dma_wait3A_444] : memref<2x8x128xi32, #tpu.memory_space<vmem>> -> memref<1x1x128xi32, #tpu.memory_space<vmem>>
        %dma_wait3A_446 = tpu.memref_squeeze %dma_wait3A_445 : memref<1x1x128xi32, #tpu.memory_space<vmem>> -> memref<128xi32, #tpu.memory_space<vmem>>
        %dma_wait3A_447 = arith.constant 0 : i32
        %dma_wait3A_448 = arith.constant 0 : i32
        %dma_wait3A_449 = tpu.memref_slice %arg7[%dma_wait3A_447, %dma_wait3A_448] : memref<10240x128xf32, #tpu.memory_space<vmem_shared>> -> memref<10240x128xf32, #tpu.memory_space<vmem_shared>>
        tpu.wait_indirect_dma semaphore(%run_scoped3A_437 : memref<!tpu.dma_semaphore, #tpu.memory_space<semaphore_mem>>) src(%arg11 : memref<128x128xf32, #tpu.memory_space<vmem>>) dst(%dma_wait3A_449 : memref<10240x128xf32, #tpu.memory_space<vmem_shared>>)
        tpu.yield
      }) : () -> ()
      %dma_start3A_152 = arith.constant 0 : i32
      %dma_start3A_153 = arith.constant 3 : i32
      %dma_start3A_154 = arith.constant 0 : i32
      %dma_start3A_155 = tpu.memref_slice %arg8[%dma_start3A_152, %dma_start3A_153, %dma_start3A_154] : memref<2x8x128xi32, #tpu.memory_space<vmem>> -> memref<1x1x128xi32, #tpu.memory_space<vmem>>
      %dma_start3A_156 = tpu.memref_squeeze %dma_start3A_155 : memref<1x1x128xi32, #tpu.memory_space<vmem>> -> memref<128xi32, #tpu.memory_space<vmem>>
      %dma_start3A_157 = arith.constant 0 : i32
      %dma_start3A_158 = arith.constant 0 : i32
      %dma_start3A_159 = tpu.memref_slice %arg2[%dma_start3A_157, %dma_start3A_158] : memref<10240x128xf32, #tpu.memory_space<hbm>> -> memref<10240x128xf32, #tpu.memory_space<hbm>>
      tpu.enqueue_indirect_dma source(%dma_start3A_159 : memref<10240x128xf32, #tpu.memory_space<hbm>>) target(%arg11 : memref<128x128xf32, #tpu.memory_space<vmem>>) offsets(%dma_start3A_156 : memref<128xi32, #tpu.memory_space<vmem>>) semaphore(%arg13 : memref<!tpu.dma_semaphore, #tpu.memory_space<semaphore_mem>>)
      %dma_wait3A_160 = arith.constant 0 : i32
      %dma_wait3A_161 = arith.constant 2 : i32
      %dma_wait3A_162 = arith.constant 0 : i32
      %dma_wait3A_163 = tpu.memref_slice %arg8[%dma_wait3A_160, %dma_wait3A_161, %dma_wait3A_162] : memref<2x8x128xi32, #tpu.memory_space<vmem>> -> memref<1x1x128xi32, #tpu.memory_space<vmem>>
      %dma_wait3A_164 = tpu.memref_squeeze %dma_wait3A_163 : memref<1x1x128xi32, #tpu.memory_space<vmem>> -> memref<128xi32, #tpu.memory_space<vmem>>
      %dma_wait3A_165 = arith.constant 0 : i32
      %dma_wait3A_166 = arith.constant 0 : i32
      %dma_wait3A_167 = tpu.memref_slice %arg2[%dma_wait3A_165, %dma_wait3A_166] : memref<10240x128xf32, #tpu.memory_space<hbm>> -> memref<10240x128xf32, #tpu.memory_space<hbm>>
      tpu.wait_indirect_dma semaphore(%arg12 : memref<!tpu.dma_semaphore, #tpu.memory_space<semaphore_mem>>) src(%dma_wait3A_167 : memref<10240x128xf32, #tpu.memory_space<hbm>>) dst(%arg10 : memref<128x128xf32, #tpu.memory_space<vmem>>)
      %run_scoped3A_168 = arith.constant 0 : i32
      %run_scoped3A_169 = arith.constant 2 : i32
      "tpu.region"() ({
        %run_scoped3A_437 = tpu.sem_alloc : memref<!tpu.dma_semaphore, #tpu.memory_space<semaphore_mem>>
        %dma_start3A_438 = arith.constant 0 : i32
        %dma_start3A_439 = tpu.memref_slice %arg9[%run_scoped3A_168, %run_scoped3A_169, %dma_start3A_438] : memref<2x8x128xi32, #tpu.memory_space<vmem>> -> memref<1x1x128xi32, #tpu.memory_space<vmem>>
        %dma_start3A_440 = tpu.memref_squeeze %dma_start3A_439 : memref<1x1x128xi32, #tpu.memory_space<vmem>> -> memref<128xi32, #tpu.memory_space<vmem>>
        %dma_start3A_441 = arith.constant 0 : i32
        %dma_start3A_442 = arith.constant 0 : i32
        %dma_start3A_443 = tpu.memref_slice %arg7[%dma_start3A_441, %dma_start3A_442] : memref<10240x128xf32, #tpu.memory_space<vmem_shared>> -> memref<10240x128xf32, #tpu.memory_space<vmem_shared>>
        tpu.enqueue_indirect_dma source(%arg10 : memref<128x128xf32, #tpu.memory_space<vmem>>) target(%dma_start3A_443 : memref<10240x128xf32, #tpu.memory_space<vmem_shared>>) offsets(%dma_start3A_440 : memref<128xi32, #tpu.memory_space<vmem>>) semaphore(%run_scoped3A_437 : memref<!tpu.dma_semaphore, #tpu.memory_space<semaphore_mem>>) {add = true}
        %dma_wait3A_444 = arith.constant 0 : i32
        %dma_wait3A_445 = tpu.memref_slice %arg9[%run_scoped3A_168, %run_scoped3A_169, %dma_wait3A_444] : memref<2x8x128xi32, #tpu.memory_space<vmem>> -> memref<1x1x128xi32, #tpu.memory_space<vmem>>
        %dma_wait3A_446 = tpu.memref_squeeze %dma_wait3A_445 : memref<1x1x128xi32, #tpu.memory_space<vmem>> -> memref<128xi32, #tpu.memory_space<vmem>>
        %dma_wait3A_447 = arith.constant 0 : i32
        %dma_wait3A_448 = arith.constant 0 : i32
        %dma_wait3A_449 = tpu.memref_slice %arg7[%dma_wait3A_447, %dma_wait3A_448] : memref<10240x128xf32, #tpu.memory_space<vmem_shared>> -> memref<10240x128xf32, #tpu.memory_space<vmem_shared>>
        tpu.wait_indirect_dma semaphore(%run_scoped3A_437 : memref<!tpu.dma_semaphore, #tpu.memory_space<semaphore_mem>>) src(%arg10 : memref<128x128xf32, #tpu.memory_space<vmem>>) dst(%dma_wait3A_449 : memref<10240x128xf32, #tpu.memory_space<vmem_shared>>)
        tpu.yield
      }) : () -> ()
      %dma_start3A_170 = arith.constant 0 : i32
      %dma_start3A_171 = arith.constant 4 : i32
      %dma_start3A_172 = arith.constant 0 : i32
      %dma_start3A_173 = tpu.memref_slice %arg8[%dma_start3A_170, %dma_start3A_171, %dma_start3A_172] : memref<2x8x128xi32, #tpu.memory_space<vmem>> -> memref<1x1x128xi32, #tpu.memory_space<vmem>>
      %dma_start3A_174 = tpu.memref_squeeze %dma_start3A_173 : memref<1x1x128xi32, #tpu.memory_space<vmem>> -> memref<128xi32, #tpu.memory_space<vmem>>
      %dma_start3A_175 = arith.constant 0 : i32
      %dma_start3A_176 = arith.constant 0 : i32
      %dma_start3A_177 = tpu.memref_slice %arg2[%dma_start3A_175, %dma_start3A_176] : memref<10240x128xf32, #tpu.memory_space<hbm>> -> memref<10240x128xf32, #tpu.memory_space<hbm>>
      tpu.enqueue_indirect_dma source(%dma_start3A_177 : memref<10240x128xf32, #tpu.memory_space<hbm>>) target(%arg10 : memref<128x128xf32, #tpu.memory_space<vmem>>) offsets(%dma_start3A_174 : memref<128xi32, #tpu.memory_space<vmem>>) semaphore(%arg12 : memref<!tpu.dma_semaphore, #tpu.memory_space<semaphore_mem>>)
      %dma_wait3A_178 = arith.constant 0 : i32
      %dma_wait3A_179 = arith.constant 3 : i32
      %dma_wait3A_180 = arith.constant 0 : i32
      %dma_wait3A_181 = tpu.memref_slice %arg8[%dma_wait3A_178, %dma_wait3A_179, %dma_wait3A_180] : memref<2x8x128xi32, #tpu.memory_space<vmem>> -> memref<1x1x128xi32, #tpu.memory_space<vmem>>
      %dma_wait3A_182 = tpu.memref_squeeze %dma_wait3A_181 : memref<1x1x128xi32, #tpu.memory_space<vmem>> -> memref<128xi32, #tpu.memory_space<vmem>>
      %dma_wait3A_183 = arith.constant 0 : i32
      %dma_wait3A_184 = arith.constant 0 : i32
      %dma_wait3A_185 = tpu.memref_slice %arg2[%dma_wait3A_183, %dma_wait3A_184] : memref<10240x128xf32, #tpu.memory_space<hbm>> -> memref<10240x128xf32, #tpu.memory_space<hbm>>
      tpu.wait_indirect_dma semaphore(%arg13 : memref<!tpu.dma_semaphore, #tpu.memory_space<semaphore_mem>>) src(%dma_wait3A_185 : memref<10240x128xf32, #tpu.memory_space<hbm>>) dst(%arg11 : memref<128x128xf32, #tpu.memory_space<vmem>>)
      %run_scoped3A_186 = arith.constant 0 : i32
      %run_scoped3A_187 = arith.constant 3 : i32
      "tpu.region"() ({
        %run_scoped3A_437 = tpu.sem_alloc : memref<!tpu.dma_semaphore, #tpu.memory_space<semaphore_mem>>
        %dma_start3A_438 = arith.constant 0 : i32
        %dma_start3A_439 = tpu.memref_slice %arg9[%run_scoped3A_186, %run_scoped3A_187, %dma_start3A_438] : memref<2x8x128xi32, #tpu.memory_space<vmem>> -> memref<1x1x128xi32, #tpu.memory_space<vmem>>
        %dma_start3A_440 = tpu.memref_squeeze %dma_start3A_439 : memref<1x1x128xi32, #tpu.memory_space<vmem>> -> memref<128xi32, #tpu.memory_space<vmem>>
        %dma_start3A_441 = arith.constant 0 : i32
        %dma_start3A_442 = arith.constant 0 : i32
        %dma_start3A_443 = tpu.memref_slice %arg7[%dma_start3A_441, %dma_start3A_442] : memref<10240x128xf32, #tpu.memory_space<vmem_shared>> -> memref<10240x128xf32, #tpu.memory_space<vmem_shared>>
        tpu.enqueue_indirect_dma source(%arg11 : memref<128x128xf32, #tpu.memory_space<vmem>>) target(%dma_start3A_443 : memref<10240x128xf32, #tpu.memory_space<vmem_shared>>) offsets(%dma_start3A_440 : memref<128xi32, #tpu.memory_space<vmem>>) semaphore(%run_scoped3A_437 : memref<!tpu.dma_semaphore, #tpu.memory_space<semaphore_mem>>) {add = true}
        %dma_wait3A_444 = arith.constant 0 : i32
        %dma_wait3A_445 = tpu.memref_slice %arg9[%run_scoped3A_186, %run_scoped3A_187, %dma_wait3A_444] : memref<2x8x128xi32, #tpu.memory_space<vmem>> -> memref<1x1x128xi32, #tpu.memory_space<vmem>>
        %dma_wait3A_446 = tpu.memref_squeeze %dma_wait3A_445 : memref<1x1x128xi32, #tpu.memory_space<vmem>> -> memref<128xi32, #tpu.memory_space<vmem>>
        %dma_wait3A_447 = arith.constant 0 : i32
        %dma_wait3A_448 = arith.constant 0 : i32
        %dma_wait3A_449 = tpu.memref_slice %arg7[%dma_wait3A_447, %dma_wait3A_448] : memref<10240x128xf32, #tpu.memory_space<vmem_shared>> -> memref<10240x128xf32, #tpu.memory_space<vmem_shared>>
        tpu.wait_indirect_dma semaphore(%run_scoped3A_437 : memref<!tpu.dma_semaphore, #tpu.memory_space<semaphore_mem>>) src(%arg11 : memref<128x128xf32, #tpu.memory_space<vmem>>) dst(%dma_wait3A_449 : memref<10240x128xf32, #tpu.memory_space<vmem_shared>>)
        tpu.yield
      }) : () -> ()
      %dma_start3A_188 = arith.constant 0 : i32
      %dma_start3A_189 = arith.constant 5 : i32
      %dma_start3A_190 = arith.constant 0 : i32
      %dma_start3A_191 = tpu.memref_slice %arg8[%dma_start3A_188, %dma_start3A_189, %dma_start3A_190] : memref<2x8x128xi32, #tpu.memory_space<vmem>> -> memref<1x1x128xi32, #tpu.memory_space<vmem>>
      %dma_start3A_192 = tpu.memref_squeeze %dma_start3A_191 : memref<1x1x128xi32, #tpu.memory_space<vmem>> -> memref<128xi32, #tpu.memory_space<vmem>>
      %dma_start3A_193 = arith.constant 0 : i32
      %dma_start3A_194 = arith.constant 0 : i32
      %dma_start3A_195 = tpu.memref_slice %arg2[%dma_start3A_193, %dma_start3A_194] : memref<10240x128xf32, #tpu.memory_space<hbm>> -> memref<10240x128xf32, #tpu.memory_space<hbm>>
      tpu.enqueue_indirect_dma source(%dma_start3A_195 : memref<10240x128xf32, #tpu.memory_space<hbm>>) target(%arg11 : memref<128x128xf32, #tpu.memory_space<vmem>>) offsets(%dma_start3A_192 : memref<128xi32, #tpu.memory_space<vmem>>) semaphore(%arg13 : memref<!tpu.dma_semaphore, #tpu.memory_space<semaphore_mem>>)
      %dma_wait3A_196 = arith.constant 0 : i32
      %dma_wait3A_197 = arith.constant 4 : i32
      %dma_wait3A_198 = arith.constant 0 : i32
      %dma_wait3A_199 = tpu.memref_slice %arg8[%dma_wait3A_196, %dma_wait3A_197, %dma_wait3A_198] : memref<2x8x128xi32, #tpu.memory_space<vmem>> -> memref<1x1x128xi32, #tpu.memory_space<vmem>>
      %dma_wait3A_200 = tpu.memref_squeeze %dma_wait3A_199 : memref<1x1x128xi32, #tpu.memory_space<vmem>> -> memref<128xi32, #tpu.memory_space<vmem>>
      %dma_wait3A_201 = arith.constant 0 : i32
      %dma_wait3A_202 = arith.constant 0 : i32
      %dma_wait3A_203 = tpu.memref_slice %arg2[%dma_wait3A_201, %dma_wait3A_202] : memref<10240x128xf32, #tpu.memory_space<hbm>> -> memref<10240x128xf32, #tpu.memory_space<hbm>>
      tpu.wait_indirect_dma semaphore(%arg12 : memref<!tpu.dma_semaphore, #tpu.memory_space<semaphore_mem>>) src(%dma_wait3A_203 : memref<10240x128xf32, #tpu.memory_space<hbm>>) dst(%arg10 : memref<128x128xf32, #tpu.memory_space<vmem>>)
      %run_scoped3A_204 = arith.constant 0 : i32
      %run_scoped3A_205 = arith.constant 4 : i32
      "tpu.region"() ({
        %run_scoped3A_437 = tpu.sem_alloc : memref<!tpu.dma_semaphore, #tpu.memory_space<semaphore_mem>>
        %dma_start3A_438 = arith.constant 0 : i32
        %dma_start3A_439 = tpu.memref_slice %arg9[%run_scoped3A_204, %run_scoped3A_205, %dma_start3A_438] : memref<2x8x128xi32, #tpu.memory_space<vmem>> -> memref<1x1x128xi32, #tpu.memory_space<vmem>>
        %dma_start3A_440 = tpu.memref_squeeze %dma_start3A_439 : memref<1x1x128xi32, #tpu.memory_space<vmem>> -> memref<128xi32, #tpu.memory_space<vmem>>
        %dma_start3A_441 = arith.constant 0 : i32
        %dma_start3A_442 = arith.constant 0 : i32
        %dma_start3A_443 = tpu.memref_slice %arg7[%dma_start3A_441, %dma_start3A_442] : memref<10240x128xf32, #tpu.memory_space<vmem_shared>> -> memref<10240x128xf32, #tpu.memory_space<vmem_shared>>
        tpu.enqueue_indirect_dma source(%arg10 : memref<128x128xf32, #tpu.memory_space<vmem>>) target(%dma_start3A_443 : memref<10240x128xf32, #tpu.memory_space<vmem_shared>>) offsets(%dma_start3A_440 : memref<128xi32, #tpu.memory_space<vmem>>) semaphore(%run_scoped3A_437 : memref<!tpu.dma_semaphore, #tpu.memory_space<semaphore_mem>>) {add = true}
        %dma_wait3A_444 = arith.constant 0 : i32
        %dma_wait3A_445 = tpu.memref_slice %arg9[%run_scoped3A_204, %run_scoped3A_205, %dma_wait3A_444] : memref<2x8x128xi32, #tpu.memory_space<vmem>> -> memref<1x1x128xi32, #tpu.memory_space<vmem>>
        %dma_wait3A_446 = tpu.memref_squeeze %dma_wait3A_445 : memref<1x1x128xi32, #tpu.memory_space<vmem>> -> memref<128xi32, #tpu.memory_space<vmem>>
        %dma_wait3A_447 = arith.constant 0 : i32
        %dma_wait3A_448 = arith.constant 0 : i32
        %dma_wait3A_449 = tpu.memref_slice %arg7[%dma_wait3A_447, %dma_wait3A_448] : memref<10240x128xf32, #tpu.memory_space<vmem_shared>> -> memref<10240x128xf32, #tpu.memory_space<vmem_shared>>
        tpu.wait_indirect_dma semaphore(%run_scoped3A_437 : memref<!tpu.dma_semaphore, #tpu.memory_space<semaphore_mem>>) src(%arg10 : memref<128x128xf32, #tpu.memory_space<vmem>>) dst(%dma_wait3A_449 : memref<10240x128xf32, #tpu.memory_space<vmem_shared>>)
        tpu.yield
      }) : () -> ()
      %dma_start3A_206 = arith.constant 0 : i32
      %dma_start3A_207 = arith.constant 6 : i32
      %dma_start3A_208 = arith.constant 0 : i32
      %dma_start3A_209 = tpu.memref_slice %arg8[%dma_start3A_206, %dma_start3A_207, %dma_start3A_208] : memref<2x8x128xi32, #tpu.memory_space<vmem>> -> memref<1x1x128xi32, #tpu.memory_space<vmem>>
      %dma_start3A_210 = tpu.memref_squeeze %dma_start3A_209 : memref<1x1x128xi32, #tpu.memory_space<vmem>> -> memref<128xi32, #tpu.memory_space<vmem>>
      %dma_start3A_211 = arith.constant 0 : i32
      %dma_start3A_212 = arith.constant 0 : i32
      %dma_start3A_213 = tpu.memref_slice %arg2[%dma_start3A_211, %dma_start3A_212] : memref<10240x128xf32, #tpu.memory_space<hbm>> -> memref<10240x128xf32, #tpu.memory_space<hbm>>
      tpu.enqueue_indirect_dma source(%dma_start3A_213 : memref<10240x128xf32, #tpu.memory_space<hbm>>) target(%arg10 : memref<128x128xf32, #tpu.memory_space<vmem>>) offsets(%dma_start3A_210 : memref<128xi32, #tpu.memory_space<vmem>>) semaphore(%arg12 : memref<!tpu.dma_semaphore, #tpu.memory_space<semaphore_mem>>)
      %dma_wait3A_214 = arith.constant 0 : i32
      %dma_wait3A_215 = arith.constant 5 : i32
      %dma_wait3A_216 = arith.constant 0 : i32
      %dma_wait3A_217 = tpu.memref_slice %arg8[%dma_wait3A_214, %dma_wait3A_215, %dma_wait3A_216] : memref<2x8x128xi32, #tpu.memory_space<vmem>> -> memref<1x1x128xi32, #tpu.memory_space<vmem>>
      %dma_wait3A_218 = tpu.memref_squeeze %dma_wait3A_217 : memref<1x1x128xi32, #tpu.memory_space<vmem>> -> memref<128xi32, #tpu.memory_space<vmem>>
      %dma_wait3A_219 = arith.constant 0 : i32
      %dma_wait3A_220 = arith.constant 0 : i32
      %dma_wait3A_221 = tpu.memref_slice %arg2[%dma_wait3A_219, %dma_wait3A_220] : memref<10240x128xf32, #tpu.memory_space<hbm>> -> memref<10240x128xf32, #tpu.memory_space<hbm>>
      tpu.wait_indirect_dma semaphore(%arg13 : memref<!tpu.dma_semaphore, #tpu.memory_space<semaphore_mem>>) src(%dma_wait3A_221 : memref<10240x128xf32, #tpu.memory_space<hbm>>) dst(%arg11 : memref<128x128xf32, #tpu.memory_space<vmem>>)
      %run_scoped3A_222 = arith.constant 0 : i32
      %run_scoped3A_223 = arith.constant 5 : i32
      "tpu.region"() ({
        %run_scoped3A_437 = tpu.sem_alloc : memref<!tpu.dma_semaphore, #tpu.memory_space<semaphore_mem>>
        %dma_start3A_438 = arith.constant 0 : i32
        %dma_start3A_439 = tpu.memref_slice %arg9[%run_scoped3A_222, %run_scoped3A_223, %dma_start3A_438] : memref<2x8x128xi32, #tpu.memory_space<vmem>> -> memref<1x1x128xi32, #tpu.memory_space<vmem>>
        %dma_start3A_440 = tpu.memref_squeeze %dma_start3A_439 : memref<1x1x128xi32, #tpu.memory_space<vmem>> -> memref<128xi32, #tpu.memory_space<vmem>>
        %dma_start3A_441 = arith.constant 0 : i32
        %dma_start3A_442 = arith.constant 0 : i32
        %dma_start3A_443 = tpu.memref_slice %arg7[%dma_start3A_441, %dma_start3A_442] : memref<10240x128xf32, #tpu.memory_space<vmem_shared>> -> memref<10240x128xf32, #tpu.memory_space<vmem_shared>>
        tpu.enqueue_indirect_dma source(%arg11 : memref<128x128xf32, #tpu.memory_space<vmem>>) target(%dma_start3A_443 : memref<10240x128xf32, #tpu.memory_space<vmem_shared>>) offsets(%dma_start3A_440 : memref<128xi32, #tpu.memory_space<vmem>>) semaphore(%run_scoped3A_437 : memref<!tpu.dma_semaphore, #tpu.memory_space<semaphore_mem>>) {add = true}
        %dma_wait3A_444 = arith.constant 0 : i32
        %dma_wait3A_445 = tpu.memref_slice %arg9[%run_scoped3A_222, %run_scoped3A_223, %dma_wait3A_444] : memref<2x8x128xi32, #tpu.memory_space<vmem>> -> memref<1x1x128xi32, #tpu.memory_space<vmem>>
        %dma_wait3A_446 = tpu.memref_squeeze %dma_wait3A_445 : memref<1x1x128xi32, #tpu.memory_space<vmem>> -> memref<128xi32, #tpu.memory_space<vmem>>
        %dma_wait3A_447 = arith.constant 0 : i32
        %dma_wait3A_448 = arith.constant 0 : i32
        %dma_wait3A_449 = tpu.memref_slice %arg7[%dma_wait3A_447, %dma_wait3A_448] : memref<10240x128xf32, #tpu.memory_space<vmem_shared>> -> memref<10240x128xf32, #tpu.memory_space<vmem_shared>>
        tpu.wait_indirect_dma semaphore(%run_scoped3A_437 : memref<!tpu.dma_semaphore, #tpu.memory_space<semaphore_mem>>) src(%arg11 : memref<128x128xf32, #tpu.memory_space<vmem>>) dst(%dma_wait3A_449 : memref<10240x128xf32, #tpu.memory_space<vmem_shared>>)
        tpu.yield
      }) : () -> ()
      %dma_start3A_224 = arith.constant 0 : i32
      %dma_start3A_225 = arith.constant 7 : i32
      %dma_start3A_226 = arith.constant 0 : i32
      %dma_start3A_227 = tpu.memref_slice %arg8[%dma_start3A_224, %dma_start3A_225, %dma_start3A_226] : memref<2x8x128xi32, #tpu.memory_space<vmem>> -> memref<1x1x128xi32, #tpu.memory_space<vmem>>
      %dma_start3A_228 = tpu.memref_squeeze %dma_start3A_227 : memref<1x1x128xi32, #tpu.memory_space<vmem>> -> memref<128xi32, #tpu.memory_space<vmem>>
      %dma_start3A_229 = arith.constant 0 : i32
      %dma_start3A_230 = arith.constant 0 : i32
      %dma_start3A_231 = tpu.memref_slice %arg2[%dma_start3A_229, %dma_start3A_230] : memref<10240x128xf32, #tpu.memory_space<hbm>> -> memref<10240x128xf32, #tpu.memory_space<hbm>>
      tpu.enqueue_indirect_dma source(%dma_start3A_231 : memref<10240x128xf32, #tpu.memory_space<hbm>>) target(%arg11 : memref<128x128xf32, #tpu.memory_space<vmem>>) offsets(%dma_start3A_228 : memref<128xi32, #tpu.memory_space<vmem>>) semaphore(%arg13 : memref<!tpu.dma_semaphore, #tpu.memory_space<semaphore_mem>>)
      %dma_wait3A_232 = arith.constant 0 : i32
      %dma_wait3A_233 = arith.constant 6 : i32
      %dma_wait3A_234 = arith.constant 0 : i32
      %dma_wait3A_235 = tpu.memref_slice %arg8[%dma_wait3A_232, %dma_wait3A_233, %dma_wait3A_234] : memref<2x8x128xi32, #tpu.memory_space<vmem>> -> memref<1x1x128xi32, #tpu.memory_space<vmem>>
      %dma_wait3A_236 = tpu.memref_squeeze %dma_wait3A_235 : memref<1x1x128xi32, #tpu.memory_space<vmem>> -> memref<128xi32, #tpu.memory_space<vmem>>
      %dma_wait3A_237 = arith.constant 0 : i32
      %dma_wait3A_238 = arith.constant 0 : i32
      %dma_wait3A_239 = tpu.memref_slice %arg2[%dma_wait3A_237, %dma_wait3A_238] : memref<10240x128xf32, #tpu.memory_space<hbm>> -> memref<10240x128xf32, #tpu.memory_space<hbm>>
      tpu.wait_indirect_dma semaphore(%arg12 : memref<!tpu.dma_semaphore, #tpu.memory_space<semaphore_mem>>) src(%dma_wait3A_239 : memref<10240x128xf32, #tpu.memory_space<hbm>>) dst(%arg10 : memref<128x128xf32, #tpu.memory_space<vmem>>)
      %run_scoped3A_240 = arith.constant 0 : i32
      %run_scoped3A_241 = arith.constant 6 : i32
      "tpu.region"() ({
        %run_scoped3A_437 = tpu.sem_alloc : memref<!tpu.dma_semaphore, #tpu.memory_space<semaphore_mem>>
        %dma_start3A_438 = arith.constant 0 : i32
        %dma_start3A_439 = tpu.memref_slice %arg9[%run_scoped3A_240, %run_scoped3A_241, %dma_start3A_438] : memref<2x8x128xi32, #tpu.memory_space<vmem>> -> memref<1x1x128xi32, #tpu.memory_space<vmem>>
        %dma_start3A_440 = tpu.memref_squeeze %dma_start3A_439 : memref<1x1x128xi32, #tpu.memory_space<vmem>> -> memref<128xi32, #tpu.memory_space<vmem>>
        %dma_start3A_441 = arith.constant 0 : i32
        %dma_start3A_442 = arith.constant 0 : i32
        %dma_start3A_443 = tpu.memref_slice %arg7[%dma_start3A_441, %dma_start3A_442] : memref<10240x128xf32, #tpu.memory_space<vmem_shared>> -> memref<10240x128xf32, #tpu.memory_space<vmem_shared>>
        tpu.enqueue_indirect_dma source(%arg10 : memref<128x128xf32, #tpu.memory_space<vmem>>) target(%dma_start3A_443 : memref<10240x128xf32, #tpu.memory_space<vmem_shared>>) offsets(%dma_start3A_440 : memref<128xi32, #tpu.memory_space<vmem>>) semaphore(%run_scoped3A_437 : memref<!tpu.dma_semaphore, #tpu.memory_space<semaphore_mem>>) {add = true}
        %dma_wait3A_444 = arith.constant 0 : i32
        %dma_wait3A_445 = tpu.memref_slice %arg9[%run_scoped3A_240, %run_scoped3A_241, %dma_wait3A_444] : memref<2x8x128xi32, #tpu.memory_space<vmem>> -> memref<1x1x128xi32, #tpu.memory_space<vmem>>
        %dma_wait3A_446 = tpu.memref_squeeze %dma_wait3A_445 : memref<1x1x128xi32, #tpu.memory_space<vmem>> -> memref<128xi32, #tpu.memory_space<vmem>>
        %dma_wait3A_447 = arith.constant 0 : i32
        %dma_wait3A_448 = arith.constant 0 : i32
        %dma_wait3A_449 = tpu.memref_slice %arg7[%dma_wait3A_447, %dma_wait3A_448] : memref<10240x128xf32, #tpu.memory_space<vmem_shared>> -> memref<10240x128xf32, #tpu.memory_space<vmem_shared>>
        tpu.wait_indirect_dma semaphore(%run_scoped3A_437 : memref<!tpu.dma_semaphore, #tpu.memory_space<semaphore_mem>>) src(%arg10 : memref<128x128xf32, #tpu.memory_space<vmem>>) dst(%dma_wait3A_449 : memref<10240x128xf32, #tpu.memory_space<vmem_shared>>)
        tpu.yield
      }) : () -> ()
      %dma_wait3A_242 = arith.constant 0 : i32
      %dma_wait3A_243 = arith.constant 7 : i32
      %dma_wait3A_244 = arith.constant 0 : i32
      %dma_wait3A_245 = tpu.memref_slice %arg8[%dma_wait3A_242, %dma_wait3A_243, %dma_wait3A_244] : memref<2x8x128xi32, #tpu.memory_space<vmem>> -> memref<1x1x128xi32, #tpu.memory_space<vmem>>
      %dma_wait3A_246 = tpu.memref_squeeze %dma_wait3A_245 : memref<1x1x128xi32, #tpu.memory_space<vmem>> -> memref<128xi32, #tpu.memory_space<vmem>>
      %dma_wait3A_247 = arith.constant 0 : i32
      %dma_wait3A_248 = arith.constant 0 : i32
      %dma_wait3A_249 = tpu.memref_slice %arg2[%dma_wait3A_247, %dma_wait3A_248] : memref<10240x128xf32, #tpu.memory_space<hbm>> -> memref<10240x128xf32, #tpu.memory_space<hbm>>
      tpu.wait_indirect_dma semaphore(%arg13 : memref<!tpu.dma_semaphore, #tpu.memory_space<semaphore_mem>>) src(%dma_wait3A_249 : memref<10240x128xf32, #tpu.memory_space<hbm>>) dst(%arg11 : memref<128x128xf32, #tpu.memory_space<vmem>>)
      %run_scoped3A_250 = arith.constant 0 : i32
      %run_scoped3A_251 = arith.constant 7 : i32
      "tpu.region"() ({
        %run_scoped3A_437 = tpu.sem_alloc : memref<!tpu.dma_semaphore, #tpu.memory_space<semaphore_mem>>
        %dma_start3A_438 = arith.constant 0 : i32
        %dma_start3A_439 = tpu.memref_slice %arg9[%run_scoped3A_250, %run_scoped3A_251, %dma_start3A_438] : memref<2x8x128xi32, #tpu.memory_space<vmem>> -> memref<1x1x128xi32, #tpu.memory_space<vmem>>
        %dma_start3A_440 = tpu.memref_squeeze %dma_start3A_439 : memref<1x1x128xi32, #tpu.memory_space<vmem>> -> memref<128xi32, #tpu.memory_space<vmem>>
        %dma_start3A_441 = arith.constant 0 : i32
        %dma_start3A_442 = arith.constant 0 : i32
        %dma_start3A_443 = tpu.memref_slice %arg7[%dma_start3A_441, %dma_start3A_442] : memref<10240x128xf32, #tpu.memory_space<vmem_shared>> -> memref<10240x128xf32, #tpu.memory_space<vmem_shared>>
        tpu.enqueue_indirect_dma source(%arg11 : memref<128x128xf32, #tpu.memory_space<vmem>>) target(%dma_start3A_443 : memref<10240x128xf32, #tpu.memory_space<vmem_shared>>) offsets(%dma_start3A_440 : memref<128xi32, #tpu.memory_space<vmem>>) semaphore(%run_scoped3A_437 : memref<!tpu.dma_semaphore, #tpu.memory_space<semaphore_mem>>) {add = true}
        %dma_wait3A_444 = arith.constant 0 : i32
        %dma_wait3A_445 = tpu.memref_slice %arg9[%run_scoped3A_250, %run_scoped3A_251, %dma_wait3A_444] : memref<2x8x128xi32, #tpu.memory_space<vmem>> -> memref<1x1x128xi32, #tpu.memory_space<vmem>>
        %dma_wait3A_446 = tpu.memref_squeeze %dma_wait3A_445 : memref<1x1x128xi32, #tpu.memory_space<vmem>> -> memref<128xi32, #tpu.memory_space<vmem>>
        %dma_wait3A_447 = arith.constant 0 : i32
        %dma_wait3A_448 = arith.constant 0 : i32
        %dma_wait3A_449 = tpu.memref_slice %arg7[%dma_wait3A_447, %dma_wait3A_448] : memref<10240x128xf32, #tpu.memory_space<vmem_shared>> -> memref<10240x128xf32, #tpu.memory_space<vmem_shared>>
        tpu.wait_indirect_dma semaphore(%run_scoped3A_437 : memref<!tpu.dma_semaphore, #tpu.memory_space<semaphore_mem>>) src(%arg11 : memref<128x128xf32, #tpu.memory_space<vmem>>) dst(%dma_wait3A_449 : memref<10240x128xf32, #tpu.memory_space<vmem_shared>>)
        tpu.yield
      }) : () -> ()
      %mul3A_252 = arith.constant 2 : i32
      %mul3A_253 = arith.muli %mul3A_252, %scan3A_69 : i32
      %add3A_254 = arith.constant 1 : i32
      %add3A_255 = arith.addi %mul3A_253, %add3A_254 : i32
      %mul3A_256 = arith.constant 8 : i32
      %mul3A_257 = arith.muli %add3A_255, %mul3A_256 : i32
      %add3A_258 = arith.addi %mul3A_2, %mul3A_257 : i32
      %dma_wait3A_259 = arith.constant 1 : i32
      %dma_wait3A_260 = arith.constant 0 : i32
      %dma_wait3A_261 = arith.constant 0 : i32
      %dma_wait3A_262 = tpu.memref_slice %arg8[%dma_wait3A_259, %dma_wait3A_260, %dma_wait3A_261] : memref<2x8x128xi32, #tpu.memory_space<vmem>> -> memref<1x8x128xi32, #tpu.memory_space<vmem>>
      %dma_wait3A_263 = tpu.memref_squeeze %dma_wait3A_262 : memref<1x8x128xi32, #tpu.memory_space<vmem>> -> memref<8x128xi32, #tpu.memory_space<vmem>>
      %dma_wait3A_264 = arith.constant 0 : i32
      %dma_wait3A_265 = tpu.memref_slice %arg3[%add3A_258, %dma_wait3A_264] : memref<2560x128xi32, #tpu.memory_space<hbm>> -> memref<8x128xi32, #tpu.memory_space<hbm>>
      %dma_wait3A_266 = arith.constant 0 : i32
      %dma_wait3A_267 = arith.constant 0 : i32
      %dma_wait3A_268 = tpu.memref_slice %arg8[%dma_wait3A_259, %dma_wait3A_266, %dma_wait3A_267] : memref<2x8x128xi32, #tpu.memory_space<vmem>> -> memref<1x8x128xi32, #tpu.memory_space<vmem>>
      %dma_wait3A_269 = tpu.memref_squeeze %dma_wait3A_268 : memref<1x8x128xi32, #tpu.memory_space<vmem>> -> memref<8x128xi32, #tpu.memory_space<vmem>>
      %dma_wait3A_270 = arith.constant 0 : i32
      %dma_wait3A_271 = tpu.memref_slice %arg3[%add3A_258, %dma_wait3A_270] : memref<2560x128xi32, #tpu.memory_space<hbm>> -> memref<8x128xi32, #tpu.memory_space<hbm>>
      tpu.wait_dma2 semaphore(%arg14 : memref<!tpu.dma_semaphore, #tpu.memory_space<semaphore_mem>>) src(%dma_wait3A_271 : memref<8x128xi32, #tpu.memory_space<hbm>>) dst(%dma_wait3A_269 : memref<8x128xi32, #tpu.memory_space<vmem>>)
      %dma_wait3A_272 = arith.constant 1 : i32
      %dma_wait3A_273 = arith.constant 0 : i32
      %dma_wait3A_274 = arith.constant 0 : i32
      %dma_wait3A_275 = tpu.memref_slice %arg9[%dma_wait3A_272, %dma_wait3A_273, %dma_wait3A_274] : memref<2x8x128xi32, #tpu.memory_space<vmem>> -> memref<1x8x128xi32, #tpu.memory_space<vmem>>
      %dma_wait3A_276 = tpu.memref_squeeze %dma_wait3A_275 : memref<1x8x128xi32, #tpu.memory_space<vmem>> -> memref<8x128xi32, #tpu.memory_space<vmem>>
      %dma_wait3A_277 = arith.constant 0 : i32
      %dma_wait3A_278 = tpu.memref_slice %arg4[%add3A_258, %dma_wait3A_277] : memref<2560x128xi32, #tpu.memory_space<hbm>> -> memref<8x128xi32, #tpu.memory_space<hbm>>
      %dma_wait3A_279 = arith.constant 0 : i32
      %dma_wait3A_280 = arith.constant 0 : i32
      %dma_wait3A_281 = tpu.memref_slice %arg9[%dma_wait3A_272, %dma_wait3A_279, %dma_wait3A_280] : memref<2x8x128xi32, #tpu.memory_space<vmem>> -> memref<1x8x128xi32, #tpu.memory_space<vmem>>
      %dma_wait3A_282 = tpu.memref_squeeze %dma_wait3A_281 : memref<1x8x128xi32, #tpu.memory_space<vmem>> -> memref<8x128xi32, #tpu.memory_space<vmem>>
      %dma_wait3A_283 = arith.constant 0 : i32
      %dma_wait3A_284 = tpu.memref_slice %arg4[%add3A_258, %dma_wait3A_283] : memref<2560x128xi32, #tpu.memory_space<hbm>> -> memref<8x128xi32, #tpu.memory_space<hbm>>
      tpu.wait_dma2 semaphore(%arg14 : memref<!tpu.dma_semaphore, #tpu.memory_space<semaphore_mem>>) src(%dma_wait3A_284 : memref<8x128xi32, #tpu.memory_space<hbm>>) dst(%dma_wait3A_282 : memref<8x128xi32, #tpu.memory_space<vmem>>)
      %add3A_285 = arith.constant 1 : i32
      %add3A_286 = arith.addi %add3A_255, %add3A_285 : i32
      %lt3A_287 = arith.constant 10 : i32
      %lt3A_288 = arith.cmpi slt, %add3A_286, %lt3A_287 : i32
      %convert_element_type3A_289 = arith.extui %lt3A_288 : i1 to i32
      %cond3A_290 = arith.constant 0 : i32
      %cond3A_291 = arith.cmpi ne, %convert_element_type3A_289, %cond3A_290 : i32
      scf.if %cond3A_291 {
        %add3A_437 = arith.constant 1 : i32
        %add3A_438 = arith.addi %add3A_255, %add3A_437 : i32
        %mul3A_439 = arith.constant 8 : i32
        %mul3A_440 = arith.muli %add3A_438, %mul3A_439 : i32
        %add3A_441 = arith.addi %mul3A_2, %mul3A_440 : i32
        %dma_start3A_442 = arith.constant 0 : i32
        %dma_start3A_443 = arith.constant 0 : i32
        %dma_start3A_444 = arith.constant 0 : i32
        %dma_start3A_445 = tpu.memref_slice %arg8[%dma_start3A_442, %dma_start3A_443, %dma_start3A_444] : memref<2x8x128xi32, #tpu.memory_space<vmem>> -> memref<1x8x128xi32, #tpu.memory_space<vmem>>
        %dma_start3A_446 = tpu.memref_squeeze %dma_start3A_445 : memref<1x8x128xi32, #tpu.memory_space<vmem>> -> memref<8x128xi32, #tpu.memory_space<vmem>>
        %dma_start3A_447 = arith.constant 0 : i32
        %dma_start3A_448 = tpu.memref_slice %arg3[%add3A_441, %dma_start3A_447] : memref<2560x128xi32, #tpu.memory_space<hbm>> -> memref<8x128xi32, #tpu.memory_space<hbm>>
        %dma_start3A_449 = arith.constant 0 : i32
        %dma_start3A_450 = arith.constant 0 : i32
        %dma_start3A_451 = tpu.memref_slice %arg8[%dma_start3A_442, %dma_start3A_449, %dma_start3A_450] : memref<2x8x128xi32, #tpu.memory_space<vmem>> -> memref<1x8x128xi32, #tpu.memory_space<vmem>>
        %dma_start3A_452 = tpu.memref_squeeze %dma_start3A_451 : memref<1x8x128xi32, #tpu.memory_space<vmem>> -> memref<8x128xi32, #tpu.memory_space<vmem>>
        %dma_start3A_453 = arith.constant 0 : i32
        %dma_start3A_454 = tpu.memref_slice %arg3[%add3A_441, %dma_start3A_453] : memref<2560x128xi32, #tpu.memory_space<hbm>> -> memref<8x128xi32, #tpu.memory_space<hbm>>
        tpu.enqueue_dma source(%dma_start3A_454 : memref<8x128xi32, #tpu.memory_space<hbm>>) target(%dma_start3A_452 : memref<8x128xi32, #tpu.memory_space<vmem>>) target_semaphore(%arg14 : memref<!tpu.dma_semaphore, #tpu.memory_space<semaphore_mem>>)
        %dma_start3A_455 = arith.constant 0 : i32
        %dma_start3A_456 = arith.constant 0 : i32
        %dma_start3A_457 = arith.constant 0 : i32
        %dma_start3A_458 = tpu.memref_slice %arg9[%dma_start3A_455, %dma_start3A_456, %dma_start3A_457] : memref<2x8x128xi32, #tpu.memory_space<vmem>> -> memref<1x8x128xi32, #tpu.memory_space<vmem>>
        %dma_start3A_459 = tpu.memref_squeeze %dma_start3A_458 : memref<1x8x128xi32, #tpu.memory_space<vmem>> -> memref<8x128xi32, #tpu.memory_space<vmem>>
        %dma_start3A_460 = arith.constant 0 : i32
        %dma_start3A_461 = tpu.memref_slice %arg4[%add3A_441, %dma_start3A_460] : memref<2560x128xi32, #tpu.memory_space<hbm>> -> memref<8x128xi32, #tpu.memory_space<hbm>>
        %dma_start3A_462 = arith.constant 0 : i32
        %dma_start3A_463 = arith.constant 0 : i32
        %dma_start3A_464 = tpu.memref_slice %arg9[%dma_start3A_455, %dma_start3A_462, %dma_start3A_463] : memref<2x8x128xi32, #tpu.memory_space<vmem>> -> memref<1x8x128xi32, #tpu.memory_space<vmem>>
        %dma_start3A_465 = tpu.memref_squeeze %dma_start3A_464 : memref<1x8x128xi32, #tpu.memory_space<vmem>> -> memref<8x128xi32, #tpu.memory_space<vmem>>
        %dma_start3A_466 = arith.constant 0 : i32
        %dma_start3A_467 = tpu.memref_slice %arg4[%add3A_441, %dma_start3A_466] : memref<2560x128xi32, #tpu.memory_space<hbm>> -> memref<8x128xi32, #tpu.memory_space<hbm>>
        tpu.enqueue_dma source(%dma_start3A_467 : memref<8x128xi32, #tpu.memory_space<hbm>>) target(%dma_start3A_465 : memref<8x128xi32, #tpu.memory_space<vmem>>) target_semaphore(%arg14 : memref<!tpu.dma_semaphore, #tpu.memory_space<semaphore_mem>>)
      } else {
      }
      %dma_start3A_292 = arith.constant 1 : i32
      %dma_start3A_293 = arith.constant 0 : i32
      %dma_start3A_294 = arith.constant 0 : i32
      %dma_start3A_295 = tpu.memref_slice %arg8[%dma_start3A_292, %dma_start3A_293, %dma_start3A_294] : memref<2x8x128xi32, #tpu.memory_space<vmem>> -> memref<1x1x128xi32, #tpu.memory_space<vmem>>
      %dma_start3A_296 = tpu.memref_squeeze %dma_start3A_295 : memref<1x1x128xi32, #tpu.memory_space<vmem>> -> memref<128xi32, #tpu.memory_space<vmem>>
      %dma_start3A_297 = arith.constant 0 : i32
      %dma_start3A_298 = arith.constant 0 : i32
      %dma_start3A_299 = tpu.memref_slice %arg2[%dma_start3A_297, %dma_start3A_298] : memref<10240x128xf32, #tpu.memory_space<hbm>> -> memref<10240x128xf32, #tpu.memory_space<hbm>>
      tpu.enqueue_indirect_dma source(%dma_start3A_299 : memref<10240x128xf32, #tpu.memory_space<hbm>>) target(%arg10 : memref<128x128xf32, #tpu.memory_space<vmem>>) offsets(%dma_start3A_296 : memref<128xi32, #tpu.memory_space<vmem>>) semaphore(%arg12 : memref<!tpu.dma_semaphore, #tpu.memory_space<semaphore_mem>>)
      %dma_start3A_300 = arith.constant 1 : i32
      %dma_start3A_301 = arith.constant 1 : i32
      %dma_start3A_302 = arith.constant 0 : i32
      %dma_start3A_303 = tpu.memref_slice %arg8[%dma_start3A_300, %dma_start3A_301, %dma_start3A_302] : memref<2x8x128xi32, #tpu.memory_space<vmem>> -> memref<1x1x128xi32, #tpu.memory_space<vmem>>
      %dma_start3A_304 = tpu.memref_squeeze %dma_start3A_303 : memref<1x1x128xi32, #tpu.memory_space<vmem>> -> memref<128xi32, #tpu.memory_space<vmem>>
      %dma_start3A_305 = arith.constant 0 : i32
      %dma_start3A_306 = arith.constant 0 : i32
      %dma_start3A_307 = tpu.memref_slice %arg2[%dma_start3A_305, %dma_start3A_306] : memref<10240x128xf32, #tpu.memory_space<hbm>> -> memref<10240x128xf32, #tpu.memory_space<hbm>>
      tpu.enqueue_indirect_dma source(%dma_start3A_307 : memref<10240x128xf32, #tpu.memory_space<hbm>>) target(%arg11 : memref<128x128xf32, #tpu.memory_space<vmem>>) offsets(%dma_start3A_304 : memref<128xi32, #tpu.memory_space<vmem>>) semaphore(%arg13 : memref<!tpu.dma_semaphore, #tpu.memory_space<semaphore_mem>>)
      %dma_wait3A_308 = arith.constant 1 : i32
      %dma_wait3A_309 = arith.constant 0 : i32
      %dma_wait3A_310 = arith.constant 0 : i32
      %dma_wait3A_311 = tpu.memref_slice %arg8[%dma_wait3A_308, %dma_wait3A_309, %dma_wait3A_310] : memref<2x8x128xi32, #tpu.memory_space<vmem>> -> memref<1x1x128xi32, #tpu.memory_space<vmem>>
      %dma_wait3A_312 = tpu.memref_squeeze %dma_wait3A_311 : memref<1x1x128xi32, #tpu.memory_space<vmem>> -> memref<128xi32, #tpu.memory_space<vmem>>
      %dma_wait3A_313 = arith.constant 0 : i32
      %dma_wait3A_314 = arith.constant 0 : i32
      %dma_wait3A_315 = tpu.memref_slice %arg2[%dma_wait3A_313, %dma_wait3A_314] : memref<10240x128xf32, #tpu.memory_space<hbm>> -> memref<10240x128xf32, #tpu.memory_space<hbm>>
      tpu.wait_indirect_dma semaphore(%arg12 : memref<!tpu.dma_semaphore, #tpu.memory_space<semaphore_mem>>) src(%dma_wait3A_315 : memref<10240x128xf32, #tpu.memory_space<hbm>>) dst(%arg10 : memref<128x128xf32, #tpu.memory_space<vmem>>)
      %run_scoped3A_316 = arith.constant 1 : i32
      %run_scoped3A_317 = arith.constant 0 : i32
      "tpu.region"() ({
        %run_scoped3A_437 = tpu.sem_alloc : memref<!tpu.dma_semaphore, #tpu.memory_space<semaphore_mem>>
        %dma_start3A_438 = arith.constant 0 : i32
        %dma_start3A_439 = tpu.memref_slice %arg9[%run_scoped3A_316, %run_scoped3A_317, %dma_start3A_438] : memref<2x8x128xi32, #tpu.memory_space<vmem>> -> memref<1x1x128xi32, #tpu.memory_space<vmem>>
        %dma_start3A_440 = tpu.memref_squeeze %dma_start3A_439 : memref<1x1x128xi32, #tpu.memory_space<vmem>> -> memref<128xi32, #tpu.memory_space<vmem>>
        %dma_start3A_441 = arith.constant 0 : i32
        %dma_start3A_442 = arith.constant 0 : i32
        %dma_start3A_443 = tpu.memref_slice %arg7[%dma_start3A_441, %dma_start3A_442] : memref<10240x128xf32, #tpu.memory_space<vmem_shared>> -> memref<10240x128xf32, #tpu.memory_space<vmem_shared>>
        tpu.enqueue_indirect_dma source(%arg10 : memref<128x128xf32, #tpu.memory_space<vmem>>) target(%dma_start3A_443 : memref<10240x128xf32, #tpu.memory_space<vmem_shared>>) offsets(%dma_start3A_440 : memref<128xi32, #tpu.memory_space<vmem>>) semaphore(%run_scoped3A_437 : memref<!tpu.dma_semaphore, #tpu.memory_space<semaphore_mem>>) {add = true}
        %dma_wait3A_444 = arith.constant 0 : i32
        %dma_wait3A_445 = tpu.memref_slice %arg9[%run_scoped3A_316, %run_scoped3A_317, %dma_wait3A_444] : memref<2x8x128xi32, #tpu.memory_space<vmem>> -> memref<1x1x128xi32, #tpu.memory_space<vmem>>
        %dma_wait3A_446 = tpu.memref_squeeze %dma_wait3A_445 : memref<1x1x128xi32, #tpu.memory_space<vmem>> -> memref<128xi32, #tpu.memory_space<vmem>>
        %dma_wait3A_447 = arith.constant 0 : i32
        %dma_wait3A_448 = arith.constant 0 : i32
        %dma_wait3A_449 = tpu.memref_slice %arg7[%dma_wait3A_447, %dma_wait3A_448] : memref<10240x128xf32, #tpu.memory_space<vmem_shared>> -> memref<10240x128xf32, #tpu.memory_space<vmem_shared>>
        tpu.wait_indirect_dma semaphore(%run_scoped3A_437 : memref<!tpu.dma_semaphore, #tpu.memory_space<semaphore_mem>>) src(%arg10 : memref<128x128xf32, #tpu.memory_space<vmem>>) dst(%dma_wait3A_449 : memref<10240x128xf32, #tpu.memory_space<vmem_shared>>)
        tpu.yield
      }) : () -> ()
      %dma_start3A_318 = arith.constant 1 : i32
      %dma_start3A_319 = arith.constant 2 : i32
      %dma_start3A_320 = arith.constant 0 : i32
      %dma_start3A_321 = tpu.memref_slice %arg8[%dma_start3A_318, %dma_start3A_319, %dma_start3A_320] : memref<2x8x128xi32, #tpu.memory_space<vmem>> -> memref<1x1x128xi32, #tpu.memory_space<vmem>>
      %dma_start3A_322 = tpu.memref_squeeze %dma_start3A_321 : memref<1x1x128xi32, #tpu.memory_space<vmem>> -> memref<128xi32, #tpu.memory_space<vmem>>
      %dma_start3A_323 = arith.constant 0 : i32
      %dma_start3A_324 = arith.constant 0 : i32
      %dma_start3A_325 = tpu.memref_slice %arg2[%dma_start3A_323, %dma_start3A_324] : memref<10240x128xf32, #tpu.memory_space<hbm>> -> memref<10240x128xf32, #tpu.memory_space<hbm>>
      tpu.enqueue_indirect_dma source(%dma_start3A_325 : memref<10240x128xf32, #tpu.memory_space<hbm>>) target(%arg10 : memref<128x128xf32, #tpu.memory_space<vmem>>) offsets(%dma_start3A_322 : memref<128xi32, #tpu.memory_space<vmem>>) semaphore(%arg12 : memref<!tpu.dma_semaphore, #tpu.memory_space<semaphore_mem>>)
      %dma_wait3A_326 = arith.constant 1 : i32
      %dma_wait3A_327 = arith.constant 1 : i32
      %dma_wait3A_328 = arith.constant 0 : i32
      %dma_wait3A_329 = tpu.memref_slice %arg8[%dma_wait3A_326, %dma_wait3A_327, %dma_wait3A_328] : memref<2x8x128xi32, #tpu.memory_space<vmem>> -> memref<1x1x128xi32, #tpu.memory_space<vmem>>
      %dma_wait3A_330 = tpu.memref_squeeze %dma_wait3A_329 : memref<1x1x128xi32, #tpu.memory_space<vmem>> -> memref<128xi32, #tpu.memory_space<vmem>>
      %dma_wait3A_331 = arith.constant 0 : i32
      %dma_wait3A_332 = arith.constant 0 : i32
      %dma_wait3A_333 = tpu.memref_slice %arg2[%dma_wait3A_331, %dma_wait3A_332] : memref<10240x128xf32, #tpu.memory_space<hbm>> -> memref<10240x128xf32, #tpu.memory_space<hbm>>
      tpu.wait_indirect_dma semaphore(%arg13 : memref<!tpu.dma_semaphore, #tpu.memory_space<semaphore_mem>>) src(%dma_wait3A_333 : memref<10240x128xf32, #tpu.memory_space<hbm>>) dst(%arg11 : memref<128x128xf32, #tpu.memory_space<vmem>>)
      %run_scoped3A_334 = arith.constant 1 : i32
      %run_scoped3A_335 = arith.constant 1 : i32
      "tpu.region"() ({
        %run_scoped3A_437 = tpu.sem_alloc : memref<!tpu.dma_semaphore, #tpu.memory_space<semaphore_mem>>
        %dma_start3A_438 = arith.constant 0 : i32
        %dma_start3A_439 = tpu.memref_slice %arg9[%run_scoped3A_334, %run_scoped3A_335, %dma_start3A_438] : memref<2x8x128xi32, #tpu.memory_space<vmem>> -> memref<1x1x128xi32, #tpu.memory_space<vmem>>
        %dma_start3A_440 = tpu.memref_squeeze %dma_start3A_439 : memref<1x1x128xi32, #tpu.memory_space<vmem>> -> memref<128xi32, #tpu.memory_space<vmem>>
        %dma_start3A_441 = arith.constant 0 : i32
        %dma_start3A_442 = arith.constant 0 : i32
        %dma_start3A_443 = tpu.memref_slice %arg7[%dma_start3A_441, %dma_start3A_442] : memref<10240x128xf32, #tpu.memory_space<vmem_shared>> -> memref<10240x128xf32, #tpu.memory_space<vmem_shared>>
        tpu.enqueue_indirect_dma source(%arg11 : memref<128x128xf32, #tpu.memory_space<vmem>>) target(%dma_start3A_443 : memref<10240x128xf32, #tpu.memory_space<vmem_shared>>) offsets(%dma_start3A_440 : memref<128xi32, #tpu.memory_space<vmem>>) semaphore(%run_scoped3A_437 : memref<!tpu.dma_semaphore, #tpu.memory_space<semaphore_mem>>) {add = true}
        %dma_wait3A_444 = arith.constant 0 : i32
        %dma_wait3A_445 = tpu.memref_slice %arg9[%run_scoped3A_334, %run_scoped3A_335, %dma_wait3A_444] : memref<2x8x128xi32, #tpu.memory_space<vmem>> -> memref<1x1x128xi32, #tpu.memory_space<vmem>>
        %dma_wait3A_446 = tpu.memref_squeeze %dma_wait3A_445 : memref<1x1x128xi32, #tpu.memory_space<vmem>> -> memref<128xi32, #tpu.memory_space<vmem>>
        %dma_wait3A_447 = arith.constant 0 : i32
        %dma_wait3A_448 = arith.constant 0 : i32
        %dma_wait3A_449 = tpu.memref_slice %arg7[%dma_wait3A_447, %dma_wait3A_448] : memref<10240x128xf32, #tpu.memory_space<vmem_shared>> -> memref<10240x128xf32, #tpu.memory_space<vmem_shared>>
        tpu.wait_indirect_dma semaphore(%run_scoped3A_437 : memref<!tpu.dma_semaphore, #tpu.memory_space<semaphore_mem>>) src(%arg11 : memref<128x128xf32, #tpu.memory_space<vmem>>) dst(%dma_wait3A_449 : memref<10240x128xf32, #tpu.memory_space<vmem_shared>>)
        tpu.yield
      }) : () -> ()
      %dma_start3A_336 = arith.constant 1 : i32
      %dma_start3A_337 = arith.constant 3 : i32
      %dma_start3A_338 = arith.constant 0 : i32
      %dma_start3A_339 = tpu.memref_slice %arg8[%dma_start3A_336, %dma_start3A_337, %dma_start3A_338] : memref<2x8x128xi32, #tpu.memory_space<vmem>> -> memref<1x1x128xi32, #tpu.memory_space<vmem>>
      %dma_start3A_340 = tpu.memref_squeeze %dma_start3A_339 : memref<1x1x128xi32, #tpu.memory_space<vmem>> -> memref<128xi32, #tpu.memory_space<vmem>>
      %dma_start3A_341 = arith.constant 0 : i32
      %dma_start3A_342 = arith.constant 0 : i32
      %dma_start3A_343 = tpu.memref_slice %arg2[%dma_start3A_341, %dma_start3A_342] : memref<10240x128xf32, #tpu.memory_space<hbm>> -> memref<10240x128xf32, #tpu.memory_space<hbm>>
      tpu.enqueue_indirect_dma source(%dma_start3A_343 : memref<10240x128xf32, #tpu.memory_space<hbm>>) target(%arg11 : memref<128x128xf32, #tpu.memory_space<vmem>>) offsets(%dma_start3A_340 : memref<128xi32, #tpu.memory_space<vmem>>) semaphore(%arg13 : memref<!tpu.dma_semaphore, #tpu.memory_space<semaphore_mem>>)
      %dma_wait3A_344 = arith.constant 1 : i32
      %dma_wait3A_345 = arith.constant 2 : i32
      %dma_wait3A_346 = arith.constant 0 : i32
      %dma_wait3A_347 = tpu.memref_slice %arg8[%dma_wait3A_344, %dma_wait3A_345, %dma_wait3A_346] : memref<2x8x128xi32, #tpu.memory_space<vmem>> -> memref<1x1x128xi32, #tpu.memory_space<vmem>>
      %dma_wait3A_348 = tpu.memref_squeeze %dma_wait3A_347 : memref<1x1x128xi32, #tpu.memory_space<vmem>> -> memref<128xi32, #tpu.memory_space<vmem>>
      %dma_wait3A_349 = arith.constant 0 : i32
      %dma_wait3A_350 = arith.constant 0 : i32
      %dma_wait3A_351 = tpu.memref_slice %arg2[%dma_wait3A_349, %dma_wait3A_350] : memref<10240x128xf32, #tpu.memory_space<hbm>> -> memref<10240x128xf32, #tpu.memory_space<hbm>>
      tpu.wait_indirect_dma semaphore(%arg12 : memref<!tpu.dma_semaphore, #tpu.memory_space<semaphore_mem>>) src(%dma_wait3A_351 : memref<10240x128xf32, #tpu.memory_space<hbm>>) dst(%arg10 : memref<128x128xf32, #tpu.memory_space<vmem>>)
      %run_scoped3A_352 = arith.constant 1 : i32
      %run_scoped3A_353 = arith.constant 2 : i32
      "tpu.region"() ({
        %run_scoped3A_437 = tpu.sem_alloc : memref<!tpu.dma_semaphore, #tpu.memory_space<semaphore_mem>>
        %dma_start3A_438 = arith.constant 0 : i32
        %dma_start3A_439 = tpu.memref_slice %arg9[%run_scoped3A_352, %run_scoped3A_353, %dma_start3A_438] : memref<2x8x128xi32, #tpu.memory_space<vmem>> -> memref<1x1x128xi32, #tpu.memory_space<vmem>>
        %dma_start3A_440 = tpu.memref_squeeze %dma_start3A_439 : memref<1x1x128xi32, #tpu.memory_space<vmem>> -> memref<128xi32, #tpu.memory_space<vmem>>
        %dma_start3A_441 = arith.constant 0 : i32
        %dma_start3A_442 = arith.constant 0 : i32
        %dma_start3A_443 = tpu.memref_slice %arg7[%dma_start3A_441, %dma_start3A_442] : memref<10240x128xf32, #tpu.memory_space<vmem_shared>> -> memref<10240x128xf32, #tpu.memory_space<vmem_shared>>
        tpu.enqueue_indirect_dma source(%arg10 : memref<128x128xf32, #tpu.memory_space<vmem>>) target(%dma_start3A_443 : memref<10240x128xf32, #tpu.memory_space<vmem_shared>>) offsets(%dma_start3A_440 : memref<128xi32, #tpu.memory_space<vmem>>) semaphore(%run_scoped3A_437 : memref<!tpu.dma_semaphore, #tpu.memory_space<semaphore_mem>>) {add = true}
        %dma_wait3A_444 = arith.constant 0 : i32
        %dma_wait3A_445 = tpu.memref_slice %arg9[%run_scoped3A_352, %run_scoped3A_353, %dma_wait3A_444] : memref<2x8x128xi32, #tpu.memory_space<vmem>> -> memref<1x1x128xi32, #tpu.memory_space<vmem>>
        %dma_wait3A_446 = tpu.memref_squeeze %dma_wait3A_445 : memref<1x1x128xi32, #tpu.memory_space<vmem>> -> memref<128xi32, #tpu.memory_space<vmem>>
        %dma_wait3A_447 = arith.constant 0 : i32
        %dma_wait3A_448 = arith.constant 0 : i32
        %dma_wait3A_449 = tpu.memref_slice %arg7[%dma_wait3A_447, %dma_wait3A_448] : memref<10240x128xf32, #tpu.memory_space<vmem_shared>> -> memref<10240x128xf32, #tpu.memory_space<vmem_shared>>
        tpu.wait_indirect_dma semaphore(%run_scoped3A_437 : memref<!tpu.dma_semaphore, #tpu.memory_space<semaphore_mem>>) src(%arg10 : memref<128x128xf32, #tpu.memory_space<vmem>>) dst(%dma_wait3A_449 : memref<10240x128xf32, #tpu.memory_space<vmem_shared>>)
        tpu.yield
      }) : () -> ()
      %dma_start3A_354 = arith.constant 1 : i32
      %dma_start3A_355 = arith.constant 4 : i32
      %dma_start3A_356 = arith.constant 0 : i32
      %dma_start3A_357 = tpu.memref_slice %arg8[%dma_start3A_354, %dma_start3A_355, %dma_start3A_356] : memref<2x8x128xi32, #tpu.memory_space<vmem>> -> memref<1x1x128xi32, #tpu.memory_space<vmem>>
      %dma_start3A_358 = tpu.memref_squeeze %dma_start3A_357 : memref<1x1x128xi32, #tpu.memory_space<vmem>> -> memref<128xi32, #tpu.memory_space<vmem>>
      %dma_start3A_359 = arith.constant 0 : i32
      %dma_start3A_360 = arith.constant 0 : i32
      %dma_start3A_361 = tpu.memref_slice %arg2[%dma_start3A_359, %dma_start3A_360] : memref<10240x128xf32, #tpu.memory_space<hbm>> -> memref<10240x128xf32, #tpu.memory_space<hbm>>
      tpu.enqueue_indirect_dma source(%dma_start3A_361 : memref<10240x128xf32, #tpu.memory_space<hbm>>) target(%arg10 : memref<128x128xf32, #tpu.memory_space<vmem>>) offsets(%dma_start3A_358 : memref<128xi32, #tpu.memory_space<vmem>>) semaphore(%arg12 : memref<!tpu.dma_semaphore, #tpu.memory_space<semaphore_mem>>)
      %dma_wait3A_362 = arith.constant 1 : i32
      %dma_wait3A_363 = arith.constant 3 : i32
      %dma_wait3A_364 = arith.constant 0 : i32
      %dma_wait3A_365 = tpu.memref_slice %arg8[%dma_wait3A_362, %dma_wait3A_363, %dma_wait3A_364] : memref<2x8x128xi32, #tpu.memory_space<vmem>> -> memref<1x1x128xi32, #tpu.memory_space<vmem>>
      %dma_wait3A_366 = tpu.memref_squeeze %dma_wait3A_365 : memref<1x1x128xi32, #tpu.memory_space<vmem>> -> memref<128xi32, #tpu.memory_space<vmem>>
      %dma_wait3A_367 = arith.constant 0 : i32
      %dma_wait3A_368 = arith.constant 0 : i32
      %dma_wait3A_369 = tpu.memref_slice %arg2[%dma_wait3A_367, %dma_wait3A_368] : memref<10240x128xf32, #tpu.memory_space<hbm>> -> memref<10240x128xf32, #tpu.memory_space<hbm>>
      tpu.wait_indirect_dma semaphore(%arg13 : memref<!tpu.dma_semaphore, #tpu.memory_space<semaphore_mem>>) src(%dma_wait3A_369 : memref<10240x128xf32, #tpu.memory_space<hbm>>) dst(%arg11 : memref<128x128xf32, #tpu.memory_space<vmem>>)
      %run_scoped3A_370 = arith.constant 1 : i32
      %run_scoped3A_371 = arith.constant 3 : i32
      "tpu.region"() ({
        %run_scoped3A_437 = tpu.sem_alloc : memref<!tpu.dma_semaphore, #tpu.memory_space<semaphore_mem>>
        %dma_start3A_438 = arith.constant 0 : i32
        %dma_start3A_439 = tpu.memref_slice %arg9[%run_scoped3A_370, %run_scoped3A_371, %dma_start3A_438] : memref<2x8x128xi32, #tpu.memory_space<vmem>> -> memref<1x1x128xi32, #tpu.memory_space<vmem>>
        %dma_start3A_440 = tpu.memref_squeeze %dma_start3A_439 : memref<1x1x128xi32, #tpu.memory_space<vmem>> -> memref<128xi32, #tpu.memory_space<vmem>>
        %dma_start3A_441 = arith.constant 0 : i32
        %dma_start3A_442 = arith.constant 0 : i32
        %dma_start3A_443 = tpu.memref_slice %arg7[%dma_start3A_441, %dma_start3A_442] : memref<10240x128xf32, #tpu.memory_space<vmem_shared>> -> memref<10240x128xf32, #tpu.memory_space<vmem_shared>>
        tpu.enqueue_indirect_dma source(%arg11 : memref<128x128xf32, #tpu.memory_space<vmem>>) target(%dma_start3A_443 : memref<10240x128xf32, #tpu.memory_space<vmem_shared>>) offsets(%dma_start3A_440 : memref<128xi32, #tpu.memory_space<vmem>>) semaphore(%run_scoped3A_437 : memref<!tpu.dma_semaphore, #tpu.memory_space<semaphore_mem>>) {add = true}
        %dma_wait3A_444 = arith.constant 0 : i32
        %dma_wait3A_445 = tpu.memref_slice %arg9[%run_scoped3A_370, %run_scoped3A_371, %dma_wait3A_444] : memref<2x8x128xi32, #tpu.memory_space<vmem>> -> memref<1x1x128xi32, #tpu.memory_space<vmem>>
        %dma_wait3A_446 = tpu.memref_squeeze %dma_wait3A_445 : memref<1x1x128xi32, #tpu.memory_space<vmem>> -> memref<128xi32, #tpu.memory_space<vmem>>
        %dma_wait3A_447 = arith.constant 0 : i32
        %dma_wait3A_448 = arith.constant 0 : i32
        %dma_wait3A_449 = tpu.memref_slice %arg7[%dma_wait3A_447, %dma_wait3A_448] : memref<10240x128xf32, #tpu.memory_space<vmem_shared>> -> memref<10240x128xf32, #tpu.memory_space<vmem_shared>>
        tpu.wait_indirect_dma semaphore(%run_scoped3A_437 : memref<!tpu.dma_semaphore, #tpu.memory_space<semaphore_mem>>) src(%arg11 : memref<128x128xf32, #tpu.memory_space<vmem>>) dst(%dma_wait3A_449 : memref<10240x128xf32, #tpu.memory_space<vmem_shared>>)
        tpu.yield
      }) : () -> ()
      %dma_start3A_372 = arith.constant 1 : i32
      %dma_start3A_373 = arith.constant 5 : i32
      %dma_start3A_374 = arith.constant 0 : i32
      %dma_start3A_375 = tpu.memref_slice %arg8[%dma_start3A_372, %dma_start3A_373, %dma_start3A_374] : memref<2x8x128xi32, #tpu.memory_space<vmem>> -> memref<1x1x128xi32, #tpu.memory_space<vmem>>
      %dma_start3A_376 = tpu.memref_squeeze %dma_start3A_375 : memref<1x1x128xi32, #tpu.memory_space<vmem>> -> memref<128xi32, #tpu.memory_space<vmem>>
      %dma_start3A_377 = arith.constant 0 : i32
      %dma_start3A_378 = arith.constant 0 : i32
      %dma_start3A_379 = tpu.memref_slice %arg2[%dma_start3A_377, %dma_start3A_378] : memref<10240x128xf32, #tpu.memory_space<hbm>> -> memref<10240x128xf32, #tpu.memory_space<hbm>>
      tpu.enqueue_indirect_dma source(%dma_start3A_379 : memref<10240x128xf32, #tpu.memory_space<hbm>>) target(%arg11 : memref<128x128xf32, #tpu.memory_space<vmem>>) offsets(%dma_start3A_376 : memref<128xi32, #tpu.memory_space<vmem>>) semaphore(%arg13 : memref<!tpu.dma_semaphore, #tpu.memory_space<semaphore_mem>>)
      %dma_wait3A_380 = arith.constant 1 : i32
      %dma_wait3A_381 = arith.constant 4 : i32
      %dma_wait3A_382 = arith.constant 0 : i32
      %dma_wait3A_383 = tpu.memref_slice %arg8[%dma_wait3A_380, %dma_wait3A_381, %dma_wait3A_382] : memref<2x8x128xi32, #tpu.memory_space<vmem>> -> memref<1x1x128xi32, #tpu.memory_space<vmem>>
      %dma_wait3A_384 = tpu.memref_squeeze %dma_wait3A_383 : memref<1x1x128xi32, #tpu.memory_space<vmem>> -> memref<128xi32, #tpu.memory_space<vmem>>
      %dma_wait3A_385 = arith.constant 0 : i32
      %dma_wait3A_386 = arith.constant 0 : i32
      %dma_wait3A_387 = tpu.memref_slice %arg2[%dma_wait3A_385, %dma_wait3A_386] : memref<10240x128xf32, #tpu.memory_space<hbm>> -> memref<10240x128xf32, #tpu.memory_space<hbm>>
      tpu.wait_indirect_dma semaphore(%arg12 : memref<!tpu.dma_semaphore, #tpu.memory_space<semaphore_mem>>) src(%dma_wait3A_387 : memref<10240x128xf32, #tpu.memory_space<hbm>>) dst(%arg10 : memref<128x128xf32, #tpu.memory_space<vmem>>)
      %run_scoped3A_388 = arith.constant 1 : i32
      %run_scoped3A_389 = arith.constant 4 : i32
      "tpu.region"() ({
        %run_scoped3A_437 = tpu.sem_alloc : memref<!tpu.dma_semaphore, #tpu.memory_space<semaphore_mem>>
        %dma_start3A_438 = arith.constant 0 : i32
        %dma_start3A_439 = tpu.memref_slice %arg9[%run_scoped3A_388, %run_scoped3A_389, %dma_start3A_438] : memref<2x8x128xi32, #tpu.memory_space<vmem>> -> memref<1x1x128xi32, #tpu.memory_space<vmem>>
        %dma_start3A_440 = tpu.memref_squeeze %dma_start3A_439 : memref<1x1x128xi32, #tpu.memory_space<vmem>> -> memref<128xi32, #tpu.memory_space<vmem>>
        %dma_start3A_441 = arith.constant 0 : i32
        %dma_start3A_442 = arith.constant 0 : i32
        %dma_start3A_443 = tpu.memref_slice %arg7[%dma_start3A_441, %dma_start3A_442] : memref<10240x128xf32, #tpu.memory_space<vmem_shared>> -> memref<10240x128xf32, #tpu.memory_space<vmem_shared>>
        tpu.enqueue_indirect_dma source(%arg10 : memref<128x128xf32, #tpu.memory_space<vmem>>) target(%dma_start3A_443 : memref<10240x128xf32, #tpu.memory_space<vmem_shared>>) offsets(%dma_start3A_440 : memref<128xi32, #tpu.memory_space<vmem>>) semaphore(%run_scoped3A_437 : memref<!tpu.dma_semaphore, #tpu.memory_space<semaphore_mem>>) {add = true}
        %dma_wait3A_444 = arith.constant 0 : i32
        %dma_wait3A_445 = tpu.memref_slice %arg9[%run_scoped3A_388, %run_scoped3A_389, %dma_wait3A_444] : memref<2x8x128xi32, #tpu.memory_space<vmem>> -> memref<1x1x128xi32, #tpu.memory_space<vmem>>
        %dma_wait3A_446 = tpu.memref_squeeze %dma_wait3A_445 : memref<1x1x128xi32, #tpu.memory_space<vmem>> -> memref<128xi32, #tpu.memory_space<vmem>>
        %dma_wait3A_447 = arith.constant 0 : i32
        %dma_wait3A_448 = arith.constant 0 : i32
        %dma_wait3A_449 = tpu.memref_slice %arg7[%dma_wait3A_447, %dma_wait3A_448] : memref<10240x128xf32, #tpu.memory_space<vmem_shared>> -> memref<10240x128xf32, #tpu.memory_space<vmem_shared>>
        tpu.wait_indirect_dma semaphore(%run_scoped3A_437 : memref<!tpu.dma_semaphore, #tpu.memory_space<semaphore_mem>>) src(%arg10 : memref<128x128xf32, #tpu.memory_space<vmem>>) dst(%dma_wait3A_449 : memref<10240x128xf32, #tpu.memory_space<vmem_shared>>)
        tpu.yield
      }) : () -> ()
      %dma_start3A_390 = arith.constant 1 : i32
      %dma_start3A_391 = arith.constant 6 : i32
      %dma_start3A_392 = arith.constant 0 : i32
      %dma_start3A_393 = tpu.memref_slice %arg8[%dma_start3A_390, %dma_start3A_391, %dma_start3A_392] : memref<2x8x128xi32, #tpu.memory_space<vmem>> -> memref<1x1x128xi32, #tpu.memory_space<vmem>>
      %dma_start3A_394 = tpu.memref_squeeze %dma_start3A_393 : memref<1x1x128xi32, #tpu.memory_space<vmem>> -> memref<128xi32, #tpu.memory_space<vmem>>
      %dma_start3A_395 = arith.constant 0 : i32
      %dma_start3A_396 = arith.constant 0 : i32
      %dma_start3A_397 = tpu.memref_slice %arg2[%dma_start3A_395, %dma_start3A_396] : memref<10240x128xf32, #tpu.memory_space<hbm>> -> memref<10240x128xf32, #tpu.memory_space<hbm>>
      tpu.enqueue_indirect_dma source(%dma_start3A_397 : memref<10240x128xf32, #tpu.memory_space<hbm>>) target(%arg10 : memref<128x128xf32, #tpu.memory_space<vmem>>) offsets(%dma_start3A_394 : memref<128xi32, #tpu.memory_space<vmem>>) semaphore(%arg12 : memref<!tpu.dma_semaphore, #tpu.memory_space<semaphore_mem>>)
      %dma_wait3A_398 = arith.constant 1 : i32
      %dma_wait3A_399 = arith.constant 5 : i32
      %dma_wait3A_400 = arith.constant 0 : i32
      %dma_wait3A_401 = tpu.memref_slice %arg8[%dma_wait3A_398, %dma_wait3A_399, %dma_wait3A_400] : memref<2x8x128xi32, #tpu.memory_space<vmem>> -> memref<1x1x128xi32, #tpu.memory_space<vmem>>
      %dma_wait3A_402 = tpu.memref_squeeze %dma_wait3A_401 : memref<1x1x128xi32, #tpu.memory_space<vmem>> -> memref<128xi32, #tpu.memory_space<vmem>>
      %dma_wait3A_403 = arith.constant 0 : i32
      %dma_wait3A_404 = arith.constant 0 : i32
      %dma_wait3A_405 = tpu.memref_slice %arg2[%dma_wait3A_403, %dma_wait3A_404] : memref<10240x128xf32, #tpu.memory_space<hbm>> -> memref<10240x128xf32, #tpu.memory_space<hbm>>
      tpu.wait_indirect_dma semaphore(%arg13 : memref<!tpu.dma_semaphore, #tpu.memory_space<semaphore_mem>>) src(%dma_wait3A_405 : memref<10240x128xf32, #tpu.memory_space<hbm>>) dst(%arg11 : memref<128x128xf32, #tpu.memory_space<vmem>>)
      %run_scoped3A_406 = arith.constant 1 : i32
      %run_scoped3A_407 = arith.constant 5 : i32
      "tpu.region"() ({
        %run_scoped3A_437 = tpu.sem_alloc : memref<!tpu.dma_semaphore, #tpu.memory_space<semaphore_mem>>
        %dma_start3A_438 = arith.constant 0 : i32
        %dma_start3A_439 = tpu.memref_slice %arg9[%run_scoped3A_406, %run_scoped3A_407, %dma_start3A_438] : memref<2x8x128xi32, #tpu.memory_space<vmem>> -> memref<1x1x128xi32, #tpu.memory_space<vmem>>
        %dma_start3A_440 = tpu.memref_squeeze %dma_start3A_439 : memref<1x1x128xi32, #tpu.memory_space<vmem>> -> memref<128xi32, #tpu.memory_space<vmem>>
        %dma_start3A_441 = arith.constant 0 : i32
        %dma_start3A_442 = arith.constant 0 : i32
        %dma_start3A_443 = tpu.memref_slice %arg7[%dma_start3A_441, %dma_start3A_442] : memref<10240x128xf32, #tpu.memory_space<vmem_shared>> -> memref<10240x128xf32, #tpu.memory_space<vmem_shared>>
        tpu.enqueue_indirect_dma source(%arg11 : memref<128x128xf32, #tpu.memory_space<vmem>>) target(%dma_start3A_443 : memref<10240x128xf32, #tpu.memory_space<vmem_shared>>) offsets(%dma_start3A_440 : memref<128xi32, #tpu.memory_space<vmem>>) semaphore(%run_scoped3A_437 : memref<!tpu.dma_semaphore, #tpu.memory_space<semaphore_mem>>) {add = true}
        %dma_wait3A_444 = arith.constant 0 : i32
        %dma_wait3A_445 = tpu.memref_slice %arg9[%run_scoped3A_406, %run_scoped3A_407, %dma_wait3A_444] : memref<2x8x128xi32, #tpu.memory_space<vmem>> -> memref<1x1x128xi32, #tpu.memory_space<vmem>>
        %dma_wait3A_446 = tpu.memref_squeeze %dma_wait3A_445 : memref<1x1x128xi32, #tpu.memory_space<vmem>> -> memref<128xi32, #tpu.memory_space<vmem>>
        %dma_wait3A_447 = arith.constant 0 : i32
        %dma_wait3A_448 = arith.constant 0 : i32
        %dma_wait3A_449 = tpu.memref_slice %arg7[%dma_wait3A_447, %dma_wait3A_448] : memref<10240x128xf32, #tpu.memory_space<vmem_shared>> -> memref<10240x128xf32, #tpu.memory_space<vmem_shared>>
        tpu.wait_indirect_dma semaphore(%run_scoped3A_437 : memref<!tpu.dma_semaphore, #tpu.memory_space<semaphore_mem>>) src(%arg11 : memref<128x128xf32, #tpu.memory_space<vmem>>) dst(%dma_wait3A_449 : memref<10240x128xf32, #tpu.memory_space<vmem_shared>>)
        tpu.yield
      }) : () -> ()
      %dma_start3A_408 = arith.constant 1 : i32
      %dma_start3A_409 = arith.constant 7 : i32
      %dma_start3A_410 = arith.constant 0 : i32
      %dma_start3A_411 = tpu.memref_slice %arg8[%dma_start3A_408, %dma_start3A_409, %dma_start3A_410] : memref<2x8x128xi32, #tpu.memory_space<vmem>> -> memref<1x1x128xi32, #tpu.memory_space<vmem>>
      %dma_start3A_412 = tpu.memref_squeeze %dma_start3A_411 : memref<1x1x128xi32, #tpu.memory_space<vmem>> -> memref<128xi32, #tpu.memory_space<vmem>>
      %dma_start3A_413 = arith.constant 0 : i32
      %dma_start3A_414 = arith.constant 0 : i32
      %dma_start3A_415 = tpu.memref_slice %arg2[%dma_start3A_413, %dma_start3A_414] : memref<10240x128xf32, #tpu.memory_space<hbm>> -> memref<10240x128xf32, #tpu.memory_space<hbm>>
      tpu.enqueue_indirect_dma source(%dma_start3A_415 : memref<10240x128xf32, #tpu.memory_space<hbm>>) target(%arg11 : memref<128x128xf32, #tpu.memory_space<vmem>>) offsets(%dma_start3A_412 : memref<128xi32, #tpu.memory_space<vmem>>) semaphore(%arg13 : memref<!tpu.dma_semaphore, #tpu.memory_space<semaphore_mem>>)
      %dma_wait3A_416 = arith.constant 1 : i32
      %dma_wait3A_417 = arith.constant 6 : i32
      %dma_wait3A_418 = arith.constant 0 : i32
      %dma_wait3A_419 = tpu.memref_slice %arg8[%dma_wait3A_416, %dma_wait3A_417, %dma_wait3A_418] : memref<2x8x128xi32, #tpu.memory_space<vmem>> -> memref<1x1x128xi32, #tpu.memory_space<vmem>>
      %dma_wait3A_420 = tpu.memref_squeeze %dma_wait3A_419 : memref<1x1x128xi32, #tpu.memory_space<vmem>> -> memref<128xi32, #tpu.memory_space<vmem>>
      %dma_wait3A_421 = arith.constant 0 : i32
      %dma_wait3A_422 = arith.constant 0 : i32
      %dma_wait3A_423 = tpu.memref_slice %arg2[%dma_wait3A_421, %dma_wait3A_422] : memref<10240x128xf32, #tpu.memory_space<hbm>> -> memref<10240x128xf32, #tpu.memory_space<hbm>>
      tpu.wait_indirect_dma semaphore(%arg12 : memref<!tpu.dma_semaphore, #tpu.memory_space<semaphore_mem>>) src(%dma_wait3A_423 : memref<10240x128xf32, #tpu.memory_space<hbm>>) dst(%arg10 : memref<128x128xf32, #tpu.memory_space<vmem>>)
      %run_scoped3A_424 = arith.constant 1 : i32
      %run_scoped3A_425 = arith.constant 6 : i32
      "tpu.region"() ({
        %run_scoped3A_437 = tpu.sem_alloc : memref<!tpu.dma_semaphore, #tpu.memory_space<semaphore_mem>>
        %dma_start3A_438 = arith.constant 0 : i32
        %dma_start3A_439 = tpu.memref_slice %arg9[%run_scoped3A_424, %run_scoped3A_425, %dma_start3A_438] : memref<2x8x128xi32, #tpu.memory_space<vmem>> -> memref<1x1x128xi32, #tpu.memory_space<vmem>>
        %dma_start3A_440 = tpu.memref_squeeze %dma_start3A_439 : memref<1x1x128xi32, #tpu.memory_space<vmem>> -> memref<128xi32, #tpu.memory_space<vmem>>
        %dma_start3A_441 = arith.constant 0 : i32
        %dma_start3A_442 = arith.constant 0 : i32
        %dma_start3A_443 = tpu.memref_slice %arg7[%dma_start3A_441, %dma_start3A_442] : memref<10240x128xf32, #tpu.memory_space<vmem_shared>> -> memref<10240x128xf32, #tpu.memory_space<vmem_shared>>
        tpu.enqueue_indirect_dma source(%arg10 : memref<128x128xf32, #tpu.memory_space<vmem>>) target(%dma_start3A_443 : memref<10240x128xf32, #tpu.memory_space<vmem_shared>>) offsets(%dma_start3A_440 : memref<128xi32, #tpu.memory_space<vmem>>) semaphore(%run_scoped3A_437 : memref<!tpu.dma_semaphore, #tpu.memory_space<semaphore_mem>>) {add = true}
        %dma_wait3A_444 = arith.constant 0 : i32
        %dma_wait3A_445 = tpu.memref_slice %arg9[%run_scoped3A_424, %run_scoped3A_425, %dma_wait3A_444] : memref<2x8x128xi32, #tpu.memory_space<vmem>> -> memref<1x1x128xi32, #tpu.memory_space<vmem>>
        %dma_wait3A_446 = tpu.memref_squeeze %dma_wait3A_445 : memref<1x1x128xi32, #tpu.memory_space<vmem>> -> memref<128xi32, #tpu.memory_space<vmem>>
        %dma_wait3A_447 = arith.constant 0 : i32
        %dma_wait3A_448 = arith.constant 0 : i32
        %dma_wait3A_449 = tpu.memref_slice %arg7[%dma_wait3A_447, %dma_wait3A_448] : memref<10240x128xf32, #tpu.memory_space<vmem_shared>> -> memref<10240x128xf32, #tpu.memory_space<vmem_shared>>
        tpu.wait_indirect_dma semaphore(%run_scoped3A_437 : memref<!tpu.dma_semaphore, #tpu.memory_space<semaphore_mem>>) src(%arg10 : memref<128x128xf32, #tpu.memory_space<vmem>>) dst(%dma_wait3A_449 : memref<10240x128xf32, #tpu.memory_space<vmem_shared>>)
        tpu.yield
      }) : () -> ()
      %dma_wait3A_426 = arith.constant 1 : i32
      %dma_wait3A_427 = arith.constant 7 : i32
      %dma_wait3A_428 = arith.constant 0 : i32
      %dma_wait3A_429 = tpu.memref_slice %arg8[%dma_wait3A_426, %dma_wait3A_427, %dma_wait3A_428] : memref<2x8x128xi32, #tpu.memory_space<vmem>> -> memref<1x1x128xi32, #tpu.memory_space<vmem>>
      %dma_wait3A_430 = tpu.memref_squeeze %dma_wait3A_429 : memref<1x1x128xi32, #tpu.memory_space<vmem>> -> memref<128xi32, #tpu.memory_space<vmem>>
      %dma_wait3A_431 = arith.constant 0 : i32
      %dma_wait3A_432 = arith.constant 0 : i32
      %dma_wait3A_433 = tpu.memref_slice %arg2[%dma_wait3A_431, %dma_wait3A_432] : memref<10240x128xf32, #tpu.memory_space<hbm>> -> memref<10240x128xf32, #tpu.memory_space<hbm>>
      tpu.wait_indirect_dma semaphore(%arg13 : memref<!tpu.dma_semaphore, #tpu.memory_space<semaphore_mem>>) src(%dma_wait3A_433 : memref<10240x128xf32, #tpu.memory_space<hbm>>) dst(%arg11 : memref<128x128xf32, #tpu.memory_space<vmem>>)
      %run_scoped3A_434 = arith.constant 1 : i32
      %run_scoped3A_435 = arith.constant 7 : i32
      "tpu.region"() ({
        %run_scoped3A_437 = tpu.sem_alloc : memref<!tpu.dma_semaphore, #tpu.memory_space<semaphore_mem>>
        %dma_start3A_438 = arith.constant 0 : i32
        %dma_start3A_439 = tpu.memref_slice %arg9[%run_scoped3A_434, %run_scoped3A_435, %dma_start3A_438] : memref<2x8x128xi32, #tpu.memory_space<vmem>> -> memref<1x1x128xi32, #tpu.memory_space<vmem>>
        %dma_start3A_440 = tpu.memref_squeeze %dma_start3A_439 : memref<1x1x128xi32, #tpu.memory_space<vmem>> -> memref<128xi32, #tpu.memory_space<vmem>>
        %dma_start3A_441 = arith.constant 0 : i32
        %dma_start3A_442 = arith.constant 0 : i32
        %dma_start3A_443 = tpu.memref_slice %arg7[%dma_start3A_441, %dma_start3A_442] : memref<10240x128xf32, #tpu.memory_space<vmem_shared>> -> memref<10240x128xf32, #tpu.memory_space<vmem_shared>>
        tpu.enqueue_indirect_dma source(%arg11 : memref<128x128xf32, #tpu.memory_space<vmem>>) target(%dma_start3A_443 : memref<10240x128xf32, #tpu.memory_space<vmem_shared>>) offsets(%dma_start3A_440 : memref<128xi32, #tpu.memory_space<vmem>>) semaphore(%run_scoped3A_437 : memref<!tpu.dma_semaphore, #tpu.memory_space<semaphore_mem>>) {add = true}
        %dma_wait3A_444 = arith.constant 0 : i32
        %dma_wait3A_445 = tpu.memref_slice %arg9[%run_scoped3A_434, %run_scoped3A_435, %dma_wait3A_444] : memref<2x8x128xi32, #tpu.memory_space<vmem>> -> memref<1x1x128xi32, #tpu.memory_space<vmem>>
        %dma_wait3A_446 = tpu.memref_squeeze %dma_wait3A_445 : memref<1x1x128xi32, #tpu.memory_space<vmem>> -> memref<128xi32, #tpu.memory_space<vmem>>
        %dma_wait3A_447 = arith.constant 0 : i32
        %dma_wait3A_448 = arith.constant 0 : i32
        %dma_wait3A_449 = tpu.memref_slice %arg7[%dma_wait3A_447, %dma_wait3A_448] : memref<10240x128xf32, #tpu.memory_space<vmem_shared>> -> memref<10240x128xf32, #tpu.memory_space<vmem_shared>>
        tpu.wait_indirect_dma semaphore(%run_scoped3A_437 : memref<!tpu.dma_semaphore, #tpu.memory_space<semaphore_mem>>) src(%arg11 : memref<128x128xf32, #tpu.memory_space<vmem>>) dst(%dma_wait3A_449 : memref<10240x128xf32, #tpu.memory_space<vmem_shared>>)
        tpu.yield
      }) : () -> ()
      %scan3A_436 = arith.constant 0 : i32
      scf.yield %scan3A_436 : i32
    }
    %scan3A_60 = arith.constant 5 : i32
    %barrier3A_61 = arith.constant 0 : index
    tpu.barrier barrier_id(%barrier3A_61)
    %eq3A = arith.constant 0 : i32
    %eq3A_62 = arith.cmpi eq, %arg0, %eq3A : i32
    %convert_element_type3A = arith.extui %eq3A_62 : i1 to i32
    %cond3A = arith.constant 0 : i32
    %cond3A_63 = arith.cmpi ne, %convert_element_type3A, %cond3A : i32
    scf.if %cond3A_63 {
      %mul3A_69 = arith.constant 640 : i32
      %mul3A_70 = arith.muli %arg1, %mul3A_69 : i32
      %mul3A_71 = arith.constant 640 : i32
      %mul3A_72 = arith.muli %arg1, %mul3A_71 : i32
      "tpu.region"() ({
        %run_scoped3A = tpu.sem_alloc : memref<!tpu.dma_semaphore, #tpu.memory_space<semaphore_mem>>
        %dma_start3A_73 = arith.constant 0 : i32
        %dma_start3A_74 = tpu.memref_slice %arg5[%mul3A_72, %dma_start3A_73] : memref<10240x128xf32, #tpu.memory_space<hbm>> -> memref<640x128xf32, #tpu.memory_space<hbm>>
        %dma_start3A_75 = arith.constant 0 : i32
        %dma_start3A_76 = tpu.memref_slice %arg7[%mul3A_70, %dma_start3A_75] : memref<10240x128xf32, #tpu.memory_space<vmem_shared>> -> memref<640x128xf32, #tpu.memory_space<vmem_shared>>
        tpu.enqueue_dma source(%dma_start3A_76 : memref<640x128xf32, #tpu.memory_space<vmem_shared>>) target(%dma_start3A_74 : memref<640x128xf32, #tpu.memory_space<hbm>>) target_semaphore(%run_scoped3A : memref<!tpu.dma_semaphore, #tpu.memory_space<semaphore_mem>>)
        %dma_wait3A = arith.constant 0 : i32
        %dma_wait3A_77 = tpu.memref_slice %arg5[%mul3A_72, %dma_wait3A] : memref<10240x128xf32, #tpu.memory_space<hbm>> -> memref<640x128xf32, #tpu.memory_space<hbm>>
        %dma_wait3A_78 = arith.constant 0 : i32
        %dma_wait3A_79 = tpu.memref_slice %arg7[%mul3A_70, %dma_wait3A_78] : memref<10240x128xf32, #tpu.memory_space<vmem_shared>> -> memref<640x128xf32, #tpu.memory_space<vmem_shared>>
        tpu.wait_dma2 semaphore(%run_scoped3A : memref<!tpu.dma_semaphore, #tpu.memory_space<semaphore_mem>>) src(%dma_wait3A_79 : memref<640x128xf32, #tpu.memory_space<vmem_shared>>) dst(%dma_wait3A_77 : memref<640x128xf32, #tpu.memory_space<hbm>>)
        tpu.yield
      }) : () -> ()
    } else {
    }
    %eq3A_64 = arith.constant 1 : i32
    %eq3A_65 = arith.cmpi eq, %arg0, %eq3A_64 : i32
    %convert_element_type3A_66 = arith.extui %eq3A_65 : i1 to i32
    %cond3A_67 = arith.constant 0 : i32
    %cond3A_68 = arith.cmpi ne, %convert_element_type3A_66, %cond3A_67 : i32
    scf.if %cond3A_68 {
      %mul3A_69 = arith.constant 640 : i32
      %mul3A_70 = arith.muli %arg1, %mul3A_69 : i32
      %mul3A_71 = arith.constant 640 : i32
      %mul3A_72 = arith.muli %arg1, %mul3A_71 : i32
      "tpu.region"() ({
        %run_scoped3A = tpu.sem_alloc : memref<!tpu.dma_semaphore, #tpu.memory_space<semaphore_mem>>
        %dma_start3A_73 = arith.constant 0 : i32
        %dma_start3A_74 = tpu.memref_slice %arg6[%mul3A_72, %dma_start3A_73] : memref<10240x128xf32, #tpu.memory_space<hbm>> -> memref<640x128xf32, #tpu.memory_space<hbm>>
        %dma_start3A_75 = arith.constant 0 : i32
        %dma_start3A_76 = tpu.memref_slice %arg7[%mul3A_70, %dma_start3A_75] : memref<10240x128xf32, #tpu.memory_space<vmem_shared>> -> memref<640x128xf32, #tpu.memory_space<vmem_shared>>
        tpu.enqueue_dma source(%dma_start3A_76 : memref<640x128xf32, #tpu.memory_space<vmem_shared>>) target(%dma_start3A_74 : memref<640x128xf32, #tpu.memory_space<hbm>>) target_semaphore(%run_scoped3A : memref<!tpu.dma_semaphore, #tpu.memory_space<semaphore_mem>>)
        %dma_wait3A = arith.constant 0 : i32
        %dma_wait3A_77 = tpu.memref_slice %arg6[%mul3A_72, %dma_wait3A] : memref<10240x128xf32, #tpu.memory_space<hbm>> -> memref<640x128xf32, #tpu.memory_space<hbm>>
        %dma_wait3A_78 = arith.constant 0 : i32
        %dma_wait3A_79 = tpu.memref_slice %arg7[%mul3A_70, %dma_wait3A_78] : memref<10240x128xf32, #tpu.memory_space<vmem_shared>> -> memref<640x128xf32, #tpu.memory_space<vmem_shared>>
        tpu.wait_dma2 semaphore(%run_scoped3A : memref<!tpu.dma_semaphore, #tpu.memory_space<semaphore_mem>>) src(%dma_wait3A_79 : memref<640x128xf32, #tpu.memory_space<vmem_shared>>) dst(%dma_wait3A_77 : memref<640x128xf32, #tpu.memory_space<hbm>>)
        tpu.yield
      }) : () -> ()
    } else {
    }
    return
  }
}

#map = affine_map<(d0, d1) -> (0, 0)>
#map1 = affine_map<(d0, d1) -> (0)>
module attributes {stable_mosaic.version = 14 : i64} {
  func.func @deg_kernel(%arg0: i32, %arg1: i32, %arg2: memref<2560x128xi32, #tpu.memory_space<hbm>>, %arg3: memref<10240xf32, #tpu.memory_space<hbm>>, %arg4: memref<10240xf32, #tpu.memory_space<hbm>>, %arg5: memref<10240xf32, #tpu.memory_space<vmem_shared>>, %arg6: memref<8x128xi32, #tpu.memory_space<vmem>>, %arg7: memref<128xf32, #tpu.memory_space<vmem>>, %arg8: memref<640xf32, #tpu.memory_space<vmem>>) attributes {dimension_semantics = [#tpu.dimension_semantics<core_parallel>, #tpu.dimension_semantics<subcore_parallel>], iteration_bounds = array<i64: 2, 16>, scalar_prefetch = 0 : i64, scratch_operands = 4 : i64, tpu.core_type = #tpu.core_type<sc_vector_subcore>, window_params = [{transform_indices = #map}, {transform_indices = #map1}, {transform_indices = #map1}]} {
    %mul3A = arith.constant 16 : i32
    %mul3A_0 = arith.muli %arg0, %mul3A : i32
    %add3A = arith.addi %mul3A_0, %arg1 : i32
    %mul3A_1 = arith.constant 80 : i32
    %mul3A_2 = arith.muli %add3A, %mul3A_1 : i32
    %broadcast_in_dim3A = arith.constant 0.000000e+00 : f32
    %broadcast_in_dim3A_3 = vector.broadcast %broadcast_in_dim3A : f32 to vector<16xf32>
    %add3A_4 = arith.constant 1.000000e+00 : f32
    %add3A_5 = vector.broadcast %add3A_4 : f32 to vector<16xf32>
    %add3A_6 = arith.addf %broadcast_in_dim3A_3, %add3A_5 : vector<16xf32>
    %swap3A = arith.constant 0 : index
    %swap3A_7 = tpu.vector_load %arg7[%swap3A] {strides = array<i32>} : memref<128xf32, #tpu.memory_space<vmem>>, vector<16xf32>,
    tpu.vector_store %arg7[%swap3A], %add3A_6 {strides = array<i32>} : memref<128xf32, #tpu.memory_space<vmem>>, vector<16xf32>,
    %broadcast_in_dim3A_8 = arith.constant 0.000000e+00 : f32
    %broadcast_in_dim3A_9 = vector.broadcast %broadcast_in_dim3A_8 : f32 to vector<16xf32>
    %add3A_10 = arith.constant 1.000000e+00 : f32
    %add3A_11 = vector.broadcast %add3A_10 : f32 to vector<16xf32>
    %add3A_12 = arith.addf %broadcast_in_dim3A_9, %add3A_11 : vector<16xf32>
    %swap3A_13 = arith.constant 16 : index
    %swap3A_14 = tpu.vector_load %arg7[%swap3A_13] {strides = array<i32>} : memref<128xf32, #tpu.memory_space<vmem>>, vector<16xf32>,
    tpu.vector_store %arg7[%swap3A_13], %add3A_12 {strides = array<i32>} : memref<128xf32, #tpu.memory_space<vmem>>, vector<16xf32>,
    %broadcast_in_dim3A_15 = arith.constant 0.000000e+00 : f32
    %broadcast_in_dim3A_16 = vector.broadcast %broadcast_in_dim3A_15 : f32 to vector<16xf32>
    %add3A_17 = arith.constant 1.000000e+00 : f32
    %add3A_18 = vector.broadcast %add3A_17 : f32 to vector<16xf32>
    %add3A_19 = arith.addf %broadcast_in_dim3A_16, %add3A_18 : vector<16xf32>
    %swap3A_20 = arith.constant 32 : index
    %swap3A_21 = tpu.vector_load %arg7[%swap3A_20] {strides = array<i32>} : memref<128xf32, #tpu.memory_space<vmem>>, vector<16xf32>,
    tpu.vector_store %arg7[%swap3A_20], %add3A_19 {strides = array<i32>} : memref<128xf32, #tpu.memory_space<vmem>>, vector<16xf32>,
    %broadcast_in_dim3A_22 = arith.constant 0.000000e+00 : f32
    %broadcast_in_dim3A_23 = vector.broadcast %broadcast_in_dim3A_22 : f32 to vector<16xf32>
    %add3A_24 = arith.constant 1.000000e+00 : f32
    %add3A_25 = vector.broadcast %add3A_24 : f32 to vector<16xf32>
    %add3A_26 = arith.addf %broadcast_in_dim3A_23, %add3A_25 : vector<16xf32>
    %swap3A_27 = arith.constant 48 : index
    %swap3A_28 = tpu.vector_load %arg7[%swap3A_27] {strides = array<i32>} : memref<128xf32, #tpu.memory_space<vmem>>, vector<16xf32>,
    tpu.vector_store %arg7[%swap3A_27], %add3A_26 {strides = array<i32>} : memref<128xf32, #tpu.memory_space<vmem>>, vector<16xf32>,
    %broadcast_in_dim3A_29 = arith.constant 0.000000e+00 : f32
    %broadcast_in_dim3A_30 = vector.broadcast %broadcast_in_dim3A_29 : f32 to vector<16xf32>
    %add3A_31 = arith.constant 1.000000e+00 : f32
    %add3A_32 = vector.broadcast %add3A_31 : f32 to vector<16xf32>
    %add3A_33 = arith.addf %broadcast_in_dim3A_30, %add3A_32 : vector<16xf32>
    %swap3A_34 = arith.constant 64 : index
    %swap3A_35 = tpu.vector_load %arg7[%swap3A_34] {strides = array<i32>} : memref<128xf32, #tpu.memory_space<vmem>>, vector<16xf32>,
    tpu.vector_store %arg7[%swap3A_34], %add3A_33 {strides = array<i32>} : memref<128xf32, #tpu.memory_space<vmem>>, vector<16xf32>,
    %broadcast_in_dim3A_36 = arith.constant 0.000000e+00 : f32
    %broadcast_in_dim3A_37 = vector.broadcast %broadcast_in_dim3A_36 : f32 to vector<16xf32>
    %add3A_38 = arith.constant 1.000000e+00 : f32
    %add3A_39 = vector.broadcast %add3A_38 : f32 to vector<16xf32>
    %add3A_40 = arith.addf %broadcast_in_dim3A_37, %add3A_39 : vector<16xf32>
    %swap3A_41 = arith.constant 80 : index
    %swap3A_42 = tpu.vector_load %arg7[%swap3A_41] {strides = array<i32>} : memref<128xf32, #tpu.memory_space<vmem>>, vector<16xf32>,
    tpu.vector_store %arg7[%swap3A_41], %add3A_40 {strides = array<i32>} : memref<128xf32, #tpu.memory_space<vmem>>, vector<16xf32>,
    %broadcast_in_dim3A_43 = arith.constant 0.000000e+00 : f32
    %broadcast_in_dim3A_44 = vector.broadcast %broadcast_in_dim3A_43 : f32 to vector<16xf32>
    %add3A_45 = arith.constant 1.000000e+00 : f32
    %add3A_46 = vector.broadcast %add3A_45 : f32 to vector<16xf32>
    %add3A_47 = arith.addf %broadcast_in_dim3A_44, %add3A_46 : vector<16xf32>
    %swap3A_48 = arith.constant 96 : index
    %swap3A_49 = tpu.vector_load %arg7[%swap3A_48] {strides = array<i32>} : memref<128xf32, #tpu.memory_space<vmem>>, vector<16xf32>,
    tpu.vector_store %arg7[%swap3A_48], %add3A_47 {strides = array<i32>} : memref<128xf32, #tpu.memory_space<vmem>>, vector<16xf32>,
    %broadcast_in_dim3A_50 = arith.constant 0.000000e+00 : f32
    %broadcast_in_dim3A_51 = vector.broadcast %broadcast_in_dim3A_50 : f32 to vector<16xf32>
    %add3A_52 = arith.constant 1.000000e+00 : f32
    %add3A_53 = vector.broadcast %add3A_52 : f32 to vector<16xf32>
    %add3A_54 = arith.addf %broadcast_in_dim3A_51, %add3A_53 : vector<16xf32>
    %swap3A_55 = arith.constant 112 : index
    %swap3A_56 = tpu.vector_load %arg7[%swap3A_55] {strides = array<i32>} : memref<128xf32, #tpu.memory_space<vmem>>, vector<16xf32>,
    tpu.vector_store %arg7[%swap3A_55], %add3A_54 {strides = array<i32>} : memref<128xf32, #tpu.memory_space<vmem>>, vector<16xf32>,
    %scan3A = arith.constant 0 : i32
    %scan3A_57 = arith.constant 0 : i32
    %scan3A_58 = arith.constant 40 : i32
    %scan3A_59 = arith.addi %scan3A_57, %scan3A_58 : i32
    %scan3A_60 = arith.constant 1 : i32
    %scan3A_61 = scf.for %scan3A_80 = %scan3A_57 to %scan3A_59 step %scan3A_60 iter_args(%scan3A_81 = %scan3A) -> (i32)  : i32 {
      %broadcast_in_dim3A_82 = arith.constant 0.000000e+00 : f32
      %broadcast_in_dim3A_83 = vector.broadcast %broadcast_in_dim3A_82 : f32 to vector<16xf32>
      %mul3A_84 = arith.constant 16 : i32
      %mul3A_85 = arith.muli %scan3A_80, %mul3A_84 : i32
      %swap3A_86 = arith.index_cast %mul3A_85 : i32 to index
      %swap3A_87 = tpu.vector_load %arg8[%swap3A_86] {strides = array<i32>} : memref<640xf32, #tpu.memory_space<vmem>>, vector<16xf32>,
      tpu.vector_store %arg8[%swap3A_86], %broadcast_in_dim3A_83 {strides = array<i32>} : memref<640xf32, #tpu.memory_space<vmem>>, vector<16xf32>,
      %scan3A_88 = arith.constant 0 : i32
      scf.yield %scan3A_88 : i32
    }
    %scan3A_62 = arith.constant 40 : i32
    %mul3A_63 = arith.constant 640 : i32
    %mul3A_64 = arith.muli %arg1, %mul3A_63 : i32
    "tpu.region"() ({
      %run_scoped3A = tpu.sem_alloc : memref<!tpu.dma_semaphore, #tpu.memory_space<semaphore_mem>>
      %dma_start3A = tpu.memref_slice %arg5[%mul3A_64] : memref<10240xf32, #tpu.memory_space<vmem_shared>> -> memref<640xf32, #tpu.memory_space<vmem_shared>>
      %dma_start3A_80 = tpu.memref_slice %arg5[%mul3A_64] : memref<10240xf32, #tpu.memory_space<vmem_shared>> -> memref<640xf32, #tpu.memory_space<vmem_shared>>
      tpu.enqueue_dma source(%arg8 : memref<640xf32, #tpu.memory_space<vmem>>) target(%dma_start3A_80 : memref<640xf32, #tpu.memory_space<vmem_shared>>) target_semaphore(%run_scoped3A : memref<!tpu.dma_semaphore, #tpu.memory_space<semaphore_mem>>)
      %dma_wait3A = tpu.memref_slice %arg5[%mul3A_64] : memref<10240xf32, #tpu.memory_space<vmem_shared>> -> memref<640xf32, #tpu.memory_space<vmem_shared>>
      %dma_wait3A_81 = tpu.memref_slice %arg5[%mul3A_64] : memref<10240xf32, #tpu.memory_space<vmem_shared>> -> memref<640xf32, #tpu.memory_space<vmem_shared>>
      tpu.wait_dma2 semaphore(%run_scoped3A : memref<!tpu.dma_semaphore, #tpu.memory_space<semaphore_mem>>) src(%arg8 : memref<640xf32, #tpu.memory_space<vmem>>) dst(%dma_wait3A_81 : memref<640xf32, #tpu.memory_space<vmem_shared>>)
      tpu.yield
    }) : () -> ()
    %barrier3A = arith.constant 0 : index
    tpu.barrier barrier_id(%barrier3A)
    %scan3A_65 = arith.constant 0 : i32
    %scan3A_66 = arith.constant 0 : i32
    %scan3A_67 = arith.constant 10 : i32
    %scan3A_68 = arith.addi %scan3A_66, %scan3A_67 : i32
    %scan3A_69 = arith.constant 1 : i32
    %scan3A_70 = scf.for %scan3A_80 = %scan3A_66 to %scan3A_68 step %scan3A_69 iter_args(%scan3A_81 = %scan3A_65) -> (i32)  : i32 {
      %mul3A_82 = arith.constant 8 : i32
      %mul3A_83 = arith.muli %scan3A_80, %mul3A_82 : i32
      %add3A_84 = arith.addi %mul3A_2, %mul3A_83 : i32
      "tpu.region"() ({
        %run_scoped3A_93 = tpu.sem_alloc : memref<!tpu.dma_semaphore, #tpu.memory_space<semaphore_mem>>
        %dma_start3A = arith.constant 0 : i32
        %dma_start3A_94 = tpu.memref_slice %arg2[%add3A_84, %dma_start3A] : memref<2560x128xi32, #tpu.memory_space<hbm>> -> memref<8x128xi32, #tpu.memory_space<hbm>>
        %dma_start3A_95 = arith.constant 0 : i32
        %dma_start3A_96 = tpu.memref_slice %arg2[%add3A_84, %dma_start3A_95] : memref<2560x128xi32, #tpu.memory_space<hbm>> -> memref<8x128xi32, #tpu.memory_space<hbm>>
        tpu.enqueue_dma source(%dma_start3A_96 : memref<8x128xi32, #tpu.memory_space<hbm>>) target(%arg6 : memref<8x128xi32, #tpu.memory_space<vmem>>) target_semaphore(%run_scoped3A_93 : memref<!tpu.dma_semaphore, #tpu.memory_space<semaphore_mem>>)
        %dma_wait3A = arith.constant 0 : i32
        %dma_wait3A_97 = tpu.memref_slice %arg2[%add3A_84, %dma_wait3A] : memref<2560x128xi32, #tpu.memory_space<hbm>> -> memref<8x128xi32, #tpu.memory_space<hbm>>
        %dma_wait3A_98 = arith.constant 0 : i32
        %dma_wait3A_99 = tpu.memref_slice %arg2[%add3A_84, %dma_wait3A_98] : memref<2560x128xi32, #tpu.memory_space<hbm>> -> memref<8x128xi32, #tpu.memory_space<hbm>>
        tpu.wait_dma2 semaphore(%run_scoped3A_93 : memref<!tpu.dma_semaphore, #tpu.memory_space<semaphore_mem>>) src(%dma_wait3A_99 : memref<8x128xi32, #tpu.memory_space<hbm>>) dst(%arg6 : memref<8x128xi32, #tpu.memory_space<vmem>>)
        tpu.yield
      }) : () -> ()
      %run_scoped3A = arith.constant 0 : i32
      "tpu.region"() ({
        %run_scoped3A_93 = tpu.sem_alloc : memref<!tpu.dma_semaphore, #tpu.memory_space<semaphore_mem>>
        %dma_start3A = arith.constant 0 : i32
        %dma_start3A_94 = tpu.memref_slice %arg6[%run_scoped3A, %dma_start3A] : memref<8x128xi32, #tpu.memory_space<vmem>> -> memref<1x128xi32, #tpu.memory_space<vmem>>
        %dma_start3A_95 = tpu.memref_squeeze %dma_start3A_94 : memref<1x128xi32, #tpu.memory_space<vmem>> -> memref<128xi32, #tpu.memory_space<vmem>>
        %dma_start3A_96 = arith.constant 0 : i32
        %dma_start3A_97 = tpu.memref_slice %arg5[%dma_start3A_96] : memref<10240xf32, #tpu.memory_space<vmem_shared>> -> memref<10240xf32, #tpu.memory_space<vmem_shared>>
        tpu.enqueue_indirect_dma source(%arg7 : memref<128xf32, #tpu.memory_space<vmem>>) target(%dma_start3A_97 : memref<10240xf32, #tpu.memory_space<vmem_shared>>) offsets(%dma_start3A_95 : memref<128xi32, #tpu.memory_space<vmem>>) semaphore(%run_scoped3A_93 : memref<!tpu.dma_semaphore, #tpu.memory_space<semaphore_mem>>) {add = true}
        %dma_wait3A = arith.constant 0 : i32
        %dma_wait3A_98 = tpu.memref_slice %arg6[%run_scoped3A, %dma_wait3A] : memref<8x128xi32, #tpu.memory_space<vmem>> -> memref<1x128xi32, #tpu.memory_space<vmem>>
        %dma_wait3A_99 = tpu.memref_squeeze %dma_wait3A_98 : memref<1x128xi32, #tpu.memory_space<vmem>> -> memref<128xi32, #tpu.memory_space<vmem>>
        %dma_wait3A_100 = arith.constant 0 : i32
        %dma_wait3A_101 = tpu.memref_slice %arg5[%dma_wait3A_100] : memref<10240xf32, #tpu.memory_space<vmem_shared>> -> memref<10240xf32, #tpu.memory_space<vmem_shared>>
        tpu.wait_indirect_dma semaphore(%run_scoped3A_93 : memref<!tpu.dma_semaphore, #tpu.memory_space<semaphore_mem>>) src(%arg7 : memref<128xf32, #tpu.memory_space<vmem>>) dst(%dma_wait3A_101 : memref<10240xf32, #tpu.memory_space<vmem_shared>>)
        tpu.yield
      }) : () -> ()
      %run_scoped3A_85 = arith.constant 1 : i32
      "tpu.region"() ({
        %run_scoped3A_93 = tpu.sem_alloc : memref<!tpu.dma_semaphore, #tpu.memory_space<semaphore_mem>>
        %dma_start3A = arith.constant 0 : i32
        %dma_start3A_94 = tpu.memref_slice %arg6[%run_scoped3A_85, %dma_start3A] : memref<8x128xi32, #tpu.memory_space<vmem>> -> memref<1x128xi32, #tpu.memory_space<vmem>>
        %dma_start3A_95 = tpu.memref_squeeze %dma_start3A_94 : memref<1x128xi32, #tpu.memory_space<vmem>> -> memref<128xi32, #tpu.memory_space<vmem>>
        %dma_start3A_96 = arith.constant 0 : i32
        %dma_start3A_97 = tpu.memref_slice %arg5[%dma_start3A_96] : memref<10240xf32, #tpu.memory_space<vmem_shared>> -> memref<10240xf32, #tpu.memory_space<vmem_shared>>
        tpu.enqueue_indirect_dma source(%arg7 : memref<128xf32, #tpu.memory_space<vmem>>) target(%dma_start3A_97 : memref<10240xf32, #tpu.memory_space<vmem_shared>>) offsets(%dma_start3A_95 : memref<128xi32, #tpu.memory_space<vmem>>) semaphore(%run_scoped3A_93 : memref<!tpu.dma_semaphore, #tpu.memory_space<semaphore_mem>>) {add = true}
        %dma_wait3A = arith.constant 0 : i32
        %dma_wait3A_98 = tpu.memref_slice %arg6[%run_scoped3A_85, %dma_wait3A] : memref<8x128xi32, #tpu.memory_space<vmem>> -> memref<1x128xi32, #tpu.memory_space<vmem>>
        %dma_wait3A_99 = tpu.memref_squeeze %dma_wait3A_98 : memref<1x128xi32, #tpu.memory_space<vmem>> -> memref<128xi32, #tpu.memory_space<vmem>>
        %dma_wait3A_100 = arith.constant 0 : i32
        %dma_wait3A_101 = tpu.memref_slice %arg5[%dma_wait3A_100] : memref<10240xf32, #tpu.memory_space<vmem_shared>> -> memref<10240xf32, #tpu.memory_space<vmem_shared>>
        tpu.wait_indirect_dma semaphore(%run_scoped3A_93 : memref<!tpu.dma_semaphore, #tpu.memory_space<semaphore_mem>>) src(%arg7 : memref<128xf32, #tpu.memory_space<vmem>>) dst(%dma_wait3A_101 : memref<10240xf32, #tpu.memory_space<vmem_shared>>)
        tpu.yield
      }) : () -> ()
      %run_scoped3A_86 = arith.constant 2 : i32
      "tpu.region"() ({
        %run_scoped3A_93 = tpu.sem_alloc : memref<!tpu.dma_semaphore, #tpu.memory_space<semaphore_mem>>
        %dma_start3A = arith.constant 0 : i32
        %dma_start3A_94 = tpu.memref_slice %arg6[%run_scoped3A_86, %dma_start3A] : memref<8x128xi32, #tpu.memory_space<vmem>> -> memref<1x128xi32, #tpu.memory_space<vmem>>
        %dma_start3A_95 = tpu.memref_squeeze %dma_start3A_94 : memref<1x128xi32, #tpu.memory_space<vmem>> -> memref<128xi32, #tpu.memory_space<vmem>>
        %dma_start3A_96 = arith.constant 0 : i32
        %dma_start3A_97 = tpu.memref_slice %arg5[%dma_start3A_96] : memref<10240xf32, #tpu.memory_space<vmem_shared>> -> memref<10240xf32, #tpu.memory_space<vmem_shared>>
        tpu.enqueue_indirect_dma source(%arg7 : memref<128xf32, #tpu.memory_space<vmem>>) target(%dma_start3A_97 : memref<10240xf32, #tpu.memory_space<vmem_shared>>) offsets(%dma_start3A_95 : memref<128xi32, #tpu.memory_space<vmem>>) semaphore(%run_scoped3A_93 : memref<!tpu.dma_semaphore, #tpu.memory_space<semaphore_mem>>) {add = true}
        %dma_wait3A = arith.constant 0 : i32
        %dma_wait3A_98 = tpu.memref_slice %arg6[%run_scoped3A_86, %dma_wait3A] : memref<8x128xi32, #tpu.memory_space<vmem>> -> memref<1x128xi32, #tpu.memory_space<vmem>>
        %dma_wait3A_99 = tpu.memref_squeeze %dma_wait3A_98 : memref<1x128xi32, #tpu.memory_space<vmem>> -> memref<128xi32, #tpu.memory_space<vmem>>
        %dma_wait3A_100 = arith.constant 0 : i32
        %dma_wait3A_101 = tpu.memref_slice %arg5[%dma_wait3A_100] : memref<10240xf32, #tpu.memory_space<vmem_shared>> -> memref<10240xf32, #tpu.memory_space<vmem_shared>>
        tpu.wait_indirect_dma semaphore(%run_scoped3A_93 : memref<!tpu.dma_semaphore, #tpu.memory_space<semaphore_mem>>) src(%arg7 : memref<128xf32, #tpu.memory_space<vmem>>) dst(%dma_wait3A_101 : memref<10240xf32, #tpu.memory_space<vmem_shared>>)
        tpu.yield
      }) : () -> ()
      %run_scoped3A_87 = arith.constant 3 : i32
      "tpu.region"() ({
        %run_scoped3A_93 = tpu.sem_alloc : memref<!tpu.dma_semaphore, #tpu.memory_space<semaphore_mem>>
        %dma_start3A = arith.constant 0 : i32
        %dma_start3A_94 = tpu.memref_slice %arg6[%run_scoped3A_87, %dma_start3A] : memref<8x128xi32, #tpu.memory_space<vmem>> -> memref<1x128xi32, #tpu.memory_space<vmem>>
        %dma_start3A_95 = tpu.memref_squeeze %dma_start3A_94 : memref<1x128xi32, #tpu.memory_space<vmem>> -> memref<128xi32, #tpu.memory_space<vmem>>
        %dma_start3A_96 = arith.constant 0 : i32
        %dma_start3A_97 = tpu.memref_slice %arg5[%dma_start3A_96] : memref<10240xf32, #tpu.memory_space<vmem_shared>> -> memref<10240xf32, #tpu.memory_space<vmem_shared>>
        tpu.enqueue_indirect_dma source(%arg7 : memref<128xf32, #tpu.memory_space<vmem>>) target(%dma_start3A_97 : memref<10240xf32, #tpu.memory_space<vmem_shared>>) offsets(%dma_start3A_95 : memref<128xi32, #tpu.memory_space<vmem>>) semaphore(%run_scoped3A_93 : memref<!tpu.dma_semaphore, #tpu.memory_space<semaphore_mem>>) {add = true}
        %dma_wait3A = arith.constant 0 : i32
        %dma_wait3A_98 = tpu.memref_slice %arg6[%run_scoped3A_87, %dma_wait3A] : memref<8x128xi32, #tpu.memory_space<vmem>> -> memref<1x128xi32, #tpu.memory_space<vmem>>
        %dma_wait3A_99 = tpu.memref_squeeze %dma_wait3A_98 : memref<1x128xi32, #tpu.memory_space<vmem>> -> memref<128xi32, #tpu.memory_space<vmem>>
        %dma_wait3A_100 = arith.constant 0 : i32
        %dma_wait3A_101 = tpu.memref_slice %arg5[%dma_wait3A_100] : memref<10240xf32, #tpu.memory_space<vmem_shared>> -> memref<10240xf32, #tpu.memory_space<vmem_shared>>
        tpu.wait_indirect_dma semaphore(%run_scoped3A_93 : memref<!tpu.dma_semaphore, #tpu.memory_space<semaphore_mem>>) src(%arg7 : memref<128xf32, #tpu.memory_space<vmem>>) dst(%dma_wait3A_101 : memref<10240xf32, #tpu.memory_space<vmem_shared>>)
        tpu.yield
      }) : () -> ()
      %run_scoped3A_88 = arith.constant 4 : i32
      "tpu.region"() ({
        %run_scoped3A_93 = tpu.sem_alloc : memref<!tpu.dma_semaphore, #tpu.memory_space<semaphore_mem>>
        %dma_start3A = arith.constant 0 : i32
        %dma_start3A_94 = tpu.memref_slice %arg6[%run_scoped3A_88, %dma_start3A] : memref<8x128xi32, #tpu.memory_space<vmem>> -> memref<1x128xi32, #tpu.memory_space<vmem>>
        %dma_start3A_95 = tpu.memref_squeeze %dma_start3A_94 : memref<1x128xi32, #tpu.memory_space<vmem>> -> memref<128xi32, #tpu.memory_space<vmem>>
        %dma_start3A_96 = arith.constant 0 : i32
        %dma_start3A_97 = tpu.memref_slice %arg5[%dma_start3A_96] : memref<10240xf32, #tpu.memory_space<vmem_shared>> -> memref<10240xf32, #tpu.memory_space<vmem_shared>>
        tpu.enqueue_indirect_dma source(%arg7 : memref<128xf32, #tpu.memory_space<vmem>>) target(%dma_start3A_97 : memref<10240xf32, #tpu.memory_space<vmem_shared>>) offsets(%dma_start3A_95 : memref<128xi32, #tpu.memory_space<vmem>>) semaphore(%run_scoped3A_93 : memref<!tpu.dma_semaphore, #tpu.memory_space<semaphore_mem>>) {add = true}
        %dma_wait3A = arith.constant 0 : i32
        %dma_wait3A_98 = tpu.memref_slice %arg6[%run_scoped3A_88, %dma_wait3A] : memref<8x128xi32, #tpu.memory_space<vmem>> -> memref<1x128xi32, #tpu.memory_space<vmem>>
        %dma_wait3A_99 = tpu.memref_squeeze %dma_wait3A_98 : memref<1x128xi32, #tpu.memory_space<vmem>> -> memref<128xi32, #tpu.memory_space<vmem>>
        %dma_wait3A_100 = arith.constant 0 : i32
        %dma_wait3A_101 = tpu.memref_slice %arg5[%dma_wait3A_100] : memref<10240xf32, #tpu.memory_space<vmem_shared>> -> memref<10240xf32, #tpu.memory_space<vmem_shared>>
        tpu.wait_indirect_dma semaphore(%run_scoped3A_93 : memref<!tpu.dma_semaphore, #tpu.memory_space<semaphore_mem>>) src(%arg7 : memref<128xf32, #tpu.memory_space<vmem>>) dst(%dma_wait3A_101 : memref<10240xf32, #tpu.memory_space<vmem_shared>>)
        tpu.yield
      }) : () -> ()
      %run_scoped3A_89 = arith.constant 5 : i32
      "tpu.region"() ({
        %run_scoped3A_93 = tpu.sem_alloc : memref<!tpu.dma_semaphore, #tpu.memory_space<semaphore_mem>>
        %dma_start3A = arith.constant 0 : i32
        %dma_start3A_94 = tpu.memref_slice %arg6[%run_scoped3A_89, %dma_start3A] : memref<8x128xi32, #tpu.memory_space<vmem>> -> memref<1x128xi32, #tpu.memory_space<vmem>>
        %dma_start3A_95 = tpu.memref_squeeze %dma_start3A_94 : memref<1x128xi32, #tpu.memory_space<vmem>> -> memref<128xi32, #tpu.memory_space<vmem>>
        %dma_start3A_96 = arith.constant 0 : i32
        %dma_start3A_97 = tpu.memref_slice %arg5[%dma_start3A_96] : memref<10240xf32, #tpu.memory_space<vmem_shared>> -> memref<10240xf32, #tpu.memory_space<vmem_shared>>
        tpu.enqueue_indirect_dma source(%arg7 : memref<128xf32, #tpu.memory_space<vmem>>) target(%dma_start3A_97 : memref<10240xf32, #tpu.memory_space<vmem_shared>>) offsets(%dma_start3A_95 : memref<128xi32, #tpu.memory_space<vmem>>) semaphore(%run_scoped3A_93 : memref<!tpu.dma_semaphore, #tpu.memory_space<semaphore_mem>>) {add = true}
        %dma_wait3A = arith.constant 0 : i32
        %dma_wait3A_98 = tpu.memref_slice %arg6[%run_scoped3A_89, %dma_wait3A] : memref<8x128xi32, #tpu.memory_space<vmem>> -> memref<1x128xi32, #tpu.memory_space<vmem>>
        %dma_wait3A_99 = tpu.memref_squeeze %dma_wait3A_98 : memref<1x128xi32, #tpu.memory_space<vmem>> -> memref<128xi32, #tpu.memory_space<vmem>>
        %dma_wait3A_100 = arith.constant 0 : i32
        %dma_wait3A_101 = tpu.memref_slice %arg5[%dma_wait3A_100] : memref<10240xf32, #tpu.memory_space<vmem_shared>> -> memref<10240xf32, #tpu.memory_space<vmem_shared>>
        tpu.wait_indirect_dma semaphore(%run_scoped3A_93 : memref<!tpu.dma_semaphore, #tpu.memory_space<semaphore_mem>>) src(%arg7 : memref<128xf32, #tpu.memory_space<vmem>>) dst(%dma_wait3A_101 : memref<10240xf32, #tpu.memory_space<vmem_shared>>)
        tpu.yield
      }) : () -> ()
      %run_scoped3A_90 = arith.constant 6 : i32
      "tpu.region"() ({
        %run_scoped3A_93 = tpu.sem_alloc : memref<!tpu.dma_semaphore, #tpu.memory_space<semaphore_mem>>
        %dma_start3A = arith.constant 0 : i32
        %dma_start3A_94 = tpu.memref_slice %arg6[%run_scoped3A_90, %dma_start3A] : memref<8x128xi32, #tpu.memory_space<vmem>> -> memref<1x128xi32, #tpu.memory_space<vmem>>
        %dma_start3A_95 = tpu.memref_squeeze %dma_start3A_94 : memref<1x128xi32, #tpu.memory_space<vmem>> -> memref<128xi32, #tpu.memory_space<vmem>>
        %dma_start3A_96 = arith.constant 0 : i32
        %dma_start3A_97 = tpu.memref_slice %arg5[%dma_start3A_96] : memref<10240xf32, #tpu.memory_space<vmem_shared>> -> memref<10240xf32, #tpu.memory_space<vmem_shared>>
        tpu.enqueue_indirect_dma source(%arg7 : memref<128xf32, #tpu.memory_space<vmem>>) target(%dma_start3A_97 : memref<10240xf32, #tpu.memory_space<vmem_shared>>) offsets(%dma_start3A_95 : memref<128xi32, #tpu.memory_space<vmem>>) semaphore(%run_scoped3A_93 : memref<!tpu.dma_semaphore, #tpu.memory_space<semaphore_mem>>) {add = true}
        %dma_wait3A = arith.constant 0 : i32
        %dma_wait3A_98 = tpu.memref_slice %arg6[%run_scoped3A_90, %dma_wait3A] : memref<8x128xi32, #tpu.memory_space<vmem>> -> memref<1x128xi32, #tpu.memory_space<vmem>>
        %dma_wait3A_99 = tpu.memref_squeeze %dma_wait3A_98 : memref<1x128xi32, #tpu.memory_space<vmem>> -> memref<128xi32, #tpu.memory_space<vmem>>
        %dma_wait3A_100 = arith.constant 0 : i32
        %dma_wait3A_101 = tpu.memref_slice %arg5[%dma_wait3A_100] : memref<10240xf32, #tpu.memory_space<vmem_shared>> -> memref<10240xf32, #tpu.memory_space<vmem_shared>>
        tpu.wait_indirect_dma semaphore(%run_scoped3A_93 : memref<!tpu.dma_semaphore, #tpu.memory_space<semaphore_mem>>) src(%arg7 : memref<128xf32, #tpu.memory_space<vmem>>) dst(%dma_wait3A_101 : memref<10240xf32, #tpu.memory_space<vmem_shared>>)
        tpu.yield
      }) : () -> ()
      %run_scoped3A_91 = arith.constant 7 : i32
      "tpu.region"() ({
        %run_scoped3A_93 = tpu.sem_alloc : memref<!tpu.dma_semaphore, #tpu.memory_space<semaphore_mem>>
        %dma_start3A = arith.constant 0 : i32
        %dma_start3A_94 = tpu.memref_slice %arg6[%run_scoped3A_91, %dma_start3A] : memref<8x128xi32, #tpu.memory_space<vmem>> -> memref<1x128xi32, #tpu.memory_space<vmem>>
        %dma_start3A_95 = tpu.memref_squeeze %dma_start3A_94 : memref<1x128xi32, #tpu.memory_space<vmem>> -> memref<128xi32, #tpu.memory_space<vmem>>
        %dma_start3A_96 = arith.constant 0 : i32
        %dma_start3A_97 = tpu.memref_slice %arg5[%dma_start3A_96] : memref<10240xf32, #tpu.memory_space<vmem_shared>> -> memref<10240xf32, #tpu.memory_space<vmem_shared>>
        tpu.enqueue_indirect_dma source(%arg7 : memref<128xf32, #tpu.memory_space<vmem>>) target(%dma_start3A_97 : memref<10240xf32, #tpu.memory_space<vmem_shared>>) offsets(%dma_start3A_95 : memref<128xi32, #tpu.memory_space<vmem>>) semaphore(%run_scoped3A_93 : memref<!tpu.dma_semaphore, #tpu.memory_space<semaphore_mem>>) {add = true}
        %dma_wait3A = arith.constant 0 : i32
        %dma_wait3A_98 = tpu.memref_slice %arg6[%run_scoped3A_91, %dma_wait3A] : memref<8x128xi32, #tpu.memory_space<vmem>> -> memref<1x128xi32, #tpu.memory_space<vmem>>
        %dma_wait3A_99 = tpu.memref_squeeze %dma_wait3A_98 : memref<1x128xi32, #tpu.memory_space<vmem>> -> memref<128xi32, #tpu.memory_space<vmem>>
        %dma_wait3A_100 = arith.constant 0 : i32
        %dma_wait3A_101 = tpu.memref_slice %arg5[%dma_wait3A_100] : memref<10240xf32, #tpu.memory_space<vmem_shared>> -> memref<10240xf32, #tpu.memory_space<vmem_shared>>
        tpu.wait_indirect_dma semaphore(%run_scoped3A_93 : memref<!tpu.dma_semaphore, #tpu.memory_space<semaphore_mem>>) src(%arg7 : memref<128xf32, #tpu.memory_space<vmem>>) dst(%dma_wait3A_101 : memref<10240xf32, #tpu.memory_space<vmem_shared>>)
        tpu.yield
      }) : () -> ()
      %scan3A_92 = arith.constant 0 : i32
      scf.yield %scan3A_92 : i32
    }
    %scan3A_71 = arith.constant 10 : i32
    %barrier3A_72 = arith.constant 0 : index
    tpu.barrier barrier_id(%barrier3A_72)
    %eq3A = arith.constant 0 : i32
    %eq3A_73 = arith.cmpi eq, %arg0, %eq3A : i32
    %convert_element_type3A = arith.extui %eq3A_73 : i1 to i32
    %cond3A = arith.constant 0 : i32
    %cond3A_74 = arith.cmpi ne, %convert_element_type3A, %cond3A : i32
    scf.if %cond3A_74 {
      %mul3A_80 = arith.constant 640 : i32
      %mul3A_81 = arith.muli %arg1, %mul3A_80 : i32
      %mul3A_82 = arith.constant 640 : i32
      %mul3A_83 = arith.muli %arg1, %mul3A_82 : i32
      "tpu.region"() ({
        %run_scoped3A = tpu.sem_alloc : memref<!tpu.dma_semaphore, #tpu.memory_space<semaphore_mem>>
        %dma_start3A = tpu.memref_slice %arg3[%mul3A_83] : memref<10240xf32, #tpu.memory_space<hbm>> -> memref<640xf32, #tpu.memory_space<hbm>>
        %dma_start3A_84 = tpu.memref_slice %arg5[%mul3A_81] : memref<10240xf32, #tpu.memory_space<vmem_shared>> -> memref<640xf32, #tpu.memory_space<vmem_shared>>
        tpu.enqueue_dma source(%dma_start3A_84 : memref<640xf32, #tpu.memory_space<vmem_shared>>) target(%dma_start3A : memref<640xf32, #tpu.memory_space<hbm>>) target_semaphore(%run_scoped3A : memref<!tpu.dma_semaphore, #tpu.memory_space<semaphore_mem>>)
        %dma_wait3A = tpu.memref_slice %arg3[%mul3A_83] : memref<10240xf32, #tpu.memory_space<hbm>> -> memref<640xf32, #tpu.memory_space<hbm>>
        %dma_wait3A_85 = tpu.memref_slice %arg5[%mul3A_81] : memref<10240xf32, #tpu.memory_space<vmem_shared>> -> memref<640xf32, #tpu.memory_space<vmem_shared>>
        tpu.wait_dma2 semaphore(%run_scoped3A : memref<!tpu.dma_semaphore, #tpu.memory_space<semaphore_mem>>) src(%dma_wait3A_85 : memref<640xf32, #tpu.memory_space<vmem_shared>>) dst(%dma_wait3A : memref<640xf32, #tpu.memory_space<hbm>>)
        tpu.yield
      }) : () -> ()
    } else {
    }
    %eq3A_75 = arith.constant 1 : i32
    %eq3A_76 = arith.cmpi eq, %arg0, %eq3A_75 : i32
    %convert_element_type3A_77 = arith.extui %eq3A_76 : i1 to i32
    %cond3A_78 = arith.constant 0 : i32
    %cond3A_79 = arith.cmpi ne, %convert_element_type3A_77, %cond3A_78 : i32
    scf.if %cond3A_79 {
      %mul3A_80 = arith.constant 640 : i32
      %mul3A_81 = arith.muli %arg1, %mul3A_80 : i32
      %mul3A_82 = arith.constant 640 : i32
      %mul3A_83 = arith.muli %arg1, %mul3A_82 : i32
      "tpu.region"() ({
        %run_scoped3A = tpu.sem_alloc : memref<!tpu.dma_semaphore, #tpu.memory_space<semaphore_mem>>
        %dma_start3A = tpu.memref_slice %arg4[%mul3A_83] : memref<10240xf32, #tpu.memory_space<hbm>> -> memref<640xf32, #tpu.memory_space<hbm>>
        %dma_start3A_84 = tpu.memref_slice %arg5[%mul3A_81] : memref<10240xf32, #tpu.memory_space<vmem_shared>> -> memref<640xf32, #tpu.memory_space<vmem_shared>>
        tpu.enqueue_dma source(%dma_start3A_84 : memref<640xf32, #tpu.memory_space<vmem_shared>>) target(%dma_start3A : memref<640xf32, #tpu.memory_space<hbm>>) target_semaphore(%run_scoped3A : memref<!tpu.dma_semaphore, #tpu.memory_space<semaphore_mem>>)
        %dma_wait3A = tpu.memref_slice %arg4[%mul3A_83] : memref<10240xf32, #tpu.memory_space<hbm>> -> memref<640xf32, #tpu.memory_space<hbm>>
        %dma_wait3A_85 = tpu.memref_slice %arg5[%mul3A_81] : memref<10240xf32, #tpu.memory_space<vmem_shared>> -> memref<640xf32, #tpu.memory_space<vmem_shared>>
        tpu.wait_dma2 semaphore(%run_scoped3A : memref<!tpu.dma_semaphore, #tpu.memory_space<semaphore_mem>>) src(%dma_wait3A_85 : memref<640xf32, #tpu.memory_space<vmem_shared>>) dst(%dma_wait3A : memref<640xf32, #tpu.memory_space<hbm>>)
        tpu.yield
      }) : () -> ()
    } else {
    }
    return
  }
}

#map = affine_map<(d0, d1) -> (0, 0)>
module attributes {stable_mosaic.version = 14 : i64} {
  func.func @edge_kernel(%arg0: i32, %arg1: i32, %arg2: memref<10240x128xf32, #tpu.memory_space<hbm>>, %arg3: memref<2560x128xi32, #tpu.memory_space<hbm>>, %arg4: memref<2560x128xi32, #tpu.memory_space<hbm>>, %arg5: memref<10240x128xf32, #tpu.memory_space<hbm>>, %arg6: memref<10240x128xf32, #tpu.memory_space<hbm>>, %arg7: memref<10240x128xf32, #tpu.memory_space<vmem_shared>>, %arg8: memref<2x8x128xi32, #tpu.memory_space<vmem>>, %arg9: memref<2x8x128xi32, #tpu.memory_space<vmem>>, %arg10: memref<128x128xf32, #tpu.memory_space<vmem>>, %arg11: memref<128x128xf32, #tpu.memory_space<vmem>>, %arg12: memref<!tpu.dma_semaphore, #tpu.memory_space<semaphore_mem>>, %arg13: memref<!tpu.dma_semaphore, #tpu.memory_space<semaphore_mem>>, %arg14: memref<!tpu.dma_semaphore, #tpu.memory_space<semaphore_mem>>) attributes {dimension_semantics = [#tpu.dimension_semantics<core_parallel>, #tpu.dimension_semantics<subcore_parallel>], iteration_bounds = array<i64: 2, 16>, scalar_prefetch = 0 : i64, scratch_operands = 8 : i64, tpu.core_type = #tpu.core_type<sc_vector_subcore>, window_params = [{transform_indices = #map}, {transform_indices = #map}, {transform_indices = #map}, {transform_indices = #map}, {transform_indices = #map}]} {
    %mul3A = arith.constant 16 : i32
    %mul3A_0 = arith.muli %arg0, %mul3A : i32
    %add3A = arith.addi %mul3A_0, %arg1 : i32
    %mul3A_1 = arith.constant 80 : i32
    %mul3A_2 = arith.muli %add3A, %mul3A_1 : i32
    %scan3A = arith.constant 0 : i32
    %scan3A_3 = arith.constant 0 : i32
    %scan3A_4 = arith.constant 128 : i32
    %scan3A_5 = arith.addi %scan3A_3, %scan3A_4 : i32
    %scan3A_6 = arith.constant 1 : i32
    %scan3A_7 = scf.for %scan3A_69 = %scan3A_3 to %scan3A_5 step %scan3A_6 iter_args(%scan3A_70 = %scan3A) -> (i32)  : i32 {
      %broadcast_in_dim3A = arith.constant 0.000000e+00 : f32
      %broadcast_in_dim3A_71 = vector.broadcast %broadcast_in_dim3A : f32 to vector<16xf32>
      %swap3A = arith.index_cast %scan3A_69 : i32 to index
      %swap3A_72 = arith.constant 0 : index
      %swap3A_73 = tpu.vector_load %arg10[%swap3A, %swap3A_72] {strides = array<i32>} : memref<128x128xf32, #tpu.memory_space<vmem>>, vector<16xf32>,
      tpu.vector_store %arg10[%swap3A, %swap3A_72], %broadcast_in_dim3A_71 {strides = array<i32>} : memref<128x128xf32, #tpu.memory_space<vmem>>, vector<16xf32>,
      %broadcast_in_dim3A_74 = arith.constant 0.000000e+00 : f32
      %broadcast_in_dim3A_75 = vector.broadcast %broadcast_in_dim3A_74 : f32 to vector<16xf32>
      %swap3A_76 = arith.index_cast %scan3A_69 : i32 to index
      %swap3A_77 = arith.constant 16 : index
      %swap3A_78 = tpu.vector_load %arg10[%swap3A_76, %swap3A_77] {strides = array<i32>} : memref<128x128xf32, #tpu.memory_space<vmem>>, vector<16xf32>,
      tpu.vector_store %arg10[%swap3A_76, %swap3A_77], %broadcast_in_dim3A_75 {strides = array<i32>} : memref<128x128xf32, #tpu.memory_space<vmem>>, vector<16xf32>,
      %broadcast_in_dim3A_79 = arith.constant 0.000000e+00 : f32
      %broadcast_in_dim3A_80 = vector.broadcast %broadcast_in_dim3A_79 : f32 to vector<16xf32>
      %swap3A_81 = arith.index_cast %scan3A_69 : i32 to index
      %swap3A_82 = arith.constant 32 : index
      %swap3A_83 = tpu.vector_load %arg10[%swap3A_81, %swap3A_82] {strides = array<i32>} : memref<128x128xf32, #tpu.memory_space<vmem>>, vector<16xf32>,
      tpu.vector_store %arg10[%swap3A_81, %swap3A_82], %broadcast_in_dim3A_80 {strides = array<i32>} : memref<128x128xf32, #tpu.memory_space<vmem>>, vector<16xf32>,
      %broadcast_in_dim3A_84 = arith.constant 0.000000e+00 : f32
      %broadcast_in_dim3A_85 = vector.broadcast %broadcast_in_dim3A_84 : f32 to vector<16xf32>
      %swap3A_86 = arith.index_cast %scan3A_69 : i32 to index
      %swap3A_87 = arith.constant 48 : index
      %swap3A_88 = tpu.vector_load %arg10[%swap3A_86, %swap3A_87] {strides = array<i32>} : memref<128x128xf32, #tpu.memory_space<vmem>>, vector<16xf32>,
      tpu.vector_store %arg10[%swap3A_86, %swap3A_87], %broadcast_in_dim3A_85 {strides = array<i32>} : memref<128x128xf32, #tpu.memory_space<vmem>>, vector<16xf32>,
      %broadcast_in_dim3A_89 = arith.constant 0.000000e+00 : f32
      %broadcast_in_dim3A_90 = vector.broadcast %broadcast_in_dim3A_89 : f32 to vector<16xf32>
      %swap3A_91 = arith.index_cast %scan3A_69 : i32 to index
      %swap3A_92 = arith.constant 64 : index
      %swap3A_93 = tpu.vector_load %arg10[%swap3A_91, %swap3A_92] {strides = array<i32>} : memref<128x128xf32, #tpu.memory_space<vmem>>, vector<16xf32>,
      tpu.vector_store %arg10[%swap3A_91, %swap3A_92], %broadcast_in_dim3A_90 {strides = array<i32>} : memref<128x128xf32, #tpu.memory_space<vmem>>, vector<16xf32>,
      %broadcast_in_dim3A_94 = arith.constant 0.000000e+00 : f32
      %broadcast_in_dim3A_95 = vector.broadcast %broadcast_in_dim3A_94 : f32 to vector<16xf32>
      %swap3A_96 = arith.index_cast %scan3A_69 : i32 to index
      %swap3A_97 = arith.constant 80 : index
      %swap3A_98 = tpu.vector_load %arg10[%swap3A_96, %swap3A_97] {strides = array<i32>} : memref<128x128xf32, #tpu.memory_space<vmem>>, vector<16xf32>,
      tpu.vector_store %arg10[%swap3A_96, %swap3A_97], %broadcast_in_dim3A_95 {strides = array<i32>} : memref<128x128xf32, #tpu.memory_space<vmem>>, vector<16xf32>,
      %broadcast_in_dim3A_99 = arith.constant 0.000000e+00 : f32
      %broadcast_in_dim3A_100 = vector.broadcast %broadcast_in_dim3A_99 : f32 to vector<16xf32>
      %swap3A_101 = arith.index_cast %scan3A_69 : i32 to index
      %swap3A_102 = arith.constant 96 : index
      %swap3A_103 = tpu.vector_load %arg10[%swap3A_101, %swap3A_102] {strides = array<i32>} : memref<128x128xf32, #tpu.memory_space<vmem>>, vector<16xf32>,
      tpu.vector_store %arg10[%swap3A_101, %swap3A_102], %broadcast_in_dim3A_100 {strides = array<i32>} : memref<128x128xf32, #tpu.memory_space<vmem>>, vector<16xf32>,
      %broadcast_in_dim3A_104 = arith.constant 0.000000e+00 : f32
      %broadcast_in_dim3A_105 = vector.broadcast %broadcast_in_dim3A_104 : f32 to vector<16xf32>
      %swap3A_106 = arith.index_cast %scan3A_69 : i32 to index
      %swap3A_107 = arith.constant 112 : index
      %swap3A_108 = tpu.vector_load %arg10[%swap3A_106, %swap3A_107] {strides = array<i32>} : memref<128x128xf32, #tpu.memory_space<vmem>>, vector<16xf32>,
      tpu.vector_store %arg10[%swap3A_106, %swap3A_107], %broadcast_in_dim3A_105 {strides = array<i32>} : memref<128x128xf32, #tpu.memory_space<vmem>>, vector<16xf32>,
      %scan3A_109 = arith.constant 0 : i32
      scf.yield %scan3A_109 : i32
    }
    %scan3A_8 = arith.constant 128 : i32
    %mul3A_9 = arith.constant 640 : i32
    %mul3A_10 = arith.muli %arg1, %mul3A_9 : i32
    %add3A_11 = arith.constant 0 : i32
    %add3A_12 = arith.addi %mul3A_10, %add3A_11 : i32
    "tpu.region"() ({
      %run_scoped3A = tpu.sem_alloc : memref<!tpu.dma_semaphore, #tpu.memory_space<semaphore_mem>>
      %dma_start3A_69 = arith.constant 0 : i32
      %dma_start3A_70 = tpu.memref_slice %arg7[%add3A_12, %dma_start3A_69] : memref<10240x128xf32, #tpu.memory_space<vmem_shared>> -> memref<128x128xf32, #tpu.memory_space<vmem_shared>>
      %dma_start3A_71 = arith.constant 0 : i32
      %dma_start3A_72 = tpu.memref_slice %arg7[%add3A_12, %dma_start3A_71] : memref<10240x128xf32, #tpu.memory_space<vmem_shared>> -> memref<128x128xf32, #tpu.memory_space<vmem_shared>>
      tpu.enqueue_dma source(%arg10 : memref<128x128xf32, #tpu.memory_space<vmem>>) target(%dma_start3A_72 : memref<128x128xf32, #tpu.memory_space<vmem_shared>>) target_semaphore(%run_scoped3A : memref<!tpu.dma_semaphore, #tpu.memory_space<semaphore_mem>>)
      %dma_wait3A = arith.constant 0 : i32
      %dma_wait3A_73 = tpu.memref_slice %arg7[%add3A_12, %dma_wait3A] : memref<10240x128xf32, #tpu.memory_space<vmem_shared>> -> memref<128x128xf32, #tpu.memory_space<vmem_shared>>
      %dma_wait3A_74 = arith.constant 0 : i32
      %dma_wait3A_75 = tpu.memref_slice %arg7[%add3A_12, %dma_wait3A_74] : memref<10240x128xf32, #tpu.memory_space<vmem_shared>> -> memref<128x128xf32, #tpu.memory_space<vmem_shared>>
      tpu.wait_dma2 semaphore(%run_scoped3A : memref<!tpu.dma_semaphore, #tpu.memory_space<semaphore_mem>>) src(%arg10 : memref<128x128xf32, #tpu.memory_space<vmem>>) dst(%dma_wait3A_75 : memref<128x128xf32, #tpu.memory_space<vmem_shared>>)
      tpu.yield
    }) : () -> ()
    %mul3A_13 = arith.constant 640 : i32
    %mul3A_14 = arith.muli %arg1, %mul3A_13 : i32
    %add3A_15 = arith.constant 128 : i32
    %add3A_16 = arith.addi %mul3A_14, %add3A_15 : i32
    "tpu.region"() ({
      %run_scoped3A = tpu.sem_alloc : memref<!tpu.dma_semaphore, #tpu.memory_space<semaphore_mem>>
      %dma_start3A_69 = arith.constant 0 : i32
      %dma_start3A_70 = tpu.memref_slice %arg7[%add3A_16, %dma_start3A_69] : memref<10240x128xf32, #tpu.memory_space<vmem_shared>> -> memref<128x128xf32, #tpu.memory_space<vmem_shared>>
      %dma_start3A_71 = arith.constant 0 : i32
      %dma_start3A_72 = tpu.memref_slice %arg7[%add3A_16, %dma_start3A_71] : memref<10240x128xf32, #tpu.memory_space<vmem_shared>> -> memref<128x128xf32, #tpu.memory_space<vmem_shared>>
      tpu.enqueue_dma source(%arg10 : memref<128x128xf32, #tpu.memory_space<vmem>>) target(%dma_start3A_72 : memref<128x128xf32, #tpu.memory_space<vmem_shared>>) target_semaphore(%run_scoped3A : memref<!tpu.dma_semaphore, #tpu.memory_space<semaphore_mem>>)
      %dma_wait3A = arith.constant 0 : i32
      %dma_wait3A_73 = tpu.memref_slice %arg7[%add3A_16, %dma_wait3A] : memref<10240x128xf32, #tpu.memory_space<vmem_shared>> -> memref<128x128xf32, #tpu.memory_space<vmem_shared>>
      %dma_wait3A_74 = arith.constant 0 : i32
      %dma_wait3A_75 = tpu.memref_slice %arg7[%add3A_16, %dma_wait3A_74] : memref<10240x128xf32, #tpu.memory_space<vmem_shared>> -> memref<128x128xf32, #tpu.memory_space<vmem_shared>>
      tpu.wait_dma2 semaphore(%run_scoped3A : memref<!tpu.dma_semaphore, #tpu.memory_space<semaphore_mem>>) src(%arg10 : memref<128x128xf32, #tpu.memory_space<vmem>>) dst(%dma_wait3A_75 : memref<128x128xf32, #tpu.memory_space<vmem_shared>>)
      tpu.yield
    }) : () -> ()
    %mul3A_17 = arith.constant 640 : i32
    %mul3A_18 = arith.muli %arg1, %mul3A_17 : i32
    %add3A_19 = arith.constant 256 : i32
    %add3A_20 = arith.addi %mul3A_18, %add3A_19 : i32
    "tpu.region"() ({
      %run_scoped3A = tpu.sem_alloc : memref<!tpu.dma_semaphore, #tpu.memory_space<semaphore_mem>>
      %dma_start3A_69 = arith.constant 0 : i32
      %dma_start3A_70 = tpu.memref_slice %arg7[%add3A_20, %dma_start3A_69] : memref<10240x128xf32, #tpu.memory_space<vmem_shared>> -> memref<128x128xf32, #tpu.memory_space<vmem_shared>>
      %dma_start3A_71 = arith.constant 0 : i32
      %dma_start3A_72 = tpu.memref_slice %arg7[%add3A_20, %dma_start3A_71] : memref<10240x128xf32, #tpu.memory_space<vmem_shared>> -> memref<128x128xf32, #tpu.memory_space<vmem_shared>>
      tpu.enqueue_dma source(%arg10 : memref<128x128xf32, #tpu.memory_space<vmem>>) target(%dma_start3A_72 : memref<128x128xf32, #tpu.memory_space<vmem_shared>>) target_semaphore(%run_scoped3A : memref<!tpu.dma_semaphore, #tpu.memory_space<semaphore_mem>>)
      %dma_wait3A = arith.constant 0 : i32
      %dma_wait3A_73 = tpu.memref_slice %arg7[%add3A_20, %dma_wait3A] : memref<10240x128xf32, #tpu.memory_space<vmem_shared>> -> memref<128x128xf32, #tpu.memory_space<vmem_shared>>
      %dma_wait3A_74 = arith.constant 0 : i32
      %dma_wait3A_75 = tpu.memref_slice %arg7[%add3A_20, %dma_wait3A_74] : memref<10240x128xf32, #tpu.memory_space<vmem_shared>> -> memref<128x128xf32, #tpu.memory_space<vmem_shared>>
      tpu.wait_dma2 semaphore(%run_scoped3A : memref<!tpu.dma_semaphore, #tpu.memory_space<semaphore_mem>>) src(%arg10 : memref<128x128xf32, #tpu.memory_space<vmem>>) dst(%dma_wait3A_75 : memref<128x128xf32, #tpu.memory_space<vmem_shared>>)
      tpu.yield
    }) : () -> ()
    %mul3A_21 = arith.constant 640 : i32
    %mul3A_22 = arith.muli %arg1, %mul3A_21 : i32
    %add3A_23 = arith.constant 384 : i32
    %add3A_24 = arith.addi %mul3A_22, %add3A_23 : i32
    "tpu.region"() ({
      %run_scoped3A = tpu.sem_alloc : memref<!tpu.dma_semaphore, #tpu.memory_space<semaphore_mem>>
      %dma_start3A_69 = arith.constant 0 : i32
      %dma_start3A_70 = tpu.memref_slice %arg7[%add3A_24, %dma_start3A_69] : memref<10240x128xf32, #tpu.memory_space<vmem_shared>> -> memref<128x128xf32, #tpu.memory_space<vmem_shared>>
      %dma_start3A_71 = arith.constant 0 : i32
      %dma_start3A_72 = tpu.memref_slice %arg7[%add3A_24, %dma_start3A_71] : memref<10240x128xf32, #tpu.memory_space<vmem_shared>> -> memref<128x128xf32, #tpu.memory_space<vmem_shared>>
      tpu.enqueue_dma source(%arg10 : memref<128x128xf32, #tpu.memory_space<vmem>>) target(%dma_start3A_72 : memref<128x128xf32, #tpu.memory_space<vmem_shared>>) target_semaphore(%run_scoped3A : memref<!tpu.dma_semaphore, #tpu.memory_space<semaphore_mem>>)
      %dma_wait3A = arith.constant 0 : i32
      %dma_wait3A_73 = tpu.memref_slice %arg7[%add3A_24, %dma_wait3A] : memref<10240x128xf32, #tpu.memory_space<vmem_shared>> -> memref<128x128xf32, #tpu.memory_space<vmem_shared>>
      %dma_wait3A_74 = arith.constant 0 : i32
      %dma_wait3A_75 = tpu.memref_slice %arg7[%add3A_24, %dma_wait3A_74] : memref<10240x128xf32, #tpu.memory_space<vmem_shared>> -> memref<128x128xf32, #tpu.memory_space<vmem_shared>>
      tpu.wait_dma2 semaphore(%run_scoped3A : memref<!tpu.dma_semaphore, #tpu.memory_space<semaphore_mem>>) src(%arg10 : memref<128x128xf32, #tpu.memory_space<vmem>>) dst(%dma_wait3A_75 : memref<128x128xf32, #tpu.memory_space<vmem_shared>>)
      tpu.yield
    }) : () -> ()
    %mul3A_25 = arith.constant 640 : i32
    %mul3A_26 = arith.muli %arg1, %mul3A_25 : i32
    %add3A_27 = arith.constant 512 : i32
    %add3A_28 = arith.addi %mul3A_26, %add3A_27 : i32
    "tpu.region"() ({
      %run_scoped3A = tpu.sem_alloc : memref<!tpu.dma_semaphore, #tpu.memory_space<semaphore_mem>>
      %dma_start3A_69 = arith.constant 0 : i32
      %dma_start3A_70 = tpu.memref_slice %arg7[%add3A_28, %dma_start3A_69] : memref<10240x128xf32, #tpu.memory_space<vmem_shared>> -> memref<128x128xf32, #tpu.memory_space<vmem_shared>>
      %dma_start3A_71 = arith.constant 0 : i32
      %dma_start3A_72 = tpu.memref_slice %arg7[%add3A_28, %dma_start3A_71] : memref<10240x128xf32, #tpu.memory_space<vmem_shared>> -> memref<128x128xf32, #tpu.memory_space<vmem_shared>>
      tpu.enqueue_dma source(%arg10 : memref<128x128xf32, #tpu.memory_space<vmem>>) target(%dma_start3A_72 : memref<128x128xf32, #tpu.memory_space<vmem_shared>>) target_semaphore(%run_scoped3A : memref<!tpu.dma_semaphore, #tpu.memory_space<semaphore_mem>>)
      %dma_wait3A = arith.constant 0 : i32
      %dma_wait3A_73 = tpu.memref_slice %arg7[%add3A_28, %dma_wait3A] : memref<10240x128xf32, #tpu.memory_space<vmem_shared>> -> memref<128x128xf32, #tpu.memory_space<vmem_shared>>
      %dma_wait3A_74 = arith.constant 0 : i32
      %dma_wait3A_75 = tpu.memref_slice %arg7[%add3A_28, %dma_wait3A_74] : memref<10240x128xf32, #tpu.memory_space<vmem_shared>> -> memref<128x128xf32, #tpu.memory_space<vmem_shared>>
      tpu.wait_dma2 semaphore(%run_scoped3A : memref<!tpu.dma_semaphore, #tpu.memory_space<semaphore_mem>>) src(%arg10 : memref<128x128xf32, #tpu.memory_space<vmem>>) dst(%dma_wait3A_75 : memref<128x128xf32, #tpu.memory_space<vmem_shared>>)
      tpu.yield
    }) : () -> ()
    %barrier3A = arith.constant 0 : index
    tpu.barrier barrier_id(%barrier3A)
    %dma_start3A = arith.constant 0 : i32
    %dma_start3A_29 = arith.constant 0 : i32
    %dma_start3A_30 = arith.constant 0 : i32
    %dma_start3A_31 = tpu.memref_slice %arg8[%dma_start3A, %dma_start3A_29, %dma_start3A_30] : memref<2x8x128xi32, #tpu.memory_space<vmem>> -> memref<1x8x128xi32, #tpu.memory_space<vmem>>
    %dma_start3A_32 = tpu.memref_squeeze %dma_start3A_31 : memref<1x8x128xi32, #tpu.memory_space<vmem>> -> memref<8x128xi32, #tpu.memory_space<vmem>>
    %dma_start3A_33 = arith.constant 0 : i32
    %dma_start3A_34 = tpu.memref_slice %arg3[%mul3A_2, %dma_start3A_33] : memref<2560x128xi32, #tpu.memory_space<hbm>> -> memref<8x128xi32, #tpu.memory_space<hbm>>
    %dma_start3A_35 = arith.constant 0 : i32
    %dma_start3A_36 = arith.constant 0 : i32
    %dma_start3A_37 = tpu.memref_slice %arg8[%dma_start3A, %dma_start3A_35, %dma_start3A_36] : memref<2x8x128xi32, #tpu.memory_space<vmem>> -> memref<1x8x128xi32, #tpu.memory_space<vmem>>
    %dma_start3A_38 = tpu.memref_squeeze %dma_start3A_37 : memref<1x8x128xi32, #tpu.memory_space<vmem>> -> memref<8x128xi32, #tpu.memory_space<vmem>>
    %dma_start3A_39 = arith.constant 0 : i32
    %dma_start3A_40 = tpu.memref_slice %arg3[%mul3A_2, %dma_start3A_39] : memref<2560x128xi32, #tpu.memory_space<hbm>> -> memref<8x128xi32, #tpu.memory_space<hbm>>
    tpu.enqueue_dma source(%dma_start3A_40 : memref<8x128xi32, #tpu.memory_space<hbm>>) target(%dma_start3A_38 : memref<8x128xi32, #tpu.memory_space<vmem>>) target_semaphore(%arg14 : memref<!tpu.dma_semaphore, #tpu.memory_space<semaphore_mem>>)
    %dma_start3A_41 = arith.constant 0 : i32
    %dma_start3A_42 = arith.constant 0 : i32
    %dma_start3A_43 = arith.constant 0 : i32
    %dma_start3A_44 = tpu.memref_slice %arg9[%dma_start3A_41, %dma_start3A_42, %dma_start3A_43] : memref<2x8x128xi32, #tpu.memory_space<vmem>> -> memref<1x8x128xi32, #tpu.memory_space<vmem>>
    %dma_start3A_45 = tpu.memref_squeeze %dma_start3A_44 : memref<1x8x128xi32, #tpu.memory_space<vmem>> -> memref<8x128xi32, #tpu.memory_space<vmem>>
    %dma_start3A_46 = arith.constant 0 : i32
    %dma_start3A_47 = tpu.memref_slice %arg4[%mul3A_2, %dma_start3A_46] : memref<2560x128xi32, #tpu.memory_space<hbm>> -> memref<8x128xi32, #tpu.memory_space<hbm>>
    %dma_start3A_48 = arith.constant 0 : i32
    %dma_start3A_49 = arith.constant 0 : i32
    %dma_start3A_50 = tpu.memref_slice %arg9[%dma_start3A_41, %dma_start3A_48, %dma_start3A_49] : memref<2x8x128xi32, #tpu.memory_space<vmem>> -> memref<1x8x128xi32, #tpu.memory_space<vmem>>
    %dma_start3A_51 = tpu.memref_squeeze %dma_start3A_50 : memref<1x8x128xi32, #tpu.memory_space<vmem>> -> memref<8x128xi32, #tpu.memory_space<vmem>>
    %dma_start3A_52 = arith.constant 0 : i32
    %dma_start3A_53 = tpu.memref_slice %arg4[%mul3A_2, %dma_start3A_52] : memref<2560x128xi32, #tpu.memory_space<hbm>> -> memref<8x128xi32, #tpu.memory_space<hbm>>
    tpu.enqueue_dma source(%dma_start3A_53 : memref<8x128xi32, #tpu.memory_space<hbm>>) target(%dma_start3A_51 : memref<8x128xi32, #tpu.memory_space<vmem>>) target_semaphore(%arg14 : memref<!tpu.dma_semaphore, #tpu.memory_space<semaphore_mem>>)
    %scan3A_54 = arith.constant 0 : i32
    %scan3A_55 = arith.constant 0 : i32
    %scan3A_56 = arith.constant 5 : i32
    %scan3A_57 = arith.addi %scan3A_55, %scan3A_56 : i32
    %scan3A_58 = arith.constant 1 : i32
    %scan3A_59 = scf.for %scan3A_69 = %scan3A_55 to %scan3A_57 step %scan3A_58 iter_args(%scan3A_70 = %scan3A_54) -> (i32)  : i32 {
      %mul3A_71 = arith.constant 2 : i32
      %mul3A_72 = arith.muli %mul3A_71, %scan3A_69 : i32
      %add3A_73 = arith.constant 0 : i32
      %add3A_74 = arith.addi %mul3A_72, %add3A_73 : i32
      %mul3A_75 = arith.constant 8 : i32
      %mul3A_76 = arith.muli %add3A_74, %mul3A_75 : i32
      %add3A_77 = arith.addi %mul3A_2, %mul3A_76 : i32
      %dma_wait3A = arith.constant 0 : i32
      %dma_wait3A_78 = arith.constant 0 : i32
      %dma_wait3A_79 = arith.constant 0 : i32
      %dma_wait3A_80 = tpu.memref_slice %arg8[%dma_wait3A, %dma_wait3A_78, %dma_wait3A_79] : memref<2x8x128xi32, #tpu.memory_space<vmem>> -> memref<1x8x128xi32, #tpu.memory_space<vmem>>
      %dma_wait3A_81 = tpu.memref_squeeze %dma_wait3A_80 : memref<1x8x128xi32, #tpu.memory_space<vmem>> -> memref<8x128xi32, #tpu.memory_space<vmem>>
      %dma_wait3A_82 = arith.constant 0 : i32
      %dma_wait3A_83 = tpu.memref_slice %arg3[%add3A_77, %dma_wait3A_82] : memref<2560x128xi32, #tpu.memory_space<hbm>> -> memref<8x128xi32, #tpu.memory_space<hbm>>
      %dma_wait3A_84 = arith.constant 0 : i32
      %dma_wait3A_85 = arith.constant 0 : i32
      %dma_wait3A_86 = tpu.memref_slice %arg8[%dma_wait3A, %dma_wait3A_84, %dma_wait3A_85] : memref<2x8x128xi32, #tpu.memory_space<vmem>> -> memref<1x8x128xi32, #tpu.memory_space<vmem>>
      %dma_wait3A_87 = tpu.memref_squeeze %dma_wait3A_86 : memref<1x8x128xi32, #tpu.memory_space<vmem>> -> memref<8x128xi32, #tpu.memory_space<vmem>>
      %dma_wait3A_88 = arith.constant 0 : i32
      %dma_wait3A_89 = tpu.memref_slice %arg3[%add3A_77, %dma_wait3A_88] : memref<2560x128xi32, #tpu.memory_space<hbm>> -> memref<8x128xi32, #tpu.memory_space<hbm>>
      tpu.wait_dma2 semaphore(%arg14 : memref<!tpu.dma_semaphore, #tpu.memory_space<semaphore_mem>>) src(%dma_wait3A_89 : memref<8x128xi32, #tpu.memory_space<hbm>>) dst(%dma_wait3A_87 : memref<8x128xi32, #tpu.memory_space<vmem>>)
      %dma_wait3A_90 = arith.constant 0 : i32
      %dma_wait3A_91 = arith.constant 0 : i32
      %dma_wait3A_92 = arith.constant 0 : i32
      %dma_wait3A_93 = tpu.memref_slice %arg9[%dma_wait3A_90, %dma_wait3A_91, %dma_wait3A_92] : memref<2x8x128xi32, #tpu.memory_space<vmem>> -> memref<1x8x128xi32, #tpu.memory_space<vmem>>
      %dma_wait3A_94 = tpu.memref_squeeze %dma_wait3A_93 : memref<1x8x128xi32, #tpu.memory_space<vmem>> -> memref<8x128xi32, #tpu.memory_space<vmem>>
      %dma_wait3A_95 = arith.constant 0 : i32
      %dma_wait3A_96 = tpu.memref_slice %arg4[%add3A_77, %dma_wait3A_95] : memref<2560x128xi32, #tpu.memory_space<hbm>> -> memref<8x128xi32, #tpu.memory_space<hbm>>
      %dma_wait3A_97 = arith.constant 0 : i32
      %dma_wait3A_98 = arith.constant 0 : i32
      %dma_wait3A_99 = tpu.memref_slice %arg9[%dma_wait3A_90, %dma_wait3A_97, %dma_wait3A_98] : memref<2x8x128xi32, #tpu.memory_space<vmem>> -> memref<1x8x128xi32, #tpu.memory_space<vmem>>
      %dma_wait3A_100 = tpu.memref_squeeze %dma_wait3A_99 : memref<1x8x128xi32, #tpu.memory_space<vmem>> -> memref<8x128xi32, #tpu.memory_space<vmem>>
      %dma_wait3A_101 = arith.constant 0 : i32
      %dma_wait3A_102 = tpu.memref_slice %arg4[%add3A_77, %dma_wait3A_101] : memref<2560x128xi32, #tpu.memory_space<hbm>> -> memref<8x128xi32, #tpu.memory_space<hbm>>
      tpu.wait_dma2 semaphore(%arg14 : memref<!tpu.dma_semaphore, #tpu.memory_space<semaphore_mem>>) src(%dma_wait3A_102 : memref<8x128xi32, #tpu.memory_space<hbm>>) dst(%dma_wait3A_100 : memref<8x128xi32, #tpu.memory_space<vmem>>)
      %add3A_103 = arith.constant 1 : i32
      %add3A_104 = arith.addi %add3A_74, %add3A_103 : i32
      %lt3A = arith.constant 10 : i32
      %lt3A_105 = arith.cmpi slt, %add3A_104, %lt3A : i32
      %convert_element_type3A_106 = arith.extui %lt3A_105 : i1 to i32
      %cond3A_107 = arith.constant 0 : i32
      %cond3A_108 = arith.cmpi ne, %convert_element_type3A_106, %cond3A_107 : i32
      scf.if %cond3A_108 {
        %add3A_437 = arith.constant 1 : i32
        %add3A_438 = arith.addi %add3A_74, %add3A_437 : i32
        %mul3A_439 = arith.constant 8 : i32
        %mul3A_440 = arith.muli %add3A_438, %mul3A_439 : i32
        %add3A_441 = arith.addi %mul3A_2, %mul3A_440 : i32
        %dma_start3A_442 = arith.constant 1 : i32
        %dma_start3A_443 = arith.constant 0 : i32
        %dma_start3A_444 = arith.constant 0 : i32
        %dma_start3A_445 = tpu.memref_slice %arg8[%dma_start3A_442, %dma_start3A_443, %dma_start3A_444] : memref<2x8x128xi32, #tpu.memory_space<vmem>> -> memref<1x8x128xi32, #tpu.memory_space<vmem>>
        %dma_start3A_446 = tpu.memref_squeeze %dma_start3A_445 : memref<1x8x128xi32, #tpu.memory_space<vmem>> -> memref<8x128xi32, #tpu.memory_space<vmem>>
        %dma_start3A_447 = arith.constant 0 : i32
        %dma_start3A_448 = tpu.memref_slice %arg3[%add3A_441, %dma_start3A_447] : memref<2560x128xi32, #tpu.memory_space<hbm>> -> memref<8x128xi32, #tpu.memory_space<hbm>>
        %dma_start3A_449 = arith.constant 0 : i32
        %dma_start3A_450 = arith.constant 0 : i32
        %dma_start3A_451 = tpu.memref_slice %arg8[%dma_start3A_442, %dma_start3A_449, %dma_start3A_450] : memref<2x8x128xi32, #tpu.memory_space<vmem>> -> memref<1x8x128xi32, #tpu.memory_space<vmem>>
        %dma_start3A_452 = tpu.memref_squeeze %dma_start3A_451 : memref<1x8x128xi32, #tpu.memory_space<vmem>> -> memref<8x128xi32, #tpu.memory_space<vmem>>
        %dma_start3A_453 = arith.constant 0 : i32
        %dma_start3A_454 = tpu.memref_slice %arg3[%add3A_441, %dma_start3A_453] : memref<2560x128xi32, #tpu.memory_space<hbm>> -> memref<8x128xi32, #tpu.memory_space<hbm>>
        tpu.enqueue_dma source(%dma_start3A_454 : memref<8x128xi32, #tpu.memory_space<hbm>>) target(%dma_start3A_452 : memref<8x128xi32, #tpu.memory_space<vmem>>) target_semaphore(%arg14 : memref<!tpu.dma_semaphore, #tpu.memory_space<semaphore_mem>>)
        %dma_start3A_455 = arith.constant 1 : i32
        %dma_start3A_456 = arith.constant 0 : i32
        %dma_start3A_457 = arith.constant 0 : i32
        %dma_start3A_458 = tpu.memref_slice %arg9[%dma_start3A_455, %dma_start3A_456, %dma_start3A_457] : memref<2x8x128xi32, #tpu.memory_space<vmem>> -> memref<1x8x128xi32, #tpu.memory_space<vmem>>
        %dma_start3A_459 = tpu.memref_squeeze %dma_start3A_458 : memref<1x8x128xi32, #tpu.memory_space<vmem>> -> memref<8x128xi32, #tpu.memory_space<vmem>>
        %dma_start3A_460 = arith.constant 0 : i32
        %dma_start3A_461 = tpu.memref_slice %arg4[%add3A_441, %dma_start3A_460] : memref<2560x128xi32, #tpu.memory_space<hbm>> -> memref<8x128xi32, #tpu.memory_space<hbm>>
        %dma_start3A_462 = arith.constant 0 : i32
        %dma_start3A_463 = arith.constant 0 : i32
        %dma_start3A_464 = tpu.memref_slice %arg9[%dma_start3A_455, %dma_start3A_462, %dma_start3A_463] : memref<2x8x128xi32, #tpu.memory_space<vmem>> -> memref<1x8x128xi32, #tpu.memory_space<vmem>>
        %dma_start3A_465 = tpu.memref_squeeze %dma_start3A_464 : memref<1x8x128xi32, #tpu.memory_space<vmem>> -> memref<8x128xi32, #tpu.memory_space<vmem>>
        %dma_start3A_466 = arith.constant 0 : i32
        %dma_start3A_467 = tpu.memref_slice %arg4[%add3A_441, %dma_start3A_466] : memref<2560x128xi32, #tpu.memory_space<hbm>> -> memref<8x128xi32, #tpu.memory_space<hbm>>
        tpu.enqueue_dma source(%dma_start3A_467 : memref<8x128xi32, #tpu.memory_space<hbm>>) target(%dma_start3A_465 : memref<8x128xi32, #tpu.memory_space<vmem>>) target_semaphore(%arg14 : memref<!tpu.dma_semaphore, #tpu.memory_space<semaphore_mem>>)
      } else {
      }
      %dma_start3A_109 = arith.constant 0 : i32
      %dma_start3A_110 = arith.constant 0 : i32
      %dma_start3A_111 = arith.constant 0 : i32
      %dma_start3A_112 = tpu.memref_slice %arg8[%dma_start3A_109, %dma_start3A_110, %dma_start3A_111] : memref<2x8x128xi32, #tpu.memory_space<vmem>> -> memref<1x1x128xi32, #tpu.memory_space<vmem>>
      %dma_start3A_113 = tpu.memref_squeeze %dma_start3A_112 : memref<1x1x128xi32, #tpu.memory_space<vmem>> -> memref<128xi32, #tpu.memory_space<vmem>>
      %dma_start3A_114 = arith.constant 0 : i32
      %dma_start3A_115 = arith.constant 0 : i32
      %dma_start3A_116 = tpu.memref_slice %arg2[%dma_start3A_114, %dma_start3A_115] : memref<10240x128xf32, #tpu.memory_space<hbm>> -> memref<10240x128xf32, #tpu.memory_space<hbm>>
      tpu.enqueue_indirect_dma source(%dma_start3A_116 : memref<10240x128xf32, #tpu.memory_space<hbm>>) target(%arg10 : memref<128x128xf32, #tpu.memory_space<vmem>>) offsets(%dma_start3A_113 : memref<128xi32, #tpu.memory_space<vmem>>) semaphore(%arg12 : memref<!tpu.dma_semaphore, #tpu.memory_space<semaphore_mem>>)
      %dma_start3A_117 = arith.constant 0 : i32
      %dma_start3A_118 = arith.constant 1 : i32
      %dma_start3A_119 = arith.constant 0 : i32
      %dma_start3A_120 = tpu.memref_slice %arg8[%dma_start3A_117, %dma_start3A_118, %dma_start3A_119] : memref<2x8x128xi32, #tpu.memory_space<vmem>> -> memref<1x1x128xi32, #tpu.memory_space<vmem>>
      %dma_start3A_121 = tpu.memref_squeeze %dma_start3A_120 : memref<1x1x128xi32, #tpu.memory_space<vmem>> -> memref<128xi32, #tpu.memory_space<vmem>>
      %dma_start3A_122 = arith.constant 0 : i32
      %dma_start3A_123 = arith.constant 0 : i32
      %dma_start3A_124 = tpu.memref_slice %arg2[%dma_start3A_122, %dma_start3A_123] : memref<10240x128xf32, #tpu.memory_space<hbm>> -> memref<10240x128xf32, #tpu.memory_space<hbm>>
      tpu.enqueue_indirect_dma source(%dma_start3A_124 : memref<10240x128xf32, #tpu.memory_space<hbm>>) target(%arg11 : memref<128x128xf32, #tpu.memory_space<vmem>>) offsets(%dma_start3A_121 : memref<128xi32, #tpu.memory_space<vmem>>) semaphore(%arg13 : memref<!tpu.dma_semaphore, #tpu.memory_space<semaphore_mem>>)
      %dma_wait3A_125 = arith.constant 0 : i32
      %dma_wait3A_126 = arith.constant 0 : i32
      %dma_wait3A_127 = arith.constant 0 : i32
      %dma_wait3A_128 = tpu.memref_slice %arg8[%dma_wait3A_125, %dma_wait3A_126, %dma_wait3A_127] : memref<2x8x128xi32, #tpu.memory_space<vmem>> -> memref<1x1x128xi32, #tpu.memory_space<vmem>>
      %dma_wait3A_129 = tpu.memref_squeeze %dma_wait3A_128 : memref<1x1x128xi32, #tpu.memory_space<vmem>> -> memref<128xi32, #tpu.memory_space<vmem>>
      %dma_wait3A_130 = arith.constant 0 : i32
      %dma_wait3A_131 = arith.constant 0 : i32
      %dma_wait3A_132 = tpu.memref_slice %arg2[%dma_wait3A_130, %dma_wait3A_131] : memref<10240x128xf32, #tpu.memory_space<hbm>> -> memref<10240x128xf32, #tpu.memory_space<hbm>>
      tpu.wait_indirect_dma semaphore(%arg12 : memref<!tpu.dma_semaphore, #tpu.memory_space<semaphore_mem>>) src(%dma_wait3A_132 : memref<10240x128xf32, #tpu.memory_space<hbm>>) dst(%arg10 : memref<128x128xf32, #tpu.memory_space<vmem>>)
      %run_scoped3A = arith.constant 0 : i32
      %run_scoped3A_133 = arith.constant 0 : i32
      "tpu.region"() ({
        %run_scoped3A_437 = tpu.sem_alloc : memref<!tpu.dma_semaphore, #tpu.memory_space<semaphore_mem>>
        %dma_start3A_438 = arith.constant 0 : i32
        %dma_start3A_439 = tpu.memref_slice %arg9[%run_scoped3A, %run_scoped3A_133, %dma_start3A_438] : memref<2x8x128xi32, #tpu.memory_space<vmem>> -> memref<1x1x128xi32, #tpu.memory_space<vmem>>
        %dma_start3A_440 = tpu.memref_squeeze %dma_start3A_439 : memref<1x1x128xi32, #tpu.memory_space<vmem>> -> memref<128xi32, #tpu.memory_space<vmem>>
        %dma_start3A_441 = arith.constant 0 : i32
        %dma_start3A_442 = arith.constant 0 : i32
        %dma_start3A_443 = tpu.memref_slice %arg7[%dma_start3A_441, %dma_start3A_442] : memref<10240x128xf32, #tpu.memory_space<vmem_shared>> -> memref<10240x128xf32, #tpu.memory_space<vmem_shared>>
        tpu.enqueue_indirect_dma source(%arg10 : memref<128x128xf32, #tpu.memory_space<vmem>>) target(%dma_start3A_443 : memref<10240x128xf32, #tpu.memory_space<vmem_shared>>) offsets(%dma_start3A_440 : memref<128xi32, #tpu.memory_space<vmem>>) semaphore(%run_scoped3A_437 : memref<!tpu.dma_semaphore, #tpu.memory_space<semaphore_mem>>) {add = true}
        %dma_wait3A_444 = arith.constant 0 : i32
        %dma_wait3A_445 = tpu.memref_slice %arg9[%run_scoped3A, %run_scoped3A_133, %dma_wait3A_444] : memref<2x8x128xi32, #tpu.memory_space<vmem>> -> memref<1x1x128xi32, #tpu.memory_space<vmem>>
        %dma_wait3A_446 = tpu.memref_squeeze %dma_wait3A_445 : memref<1x1x128xi32, #tpu.memory_space<vmem>> -> memref<128xi32, #tpu.memory_space<vmem>>
        %dma_wait3A_447 = arith.constant 0 : i32
        %dma_wait3A_448 = arith.constant 0 : i32
        %dma_wait3A_449 = tpu.memref_slice %arg7[%dma_wait3A_447, %dma_wait3A_448] : memref<10240x128xf32, #tpu.memory_space<vmem_shared>> -> memref<10240x128xf32, #tpu.memory_space<vmem_shared>>
        tpu.wait_indirect_dma semaphore(%run_scoped3A_437 : memref<!tpu.dma_semaphore, #tpu.memory_space<semaphore_mem>>) src(%arg10 : memref<128x128xf32, #tpu.memory_space<vmem>>) dst(%dma_wait3A_449 : memref<10240x128xf32, #tpu.memory_space<vmem_shared>>)
        tpu.yield
      }) : () -> ()
      %dma_start3A_134 = arith.constant 0 : i32
      %dma_start3A_135 = arith.constant 2 : i32
      %dma_start3A_136 = arith.constant 0 : i32
      %dma_start3A_137 = tpu.memref_slice %arg8[%dma_start3A_134, %dma_start3A_135, %dma_start3A_136] : memref<2x8x128xi32, #tpu.memory_space<vmem>> -> memref<1x1x128xi32, #tpu.memory_space<vmem>>
      %dma_start3A_138 = tpu.memref_squeeze %dma_start3A_137 : memref<1x1x128xi32, #tpu.memory_space<vmem>> -> memref<128xi32, #tpu.memory_space<vmem>>
      %dma_start3A_139 = arith.constant 0 : i32
      %dma_start3A_140 = arith.constant 0 : i32
      %dma_start3A_141 = tpu.memref_slice %arg2[%dma_start3A_139, %dma_start3A_140] : memref<10240x128xf32, #tpu.memory_space<hbm>> -> memref<10240x128xf32, #tpu.memory_space<hbm>>
      tpu.enqueue_indirect_dma source(%dma_start3A_141 : memref<10240x128xf32, #tpu.memory_space<hbm>>) target(%arg10 : memref<128x128xf32, #tpu.memory_space<vmem>>) offsets(%dma_start3A_138 : memref<128xi32, #tpu.memory_space<vmem>>) semaphore(%arg12 : memref<!tpu.dma_semaphore, #tpu.memory_space<semaphore_mem>>)
      %dma_wait3A_142 = arith.constant 0 : i32
      %dma_wait3A_143 = arith.constant 1 : i32
      %dma_wait3A_144 = arith.constant 0 : i32
      %dma_wait3A_145 = tpu.memref_slice %arg8[%dma_wait3A_142, %dma_wait3A_143, %dma_wait3A_144] : memref<2x8x128xi32, #tpu.memory_space<vmem>> -> memref<1x1x128xi32, #tpu.memory_space<vmem>>
      %dma_wait3A_146 = tpu.memref_squeeze %dma_wait3A_145 : memref<1x1x128xi32, #tpu.memory_space<vmem>> -> memref<128xi32, #tpu.memory_space<vmem>>
      %dma_wait3A_147 = arith.constant 0 : i32
      %dma_wait3A_148 = arith.constant 0 : i32
      %dma_wait3A_149 = tpu.memref_slice %arg2[%dma_wait3A_147, %dma_wait3A_148] : memref<10240x128xf32, #tpu.memory_space<hbm>> -> memref<10240x128xf32, #tpu.memory_space<hbm>>
      tpu.wait_indirect_dma semaphore(%arg13 : memref<!tpu.dma_semaphore, #tpu.memory_space<semaphore_mem>>) src(%dma_wait3A_149 : memref<10240x128xf32, #tpu.memory_space<hbm>>) dst(%arg11 : memref<128x128xf32, #tpu.memory_space<vmem>>)
      %run_scoped3A_150 = arith.constant 0 : i32
      %run_scoped3A_151 = arith.constant 1 : i32
      "tpu.region"() ({
        %run_scoped3A_437 = tpu.sem_alloc : memref<!tpu.dma_semaphore, #tpu.memory_space<semaphore_mem>>
        %dma_start3A_438 = arith.constant 0 : i32
        %dma_start3A_439 = tpu.memref_slice %arg9[%run_scoped3A_150, %run_scoped3A_151, %dma_start3A_438] : memref<2x8x128xi32, #tpu.memory_space<vmem>> -> memref<1x1x128xi32, #tpu.memory_space<vmem>>
        %dma_start3A_440 = tpu.memref_squeeze %dma_start3A_439 : memref<1x1x128xi32, #tpu.memory_space<vmem>> -> memref<128xi32, #tpu.memory_space<vmem>>
        %dma_start3A_441 = arith.constant 0 : i32
        %dma_start3A_442 = arith.constant 0 : i32
        %dma_start3A_443 = tpu.memref_slice %arg7[%dma_start3A_441, %dma_start3A_442] : memref<10240x128xf32, #tpu.memory_space<vmem_shared>> -> memref<10240x128xf32, #tpu.memory_space<vmem_shared>>
        tpu.enqueue_indirect_dma source(%arg11 : memref<128x128xf32, #tpu.memory_space<vmem>>) target(%dma_start3A_443 : memref<10240x128xf32, #tpu.memory_space<vmem_shared>>) offsets(%dma_start3A_440 : memref<128xi32, #tpu.memory_space<vmem>>) semaphore(%run_scoped3A_437 : memref<!tpu.dma_semaphore, #tpu.memory_space<semaphore_mem>>) {add = true}
        %dma_wait3A_444 = arith.constant 0 : i32
        %dma_wait3A_445 = tpu.memref_slice %arg9[%run_scoped3A_150, %run_scoped3A_151, %dma_wait3A_444] : memref<2x8x128xi32, #tpu.memory_space<vmem>> -> memref<1x1x128xi32, #tpu.memory_space<vmem>>
        %dma_wait3A_446 = tpu.memref_squeeze %dma_wait3A_445 : memref<1x1x128xi32, #tpu.memory_space<vmem>> -> memref<128xi32, #tpu.memory_space<vmem>>
        %dma_wait3A_447 = arith.constant 0 : i32
        %dma_wait3A_448 = arith.constant 0 : i32
        %dma_wait3A_449 = tpu.memref_slice %arg7[%dma_wait3A_447, %dma_wait3A_448] : memref<10240x128xf32, #tpu.memory_space<vmem_shared>> -> memref<10240x128xf32, #tpu.memory_space<vmem_shared>>
        tpu.wait_indirect_dma semaphore(%run_scoped3A_437 : memref<!tpu.dma_semaphore, #tpu.memory_space<semaphore_mem>>) src(%arg11 : memref<128x128xf32, #tpu.memory_space<vmem>>) dst(%dma_wait3A_449 : memref<10240x128xf32, #tpu.memory_space<vmem_shared>>)
        tpu.yield
      }) : () -> ()
      %dma_start3A_152 = arith.constant 0 : i32
      %dma_start3A_153 = arith.constant 3 : i32
      %dma_start3A_154 = arith.constant 0 : i32
      %dma_start3A_155 = tpu.memref_slice %arg8[%dma_start3A_152, %dma_start3A_153, %dma_start3A_154] : memref<2x8x128xi32, #tpu.memory_space<vmem>> -> memref<1x1x128xi32, #tpu.memory_space<vmem>>
      %dma_start3A_156 = tpu.memref_squeeze %dma_start3A_155 : memref<1x1x128xi32, #tpu.memory_space<vmem>> -> memref<128xi32, #tpu.memory_space<vmem>>
      %dma_start3A_157 = arith.constant 0 : i32
      %dma_start3A_158 = arith.constant 0 : i32
      %dma_start3A_159 = tpu.memref_slice %arg2[%dma_start3A_157, %dma_start3A_158] : memref<10240x128xf32, #tpu.memory_space<hbm>> -> memref<10240x128xf32, #tpu.memory_space<hbm>>
      tpu.enqueue_indirect_dma source(%dma_start3A_159 : memref<10240x128xf32, #tpu.memory_space<hbm>>) target(%arg11 : memref<128x128xf32, #tpu.memory_space<vmem>>) offsets(%dma_start3A_156 : memref<128xi32, #tpu.memory_space<vmem>>) semaphore(%arg13 : memref<!tpu.dma_semaphore, #tpu.memory_space<semaphore_mem>>)
      %dma_wait3A_160 = arith.constant 0 : i32
      %dma_wait3A_161 = arith.constant 2 : i32
      %dma_wait3A_162 = arith.constant 0 : i32
      %dma_wait3A_163 = tpu.memref_slice %arg8[%dma_wait3A_160, %dma_wait3A_161, %dma_wait3A_162] : memref<2x8x128xi32, #tpu.memory_space<vmem>> -> memref<1x1x128xi32, #tpu.memory_space<vmem>>
      %dma_wait3A_164 = tpu.memref_squeeze %dma_wait3A_163 : memref<1x1x128xi32, #tpu.memory_space<vmem>> -> memref<128xi32, #tpu.memory_space<vmem>>
      %dma_wait3A_165 = arith.constant 0 : i32
      %dma_wait3A_166 = arith.constant 0 : i32
      %dma_wait3A_167 = tpu.memref_slice %arg2[%dma_wait3A_165, %dma_wait3A_166] : memref<10240x128xf32, #tpu.memory_space<hbm>> -> memref<10240x128xf32, #tpu.memory_space<hbm>>
      tpu.wait_indirect_dma semaphore(%arg12 : memref<!tpu.dma_semaphore, #tpu.memory_space<semaphore_mem>>) src(%dma_wait3A_167 : memref<10240x128xf32, #tpu.memory_space<hbm>>) dst(%arg10 : memref<128x128xf32, #tpu.memory_space<vmem>>)
      %run_scoped3A_168 = arith.constant 0 : i32
      %run_scoped3A_169 = arith.constant 2 : i32
      "tpu.region"() ({
        %run_scoped3A_437 = tpu.sem_alloc : memref<!tpu.dma_semaphore, #tpu.memory_space<semaphore_mem>>
        %dma_start3A_438 = arith.constant 0 : i32
        %dma_start3A_439 = tpu.memref_slice %arg9[%run_scoped3A_168, %run_scoped3A_169, %dma_start3A_438] : memref<2x8x128xi32, #tpu.memory_space<vmem>> -> memref<1x1x128xi32, #tpu.memory_space<vmem>>
        %dma_start3A_440 = tpu.memref_squeeze %dma_start3A_439 : memref<1x1x128xi32, #tpu.memory_space<vmem>> -> memref<128xi32, #tpu.memory_space<vmem>>
        %dma_start3A_441 = arith.constant 0 : i32
        %dma_start3A_442 = arith.constant 0 : i32
        %dma_start3A_443 = tpu.memref_slice %arg7[%dma_start3A_441, %dma_start3A_442] : memref<10240x128xf32, #tpu.memory_space<vmem_shared>> -> memref<10240x128xf32, #tpu.memory_space<vmem_shared>>
        tpu.enqueue_indirect_dma source(%arg10 : memref<128x128xf32, #tpu.memory_space<vmem>>) target(%dma_start3A_443 : memref<10240x128xf32, #tpu.memory_space<vmem_shared>>) offsets(%dma_start3A_440 : memref<128xi32, #tpu.memory_space<vmem>>) semaphore(%run_scoped3A_437 : memref<!tpu.dma_semaphore, #tpu.memory_space<semaphore_mem>>) {add = true}
        %dma_wait3A_444 = arith.constant 0 : i32
        %dma_wait3A_445 = tpu.memref_slice %arg9[%run_scoped3A_168, %run_scoped3A_169, %dma_wait3A_444] : memref<2x8x128xi32, #tpu.memory_space<vmem>> -> memref<1x1x128xi32, #tpu.memory_space<vmem>>
        %dma_wait3A_446 = tpu.memref_squeeze %dma_wait3A_445 : memref<1x1x128xi32, #tpu.memory_space<vmem>> -> memref<128xi32, #tpu.memory_space<vmem>>
        %dma_wait3A_447 = arith.constant 0 : i32
        %dma_wait3A_448 = arith.constant 0 : i32
        %dma_wait3A_449 = tpu.memref_slice %arg7[%dma_wait3A_447, %dma_wait3A_448] : memref<10240x128xf32, #tpu.memory_space<vmem_shared>> -> memref<10240x128xf32, #tpu.memory_space<vmem_shared>>
        tpu.wait_indirect_dma semaphore(%run_scoped3A_437 : memref<!tpu.dma_semaphore, #tpu.memory_space<semaphore_mem>>) src(%arg10 : memref<128x128xf32, #tpu.memory_space<vmem>>) dst(%dma_wait3A_449 : memref<10240x128xf32, #tpu.memory_space<vmem_shared>>)
        tpu.yield
      }) : () -> ()
      %dma_start3A_170 = arith.constant 0 : i32
      %dma_start3A_171 = arith.constant 4 : i32
      %dma_start3A_172 = arith.constant 0 : i32
      %dma_start3A_173 = tpu.memref_slice %arg8[%dma_start3A_170, %dma_start3A_171, %dma_start3A_172] : memref<2x8x128xi32, #tpu.memory_space<vmem>> -> memref<1x1x128xi32, #tpu.memory_space<vmem>>
      %dma_start3A_174 = tpu.memref_squeeze %dma_start3A_173 : memref<1x1x128xi32, #tpu.memory_space<vmem>> -> memref<128xi32, #tpu.memory_space<vmem>>
      %dma_start3A_175 = arith.constant 0 : i32
      %dma_start3A_176 = arith.constant 0 : i32
      %dma_start3A_177 = tpu.memref_slice %arg2[%dma_start3A_175, %dma_start3A_176] : memref<10240x128xf32, #tpu.memory_space<hbm>> -> memref<10240x128xf32, #tpu.memory_space<hbm>>
      tpu.enqueue_indirect_dma source(%dma_start3A_177 : memref<10240x128xf32, #tpu.memory_space<hbm>>) target(%arg10 : memref<128x128xf32, #tpu.memory_space<vmem>>) offsets(%dma_start3A_174 : memref<128xi32, #tpu.memory_space<vmem>>) semaphore(%arg12 : memref<!tpu.dma_semaphore, #tpu.memory_space<semaphore_mem>>)
      %dma_wait3A_178 = arith.constant 0 : i32
      %dma_wait3A_179 = arith.constant 3 : i32
      %dma_wait3A_180 = arith.constant 0 : i32
      %dma_wait3A_181 = tpu.memref_slice %arg8[%dma_wait3A_178, %dma_wait3A_179, %dma_wait3A_180] : memref<2x8x128xi32, #tpu.memory_space<vmem>> -> memref<1x1x128xi32, #tpu.memory_space<vmem>>
      %dma_wait3A_182 = tpu.memref_squeeze %dma_wait3A_181 : memref<1x1x128xi32, #tpu.memory_space<vmem>> -> memref<128xi32, #tpu.memory_space<vmem>>
      %dma_wait3A_183 = arith.constant 0 : i32
      %dma_wait3A_184 = arith.constant 0 : i32
      %dma_wait3A_185 = tpu.memref_slice %arg2[%dma_wait3A_183, %dma_wait3A_184] : memref<10240x128xf32, #tpu.memory_space<hbm>> -> memref<10240x128xf32, #tpu.memory_space<hbm>>
      tpu.wait_indirect_dma semaphore(%arg13 : memref<!tpu.dma_semaphore, #tpu.memory_space<semaphore_mem>>) src(%dma_wait3A_185 : memref<10240x128xf32, #tpu.memory_space<hbm>>) dst(%arg11 : memref<128x128xf32, #tpu.memory_space<vmem>>)
      %run_scoped3A_186 = arith.constant 0 : i32
      %run_scoped3A_187 = arith.constant 3 : i32
      "tpu.region"() ({
        %run_scoped3A_437 = tpu.sem_alloc : memref<!tpu.dma_semaphore, #tpu.memory_space<semaphore_mem>>
        %dma_start3A_438 = arith.constant 0 : i32
        %dma_start3A_439 = tpu.memref_slice %arg9[%run_scoped3A_186, %run_scoped3A_187, %dma_start3A_438] : memref<2x8x128xi32, #tpu.memory_space<vmem>> -> memref<1x1x128xi32, #tpu.memory_space<vmem>>
        %dma_start3A_440 = tpu.memref_squeeze %dma_start3A_439 : memref<1x1x128xi32, #tpu.memory_space<vmem>> -> memref<128xi32, #tpu.memory_space<vmem>>
        %dma_start3A_441 = arith.constant 0 : i32
        %dma_start3A_442 = arith.constant 0 : i32
        %dma_start3A_443 = tpu.memref_slice %arg7[%dma_start3A_441, %dma_start3A_442] : memref<10240x128xf32, #tpu.memory_space<vmem_shared>> -> memref<10240x128xf32, #tpu.memory_space<vmem_shared>>
        tpu.enqueue_indirect_dma source(%arg11 : memref<128x128xf32, #tpu.memory_space<vmem>>) target(%dma_start3A_443 : memref<10240x128xf32, #tpu.memory_space<vmem_shared>>) offsets(%dma_start3A_440 : memref<128xi32, #tpu.memory_space<vmem>>) semaphore(%run_scoped3A_437 : memref<!tpu.dma_semaphore, #tpu.memory_space<semaphore_mem>>) {add = true}
        %dma_wait3A_444 = arith.constant 0 : i32
        %dma_wait3A_445 = tpu.memref_slice %arg9[%run_scoped3A_186, %run_scoped3A_187, %dma_wait3A_444] : memref<2x8x128xi32, #tpu.memory_space<vmem>> -> memref<1x1x128xi32, #tpu.memory_space<vmem>>
        %dma_wait3A_446 = tpu.memref_squeeze %dma_wait3A_445 : memref<1x1x128xi32, #tpu.memory_space<vmem>> -> memref<128xi32, #tpu.memory_space<vmem>>
        %dma_wait3A_447 = arith.constant 0 : i32
        %dma_wait3A_448 = arith.constant 0 : i32
        %dma_wait3A_449 = tpu.memref_slice %arg7[%dma_wait3A_447, %dma_wait3A_448] : memref<10240x128xf32, #tpu.memory_space<vmem_shared>> -> memref<10240x128xf32, #tpu.memory_space<vmem_shared>>
        tpu.wait_indirect_dma semaphore(%run_scoped3A_437 : memref<!tpu.dma_semaphore, #tpu.memory_space<semaphore_mem>>) src(%arg11 : memref<128x128xf32, #tpu.memory_space<vmem>>) dst(%dma_wait3A_449 : memref<10240x128xf32, #tpu.memory_space<vmem_shared>>)
        tpu.yield
      }) : () -> ()
      %dma_start3A_188 = arith.constant 0 : i32
      %dma_start3A_189 = arith.constant 5 : i32
      %dma_start3A_190 = arith.constant 0 : i32
      %dma_start3A_191 = tpu.memref_slice %arg8[%dma_start3A_188, %dma_start3A_189, %dma_start3A_190] : memref<2x8x128xi32, #tpu.memory_space<vmem>> -> memref<1x1x128xi32, #tpu.memory_space<vmem>>
      %dma_start3A_192 = tpu.memref_squeeze %dma_start3A_191 : memref<1x1x128xi32, #tpu.memory_space<vmem>> -> memref<128xi32, #tpu.memory_space<vmem>>
      %dma_start3A_193 = arith.constant 0 : i32
      %dma_start3A_194 = arith.constant 0 : i32
      %dma_start3A_195 = tpu.memref_slice %arg2[%dma_start3A_193, %dma_start3A_194] : memref<10240x128xf32, #tpu.memory_space<hbm>> -> memref<10240x128xf32, #tpu.memory_space<hbm>>
      tpu.enqueue_indirect_dma source(%dma_start3A_195 : memref<10240x128xf32, #tpu.memory_space<hbm>>) target(%arg11 : memref<128x128xf32, #tpu.memory_space<vmem>>) offsets(%dma_start3A_192 : memref<128xi32, #tpu.memory_space<vmem>>) semaphore(%arg13 : memref<!tpu.dma_semaphore, #tpu.memory_space<semaphore_mem>>)
      %dma_wait3A_196 = arith.constant 0 : i32
      %dma_wait3A_197 = arith.constant 4 : i32
      %dma_wait3A_198 = arith.constant 0 : i32
      %dma_wait3A_199 = tpu.memref_slice %arg8[%dma_wait3A_196, %dma_wait3A_197, %dma_wait3A_198] : memref<2x8x128xi32, #tpu.memory_space<vmem>> -> memref<1x1x128xi32, #tpu.memory_space<vmem>>
      %dma_wait3A_200 = tpu.memref_squeeze %dma_wait3A_199 : memref<1x1x128xi32, #tpu.memory_space<vmem>> -> memref<128xi32, #tpu.memory_space<vmem>>
      %dma_wait3A_201 = arith.constant 0 : i32
      %dma_wait3A_202 = arith.constant 0 : i32
      %dma_wait3A_203 = tpu.memref_slice %arg2[%dma_wait3A_201, %dma_wait3A_202] : memref<10240x128xf32, #tpu.memory_space<hbm>> -> memref<10240x128xf32, #tpu.memory_space<hbm>>
      tpu.wait_indirect_dma semaphore(%arg12 : memref<!tpu.dma_semaphore, #tpu.memory_space<semaphore_mem>>) src(%dma_wait3A_203 : memref<10240x128xf32, #tpu.memory_space<hbm>>) dst(%arg10 : memref<128x128xf32, #tpu.memory_space<vmem>>)
      %run_scoped3A_204 = arith.constant 0 : i32
      %run_scoped3A_205 = arith.constant 4 : i32
      "tpu.region"() ({
        %run_scoped3A_437 = tpu.sem_alloc : memref<!tpu.dma_semaphore, #tpu.memory_space<semaphore_mem>>
        %dma_start3A_438 = arith.constant 0 : i32
        %dma_start3A_439 = tpu.memref_slice %arg9[%run_scoped3A_204, %run_scoped3A_205, %dma_start3A_438] : memref<2x8x128xi32, #tpu.memory_space<vmem>> -> memref<1x1x128xi32, #tpu.memory_space<vmem>>
        %dma_start3A_440 = tpu.memref_squeeze %dma_start3A_439 : memref<1x1x128xi32, #tpu.memory_space<vmem>> -> memref<128xi32, #tpu.memory_space<vmem>>
        %dma_start3A_441 = arith.constant 0 : i32
        %dma_start3A_442 = arith.constant 0 : i32
        %dma_start3A_443 = tpu.memref_slice %arg7[%dma_start3A_441, %dma_start3A_442] : memref<10240x128xf32, #tpu.memory_space<vmem_shared>> -> memref<10240x128xf32, #tpu.memory_space<vmem_shared>>
        tpu.enqueue_indirect_dma source(%arg10 : memref<128x128xf32, #tpu.memory_space<vmem>>) target(%dma_start3A_443 : memref<10240x128xf32, #tpu.memory_space<vmem_shared>>) offsets(%dma_start3A_440 : memref<128xi32, #tpu.memory_space<vmem>>) semaphore(%run_scoped3A_437 : memref<!tpu.dma_semaphore, #tpu.memory_space<semaphore_mem>>) {add = true}
        %dma_wait3A_444 = arith.constant 0 : i32
        %dma_wait3A_445 = tpu.memref_slice %arg9[%run_scoped3A_204, %run_scoped3A_205, %dma_wait3A_444] : memref<2x8x128xi32, #tpu.memory_space<vmem>> -> memref<1x1x128xi32, #tpu.memory_space<vmem>>
        %dma_wait3A_446 = tpu.memref_squeeze %dma_wait3A_445 : memref<1x1x128xi32, #tpu.memory_space<vmem>> -> memref<128xi32, #tpu.memory_space<vmem>>
        %dma_wait3A_447 = arith.constant 0 : i32
        %dma_wait3A_448 = arith.constant 0 : i32
        %dma_wait3A_449 = tpu.memref_slice %arg7[%dma_wait3A_447, %dma_wait3A_448] : memref<10240x128xf32, #tpu.memory_space<vmem_shared>> -> memref<10240x128xf32, #tpu.memory_space<vmem_shared>>
        tpu.wait_indirect_dma semaphore(%run_scoped3A_437 : memref<!tpu.dma_semaphore, #tpu.memory_space<semaphore_mem>>) src(%arg10 : memref<128x128xf32, #tpu.memory_space<vmem>>) dst(%dma_wait3A_449 : memref<10240x128xf32, #tpu.memory_space<vmem_shared>>)
        tpu.yield
      }) : () -> ()
      %dma_start3A_206 = arith.constant 0 : i32
      %dma_start3A_207 = arith.constant 6 : i32
      %dma_start3A_208 = arith.constant 0 : i32
      %dma_start3A_209 = tpu.memref_slice %arg8[%dma_start3A_206, %dma_start3A_207, %dma_start3A_208] : memref<2x8x128xi32, #tpu.memory_space<vmem>> -> memref<1x1x128xi32, #tpu.memory_space<vmem>>
      %dma_start3A_210 = tpu.memref_squeeze %dma_start3A_209 : memref<1x1x128xi32, #tpu.memory_space<vmem>> -> memref<128xi32, #tpu.memory_space<vmem>>
      %dma_start3A_211 = arith.constant 0 : i32
      %dma_start3A_212 = arith.constant 0 : i32
      %dma_start3A_213 = tpu.memref_slice %arg2[%dma_start3A_211, %dma_start3A_212] : memref<10240x128xf32, #tpu.memory_space<hbm>> -> memref<10240x128xf32, #tpu.memory_space<hbm>>
      tpu.enqueue_indirect_dma source(%dma_start3A_213 : memref<10240x128xf32, #tpu.memory_space<hbm>>) target(%arg10 : memref<128x128xf32, #tpu.memory_space<vmem>>) offsets(%dma_start3A_210 : memref<128xi32, #tpu.memory_space<vmem>>) semaphore(%arg12 : memref<!tpu.dma_semaphore, #tpu.memory_space<semaphore_mem>>)
      %dma_wait3A_214 = arith.constant 0 : i32
      %dma_wait3A_215 = arith.constant 5 : i32
      %dma_wait3A_216 = arith.constant 0 : i32
      %dma_wait3A_217 = tpu.memref_slice %arg8[%dma_wait3A_214, %dma_wait3A_215, %dma_wait3A_216] : memref<2x8x128xi32, #tpu.memory_space<vmem>> -> memref<1x1x128xi32, #tpu.memory_space<vmem>>
      %dma_wait3A_218 = tpu.memref_squeeze %dma_wait3A_217 : memref<1x1x128xi32, #tpu.memory_space<vmem>> -> memref<128xi32, #tpu.memory_space<vmem>>
      %dma_wait3A_219 = arith.constant 0 : i32
      %dma_wait3A_220 = arith.constant 0 : i32
      %dma_wait3A_221 = tpu.memref_slice %arg2[%dma_wait3A_219, %dma_wait3A_220] : memref<10240x128xf32, #tpu.memory_space<hbm>> -> memref<10240x128xf32, #tpu.memory_space<hbm>>
      tpu.wait_indirect_dma semaphore(%arg13 : memref<!tpu.dma_semaphore, #tpu.memory_space<semaphore_mem>>) src(%dma_wait3A_221 : memref<10240x128xf32, #tpu.memory_space<hbm>>) dst(%arg11 : memref<128x128xf32, #tpu.memory_space<vmem>>)
      %run_scoped3A_222 = arith.constant 0 : i32
      %run_scoped3A_223 = arith.constant 5 : i32
      "tpu.region"() ({
        %run_scoped3A_437 = tpu.sem_alloc : memref<!tpu.dma_semaphore, #tpu.memory_space<semaphore_mem>>
        %dma_start3A_438 = arith.constant 0 : i32
        %dma_start3A_439 = tpu.memref_slice %arg9[%run_scoped3A_222, %run_scoped3A_223, %dma_start3A_438] : memref<2x8x128xi32, #tpu.memory_space<vmem>> -> memref<1x1x128xi32, #tpu.memory_space<vmem>>
        %dma_start3A_440 = tpu.memref_squeeze %dma_start3A_439 : memref<1x1x128xi32, #tpu.memory_space<vmem>> -> memref<128xi32, #tpu.memory_space<vmem>>
        %dma_start3A_441 = arith.constant 0 : i32
        %dma_start3A_442 = arith.constant 0 : i32
        %dma_start3A_443 = tpu.memref_slice %arg7[%dma_start3A_441, %dma_start3A_442] : memref<10240x128xf32, #tpu.memory_space<vmem_shared>> -> memref<10240x128xf32, #tpu.memory_space<vmem_shared>>
        tpu.enqueue_indirect_dma source(%arg11 : memref<128x128xf32, #tpu.memory_space<vmem>>) target(%dma_start3A_443 : memref<10240x128xf32, #tpu.memory_space<vmem_shared>>) offsets(%dma_start3A_440 : memref<128xi32, #tpu.memory_space<vmem>>) semaphore(%run_scoped3A_437 : memref<!tpu.dma_semaphore, #tpu.memory_space<semaphore_mem>>) {add = true}
        %dma_wait3A_444 = arith.constant 0 : i32
        %dma_wait3A_445 = tpu.memref_slice %arg9[%run_scoped3A_222, %run_scoped3A_223, %dma_wait3A_444] : memref<2x8x128xi32, #tpu.memory_space<vmem>> -> memref<1x1x128xi32, #tpu.memory_space<vmem>>
        %dma_wait3A_446 = tpu.memref_squeeze %dma_wait3A_445 : memref<1x1x128xi32, #tpu.memory_space<vmem>> -> memref<128xi32, #tpu.memory_space<vmem>>
        %dma_wait3A_447 = arith.constant 0 : i32
        %dma_wait3A_448 = arith.constant 0 : i32
        %dma_wait3A_449 = tpu.memref_slice %arg7[%dma_wait3A_447, %dma_wait3A_448] : memref<10240x128xf32, #tpu.memory_space<vmem_shared>> -> memref<10240x128xf32, #tpu.memory_space<vmem_shared>>
        tpu.wait_indirect_dma semaphore(%run_scoped3A_437 : memref<!tpu.dma_semaphore, #tpu.memory_space<semaphore_mem>>) src(%arg11 : memref<128x128xf32, #tpu.memory_space<vmem>>) dst(%dma_wait3A_449 : memref<10240x128xf32, #tpu.memory_space<vmem_shared>>)
        tpu.yield
      }) : () -> ()
      %dma_start3A_224 = arith.constant 0 : i32
      %dma_start3A_225 = arith.constant 7 : i32
      %dma_start3A_226 = arith.constant 0 : i32
      %dma_start3A_227 = tpu.memref_slice %arg8[%dma_start3A_224, %dma_start3A_225, %dma_start3A_226] : memref<2x8x128xi32, #tpu.memory_space<vmem>> -> memref<1x1x128xi32, #tpu.memory_space<vmem>>
      %dma_start3A_228 = tpu.memref_squeeze %dma_start3A_227 : memref<1x1x128xi32, #tpu.memory_space<vmem>> -> memref<128xi32, #tpu.memory_space<vmem>>
      %dma_start3A_229 = arith.constant 0 : i32
      %dma_start3A_230 = arith.constant 0 : i32
      %dma_start3A_231 = tpu.memref_slice %arg2[%dma_start3A_229, %dma_start3A_230] : memref<10240x128xf32, #tpu.memory_space<hbm>> -> memref<10240x128xf32, #tpu.memory_space<hbm>>
      tpu.enqueue_indirect_dma source(%dma_start3A_231 : memref<10240x128xf32, #tpu.memory_space<hbm>>) target(%arg11 : memref<128x128xf32, #tpu.memory_space<vmem>>) offsets(%dma_start3A_228 : memref<128xi32, #tpu.memory_space<vmem>>) semaphore(%arg13 : memref<!tpu.dma_semaphore, #tpu.memory_space<semaphore_mem>>)
      %dma_wait3A_232 = arith.constant 0 : i32
      %dma_wait3A_233 = arith.constant 6 : i32
      %dma_wait3A_234 = arith.constant 0 : i32
      %dma_wait3A_235 = tpu.memref_slice %arg8[%dma_wait3A_232, %dma_wait3A_233, %dma_wait3A_234] : memref<2x8x128xi32, #tpu.memory_space<vmem>> -> memref<1x1x128xi32, #tpu.memory_space<vmem>>
      %dma_wait3A_236 = tpu.memref_squeeze %dma_wait3A_235 : memref<1x1x128xi32, #tpu.memory_space<vmem>> -> memref<128xi32, #tpu.memory_space<vmem>>
      %dma_wait3A_237 = arith.constant 0 : i32
      %dma_wait3A_238 = arith.constant 0 : i32
      %dma_wait3A_239 = tpu.memref_slice %arg2[%dma_wait3A_237, %dma_wait3A_238] : memref<10240x128xf32, #tpu.memory_space<hbm>> -> memref<10240x128xf32, #tpu.memory_space<hbm>>
      tpu.wait_indirect_dma semaphore(%arg12 : memref<!tpu.dma_semaphore, #tpu.memory_space<semaphore_mem>>) src(%dma_wait3A_239 : memref<10240x128xf32, #tpu.memory_space<hbm>>) dst(%arg10 : memref<128x128xf32, #tpu.memory_space<vmem>>)
      %run_scoped3A_240 = arith.constant 0 : i32
      %run_scoped3A_241 = arith.constant 6 : i32
      "tpu.region"() ({
        %run_scoped3A_437 = tpu.sem_alloc : memref<!tpu.dma_semaphore, #tpu.memory_space<semaphore_mem>>
        %dma_start3A_438 = arith.constant 0 : i32
        %dma_start3A_439 = tpu.memref_slice %arg9[%run_scoped3A_240, %run_scoped3A_241, %dma_start3A_438] : memref<2x8x128xi32, #tpu.memory_space<vmem>> -> memref<1x1x128xi32, #tpu.memory_space<vmem>>
        %dma_start3A_440 = tpu.memref_squeeze %dma_start3A_439 : memref<1x1x128xi32, #tpu.memory_space<vmem>> -> memref<128xi32, #tpu.memory_space<vmem>>
        %dma_start3A_441 = arith.constant 0 : i32
        %dma_start3A_442 = arith.constant 0 : i32
        %dma_start3A_443 = tpu.memref_slice %arg7[%dma_start3A_441, %dma_start3A_442] : memref<10240x128xf32, #tpu.memory_space<vmem_shared>> -> memref<10240x128xf32, #tpu.memory_space<vmem_shared>>
        tpu.enqueue_indirect_dma source(%arg10 : memref<128x128xf32, #tpu.memory_space<vmem>>) target(%dma_start3A_443 : memref<10240x128xf32, #tpu.memory_space<vmem_shared>>) offsets(%dma_start3A_440 : memref<128xi32, #tpu.memory_space<vmem>>) semaphore(%run_scoped3A_437 : memref<!tpu.dma_semaphore, #tpu.memory_space<semaphore_mem>>) {add = true}
        %dma_wait3A_444 = arith.constant 0 : i32
        %dma_wait3A_445 = tpu.memref_slice %arg9[%run_scoped3A_240, %run_scoped3A_241, %dma_wait3A_444] : memref<2x8x128xi32, #tpu.memory_space<vmem>> -> memref<1x1x128xi32, #tpu.memory_space<vmem>>
        %dma_wait3A_446 = tpu.memref_squeeze %dma_wait3A_445 : memref<1x1x128xi32, #tpu.memory_space<vmem>> -> memref<128xi32, #tpu.memory_space<vmem>>
        %dma_wait3A_447 = arith.constant 0 : i32
        %dma_wait3A_448 = arith.constant 0 : i32
        %dma_wait3A_449 = tpu.memref_slice %arg7[%dma_wait3A_447, %dma_wait3A_448] : memref<10240x128xf32, #tpu.memory_space<vmem_shared>> -> memref<10240x128xf32, #tpu.memory_space<vmem_shared>>
        tpu.wait_indirect_dma semaphore(%run_scoped3A_437 : memref<!tpu.dma_semaphore, #tpu.memory_space<semaphore_mem>>) src(%arg10 : memref<128x128xf32, #tpu.memory_space<vmem>>) dst(%dma_wait3A_449 : memref<10240x128xf32, #tpu.memory_space<vmem_shared>>)
        tpu.yield
      }) : () -> ()
      %dma_wait3A_242 = arith.constant 0 : i32
      %dma_wait3A_243 = arith.constant 7 : i32
      %dma_wait3A_244 = arith.constant 0 : i32
      %dma_wait3A_245 = tpu.memref_slice %arg8[%dma_wait3A_242, %dma_wait3A_243, %dma_wait3A_244] : memref<2x8x128xi32, #tpu.memory_space<vmem>> -> memref<1x1x128xi32, #tpu.memory_space<vmem>>
      %dma_wait3A_246 = tpu.memref_squeeze %dma_wait3A_245 : memref<1x1x128xi32, #tpu.memory_space<vmem>> -> memref<128xi32, #tpu.memory_space<vmem>>
      %dma_wait3A_247 = arith.constant 0 : i32
      %dma_wait3A_248 = arith.constant 0 : i32
      %dma_wait3A_249 = tpu.memref_slice %arg2[%dma_wait3A_247, %dma_wait3A_248] : memref<10240x128xf32, #tpu.memory_space<hbm>> -> memref<10240x128xf32, #tpu.memory_space<hbm>>
      tpu.wait_indirect_dma semaphore(%arg13 : memref<!tpu.dma_semaphore, #tpu.memory_space<semaphore_mem>>) src(%dma_wait3A_249 : memref<10240x128xf32, #tpu.memory_space<hbm>>) dst(%arg11 : memref<128x128xf32, #tpu.memory_space<vmem>>)
      %run_scoped3A_250 = arith.constant 0 : i32
      %run_scoped3A_251 = arith.constant 7 : i32
      "tpu.region"() ({
        %run_scoped3A_437 = tpu.sem_alloc : memref<!tpu.dma_semaphore, #tpu.memory_space<semaphore_mem>>
        %dma_start3A_438 = arith.constant 0 : i32
        %dma_start3A_439 = tpu.memref_slice %arg9[%run_scoped3A_250, %run_scoped3A_251, %dma_start3A_438] : memref<2x8x128xi32, #tpu.memory_space<vmem>> -> memref<1x1x128xi32, #tpu.memory_space<vmem>>
        %dma_start3A_440 = tpu.memref_squeeze %dma_start3A_439 : memref<1x1x128xi32, #tpu.memory_space<vmem>> -> memref<128xi32, #tpu.memory_space<vmem>>
        %dma_start3A_441 = arith.constant 0 : i32
        %dma_start3A_442 = arith.constant 0 : i32
        %dma_start3A_443 = tpu.memref_slice %arg7[%dma_start3A_441, %dma_start3A_442] : memref<10240x128xf32, #tpu.memory_space<vmem_shared>> -> memref<10240x128xf32, #tpu.memory_space<vmem_shared>>
        tpu.enqueue_indirect_dma source(%arg11 : memref<128x128xf32, #tpu.memory_space<vmem>>) target(%dma_start3A_443 : memref<10240x128xf32, #tpu.memory_space<vmem_shared>>) offsets(%dma_start3A_440 : memref<128xi32, #tpu.memory_space<vmem>>) semaphore(%run_scoped3A_437 : memref<!tpu.dma_semaphore, #tpu.memory_space<semaphore_mem>>) {add = true}
        %dma_wait3A_444 = arith.constant 0 : i32
        %dma_wait3A_445 = tpu.memref_slice %arg9[%run_scoped3A_250, %run_scoped3A_251, %dma_wait3A_444] : memref<2x8x128xi32, #tpu.memory_space<vmem>> -> memref<1x1x128xi32, #tpu.memory_space<vmem>>
        %dma_wait3A_446 = tpu.memref_squeeze %dma_wait3A_445 : memref<1x1x128xi32, #tpu.memory_space<vmem>> -> memref<128xi32, #tpu.memory_space<vmem>>
        %dma_wait3A_447 = arith.constant 0 : i32
        %dma_wait3A_448 = arith.constant 0 : i32
        %dma_wait3A_449 = tpu.memref_slice %arg7[%dma_wait3A_447, %dma_wait3A_448] : memref<10240x128xf32, #tpu.memory_space<vmem_shared>> -> memref<10240x128xf32, #tpu.memory_space<vmem_shared>>
        tpu.wait_indirect_dma semaphore(%run_scoped3A_437 : memref<!tpu.dma_semaphore, #tpu.memory_space<semaphore_mem>>) src(%arg11 : memref<128x128xf32, #tpu.memory_space<vmem>>) dst(%dma_wait3A_449 : memref<10240x128xf32, #tpu.memory_space<vmem_shared>>)
        tpu.yield
      }) : () -> ()
      %mul3A_252 = arith.constant 2 : i32
      %mul3A_253 = arith.muli %mul3A_252, %scan3A_69 : i32
      %add3A_254 = arith.constant 1 : i32
      %add3A_255 = arith.addi %mul3A_253, %add3A_254 : i32
      %mul3A_256 = arith.constant 8 : i32
      %mul3A_257 = arith.muli %add3A_255, %mul3A_256 : i32
      %add3A_258 = arith.addi %mul3A_2, %mul3A_257 : i32
      %dma_wait3A_259 = arith.constant 1 : i32
      %dma_wait3A_260 = arith.constant 0 : i32
      %dma_wait3A_261 = arith.constant 0 : i32
      %dma_wait3A_262 = tpu.memref_slice %arg8[%dma_wait3A_259, %dma_wait3A_260, %dma_wait3A_261] : memref<2x8x128xi32, #tpu.memory_space<vmem>> -> memref<1x8x128xi32, #tpu.memory_space<vmem>>
      %dma_wait3A_263 = tpu.memref_squeeze %dma_wait3A_262 : memref<1x8x128xi32, #tpu.memory_space<vmem>> -> memref<8x128xi32, #tpu.memory_space<vmem>>
      %dma_wait3A_264 = arith.constant 0 : i32
      %dma_wait3A_265 = tpu.memref_slice %arg3[%add3A_258, %dma_wait3A_264] : memref<2560x128xi32, #tpu.memory_space<hbm>> -> memref<8x128xi32, #tpu.memory_space<hbm>>
      %dma_wait3A_266 = arith.constant 0 : i32
      %dma_wait3A_267 = arith.constant 0 : i32
      %dma_wait3A_268 = tpu.memref_slice %arg8[%dma_wait3A_259, %dma_wait3A_266, %dma_wait3A_267] : memref<2x8x128xi32, #tpu.memory_space<vmem>> -> memref<1x8x128xi32, #tpu.memory_space<vmem>>
      %dma_wait3A_269 = tpu.memref_squeeze %dma_wait3A_268 : memref<1x8x128xi32, #tpu.memory_space<vmem>> -> memref<8x128xi32, #tpu.memory_space<vmem>>
      %dma_wait3A_270 = arith.constant 0 : i32
      %dma_wait3A_271 = tpu.memref_slice %arg3[%add3A_258, %dma_wait3A_270] : memref<2560x128xi32, #tpu.memory_space<hbm>> -> memref<8x128xi32, #tpu.memory_space<hbm>>
      tpu.wait_dma2 semaphore(%arg14 : memref<!tpu.dma_semaphore, #tpu.memory_space<semaphore_mem>>) src(%dma_wait3A_271 : memref<8x128xi32, #tpu.memory_space<hbm>>) dst(%dma_wait3A_269 : memref<8x128xi32, #tpu.memory_space<vmem>>)
      %dma_wait3A_272 = arith.constant 1 : i32
      %dma_wait3A_273 = arith.constant 0 : i32
      %dma_wait3A_274 = arith.constant 0 : i32
      %dma_wait3A_275 = tpu.memref_slice %arg9[%dma_wait3A_272, %dma_wait3A_273, %dma_wait3A_274] : memref<2x8x128xi32, #tpu.memory_space<vmem>> -> memref<1x8x128xi32, #tpu.memory_space<vmem>>
      %dma_wait3A_276 = tpu.memref_squeeze %dma_wait3A_275 : memref<1x8x128xi32, #tpu.memory_space<vmem>> -> memref<8x128xi32, #tpu.memory_space<vmem>>
      %dma_wait3A_277 = arith.constant 0 : i32
      %dma_wait3A_278 = tpu.memref_slice %arg4[%add3A_258, %dma_wait3A_277] : memref<2560x128xi32, #tpu.memory_space<hbm>> -> memref<8x128xi32, #tpu.memory_space<hbm>>
      %dma_wait3A_279 = arith.constant 0 : i32
      %dma_wait3A_280 = arith.constant 0 : i32
      %dma_wait3A_281 = tpu.memref_slice %arg9[%dma_wait3A_272, %dma_wait3A_279, %dma_wait3A_280] : memref<2x8x128xi32, #tpu.memory_space<vmem>> -> memref<1x8x128xi32, #tpu.memory_space<vmem>>
      %dma_wait3A_282 = tpu.memref_squeeze %dma_wait3A_281 : memref<1x8x128xi32, #tpu.memory_space<vmem>> -> memref<8x128xi32, #tpu.memory_space<vmem>>
      %dma_wait3A_283 = arith.constant 0 : i32
      %dma_wait3A_284 = tpu.memref_slice %arg4[%add3A_258, %dma_wait3A_283] : memref<2560x128xi32, #tpu.memory_space<hbm>> -> memref<8x128xi32, #tpu.memory_space<hbm>>
      tpu.wait_dma2 semaphore(%arg14 : memref<!tpu.dma_semaphore, #tpu.memory_space<semaphore_mem>>) src(%dma_wait3A_284 : memref<8x128xi32, #tpu.memory_space<hbm>>) dst(%dma_wait3A_282 : memref<8x128xi32, #tpu.memory_space<vmem>>)
      %add3A_285 = arith.constant 1 : i32
      %add3A_286 = arith.addi %add3A_255, %add3A_285 : i32
      %lt3A_287 = arith.constant 10 : i32
      %lt3A_288 = arith.cmpi slt, %add3A_286, %lt3A_287 : i32
      %convert_element_type3A_289 = arith.extui %lt3A_288 : i1 to i32
      %cond3A_290 = arith.constant 0 : i32
      %cond3A_291 = arith.cmpi ne, %convert_element_type3A_289, %cond3A_290 : i32
      scf.if %cond3A_291 {
        %add3A_437 = arith.constant 1 : i32
        %add3A_438 = arith.addi %add3A_255, %add3A_437 : i32
        %mul3A_439 = arith.constant 8 : i32
        %mul3A_440 = arith.muli %add3A_438, %mul3A_439 : i32
        %add3A_441 = arith.addi %mul3A_2, %mul3A_440 : i32
        %dma_start3A_442 = arith.constant 0 : i32
        %dma_start3A_443 = arith.constant 0 : i32
        %dma_start3A_444 = arith.constant 0 : i32
        %dma_start3A_445 = tpu.memref_slice %arg8[%dma_start3A_442, %dma_start3A_443, %dma_start3A_444] : memref<2x8x128xi32, #tpu.memory_space<vmem>> -> memref<1x8x128xi32, #tpu.memory_space<vmem>>
        %dma_start3A_446 = tpu.memref_squeeze %dma_start3A_445 : memref<1x8x128xi32, #tpu.memory_space<vmem>> -> memref<8x128xi32, #tpu.memory_space<vmem>>
        %dma_start3A_447 = arith.constant 0 : i32
        %dma_start3A_448 = tpu.memref_slice %arg3[%add3A_441, %dma_start3A_447] : memref<2560x128xi32, #tpu.memory_space<hbm>> -> memref<8x128xi32, #tpu.memory_space<hbm>>
        %dma_start3A_449 = arith.constant 0 : i32
        %dma_start3A_450 = arith.constant 0 : i32
        %dma_start3A_451 = tpu.memref_slice %arg8[%dma_start3A_442, %dma_start3A_449, %dma_start3A_450] : memref<2x8x128xi32, #tpu.memory_space<vmem>> -> memref<1x8x128xi32, #tpu.memory_space<vmem>>
        %dma_start3A_452 = tpu.memref_squeeze %dma_start3A_451 : memref<1x8x128xi32, #tpu.memory_space<vmem>> -> memref<8x128xi32, #tpu.memory_space<vmem>>
        %dma_start3A_453 = arith.constant 0 : i32
        %dma_start3A_454 = tpu.memref_slice %arg3[%add3A_441, %dma_start3A_453] : memref<2560x128xi32, #tpu.memory_space<hbm>> -> memref<8x128xi32, #tpu.memory_space<hbm>>
        tpu.enqueue_dma source(%dma_start3A_454 : memref<8x128xi32, #tpu.memory_space<hbm>>) target(%dma_start3A_452 : memref<8x128xi32, #tpu.memory_space<vmem>>) target_semaphore(%arg14 : memref<!tpu.dma_semaphore, #tpu.memory_space<semaphore_mem>>)
        %dma_start3A_455 = arith.constant 0 : i32
        %dma_start3A_456 = arith.constant 0 : i32
        %dma_start3A_457 = arith.constant 0 : i32
        %dma_start3A_458 = tpu.memref_slice %arg9[%dma_start3A_455, %dma_start3A_456, %dma_start3A_457] : memref<2x8x128xi32, #tpu.memory_space<vmem>> -> memref<1x8x128xi32, #tpu.memory_space<vmem>>
        %dma_start3A_459 = tpu.memref_squeeze %dma_start3A_458 : memref<1x8x128xi32, #tpu.memory_space<vmem>> -> memref<8x128xi32, #tpu.memory_space<vmem>>
        %dma_start3A_460 = arith.constant 0 : i32
        %dma_start3A_461 = tpu.memref_slice %arg4[%add3A_441, %dma_start3A_460] : memref<2560x128xi32, #tpu.memory_space<hbm>> -> memref<8x128xi32, #tpu.memory_space<hbm>>
        %dma_start3A_462 = arith.constant 0 : i32
        %dma_start3A_463 = arith.constant 0 : i32
        %dma_start3A_464 = tpu.memref_slice %arg9[%dma_start3A_455, %dma_start3A_462, %dma_start3A_463] : memref<2x8x128xi32, #tpu.memory_space<vmem>> -> memref<1x8x128xi32, #tpu.memory_space<vmem>>
        %dma_start3A_465 = tpu.memref_squeeze %dma_start3A_464 : memref<1x8x128xi32, #tpu.memory_space<vmem>> -> memref<8x128xi32, #tpu.memory_space<vmem>>
        %dma_start3A_466 = arith.constant 0 : i32
        %dma_start3A_467 = tpu.memref_slice %arg4[%add3A_441, %dma_start3A_466] : memref<2560x128xi32, #tpu.memory_space<hbm>> -> memref<8x128xi32, #tpu.memory_space<hbm>>
        tpu.enqueue_dma source(%dma_start3A_467 : memref<8x128xi32, #tpu.memory_space<hbm>>) target(%dma_start3A_465 : memref<8x128xi32, #tpu.memory_space<vmem>>) target_semaphore(%arg14 : memref<!tpu.dma_semaphore, #tpu.memory_space<semaphore_mem>>)
      } else {
      }
      %dma_start3A_292 = arith.constant 1 : i32
      %dma_start3A_293 = arith.constant 0 : i32
      %dma_start3A_294 = arith.constant 0 : i32
      %dma_start3A_295 = tpu.memref_slice %arg8[%dma_start3A_292, %dma_start3A_293, %dma_start3A_294] : memref<2x8x128xi32, #tpu.memory_space<vmem>> -> memref<1x1x128xi32, #tpu.memory_space<vmem>>
      %dma_start3A_296 = tpu.memref_squeeze %dma_start3A_295 : memref<1x1x128xi32, #tpu.memory_space<vmem>> -> memref<128xi32, #tpu.memory_space<vmem>>
      %dma_start3A_297 = arith.constant 0 : i32
      %dma_start3A_298 = arith.constant 0 : i32
      %dma_start3A_299 = tpu.memref_slice %arg2[%dma_start3A_297, %dma_start3A_298] : memref<10240x128xf32, #tpu.memory_space<hbm>> -> memref<10240x128xf32, #tpu.memory_space<hbm>>
      tpu.enqueue_indirect_dma source(%dma_start3A_299 : memref<10240x128xf32, #tpu.memory_space<hbm>>) target(%arg10 : memref<128x128xf32, #tpu.memory_space<vmem>>) offsets(%dma_start3A_296 : memref<128xi32, #tpu.memory_space<vmem>>) semaphore(%arg12 : memref<!tpu.dma_semaphore, #tpu.memory_space<semaphore_mem>>)
      %dma_start3A_300 = arith.constant 1 : i32
      %dma_start3A_301 = arith.constant 1 : i32
      %dma_start3A_302 = arith.constant 0 : i32
      %dma_start3A_303 = tpu.memref_slice %arg8[%dma_start3A_300, %dma_start3A_301, %dma_start3A_302] : memref<2x8x128xi32, #tpu.memory_space<vmem>> -> memref<1x1x128xi32, #tpu.memory_space<vmem>>
      %dma_start3A_304 = tpu.memref_squeeze %dma_start3A_303 : memref<1x1x128xi32, #tpu.memory_space<vmem>> -> memref<128xi32, #tpu.memory_space<vmem>>
      %dma_start3A_305 = arith.constant 0 : i32
      %dma_start3A_306 = arith.constant 0 : i32
      %dma_start3A_307 = tpu.memref_slice %arg2[%dma_start3A_305, %dma_start3A_306] : memref<10240x128xf32, #tpu.memory_space<hbm>> -> memref<10240x128xf32, #tpu.memory_space<hbm>>
      tpu.enqueue_indirect_dma source(%dma_start3A_307 : memref<10240x128xf32, #tpu.memory_space<hbm>>) target(%arg11 : memref<128x128xf32, #tpu.memory_space<vmem>>) offsets(%dma_start3A_304 : memref<128xi32, #tpu.memory_space<vmem>>) semaphore(%arg13 : memref<!tpu.dma_semaphore, #tpu.memory_space<semaphore_mem>>)
      %dma_wait3A_308 = arith.constant 1 : i32
      %dma_wait3A_309 = arith.constant 0 : i32
      %dma_wait3A_310 = arith.constant 0 : i32
      %dma_wait3A_311 = tpu.memref_slice %arg8[%dma_wait3A_308, %dma_wait3A_309, %dma_wait3A_310] : memref<2x8x128xi32, #tpu.memory_space<vmem>> -> memref<1x1x128xi32, #tpu.memory_space<vmem>>
      %dma_wait3A_312 = tpu.memref_squeeze %dma_wait3A_311 : memref<1x1x128xi32, #tpu.memory_space<vmem>> -> memref<128xi32, #tpu.memory_space<vmem>>
      %dma_wait3A_313 = arith.constant 0 : i32
      %dma_wait3A_314 = arith.constant 0 : i32
      %dma_wait3A_315 = tpu.memref_slice %arg2[%dma_wait3A_313, %dma_wait3A_314] : memref<10240x128xf32, #tpu.memory_space<hbm>> -> memref<10240x128xf32, #tpu.memory_space<hbm>>
      tpu.wait_indirect_dma semaphore(%arg12 : memref<!tpu.dma_semaphore, #tpu.memory_space<semaphore_mem>>) src(%dma_wait3A_315 : memref<10240x128xf32, #tpu.memory_space<hbm>>) dst(%arg10 : memref<128x128xf32, #tpu.memory_space<vmem>>)
      %run_scoped3A_316 = arith.constant 1 : i32
      %run_scoped3A_317 = arith.constant 0 : i32
      "tpu.region"() ({
        %run_scoped3A_437 = tpu.sem_alloc : memref<!tpu.dma_semaphore, #tpu.memory_space<semaphore_mem>>
        %dma_start3A_438 = arith.constant 0 : i32
        %dma_start3A_439 = tpu.memref_slice %arg9[%run_scoped3A_316, %run_scoped3A_317, %dma_start3A_438] : memref<2x8x128xi32, #tpu.memory_space<vmem>> -> memref<1x1x128xi32, #tpu.memory_space<vmem>>
        %dma_start3A_440 = tpu.memref_squeeze %dma_start3A_439 : memref<1x1x128xi32, #tpu.memory_space<vmem>> -> memref<128xi32, #tpu.memory_space<vmem>>
        %dma_start3A_441 = arith.constant 0 : i32
        %dma_start3A_442 = arith.constant 0 : i32
        %dma_start3A_443 = tpu.memref_slice %arg7[%dma_start3A_441, %dma_start3A_442] : memref<10240x128xf32, #tpu.memory_space<vmem_shared>> -> memref<10240x128xf32, #tpu.memory_space<vmem_shared>>
        tpu.enqueue_indirect_dma source(%arg10 : memref<128x128xf32, #tpu.memory_space<vmem>>) target(%dma_start3A_443 : memref<10240x128xf32, #tpu.memory_space<vmem_shared>>) offsets(%dma_start3A_440 : memref<128xi32, #tpu.memory_space<vmem>>) semaphore(%run_scoped3A_437 : memref<!tpu.dma_semaphore, #tpu.memory_space<semaphore_mem>>) {add = true}
        %dma_wait3A_444 = arith.constant 0 : i32
        %dma_wait3A_445 = tpu.memref_slice %arg9[%run_scoped3A_316, %run_scoped3A_317, %dma_wait3A_444] : memref<2x8x128xi32, #tpu.memory_space<vmem>> -> memref<1x1x128xi32, #tpu.memory_space<vmem>>
        %dma_wait3A_446 = tpu.memref_squeeze %dma_wait3A_445 : memref<1x1x128xi32, #tpu.memory_space<vmem>> -> memref<128xi32, #tpu.memory_space<vmem>>
        %dma_wait3A_447 = arith.constant 0 : i32
        %dma_wait3A_448 = arith.constant 0 : i32
        %dma_wait3A_449 = tpu.memref_slice %arg7[%dma_wait3A_447, %dma_wait3A_448] : memref<10240x128xf32, #tpu.memory_space<vmem_shared>> -> memref<10240x128xf32, #tpu.memory_space<vmem_shared>>
        tpu.wait_indirect_dma semaphore(%run_scoped3A_437 : memref<!tpu.dma_semaphore, #tpu.memory_space<semaphore_mem>>) src(%arg10 : memref<128x128xf32, #tpu.memory_space<vmem>>) dst(%dma_wait3A_449 : memref<10240x128xf32, #tpu.memory_space<vmem_shared>>)
        tpu.yield
      }) : () -> ()
      %dma_start3A_318 = arith.constant 1 : i32
      %dma_start3A_319 = arith.constant 2 : i32
      %dma_start3A_320 = arith.constant 0 : i32
      %dma_start3A_321 = tpu.memref_slice %arg8[%dma_start3A_318, %dma_start3A_319, %dma_start3A_320] : memref<2x8x128xi32, #tpu.memory_space<vmem>> -> memref<1x1x128xi32, #tpu.memory_space<vmem>>
      %dma_start3A_322 = tpu.memref_squeeze %dma_start3A_321 : memref<1x1x128xi32, #tpu.memory_space<vmem>> -> memref<128xi32, #tpu.memory_space<vmem>>
      %dma_start3A_323 = arith.constant 0 : i32
      %dma_start3A_324 = arith.constant 0 : i32
      %dma_start3A_325 = tpu.memref_slice %arg2[%dma_start3A_323, %dma_start3A_324] : memref<10240x128xf32, #tpu.memory_space<hbm>> -> memref<10240x128xf32, #tpu.memory_space<hbm>>
      tpu.enqueue_indirect_dma source(%dma_start3A_325 : memref<10240x128xf32, #tpu.memory_space<hbm>>) target(%arg10 : memref<128x128xf32, #tpu.memory_space<vmem>>) offsets(%dma_start3A_322 : memref<128xi32, #tpu.memory_space<vmem>>) semaphore(%arg12 : memref<!tpu.dma_semaphore, #tpu.memory_space<semaphore_mem>>)
      %dma_wait3A_326 = arith.constant 1 : i32
      %dma_wait3A_327 = arith.constant 1 : i32
      %dma_wait3A_328 = arith.constant 0 : i32
      %dma_wait3A_329 = tpu.memref_slice %arg8[%dma_wait3A_326, %dma_wait3A_327, %dma_wait3A_328] : memref<2x8x128xi32, #tpu.memory_space<vmem>> -> memref<1x1x128xi32, #tpu.memory_space<vmem>>
      %dma_wait3A_330 = tpu.memref_squeeze %dma_wait3A_329 : memref<1x1x128xi32, #tpu.memory_space<vmem>> -> memref<128xi32, #tpu.memory_space<vmem>>
      %dma_wait3A_331 = arith.constant 0 : i32
      %dma_wait3A_332 = arith.constant 0 : i32
      %dma_wait3A_333 = tpu.memref_slice %arg2[%dma_wait3A_331, %dma_wait3A_332] : memref<10240x128xf32, #tpu.memory_space<hbm>> -> memref<10240x128xf32, #tpu.memory_space<hbm>>
      tpu.wait_indirect_dma semaphore(%arg13 : memref<!tpu.dma_semaphore, #tpu.memory_space<semaphore_mem>>) src(%dma_wait3A_333 : memref<10240x128xf32, #tpu.memory_space<hbm>>) dst(%arg11 : memref<128x128xf32, #tpu.memory_space<vmem>>)
      %run_scoped3A_334 = arith.constant 1 : i32
      %run_scoped3A_335 = arith.constant 1 : i32
      "tpu.region"() ({
        %run_scoped3A_437 = tpu.sem_alloc : memref<!tpu.dma_semaphore, #tpu.memory_space<semaphore_mem>>
        %dma_start3A_438 = arith.constant 0 : i32
        %dma_start3A_439 = tpu.memref_slice %arg9[%run_scoped3A_334, %run_scoped3A_335, %dma_start3A_438] : memref<2x8x128xi32, #tpu.memory_space<vmem>> -> memref<1x1x128xi32, #tpu.memory_space<vmem>>
        %dma_start3A_440 = tpu.memref_squeeze %dma_start3A_439 : memref<1x1x128xi32, #tpu.memory_space<vmem>> -> memref<128xi32, #tpu.memory_space<vmem>>
        %dma_start3A_441 = arith.constant 0 : i32
        %dma_start3A_442 = arith.constant 0 : i32
        %dma_start3A_443 = tpu.memref_slice %arg7[%dma_start3A_441, %dma_start3A_442] : memref<10240x128xf32, #tpu.memory_space<vmem_shared>> -> memref<10240x128xf32, #tpu.memory_space<vmem_shared>>
        tpu.enqueue_indirect_dma source(%arg11 : memref<128x128xf32, #tpu.memory_space<vmem>>) target(%dma_start3A_443 : memref<10240x128xf32, #tpu.memory_space<vmem_shared>>) offsets(%dma_start3A_440 : memref<128xi32, #tpu.memory_space<vmem>>) semaphore(%run_scoped3A_437 : memref<!tpu.dma_semaphore, #tpu.memory_space<semaphore_mem>>) {add = true}
        %dma_wait3A_444 = arith.constant 0 : i32
        %dma_wait3A_445 = tpu.memref_slice %arg9[%run_scoped3A_334, %run_scoped3A_335, %dma_wait3A_444] : memref<2x8x128xi32, #tpu.memory_space<vmem>> -> memref<1x1x128xi32, #tpu.memory_space<vmem>>
        %dma_wait3A_446 = tpu.memref_squeeze %dma_wait3A_445 : memref<1x1x128xi32, #tpu.memory_space<vmem>> -> memref<128xi32, #tpu.memory_space<vmem>>
        %dma_wait3A_447 = arith.constant 0 : i32
        %dma_wait3A_448 = arith.constant 0 : i32
        %dma_wait3A_449 = tpu.memref_slice %arg7[%dma_wait3A_447, %dma_wait3A_448] : memref<10240x128xf32, #tpu.memory_space<vmem_shared>> -> memref<10240x128xf32, #tpu.memory_space<vmem_shared>>
        tpu.wait_indirect_dma semaphore(%run_scoped3A_437 : memref<!tpu.dma_semaphore, #tpu.memory_space<semaphore_mem>>) src(%arg11 : memref<128x128xf32, #tpu.memory_space<vmem>>) dst(%dma_wait3A_449 : memref<10240x128xf32, #tpu.memory_space<vmem_shared>>)
        tpu.yield
      }) : () -> ()
      %dma_start3A_336 = arith.constant 1 : i32
      %dma_start3A_337 = arith.constant 3 : i32
      %dma_start3A_338 = arith.constant 0 : i32
      %dma_start3A_339 = tpu.memref_slice %arg8[%dma_start3A_336, %dma_start3A_337, %dma_start3A_338] : memref<2x8x128xi32, #tpu.memory_space<vmem>> -> memref<1x1x128xi32, #tpu.memory_space<vmem>>
      %dma_start3A_340 = tpu.memref_squeeze %dma_start3A_339 : memref<1x1x128xi32, #tpu.memory_space<vmem>> -> memref<128xi32, #tpu.memory_space<vmem>>
      %dma_start3A_341 = arith.constant 0 : i32
      %dma_start3A_342 = arith.constant 0 : i32
      %dma_start3A_343 = tpu.memref_slice %arg2[%dma_start3A_341, %dma_start3A_342] : memref<10240x128xf32, #tpu.memory_space<hbm>> -> memref<10240x128xf32, #tpu.memory_space<hbm>>
      tpu.enqueue_indirect_dma source(%dma_start3A_343 : memref<10240x128xf32, #tpu.memory_space<hbm>>) target(%arg11 : memref<128x128xf32, #tpu.memory_space<vmem>>) offsets(%dma_start3A_340 : memref<128xi32, #tpu.memory_space<vmem>>) semaphore(%arg13 : memref<!tpu.dma_semaphore, #tpu.memory_space<semaphore_mem>>)
      %dma_wait3A_344 = arith.constant 1 : i32
      %dma_wait3A_345 = arith.constant 2 : i32
      %dma_wait3A_346 = arith.constant 0 : i32
      %dma_wait3A_347 = tpu.memref_slice %arg8[%dma_wait3A_344, %dma_wait3A_345, %dma_wait3A_346] : memref<2x8x128xi32, #tpu.memory_space<vmem>> -> memref<1x1x128xi32, #tpu.memory_space<vmem>>
      %dma_wait3A_348 = tpu.memref_squeeze %dma_wait3A_347 : memref<1x1x128xi32, #tpu.memory_space<vmem>> -> memref<128xi32, #tpu.memory_space<vmem>>
      %dma_wait3A_349 = arith.constant 0 : i32
      %dma_wait3A_350 = arith.constant 0 : i32
      %dma_wait3A_351 = tpu.memref_slice %arg2[%dma_wait3A_349, %dma_wait3A_350] : memref<10240x128xf32, #tpu.memory_space<hbm>> -> memref<10240x128xf32, #tpu.memory_space<hbm>>
      tpu.wait_indirect_dma semaphore(%arg12 : memref<!tpu.dma_semaphore, #tpu.memory_space<semaphore_mem>>) src(%dma_wait3A_351 : memref<10240x128xf32, #tpu.memory_space<hbm>>) dst(%arg10 : memref<128x128xf32, #tpu.memory_space<vmem>>)
      %run_scoped3A_352 = arith.constant 1 : i32
      %run_scoped3A_353 = arith.constant 2 : i32
      "tpu.region"() ({
        %run_scoped3A_437 = tpu.sem_alloc : memref<!tpu.dma_semaphore, #tpu.memory_space<semaphore_mem>>
        %dma_start3A_438 = arith.constant 0 : i32
        %dma_start3A_439 = tpu.memref_slice %arg9[%run_scoped3A_352, %run_scoped3A_353, %dma_start3A_438] : memref<2x8x128xi32, #tpu.memory_space<vmem>> -> memref<1x1x128xi32, #tpu.memory_space<vmem>>
        %dma_start3A_440 = tpu.memref_squeeze %dma_start3A_439 : memref<1x1x128xi32, #tpu.memory_space<vmem>> -> memref<128xi32, #tpu.memory_space<vmem>>
        %dma_start3A_441 = arith.constant 0 : i32
        %dma_start3A_442 = arith.constant 0 : i32
        %dma_start3A_443 = tpu.memref_slice %arg7[%dma_start3A_441, %dma_start3A_442] : memref<10240x128xf32, #tpu.memory_space<vmem_shared>> -> memref<10240x128xf32, #tpu.memory_space<vmem_shared>>
        tpu.enqueue_indirect_dma source(%arg10 : memref<128x128xf32, #tpu.memory_space<vmem>>) target(%dma_start3A_443 : memref<10240x128xf32, #tpu.memory_space<vmem_shared>>) offsets(%dma_start3A_440 : memref<128xi32, #tpu.memory_space<vmem>>) semaphore(%run_scoped3A_437 : memref<!tpu.dma_semaphore, #tpu.memory_space<semaphore_mem>>) {add = true}
        %dma_wait3A_444 = arith.constant 0 : i32
        %dma_wait3A_445 = tpu.memref_slice %arg9[%run_scoped3A_352, %run_scoped3A_353, %dma_wait3A_444] : memref<2x8x128xi32, #tpu.memory_space<vmem>> -> memref<1x1x128xi32, #tpu.memory_space<vmem>>
        %dma_wait3A_446 = tpu.memref_squeeze %dma_wait3A_445 : memref<1x1x128xi32, #tpu.memory_space<vmem>> -> memref<128xi32, #tpu.memory_space<vmem>>
        %dma_wait3A_447 = arith.constant 0 : i32
        %dma_wait3A_448 = arith.constant 0 : i32
        %dma_wait3A_449 = tpu.memref_slice %arg7[%dma_wait3A_447, %dma_wait3A_448] : memref<10240x128xf32, #tpu.memory_space<vmem_shared>> -> memref<10240x128xf32, #tpu.memory_space<vmem_shared>>
        tpu.wait_indirect_dma semaphore(%run_scoped3A_437 : memref<!tpu.dma_semaphore, #tpu.memory_space<semaphore_mem>>) src(%arg10 : memref<128x128xf32, #tpu.memory_space<vmem>>) dst(%dma_wait3A_449 : memref<10240x128xf32, #tpu.memory_space<vmem_shared>>)
        tpu.yield
      }) : () -> ()
      %dma_start3A_354 = arith.constant 1 : i32
      %dma_start3A_355 = arith.constant 4 : i32
      %dma_start3A_356 = arith.constant 0 : i32
      %dma_start3A_357 = tpu.memref_slice %arg8[%dma_start3A_354, %dma_start3A_355, %dma_start3A_356] : memref<2x8x128xi32, #tpu.memory_space<vmem>> -> memref<1x1x128xi32, #tpu.memory_space<vmem>>
      %dma_start3A_358 = tpu.memref_squeeze %dma_start3A_357 : memref<1x1x128xi32, #tpu.memory_space<vmem>> -> memref<128xi32, #tpu.memory_space<vmem>>
      %dma_start3A_359 = arith.constant 0 : i32
      %dma_start3A_360 = arith.constant 0 : i32
      %dma_start3A_361 = tpu.memref_slice %arg2[%dma_start3A_359, %dma_start3A_360] : memref<10240x128xf32, #tpu.memory_space<hbm>> -> memref<10240x128xf32, #tpu.memory_space<hbm>>
      tpu.enqueue_indirect_dma source(%dma_start3A_361 : memref<10240x128xf32, #tpu.memory_space<hbm>>) target(%arg10 : memref<128x128xf32, #tpu.memory_space<vmem>>) offsets(%dma_start3A_358 : memref<128xi32, #tpu.memory_space<vmem>>) semaphore(%arg12 : memref<!tpu.dma_semaphore, #tpu.memory_space<semaphore_mem>>)
      %dma_wait3A_362 = arith.constant 1 : i32
      %dma_wait3A_363 = arith.constant 3 : i32
      %dma_wait3A_364 = arith.constant 0 : i32
      %dma_wait3A_365 = tpu.memref_slice %arg8[%dma_wait3A_362, %dma_wait3A_363, %dma_wait3A_364] : memref<2x8x128xi32, #tpu.memory_space<vmem>> -> memref<1x1x128xi32, #tpu.memory_space<vmem>>
      %dma_wait3A_366 = tpu.memref_squeeze %dma_wait3A_365 : memref<1x1x128xi32, #tpu.memory_space<vmem>> -> memref<128xi32, #tpu.memory_space<vmem>>
      %dma_wait3A_367 = arith.constant 0 : i32
      %dma_wait3A_368 = arith.constant 0 : i32
      %dma_wait3A_369 = tpu.memref_slice %arg2[%dma_wait3A_367, %dma_wait3A_368] : memref<10240x128xf32, #tpu.memory_space<hbm>> -> memref<10240x128xf32, #tpu.memory_space<hbm>>
      tpu.wait_indirect_dma semaphore(%arg13 : memref<!tpu.dma_semaphore, #tpu.memory_space<semaphore_mem>>) src(%dma_wait3A_369 : memref<10240x128xf32, #tpu.memory_space<hbm>>) dst(%arg11 : memref<128x128xf32, #tpu.memory_space<vmem>>)
      %run_scoped3A_370 = arith.constant 1 : i32
      %run_scoped3A_371 = arith.constant 3 : i32
      "tpu.region"() ({
        %run_scoped3A_437 = tpu.sem_alloc : memref<!tpu.dma_semaphore, #tpu.memory_space<semaphore_mem>>
        %dma_start3A_438 = arith.constant 0 : i32
        %dma_start3A_439 = tpu.memref_slice %arg9[%run_scoped3A_370, %run_scoped3A_371, %dma_start3A_438] : memref<2x8x128xi32, #tpu.memory_space<vmem>> -> memref<1x1x128xi32, #tpu.memory_space<vmem>>
        %dma_start3A_440 = tpu.memref_squeeze %dma_start3A_439 : memref<1x1x128xi32, #tpu.memory_space<vmem>> -> memref<128xi32, #tpu.memory_space<vmem>>
        %dma_start3A_441 = arith.constant 0 : i32
        %dma_start3A_442 = arith.constant 0 : i32
        %dma_start3A_443 = tpu.memref_slice %arg7[%dma_start3A_441, %dma_start3A_442] : memref<10240x128xf32, #tpu.memory_space<vmem_shared>> -> memref<10240x128xf32, #tpu.memory_space<vmem_shared>>
        tpu.enqueue_indirect_dma source(%arg11 : memref<128x128xf32, #tpu.memory_space<vmem>>) target(%dma_start3A_443 : memref<10240x128xf32, #tpu.memory_space<vmem_shared>>) offsets(%dma_start3A_440 : memref<128xi32, #tpu.memory_space<vmem>>) semaphore(%run_scoped3A_437 : memref<!tpu.dma_semaphore, #tpu.memory_space<semaphore_mem>>) {add = true}
        %dma_wait3A_444 = arith.constant 0 : i32
        %dma_wait3A_445 = tpu.memref_slice %arg9[%run_scoped3A_370, %run_scoped3A_371, %dma_wait3A_444] : memref<2x8x128xi32, #tpu.memory_space<vmem>> -> memref<1x1x128xi32, #tpu.memory_space<vmem>>
        %dma_wait3A_446 = tpu.memref_squeeze %dma_wait3A_445 : memref<1x1x128xi32, #tpu.memory_space<vmem>> -> memref<128xi32, #tpu.memory_space<vmem>>
        %dma_wait3A_447 = arith.constant 0 : i32
        %dma_wait3A_448 = arith.constant 0 : i32
        %dma_wait3A_449 = tpu.memref_slice %arg7[%dma_wait3A_447, %dma_wait3A_448] : memref<10240x128xf32, #tpu.memory_space<vmem_shared>> -> memref<10240x128xf32, #tpu.memory_space<vmem_shared>>
        tpu.wait_indirect_dma semaphore(%run_scoped3A_437 : memref<!tpu.dma_semaphore, #tpu.memory_space<semaphore_mem>>) src(%arg11 : memref<128x128xf32, #tpu.memory_space<vmem>>) dst(%dma_wait3A_449 : memref<10240x128xf32, #tpu.memory_space<vmem_shared>>)
        tpu.yield
      }) : () -> ()
      %dma_start3A_372 = arith.constant 1 : i32
      %dma_start3A_373 = arith.constant 5 : i32
      %dma_start3A_374 = arith.constant 0 : i32
      %dma_start3A_375 = tpu.memref_slice %arg8[%dma_start3A_372, %dma_start3A_373, %dma_start3A_374] : memref<2x8x128xi32, #tpu.memory_space<vmem>> -> memref<1x1x128xi32, #tpu.memory_space<vmem>>
      %dma_start3A_376 = tpu.memref_squeeze %dma_start3A_375 : memref<1x1x128xi32, #tpu.memory_space<vmem>> -> memref<128xi32, #tpu.memory_space<vmem>>
      %dma_start3A_377 = arith.constant 0 : i32
      %dma_start3A_378 = arith.constant 0 : i32
      %dma_start3A_379 = tpu.memref_slice %arg2[%dma_start3A_377, %dma_start3A_378] : memref<10240x128xf32, #tpu.memory_space<hbm>> -> memref<10240x128xf32, #tpu.memory_space<hbm>>
      tpu.enqueue_indirect_dma source(%dma_start3A_379 : memref<10240x128xf32, #tpu.memory_space<hbm>>) target(%arg11 : memref<128x128xf32, #tpu.memory_space<vmem>>) offsets(%dma_start3A_376 : memref<128xi32, #tpu.memory_space<vmem>>) semaphore(%arg13 : memref<!tpu.dma_semaphore, #tpu.memory_space<semaphore_mem>>)
      %dma_wait3A_380 = arith.constant 1 : i32
      %dma_wait3A_381 = arith.constant 4 : i32
      %dma_wait3A_382 = arith.constant 0 : i32
      %dma_wait3A_383 = tpu.memref_slice %arg8[%dma_wait3A_380, %dma_wait3A_381, %dma_wait3A_382] : memref<2x8x128xi32, #tpu.memory_space<vmem>> -> memref<1x1x128xi32, #tpu.memory_space<vmem>>
      %dma_wait3A_384 = tpu.memref_squeeze %dma_wait3A_383 : memref<1x1x128xi32, #tpu.memory_space<vmem>> -> memref<128xi32, #tpu.memory_space<vmem>>
      %dma_wait3A_385 = arith.constant 0 : i32
      %dma_wait3A_386 = arith.constant 0 : i32
      %dma_wait3A_387 = tpu.memref_slice %arg2[%dma_wait3A_385, %dma_wait3A_386] : memref<10240x128xf32, #tpu.memory_space<hbm>> -> memref<10240x128xf32, #tpu.memory_space<hbm>>
      tpu.wait_indirect_dma semaphore(%arg12 : memref<!tpu.dma_semaphore, #tpu.memory_space<semaphore_mem>>) src(%dma_wait3A_387 : memref<10240x128xf32, #tpu.memory_space<hbm>>) dst(%arg10 : memref<128x128xf32, #tpu.memory_space<vmem>>)
      %run_scoped3A_388 = arith.constant 1 : i32
      %run_scoped3A_389 = arith.constant 4 : i32
      "tpu.region"() ({
        %run_scoped3A_437 = tpu.sem_alloc : memref<!tpu.dma_semaphore, #tpu.memory_space<semaphore_mem>>
        %dma_start3A_438 = arith.constant 0 : i32
        %dma_start3A_439 = tpu.memref_slice %arg9[%run_scoped3A_388, %run_scoped3A_389, %dma_start3A_438] : memref<2x8x128xi32, #tpu.memory_space<vmem>> -> memref<1x1x128xi32, #tpu.memory_space<vmem>>
        %dma_start3A_440 = tpu.memref_squeeze %dma_start3A_439 : memref<1x1x128xi32, #tpu.memory_space<vmem>> -> memref<128xi32, #tpu.memory_space<vmem>>
        %dma_start3A_441 = arith.constant 0 : i32
        %dma_start3A_442 = arith.constant 0 : i32
        %dma_start3A_443 = tpu.memref_slice %arg7[%dma_start3A_441, %dma_start3A_442] : memref<10240x128xf32, #tpu.memory_space<vmem_shared>> -> memref<10240x128xf32, #tpu.memory_space<vmem_shared>>
        tpu.enqueue_indirect_dma source(%arg10 : memref<128x128xf32, #tpu.memory_space<vmem>>) target(%dma_start3A_443 : memref<10240x128xf32, #tpu.memory_space<vmem_shared>>) offsets(%dma_start3A_440 : memref<128xi32, #tpu.memory_space<vmem>>) semaphore(%run_scoped3A_437 : memref<!tpu.dma_semaphore, #tpu.memory_space<semaphore_mem>>) {add = true}
        %dma_wait3A_444 = arith.constant 0 : i32
        %dma_wait3A_445 = tpu.memref_slice %arg9[%run_scoped3A_388, %run_scoped3A_389, %dma_wait3A_444] : memref<2x8x128xi32, #tpu.memory_space<vmem>> -> memref<1x1x128xi32, #tpu.memory_space<vmem>>
        %dma_wait3A_446 = tpu.memref_squeeze %dma_wait3A_445 : memref<1x1x128xi32, #tpu.memory_space<vmem>> -> memref<128xi32, #tpu.memory_space<vmem>>
        %dma_wait3A_447 = arith.constant 0 : i32
        %dma_wait3A_448 = arith.constant 0 : i32
        %dma_wait3A_449 = tpu.memref_slice %arg7[%dma_wait3A_447, %dma_wait3A_448] : memref<10240x128xf32, #tpu.memory_space<vmem_shared>> -> memref<10240x128xf32, #tpu.memory_space<vmem_shared>>
        tpu.wait_indirect_dma semaphore(%run_scoped3A_437 : memref<!tpu.dma_semaphore, #tpu.memory_space<semaphore_mem>>) src(%arg10 : memref<128x128xf32, #tpu.memory_space<vmem>>) dst(%dma_wait3A_449 : memref<10240x128xf32, #tpu.memory_space<vmem_shared>>)
        tpu.yield
      }) : () -> ()
      %dma_start3A_390 = arith.constant 1 : i32
      %dma_start3A_391 = arith.constant 6 : i32
      %dma_start3A_392 = arith.constant 0 : i32
      %dma_start3A_393 = tpu.memref_slice %arg8[%dma_start3A_390, %dma_start3A_391, %dma_start3A_392] : memref<2x8x128xi32, #tpu.memory_space<vmem>> -> memref<1x1x128xi32, #tpu.memory_space<vmem>>
      %dma_start3A_394 = tpu.memref_squeeze %dma_start3A_393 : memref<1x1x128xi32, #tpu.memory_space<vmem>> -> memref<128xi32, #tpu.memory_space<vmem>>
      %dma_start3A_395 = arith.constant 0 : i32
      %dma_start3A_396 = arith.constant 0 : i32
      %dma_start3A_397 = tpu.memref_slice %arg2[%dma_start3A_395, %dma_start3A_396] : memref<10240x128xf32, #tpu.memory_space<hbm>> -> memref<10240x128xf32, #tpu.memory_space<hbm>>
      tpu.enqueue_indirect_dma source(%dma_start3A_397 : memref<10240x128xf32, #tpu.memory_space<hbm>>) target(%arg10 : memref<128x128xf32, #tpu.memory_space<vmem>>) offsets(%dma_start3A_394 : memref<128xi32, #tpu.memory_space<vmem>>) semaphore(%arg12 : memref<!tpu.dma_semaphore, #tpu.memory_space<semaphore_mem>>)
      %dma_wait3A_398 = arith.constant 1 : i32
      %dma_wait3A_399 = arith.constant 5 : i32
      %dma_wait3A_400 = arith.constant 0 : i32
      %dma_wait3A_401 = tpu.memref_slice %arg8[%dma_wait3A_398, %dma_wait3A_399, %dma_wait3A_400] : memref<2x8x128xi32, #tpu.memory_space<vmem>> -> memref<1x1x128xi32, #tpu.memory_space<vmem>>
      %dma_wait3A_402 = tpu.memref_squeeze %dma_wait3A_401 : memref<1x1x128xi32, #tpu.memory_space<vmem>> -> memref<128xi32, #tpu.memory_space<vmem>>
      %dma_wait3A_403 = arith.constant 0 : i32
      %dma_wait3A_404 = arith.constant 0 : i32
      %dma_wait3A_405 = tpu.memref_slice %arg2[%dma_wait3A_403, %dma_wait3A_404] : memref<10240x128xf32, #tpu.memory_space<hbm>> -> memref<10240x128xf32, #tpu.memory_space<hbm>>
      tpu.wait_indirect_dma semaphore(%arg13 : memref<!tpu.dma_semaphore, #tpu.memory_space<semaphore_mem>>) src(%dma_wait3A_405 : memref<10240x128xf32, #tpu.memory_space<hbm>>) dst(%arg11 : memref<128x128xf32, #tpu.memory_space<vmem>>)
      %run_scoped3A_406 = arith.constant 1 : i32
      %run_scoped3A_407 = arith.constant 5 : i32
      "tpu.region"() ({
        %run_scoped3A_437 = tpu.sem_alloc : memref<!tpu.dma_semaphore, #tpu.memory_space<semaphore_mem>>
        %dma_start3A_438 = arith.constant 0 : i32
        %dma_start3A_439 = tpu.memref_slice %arg9[%run_scoped3A_406, %run_scoped3A_407, %dma_start3A_438] : memref<2x8x128xi32, #tpu.memory_space<vmem>> -> memref<1x1x128xi32, #tpu.memory_space<vmem>>
        %dma_start3A_440 = tpu.memref_squeeze %dma_start3A_439 : memref<1x1x128xi32, #tpu.memory_space<vmem>> -> memref<128xi32, #tpu.memory_space<vmem>>
        %dma_start3A_441 = arith.constant 0 : i32
        %dma_start3A_442 = arith.constant 0 : i32
        %dma_start3A_443 = tpu.memref_slice %arg7[%dma_start3A_441, %dma_start3A_442] : memref<10240x128xf32, #tpu.memory_space<vmem_shared>> -> memref<10240x128xf32, #tpu.memory_space<vmem_shared>>
        tpu.enqueue_indirect_dma source(%arg11 : memref<128x128xf32, #tpu.memory_space<vmem>>) target(%dma_start3A_443 : memref<10240x128xf32, #tpu.memory_space<vmem_shared>>) offsets(%dma_start3A_440 : memref<128xi32, #tpu.memory_space<vmem>>) semaphore(%run_scoped3A_437 : memref<!tpu.dma_semaphore, #tpu.memory_space<semaphore_mem>>) {add = true}
        %dma_wait3A_444 = arith.constant 0 : i32
        %dma_wait3A_445 = tpu.memref_slice %arg9[%run_scoped3A_406, %run_scoped3A_407, %dma_wait3A_444] : memref<2x8x128xi32, #tpu.memory_space<vmem>> -> memref<1x1x128xi32, #tpu.memory_space<vmem>>
        %dma_wait3A_446 = tpu.memref_squeeze %dma_wait3A_445 : memref<1x1x128xi32, #tpu.memory_space<vmem>> -> memref<128xi32, #tpu.memory_space<vmem>>
        %dma_wait3A_447 = arith.constant 0 : i32
        %dma_wait3A_448 = arith.constant 0 : i32
        %dma_wait3A_449 = tpu.memref_slice %arg7[%dma_wait3A_447, %dma_wait3A_448] : memref<10240x128xf32, #tpu.memory_space<vmem_shared>> -> memref<10240x128xf32, #tpu.memory_space<vmem_shared>>
        tpu.wait_indirect_dma semaphore(%run_scoped3A_437 : memref<!tpu.dma_semaphore, #tpu.memory_space<semaphore_mem>>) src(%arg11 : memref<128x128xf32, #tpu.memory_space<vmem>>) dst(%dma_wait3A_449 : memref<10240x128xf32, #tpu.memory_space<vmem_shared>>)
        tpu.yield
      }) : () -> ()
      %dma_start3A_408 = arith.constant 1 : i32
      %dma_start3A_409 = arith.constant 7 : i32
      %dma_start3A_410 = arith.constant 0 : i32
      %dma_start3A_411 = tpu.memref_slice %arg8[%dma_start3A_408, %dma_start3A_409, %dma_start3A_410] : memref<2x8x128xi32, #tpu.memory_space<vmem>> -> memref<1x1x128xi32, #tpu.memory_space<vmem>>
      %dma_start3A_412 = tpu.memref_squeeze %dma_start3A_411 : memref<1x1x128xi32, #tpu.memory_space<vmem>> -> memref<128xi32, #tpu.memory_space<vmem>>
      %dma_start3A_413 = arith.constant 0 : i32
      %dma_start3A_414 = arith.constant 0 : i32
      %dma_start3A_415 = tpu.memref_slice %arg2[%dma_start3A_413, %dma_start3A_414] : memref<10240x128xf32, #tpu.memory_space<hbm>> -> memref<10240x128xf32, #tpu.memory_space<hbm>>
      tpu.enqueue_indirect_dma source(%dma_start3A_415 : memref<10240x128xf32, #tpu.memory_space<hbm>>) target(%arg11 : memref<128x128xf32, #tpu.memory_space<vmem>>) offsets(%dma_start3A_412 : memref<128xi32, #tpu.memory_space<vmem>>) semaphore(%arg13 : memref<!tpu.dma_semaphore, #tpu.memory_space<semaphore_mem>>)
      %dma_wait3A_416 = arith.constant 1 : i32
      %dma_wait3A_417 = arith.constant 6 : i32
      %dma_wait3A_418 = arith.constant 0 : i32
      %dma_wait3A_419 = tpu.memref_slice %arg8[%dma_wait3A_416, %dma_wait3A_417, %dma_wait3A_418] : memref<2x8x128xi32, #tpu.memory_space<vmem>> -> memref<1x1x128xi32, #tpu.memory_space<vmem>>
      %dma_wait3A_420 = tpu.memref_squeeze %dma_wait3A_419 : memref<1x1x128xi32, #tpu.memory_space<vmem>> -> memref<128xi32, #tpu.memory_space<vmem>>
      %dma_wait3A_421 = arith.constant 0 : i32
      %dma_wait3A_422 = arith.constant 0 : i32
      %dma_wait3A_423 = tpu.memref_slice %arg2[%dma_wait3A_421, %dma_wait3A_422] : memref<10240x128xf32, #tpu.memory_space<hbm>> -> memref<10240x128xf32, #tpu.memory_space<hbm>>
      tpu.wait_indirect_dma semaphore(%arg12 : memref<!tpu.dma_semaphore, #tpu.memory_space<semaphore_mem>>) src(%dma_wait3A_423 : memref<10240x128xf32, #tpu.memory_space<hbm>>) dst(%arg10 : memref<128x128xf32, #tpu.memory_space<vmem>>)
      %run_scoped3A_424 = arith.constant 1 : i32
      %run_scoped3A_425 = arith.constant 6 : i32
      "tpu.region"() ({
        %run_scoped3A_437 = tpu.sem_alloc : memref<!tpu.dma_semaphore, #tpu.memory_space<semaphore_mem>>
        %dma_start3A_438 = arith.constant 0 : i32
        %dma_start3A_439 = tpu.memref_slice %arg9[%run_scoped3A_424, %run_scoped3A_425, %dma_start3A_438] : memref<2x8x128xi32, #tpu.memory_space<vmem>> -> memref<1x1x128xi32, #tpu.memory_space<vmem>>
        %dma_start3A_440 = tpu.memref_squeeze %dma_start3A_439 : memref<1x1x128xi32, #tpu.memory_space<vmem>> -> memref<128xi32, #tpu.memory_space<vmem>>
        %dma_start3A_441 = arith.constant 0 : i32
        %dma_start3A_442 = arith.constant 0 : i32
        %dma_start3A_443 = tpu.memref_slice %arg7[%dma_start3A_441, %dma_start3A_442] : memref<10240x128xf32, #tpu.memory_space<vmem_shared>> -> memref<10240x128xf32, #tpu.memory_space<vmem_shared>>
        tpu.enqueue_indirect_dma source(%arg10 : memref<128x128xf32, #tpu.memory_space<vmem>>) target(%dma_start3A_443 : memref<10240x128xf32, #tpu.memory_space<vmem_shared>>) offsets(%dma_start3A_440 : memref<128xi32, #tpu.memory_space<vmem>>) semaphore(%run_scoped3A_437 : memref<!tpu.dma_semaphore, #tpu.memory_space<semaphore_mem>>) {add = true}
        %dma_wait3A_444 = arith.constant 0 : i32
        %dma_wait3A_445 = tpu.memref_slice %arg9[%run_scoped3A_424, %run_scoped3A_425, %dma_wait3A_444] : memref<2x8x128xi32, #tpu.memory_space<vmem>> -> memref<1x1x128xi32, #tpu.memory_space<vmem>>
        %dma_wait3A_446 = tpu.memref_squeeze %dma_wait3A_445 : memref<1x1x128xi32, #tpu.memory_space<vmem>> -> memref<128xi32, #tpu.memory_space<vmem>>
        %dma_wait3A_447 = arith.constant 0 : i32
        %dma_wait3A_448 = arith.constant 0 : i32
        %dma_wait3A_449 = tpu.memref_slice %arg7[%dma_wait3A_447, %dma_wait3A_448] : memref<10240x128xf32, #tpu.memory_space<vmem_shared>> -> memref<10240x128xf32, #tpu.memory_space<vmem_shared>>
        tpu.wait_indirect_dma semaphore(%run_scoped3A_437 : memref<!tpu.dma_semaphore, #tpu.memory_space<semaphore_mem>>) src(%arg10 : memref<128x128xf32, #tpu.memory_space<vmem>>) dst(%dma_wait3A_449 : memref<10240x128xf32, #tpu.memory_space<vmem_shared>>)
        tpu.yield
      }) : () -> ()
      %dma_wait3A_426 = arith.constant 1 : i32
      %dma_wait3A_427 = arith.constant 7 : i32
      %dma_wait3A_428 = arith.constant 0 : i32
      %dma_wait3A_429 = tpu.memref_slice %arg8[%dma_wait3A_426, %dma_wait3A_427, %dma_wait3A_428] : memref<2x8x128xi32, #tpu.memory_space<vmem>> -> memref<1x1x128xi32, #tpu.memory_space<vmem>>
      %dma_wait3A_430 = tpu.memref_squeeze %dma_wait3A_429 : memref<1x1x128xi32, #tpu.memory_space<vmem>> -> memref<128xi32, #tpu.memory_space<vmem>>
      %dma_wait3A_431 = arith.constant 0 : i32
      %dma_wait3A_432 = arith.constant 0 : i32
      %dma_wait3A_433 = tpu.memref_slice %arg2[%dma_wait3A_431, %dma_wait3A_432] : memref<10240x128xf32, #tpu.memory_space<hbm>> -> memref<10240x128xf32, #tpu.memory_space<hbm>>
      tpu.wait_indirect_dma semaphore(%arg13 : memref<!tpu.dma_semaphore, #tpu.memory_space<semaphore_mem>>) src(%dma_wait3A_433 : memref<10240x128xf32, #tpu.memory_space<hbm>>) dst(%arg11 : memref<128x128xf32, #tpu.memory_space<vmem>>)
      %run_scoped3A_434 = arith.constant 1 : i32
      %run_scoped3A_435 = arith.constant 7 : i32
      "tpu.region"() ({
        %run_scoped3A_437 = tpu.sem_alloc : memref<!tpu.dma_semaphore, #tpu.memory_space<semaphore_mem>>
        %dma_start3A_438 = arith.constant 0 : i32
        %dma_start3A_439 = tpu.memref_slice %arg9[%run_scoped3A_434, %run_scoped3A_435, %dma_start3A_438] : memref<2x8x128xi32, #tpu.memory_space<vmem>> -> memref<1x1x128xi32, #tpu.memory_space<vmem>>
        %dma_start3A_440 = tpu.memref_squeeze %dma_start3A_439 : memref<1x1x128xi32, #tpu.memory_space<vmem>> -> memref<128xi32, #tpu.memory_space<vmem>>
        %dma_start3A_441 = arith.constant 0 : i32
        %dma_start3A_442 = arith.constant 0 : i32
        %dma_start3A_443 = tpu.memref_slice %arg7[%dma_start3A_441, %dma_start3A_442] : memref<10240x128xf32, #tpu.memory_space<vmem_shared>> -> memref<10240x128xf32, #tpu.memory_space<vmem_shared>>
        tpu.enqueue_indirect_dma source(%arg11 : memref<128x128xf32, #tpu.memory_space<vmem>>) target(%dma_start3A_443 : memref<10240x128xf32, #tpu.memory_space<vmem_shared>>) offsets(%dma_start3A_440 : memref<128xi32, #tpu.memory_space<vmem>>) semaphore(%run_scoped3A_437 : memref<!tpu.dma_semaphore, #tpu.memory_space<semaphore_mem>>) {add = true}
        %dma_wait3A_444 = arith.constant 0 : i32
        %dma_wait3A_445 = tpu.memref_slice %arg9[%run_scoped3A_434, %run_scoped3A_435, %dma_wait3A_444] : memref<2x8x128xi32, #tpu.memory_space<vmem>> -> memref<1x1x128xi32, #tpu.memory_space<vmem>>
        %dma_wait3A_446 = tpu.memref_squeeze %dma_wait3A_445 : memref<1x1x128xi32, #tpu.memory_space<vmem>> -> memref<128xi32, #tpu.memory_space<vmem>>
        %dma_wait3A_447 = arith.constant 0 : i32
        %dma_wait3A_448 = arith.constant 0 : i32
        %dma_wait3A_449 = tpu.memref_slice %arg7[%dma_wait3A_447, %dma_wait3A_448] : memref<10240x128xf32, #tpu.memory_space<vmem_shared>> -> memref<10240x128xf32, #tpu.memory_space<vmem_shared>>
        tpu.wait_indirect_dma semaphore(%run_scoped3A_437 : memref<!tpu.dma_semaphore, #tpu.memory_space<semaphore_mem>>) src(%arg11 : memref<128x128xf32, #tpu.memory_space<vmem>>) dst(%dma_wait3A_449 : memref<10240x128xf32, #tpu.memory_space<vmem_shared>>)
        tpu.yield
      }) : () -> ()
      %scan3A_436 = arith.constant 0 : i32
      scf.yield %scan3A_436 : i32
    }
    %scan3A_60 = arith.constant 5 : i32
    %barrier3A_61 = arith.constant 0 : index
    tpu.barrier barrier_id(%barrier3A_61)
    %eq3A = arith.constant 0 : i32
    %eq3A_62 = arith.cmpi eq, %arg0, %eq3A : i32
    %convert_element_type3A = arith.extui %eq3A_62 : i1 to i32
    %cond3A = arith.constant 0 : i32
    %cond3A_63 = arith.cmpi ne, %convert_element_type3A, %cond3A : i32
    scf.if %cond3A_63 {
      %mul3A_69 = arith.constant 640 : i32
      %mul3A_70 = arith.muli %arg1, %mul3A_69 : i32
      %mul3A_71 = arith.constant 640 : i32
      %mul3A_72 = arith.muli %arg1, %mul3A_71 : i32
      "tpu.region"() ({
        %run_scoped3A = tpu.sem_alloc : memref<!tpu.dma_semaphore, #tpu.memory_space<semaphore_mem>>
        %dma_start3A_73 = arith.constant 0 : i32
        %dma_start3A_74 = tpu.memref_slice %arg5[%mul3A_72, %dma_start3A_73] : memref<10240x128xf32, #tpu.memory_space<hbm>> -> memref<640x128xf32, #tpu.memory_space<hbm>>
        %dma_start3A_75 = arith.constant 0 : i32
        %dma_start3A_76 = tpu.memref_slice %arg7[%mul3A_70, %dma_start3A_75] : memref<10240x128xf32, #tpu.memory_space<vmem_shared>> -> memref<640x128xf32, #tpu.memory_space<vmem_shared>>
        tpu.enqueue_dma source(%dma_start3A_76 : memref<640x128xf32, #tpu.memory_space<vmem_shared>>) target(%dma_start3A_74 : memref<640x128xf32, #tpu.memory_space<hbm>>) target_semaphore(%run_scoped3A : memref<!tpu.dma_semaphore, #tpu.memory_space<semaphore_mem>>)
        %dma_wait3A = arith.constant 0 : i32
        %dma_wait3A_77 = tpu.memref_slice %arg5[%mul3A_72, %dma_wait3A] : memref<10240x128xf32, #tpu.memory_space<hbm>> -> memref<640x128xf32, #tpu.memory_space<hbm>>
        %dma_wait3A_78 = arith.constant 0 : i32
        %dma_wait3A_79 = tpu.memref_slice %arg7[%mul3A_70, %dma_wait3A_78] : memref<10240x128xf32, #tpu.memory_space<vmem_shared>> -> memref<640x128xf32, #tpu.memory_space<vmem_shared>>
        tpu.wait_dma2 semaphore(%run_scoped3A : memref<!tpu.dma_semaphore, #tpu.memory_space<semaphore_mem>>) src(%dma_wait3A_79 : memref<640x128xf32, #tpu.memory_space<vmem_shared>>) dst(%dma_wait3A_77 : memref<640x128xf32, #tpu.memory_space<hbm>>)
        tpu.yield
      }) : () -> ()
    } else {
    }
    %eq3A_64 = arith.constant 1 : i32
    %eq3A_65 = arith.cmpi eq, %arg0, %eq3A_64 : i32
    %convert_element_type3A_66 = arith.extui %eq3A_65 : i1 to i32
    %cond3A_67 = arith.constant 0 : i32
    %cond3A_68 = arith.cmpi ne, %convert_element_type3A_66, %cond3A_67 : i32
    scf.if %cond3A_68 {
      %mul3A_69 = arith.constant 640 : i32
      %mul3A_70 = arith.muli %arg1, %mul3A_69 : i32
      %mul3A_71 = arith.constant 640 : i32
      %mul3A_72 = arith.muli %arg1, %mul3A_71 : i32
      "tpu.region"() ({
        %run_scoped3A = tpu.sem_alloc : memref<!tpu.dma_semaphore, #tpu.memory_space<semaphore_mem>>
        %dma_start3A_73 = arith.constant 0 : i32
        %dma_start3A_74 = tpu.memref_slice %arg6[%mul3A_72, %dma_start3A_73] : memref<10240x128xf32, #tpu.memory_space<hbm>> -> memref<640x128xf32, #tpu.memory_space<hbm>>
        %dma_start3A_75 = arith.constant 0 : i32
        %dma_start3A_76 = tpu.memref_slice %arg7[%mul3A_70, %dma_start3A_75] : memref<10240x128xf32, #tpu.memory_space<vmem_shared>> -> memref<640x128xf32, #tpu.memory_space<vmem_shared>>
        tpu.enqueue_dma source(%dma_start3A_76 : memref<640x128xf32, #tpu.memory_space<vmem_shared>>) target(%dma_start3A_74 : memref<640x128xf32, #tpu.memory_space<hbm>>) target_semaphore(%run_scoped3A : memref<!tpu.dma_semaphore, #tpu.memory_space<semaphore_mem>>)
        %dma_wait3A = arith.constant 0 : i32
        %dma_wait3A_77 = tpu.memref_slice %arg6[%mul3A_72, %dma_wait3A] : memref<10240x128xf32, #tpu.memory_space<hbm>> -> memref<640x128xf32, #tpu.memory_space<hbm>>
        %dma_wait3A_78 = arith.constant 0 : i32
        %dma_wait3A_79 = tpu.memref_slice %arg7[%mul3A_70, %dma_wait3A_78] : memref<10240x128xf32, #tpu.memory_space<vmem_shared>> -> memref<640x128xf32, #tpu.memory_space<vmem_shared>>
        tpu.wait_dma2 semaphore(%run_scoped3A : memref<!tpu.dma_semaphore, #tpu.memory_space<semaphore_mem>>) src(%dma_wait3A_79 : memref<640x128xf32, #tpu.memory_space<vmem_shared>>) dst(%dma_wait3A_77 : memref<640x128xf32, #tpu.memory_space<hbm>>)
        tpu.yield
      }) : () -> ()
    } else {
    }
    return
  }
}

module attributes {stable_mosaic.version = 14 : i64} {
  func.func @_prep_body(%arg0: i32, %arg1: memref<1280x128xf32, #tpu.memory_space<vmem>>, %arg2: memref<1280x1xf32, #tpu.memory_space<vmem>>, %arg3: memref<1280x1xf32, #tpu.memory_space<vmem>>, %arg4: memref<1280x128xf32, #tpu.memory_space<vmem>>, %arg5: memref<1280x1xf32, #tpu.memory_space<vmem>>, %arg6: memref<1280x1xf32, #tpu.memory_space<vmem>>) attributes {dimension_semantics = [#tpu.dimension_semantics<arbitrary>], iteration_bounds = array<i64: 8>, scalar_prefetch = 0 : i64, scratch_operands = 0 : i64, tpu.core_type = #tpu.core_type<tc>, window_params = [{transform_indices = @transform_0, window_bounds = array<i64: 1280, 128>}, {transform_indices = @transform_1, window_bounds = array<i64: 1280, 1>}, {transform_indices = @transform_2, window_bounds = array<i64: 1280, 1>}, {transform_indices = @transform_3, window_bounds = array<i64: 1280, 128>}, {transform_indices = @transform_4, window_bounds = array<i64: 1280, 1>}, {transform_indices = @transform_5, window_bounds = array<i64: 1280, 1>}]} {
    %get3A = arith.constant 0 : index
    %get3A_0 = arith.constant 0 : index
    %get3A_1 = vector.load %arg2[%get3A, %get3A_0] : memref<1280x1xf32, #tpu.memory_space<vmem>>, vector<1280x1xf32>
    %get3A_2 = arith.constant 0 : index
    %get3A_3 = arith.constant 0 : index
    %get3A_4 = vector.load %arg3[%get3A_2, %get3A_3] : memref<1280x1xf32, #tpu.memory_space<vmem>>, vector<1280x1xf32>
    %add3A = arith.addf %get3A_1, %get3A_4 : vector<1280x1xf32>
    %add3A_5 = arith.constant 1.000000e+00 : f32
    %add3A_6 = vector.broadcast %add3A_5 : f32 to vector<1280x1xf32>
    %add3A_7 = arith.addf %add3A, %add3A_6 : vector<1280x1xf32>
    %rsqrt3A = math.rsqrt %add3A_7 : vector<1280x1xf32>
    %swap3A = arith.constant 0 : index
    %swap3A_8 = arith.constant 0 : index
    %swap3A_9 = vector.load %arg5[%swap3A, %swap3A_8] : memref<1280x1xf32, #tpu.memory_space<vmem>>, vector<1280x1xf32>
    tpu.vector_store %arg5[%swap3A, %swap3A_8], %rsqrt3A {strides = array<i32>} : memref<1280x1xf32, #tpu.memory_space<vmem>>, vector<1280x1xf32>,
    %div3A = arith.constant 1.000000e+00 : f32
    %div3A_10 = vector.broadcast %div3A : f32 to vector<1280x1xf32>
    %div3A_11 = arith.divf %div3A_10, %add3A_7 : vector<1280x1xf32>
    %swap3A_12 = arith.constant 0 : index
    %swap3A_13 = arith.constant 0 : index
    %swap3A_14 = vector.load %arg6[%swap3A_12, %swap3A_13] : memref<1280x1xf32, #tpu.memory_space<vmem>>, vector<1280x1xf32>
    tpu.vector_store %arg6[%swap3A_12, %swap3A_13], %div3A_11 {strides = array<i32>} : memref<1280x1xf32, #tpu.memory_space<vmem>>, vector<1280x1xf32>,
    %get3A_15 = arith.constant 0 : index
    %get3A_16 = arith.constant 0 : index
    %get3A_17 = vector.load %arg1[%get3A_15, %get3A_16] : memref<1280x128xf32, #tpu.memory_space<vmem>>, vector<1280x128xf32>
    %mul3A = vector.broadcast %rsqrt3A : vector<1280x1xf32> to vector<1280x128xf32>
    %mul3A_18 = arith.mulf %get3A_17, %mul3A : vector<1280x128xf32>
    %swap3A_19 = arith.constant 0 : index
    %swap3A_20 = arith.constant 0 : index
    %swap3A_21 = vector.load %arg4[%swap3A_19, %swap3A_20] : memref<1280x128xf32, #tpu.memory_space<vmem>>, vector<1280x128xf32>
    tpu.vector_store %arg4[%swap3A_19, %swap3A_20], %mul3A_18 {strides = array<i32>} : memref<1280x128xf32, #tpu.memory_space<vmem>>, vector<1280x128xf32>,
    return
  }
  func.func @transform_0(%arg0: i32) -> (i32, i32) {
    %c0_i32 = arith.constant 0 : i32
    %c0_i32_0 = arith.constant 0 : i32
    return %arg0, %c0_i32 : i32, i32
  }
  func.func @transform_1(%arg0: i32) -> (i32, i32) {
    %c0_i32 = arith.constant 0 : i32
    %c0_i32_0 = arith.constant 0 : i32
    return %arg0, %c0_i32 : i32, i32
  }
  func.func @transform_2(%arg0: i32) -> (i32, i32) {
    %c0_i32 = arith.constant 0 : i32
    %c0_i32_0 = arith.constant 0 : i32
    return %arg0, %c0_i32 : i32, i32
  }
  func.func @transform_3(%arg0: i32) -> (i32, i32) {
    %c0_i32 = arith.constant 0 : i32
    %c0_i32_0 = arith.constant 0 : i32
    return %arg0, %c0_i32 : i32, i32
  }
  func.func @transform_4(%arg0: i32) -> (i32, i32) {
    %c0_i32 = arith.constant 0 : i32
    %c0_i32_0 = arith.constant 0 : i32
    return %arg0, %c0_i32 : i32, i32
  }
  func.func @transform_5(%arg0: i32) -> (i32, i32) {
    %c0_i32 = arith.constant 0 : i32
    %c0_i32_0 = arith.constant 0 : i32
    return %arg0, %c0_i32 : i32, i32
  }
}

module attributes {stable_mosaic.version = 14 : i64} {
  func.func @_upd_body(%arg0: i32, %arg1: memref<1280x128xf32, #tpu.memory_space<vmem>>, %arg2: memref<1280x128xf32, #tpu.memory_space<vmem>>, %arg3: memref<1280x128xf32, #tpu.memory_space<vmem>>, %arg4: memref<1280x1xf32, #tpu.memory_space<vmem>>, %arg5: memref<1280x128xf32, #tpu.memory_space<vmem>>) attributes {dimension_semantics = [#tpu.dimension_semantics<arbitrary>], iteration_bounds = array<i64: 8>, scalar_prefetch = 0 : i64, scratch_operands = 0 : i64, tpu.core_type = #tpu.core_type<tc>, window_params = [{transform_indices = @transform_0, window_bounds = array<i64: 1280, 128>}, {transform_indices = @transform_1, window_bounds = array<i64: 1280, 128>}, {transform_indices = @transform_2, window_bounds = array<i64: 1280, 128>}, {transform_indices = @transform_3, window_bounds = array<i64: 1280, 1>}, {transform_indices = @transform_4, window_bounds = array<i64: 1280, 128>}]} {
    %get3A = arith.constant 0 : index
    %get3A_0 = arith.constant 0 : index
    %get3A_1 = vector.load %arg1[%get3A, %get3A_0] : memref<1280x128xf32, #tpu.memory_space<vmem>>, vector<1280x128xf32>
    %get3A_2 = arith.constant 0 : index
    %get3A_3 = arith.constant 0 : index
    %get3A_4 = vector.load %arg2[%get3A_2, %get3A_3] : memref<1280x128xf32, #tpu.memory_space<vmem>>, vector<1280x128xf32>
    %add3A = arith.addf %get3A_1, %get3A_4 : vector<1280x128xf32>
    %get3A_5 = arith.constant 0 : index
    %get3A_6 = arith.constant 0 : index
    %get3A_7 = vector.load %arg3[%get3A_5, %get3A_6] : memref<1280x128xf32, #tpu.memory_space<vmem>>, vector<1280x128xf32>
    %add3A_8 = arith.addf %add3A, %get3A_7 : vector<1280x128xf32>
    %get3A_9 = arith.constant 0 : index
    %get3A_10 = arith.constant 0 : index
    %get3A_11 = vector.load %arg4[%get3A_9, %get3A_10] : memref<1280x1xf32, #tpu.memory_space<vmem>>, vector<1280x1xf32>
    %mul3A = vector.broadcast %get3A_11 : vector<1280x1xf32> to vector<1280x128xf32>
    %mul3A_12 = arith.mulf %add3A_8, %mul3A : vector<1280x128xf32>
    %swap3A = arith.constant 0 : index
    %swap3A_13 = arith.constant 0 : index
    %swap3A_14 = vector.load %arg5[%swap3A, %swap3A_13] : memref<1280x128xf32, #tpu.memory_space<vmem>>, vector<1280x128xf32>
    tpu.vector_store %arg5[%swap3A, %swap3A_13], %mul3A_12 {strides = array<i32>} : memref<1280x128xf32, #tpu.memory_space<vmem>>, vector<1280x128xf32>,
    return
  }
  func.func @transform_0(%arg0: i32) -> (i32, i32) {
    %c0_i32 = arith.constant 0 : i32
    %c0_i32_0 = arith.constant 0 : i32
    return %arg0, %c0_i32 : i32, i32
  }
  func.func @transform_1(%arg0: i32) -> (i32, i32) {
    %c0_i32 = arith.constant 0 : i32
    %c0_i32_0 = arith.constant 0 : i32
    return %arg0, %c0_i32 : i32, i32
  }
  func.func @transform_2(%arg0: i32) -> (i32, i32) {
    %c0_i32 = arith.constant 0 : i32
    %c0_i32_0 = arith.constant 0 : i32
    return %arg0, %c0_i32 : i32, i32
  }
  func.func @transform_3(%arg0: i32) -> (i32, i32) {
    %c0_i32 = arith.constant 0 : i32
    %c0_i32_0 = arith.constant 0 : i32
    return %arg0, %c0_i32 : i32, i32
  }
  func.func @transform_4(%arg0: i32) -> (i32, i32) {
    %c0_i32 = arith.constant 0 : i32
    %c0_i32_0 = arith.constant 0 : i32
    return %arg0, %c0_i32 : i32, i32
  }
}

module attributes {stable_mosaic.version = 14 : i64} {
  func.func @_fin_body(%arg0: i32, %arg1: memref<1280x128xf32, #tpu.memory_space<vmem>>, %arg2: memref<1280x128xf32, #tpu.memory_space<vmem>>, %arg3: memref<1280x128xf32, #tpu.memory_space<vmem>>, %arg4: memref<1280x1xf32, #tpu.memory_space<vmem>>, %arg5: memref<1x1xf32, #tpu.memory_space<vmem>>, %arg6: memref<1xf32, #tpu.memory_space<smem>>) attributes {dimension_semantics = [#tpu.dimension_semantics<arbitrary>], iteration_bounds = array<i64: 8>, scalar_prefetch = 0 : i64, scratch_operands = 1 : i64, tpu.core_type = #tpu.core_type<tc>, window_params = [{transform_indices = @transform_0, window_bounds = array<i64: 1280, 128>}, {transform_indices = @transform_1, window_bounds = array<i64: 1280, 128>}, {transform_indices = @transform_2, window_bounds = array<i64: 1280, 128>}, {transform_indices = @transform_3, window_bounds = array<i64: 1280, 1>}, {pipeline_mode = #tpu.pipeline_mode<synchronous>, transform_indices = @transform_4, window_bounds = array<i64: 1, 1>}]} {
    %eq3A = arith.constant 0 : i32
    %eq3A_0 = arith.cmpi eq, %arg0, %eq3A : i32
    %convert_element_type3A = arith.extui %eq3A_0 : i1 to i32
    %cond3A = arith.constant 0 : i32
    %cond3A_1 = arith.cmpi ne, %convert_element_type3A, %cond3A : i32
    scf.if %cond3A_1 {
      %swap3A_29 = arith.constant 0.000000e+00 : f32
      %swap3A_30 = arith.constant 0 : index
      %swap3A_31 = memref.load %arg6[%swap3A_30] : memref<1xf32, #tpu.memory_space<smem>>
      memref.store %swap3A_29, %arg6[%swap3A_30] : memref<1xf32, #tpu.memory_space<smem>>
    } else {
    }
    %get3A = arith.constant 0 : index
    %get3A_2 = arith.constant 0 : index
    %get3A_3 = vector.load %arg1[%get3A, %get3A_2] : memref<1280x128xf32, #tpu.memory_space<vmem>>, vector<1280x128xf32>
    %get3A_4 = arith.constant 0 : index
    %get3A_5 = arith.constant 0 : index
    %get3A_6 = vector.load %arg2[%get3A_4, %get3A_5] : memref<1280x128xf32, #tpu.memory_space<vmem>>, vector<1280x128xf32>
    %add3A = arith.addf %get3A_3, %get3A_6 : vector<1280x128xf32>
    %get3A_7 = arith.constant 0 : index
    %get3A_8 = arith.constant 0 : index
    %get3A_9 = vector.load %arg3[%get3A_7, %get3A_8] : memref<1280x128xf32, #tpu.memory_space<vmem>>, vector<1280x128xf32>
    %add3A_10 = arith.addf %add3A, %get3A_9 : vector<1280x128xf32>
    %get3A_11 = arith.constant 0 : index
    %get3A_12 = arith.constant 0 : index
    %get3A_13 = vector.load %arg4[%get3A_11, %get3A_12] : memref<1280x1xf32, #tpu.memory_space<vmem>>, vector<1280x1xf32>
    %mul3A = vector.broadcast %get3A_13 : vector<1280x1xf32> to vector<1280x128xf32>
    %mul3A_14 = arith.mulf %add3A_10, %mul3A : vector<1280x128xf32>
    %get3A_15 = arith.constant 0 : index
    %get3A_16 = memref.load %arg6[%get3A_15] : memref<1xf32, #tpu.memory_space<smem>>
    %mul3A_17 = arith.mulf %mul3A_14, %mul3A_14 : vector<1280x128xf32>
    %reduce_sum3A = vector.shape_cast %mul3A_17 : vector<1280x128xf32> to vector<1x1280x128xf32>
    %reduce_sum3A_18 = arith.constant dense<0.000000e+00> : vector<1xf32>
    %reduce_sum3A_19 = vector.multi_reduction <add>, %reduce_sum3A, %reduce_sum3A_18 [1, 2] : vector<1x1280x128xf32> to vector<1xf32>
    %reduce_sum3A_20 = vector.shape_cast %reduce_sum3A_19 : vector<1xf32> to vector<1x1x1xf32>
    %reduce_sum3A_21 = vector.extract %reduce_sum3A_20[0, 0, 0] : f32 from vector<1x1x1xf32>
    %add3A_22 = arith.addf %get3A_16, %reduce_sum3A_21 : f32
    %swap3A = arith.constant 0 : index
    %swap3A_23 = memref.load %arg6[%swap3A] : memref<1xf32, #tpu.memory_space<smem>>
    memref.store %add3A_22, %arg6[%swap3A] : memref<1xf32, #tpu.memory_space<smem>>
    %eq3A_24 = arith.constant 7 : i32
    %eq3A_25 = arith.cmpi eq, %arg0, %eq3A_24 : i32
    %convert_element_type3A_26 = arith.extui %eq3A_25 : i1 to i32
    %cond3A_27 = arith.constant 0 : i32
    %cond3A_28 = arith.cmpi ne, %convert_element_type3A_26, %cond3A_27 : i32
    scf.if %cond3A_28 {
      %get3A_29 = arith.constant 0 : index
      %get3A_30 = memref.load %arg6[%get3A_29] : memref<1xf32, #tpu.memory_space<smem>>
      %sqrt3A = math.sqrt %get3A_30 : f32
      %reshape3A = vector.broadcast %sqrt3A : f32 to vector<1x1xf32>
      %swap3A_31 = arith.constant 0 : index
      %swap3A_32 = arith.constant 0 : index
      %swap3A_33 = vector.load %arg5[%swap3A_31, %swap3A_32] : memref<1x1xf32, #tpu.memory_space<vmem>>, vector<1x1xf32>
      tpu.vector_store %arg5[%swap3A_31, %swap3A_32], %reshape3A {strides = array<i32>} : memref<1x1xf32, #tpu.memory_space<vmem>>, vector<1x1xf32>,
    } else {
    }
    return
  }
  func.func @transform_0(%arg0: i32) -> (i32, i32) {
    %c0_i32 = arith.constant 0 : i32
    %c0_i32_0 = arith.constant 0 : i32
    return %arg0, %c0_i32 : i32, i32
  }
  func.func @transform_1(%arg0: i32) -> (i32, i32) {
    %c0_i32 = arith.constant 0 : i32
    %c0_i32_0 = arith.constant 0 : i32
    return %arg0, %c0_i32 : i32, i32
  }
  func.func @transform_2(%arg0: i32) -> (i32, i32) {
    %c0_i32 = arith.constant 0 : i32
    %c0_i32_0 = arith.constant 0 : i32
    return %arg0, %c0_i32 : i32, i32
  }
  func.func @transform_3(%arg0: i32) -> (i32, i32) {
    %c0_i32 = arith.constant 0 : i32
    %c0_i32_0 = arith.constant 0 : i32
    return %arg0, %c0_i32 : i32, i32
  }
  func.func @transform_4(%arg0: i32) -> (i32, i32) {
    %c0_i32 = arith.constant 0 : i32
    %c0_i32_0 = arith.constant 0 : i32
    %c0_i32_1 = arith.constant 0 : i32
    return %c0_i32, %c0_i32_0 : i32, i32
  }
}

</mosaic_0001>

<sc_bundles>
// kernel: kernel.10.cloned.1.call-start
scs
__scs_entry_jumppad:
0x0: {  	(pc) =	sbr.rel $0x88, $3  }
0x1: {  	(tag) =	ssettag $0x0;
	lr =	simm.s32 $0x1  }
0x2: {  	[smem:$0x3F9F] =	sst lr;
	_ =	strace $0xD0000000  }
0x3: {  	_ = 	snop  }
0x4: {  	_ = 	snop  }
0x5: {  	_ = 	snop  }
0x6: {  	_ = 	snop  }
0x7: {  	_ = 	snop  }
__scs_overlays_trampoline_lowered:
0x8: {  	[smem:$0x3FAE] =	sst s0  }
0x9: {  	[smem:$0x3FAF] =	sst s1  }
0xa: {  	[smem:$0x3FB0] =	sst s2  }
0xb: {  	[smem:$0x3FB1] =	sst s3  }
0xc: {  	[smem:$0x3FB2] =	sst s4  }
0xd: {  	[smem:$0x3FB3] =	sst s5  }
0xe: {  	[smem:$0x3FB4] =	sst s6  }
0xf: {  	[smem:$0x3FB5] =	sst s7  }
0x10: {  	[smem:$0x3FB6] =	sst s8  }
0x11: {  	[smem:$0x3FB7] =	sst s9;
	s0 =	simm.s32 @!p0 $0x0  }
0x12: {  	s1 =	sld [smem:$0x3F9D];
	s0 =	simm.s32 @p0 $0x1  }
0x13: {  	[smem:$0x3FB8] =	sst s0;
	s0 =	simm.s32 @!p1 $0x0  }
0x14: {  	s2 =	sld [smem:$0x3F9C];
	s0 =	simm.s32 @p1 $0x1  }
0x15: {  	[smem:$0x3FB9] =	sst s0;
	s0 =	simm.s32 @!p2 $0x0  }
0x16: {  	s3 =	sld [smem:$0x3FDB];
	s0 =	simm.s32 @p2 $0x1  }
0x17: {  	s4 =	simm.s32 $0x1BF5;
	[smem:$0x3FBB] =	sst s0  }
0x18: {  	s0 =	sld [smem:$0x3F9E];
	_ =	swait.ge [sflag:s4], $0x0  }
0x19: {  	s7 =	sld [smem:$0x3F9F]  }
0x1a: {  	s8 =	sadd.s32 $0xFFFFE003, lr  }
0x1b: {  	s9 =	sadd.s32 $0xFFFFFEF7, lr;
	s5 =	simm.s32 $0xFFFFFFFF;
	p2 =	slt.u32 s8, $0xFFFFF086  }
0x1c: {  	p1 =	slt.u32 s9, $0xF7A;
	s5 =	simm.s32 @!p2 $0x0  }
0x1d: {  	s5 =	simm.s32 @p1 $0x1;
	p0 =	seq.s32 s7, s2  }
0x1e: {  	s7 =	smul.u32 @!p0 $0xF7A, s2;
	p2 =	seq.s32 @!p0 s5, $0x0  }
0x1f: {  	s9 =	smul.u32 $0xF7A, s1;
	s8 =	simm.s32 @!p0 $0x1BF5;
	p2 =	por !p2, p0  }
0x20: {  	[sflag:s8] =	ssyncset.s32 @!p0 $0xFFFFF086;
	s6 =	sadd.s32 @!p0 s3, s7;
	s7 =	simm.s32 @!p0 $0x108  }
0x21: {  	s3 =	sadd.s32 s3, s9;
	s6 =	sadd.s32 @!p0 $0x88, s6;
	s7 =	simm.s32 @p2 $0x1082  }
0x22: {  	[simem:s7], [sflag:s8] =	dma.local @!p0 [hbm:s6], $0xF7A  }
0x23: {  	s9 =	sor.u32 $0xD0000000, s2;
	s6 =	simm.s32 $0x108;
	_ =	swait.ge @!p0 [sflag:s8], $0x0  }
0x24: {  	s3 =	sadd.s32 $0x88, s3;
	s6 =	simm.s32 @!p1 $0x1082;
	[sflag:s4] =	ssyncset.s32 $0xFFFFF086  }
0x25: {  	[simem:s6], [sflag:s4] =	dma.local [hbm:s3], $0xF7A  }
0x26: {  	[smem:$0x3F9F] =	sst s1;
	(tag) =	ssettag s2;
	_ =	strace s9  }
0x27: {  	s1 =	sld [smem:$0x3FAF]  }
0x28: {  	s2 =	sld [smem:$0x3FB0]  }
0x29: {  	s4 =	sld [smem:$0x3FB2]  }
0x2a: {  	p0 =	seq.s32 s5, $0x0;
	s5 =	sld [smem:$0x3FB3]  }
0x2b: {  	s6 =	sld [smem:$0x3FB4]  }
0x2c: {  	s7 =	sld [smem:$0x3FB5]  }
0x2d: {  	s3 =	simm.s32 $0x108;
	s8 =	sld [smem:$0x3FB6]  }
0x2e: {  	s3 =	simm.s32 @!p0 $0x1082;
	s9 =	sld [smem:$0x3FB7]  }
0x2f: {  	lr =	sadd.s32 s0, s3;
	s0 =	sld [smem:$0x3FAE]  }
0x30: {  	s3 =	sld [smem:$0x3FB1]  }
0x31: {  	[smem:$0x3FBA] =	sst s10  }
0x32: {  	s10 =	sld [smem:$0x3FB8];
	_ =	sdelay $0x3  }
0x33: {  	p0 =	seq.s32 s10, $0x1;
	s10 =	sld [smem:$0x3FBA];
	_ =	sdelay $0x3  }
0x34: {  	[smem:$0x3FBA] =	sst s10  }
0x35: {  	s10 =	sld [smem:$0x3FB9];
	_ =	sdelay $0x3  }
0x36: {  	p1 =	seq.s32 s10, $0x1;
	s10 =	sld [smem:$0x3FBA];
	_ =	sdelay $0x3  }
0x37: {  	[smem:$0x3FBA] =	sst s10  }
0x38: {  	s10 =	sld [smem:$0x3FBB]  }
0x39: {  	_ = 	snop;
	(pc) =	sbr.ind lr, $3  }
0x3a: {  	_ = 	snop  }
0x3b: {  	_ = 	snop  }
0x3c: {  	p2 =	seq.s32 s10, $0x1;
	s10 =	sld [smem:$0x3FBA]  }
0x3d: {  	_ =	shalt  }
0x3e: {  	_ =	shalt  }
0x3f: {  	_ =	shalt  }
0x40: {  	_ =	shalt  }
0x41: {  	_ =	shalt  }
0x42: {  	_ =	shalt  }
0x43: {  	_ =	shalt  }
0x44: {  	_ =	shalt  }
0x45: {  	_ =	shalt  }
0x46: {  	_ =	shalt  }
0x47: {  	_ =	shalt  }
0x48: {  	_ =	shalt  }
0x49: {  	_ =	shalt  }
0x4a: {  	_ =	shalt  }
0x4b: {  	_ =	shalt  }
0x4c: {  	_ =	shalt  }
0x4d: {  	_ =	shalt  }
0x4e: {  	_ =	shalt  }
0x4f: {  	_ =	shalt  }
0x50: {  	_ =	shalt  }
0x51: {  	_ =	shalt  }
0x52: {  	_ =	shalt  }
0x53: {  	_ =	shalt  }
0x54: {  	_ =	shalt  }
0x55: {  	_ =	shalt  }
0x56: {  	_ =	shalt  }
0x57: {  	_ =	shalt  }
0x58: {  	_ =	shalt  }
0x59: {  	_ =	shalt  }
0x5a: {  	_ =	shalt  }
0x5b: {  	_ =	shalt  }
0x5c: {  	_ =	shalt  }
0x5d: {  	_ =	shalt  }
0x5e: {  	_ =	shalt  }
0x5f: {  	_ =	shalt  }
0x60: {  	_ =	shalt  }
0x61: {  	_ =	shalt  }
0x62: {  	_ =	shalt  }
0x63: {  	_ =	shalt  }
0x64: {  	_ =	shalt  }
0x65: {  	_ =	shalt  }
0x66: {  	_ =	shalt  }
0x67: {  	_ =	shalt  }
0x68: {  	_ =	shalt  }
0x69: {  	_ =	shalt  }
0x6a: {  	_ =	shalt  }
0x6b: {  	_ =	shalt  }
0x6c: {  	_ =	shalt  }
0x6d: {  	_ =	shalt  }
0x6e: {  	_ =	shalt  }
0x6f: {  	_ =	shalt  }
0x70: {  	_ =	shalt  }
0x71: {  	_ =	shalt  }
0x72: {  	_ =	shalt  }
0x73: {  	_ =	shalt  }
0x74: {  	_ =	shalt  }
0x75: {  	_ =	shalt  }
0x76: {  	_ =	shalt  }
0x77: {  	_ =	shalt  }
0x78: {  	_ =	shalt  }
0x79: {  	_ =	shalt  }
0x7a: {  	_ =	shalt  }
0x7b: {  	_ =	shalt  }
0x7c: {  	_ =	shalt  }
0x7d: {  	_ =	shalt  }
0x7e: {  	_ =	shalt  }
0x7f: {  	_ =	shalt  }
0x80: {  	_ =	shalt  }
0x81: {  	_ =	shalt  }
0x82: {  	_ =	shalt  }
0x83: {  	_ =	shalt  }
0x84: {  	_ =	shalt  }
0x85: {  	_ =	shalt  }
0x86: {  	_ =	shalt  }
0x87: {  	_ =	shalt  }
.Lfunc_end0:
.L_simem_size_0:
called_computation_lowered:
.L_overlay_start_0:
0x88: {  	s2 =	sld [smem:$0x3FD9]  }
0x89: {  	s3 =	sld [smem:$0x3FFE];
	_ =	sdelay $0x1  }
0x8a: {  	s1 =	srdreg.scid  }
0x8b: {  	s0 =	sand.u32 $0x1, s1  }
0x8c: {  	s16 =	sshll.u32 s0, $0xA;
	s2 =	sadd.s32 s3, s2  }
0x8d: {  	s2 =	sadd.s32 s2, s16  }
0x8e: {  	[smem:$0x3FC6] =	sst s2  }
0x8f: {  	_ = 	snop  }
0x90: {  	(tm) =	ssettm $0x1  }
0x91: {  	s17 =	sld [smem:$0x3FFB];
	_ =	sdelay $0x3  }
0x92: {  	_ =	strace s17  }
0x93: {  	s2 =	sld [smem:$0x3FFC];
	_ =	sdelay $0x3  }
0x94: {  	_ =	strace s2  }
0x95: {  	s2 =	sld [smem:$0x3FFD];
	_ =	sdelay $0x3  }
0x96: {  	_ =	strace s2  }
0x97: {  	_ =	strace $0x8FFFFFFF  }
0x98: {  	s18 =	sld [smem:$0x3FDB];
	_ =	sdelay $0x1  }
0x99: {  	s19 =	simm.s32 $_scs_section_size  }
0x9a: {  	s4 =	simm.s32 $_size__tile_overlayer_lowered;
	s5 =	simm.s32 $_tile_overlayer_lowered  }
0x9b: {  	s22 =	simm.s32 $0x1BFF;
	s21 =	sshll.u32 s5, $0x1;
	s2 =	sadd.s32 s19, s18  }
0x9c: {  	s6 =	simm.s32 $0x0;
	s20 =	sshll.u32 s4, $0x1;
	s4 =	sadd.s32 s21, s2  }
0x9d: {  	[timem:s6], [sflag:s22] =	dma.local [hbm:s4], s20  }
0x9e: {  	_ =	swait.ge [sflag:s22], s20  }
0x9f: {  	s3 =	ssub.s32 $0x0, s20;
	[sflag:s22] =	ssyncset.done $0x0  }
0xa0: {  	[sflag:s22] =	ssyncadd.s32 s3;
	_ =	sdelay $0x1  }
0xa1: {  	s23 =	simm.s32 $0x1B8B  }
0xa2: {  	_ =	swait.ge [sflag:s23], $0x1  }
0xa3: {  	[sflag:s23] =	ssyncset.done $0x0  }
0xa4: {  	s25 =	simm.s32 $0x1B8E;
	s24 =	sld [smem:$0x3FFE];
	[sflag:s23] =	ssyncadd.s32 $0xFFFFFFFF  }
0xa5: {  	s26 =	simm.s32 $execute0_lowered;
	[smem:$0x3FD2] =	sst s25  }
0xa6: {  	s4 =	sshll.u32 s26, $0x1;
	_ =	strace $0x80000046;
	[dreg:$0x1] =	wrdreg $0xFFFFFFFF  }
0xa7: {  	s28 =	simm.s32 $_size_execute0_lowered;
	s2 =	sadd.s32 s2, s4;
	[dreg:$0x0] =	wrdreg $0x0  }
0xa8: {  	s4 =	sshll.u32 s28, $0x1;
	[dreg:$0x2] =	wrdreg s2  }
0xa9: {  	[dreg:$0x3] =	wrdreg s4  }
0xaa: {  	[dreg:$0x4] =	wrdreg $0xC0  }
0xab: {  	_ =	task [dreg:s6], $0x5FFFF  }
0xac: {  	[dreg:$0x1] =	wrdreg $0xFFFFFFFF  }
0xad: {  	[dreg:$0x0] =	wrdreg $0x60  }
0xae: {  	[dreg:$0x2] =	wrdreg s24  }
0xaf: {  	[dreg:$0x3] =	wrdreg $0x0  }
0xb0: {  	[dreg:$0x4] =	wrdreg $0x9  }
0xb1: {  	_ =	task.clear_ibuf [dreg:s6], $0x5FFFF;
	_ =	strace $0x90000046  }
0xb2: {  	s29 =	simm.s32 $0x9;
	_ =	strace $0x80000048  }
0xb3: {  	_ =	swait.ge [sflag:s29], $0x1  }
0xb4: {  	[sflag:s29] =	ssyncadd.s32 $0xFFFFFFFF  }
0xb5: {  	_ =	strace $0x90000048  }
0xb6: {  	_ =	sfence  }
0xb7: {  	s30 =	sld [smem:$0x0];
	_ =	sdelay $0x2  }
0xb8: {  	s31 =	sshll.u32 s1, $0xD;
	s1 =	sshrl.u32 s1, $0x2  }
0xb9: {  	s3 =	sand.u32 $0x4000, s31;
	s1 =	sadd.s32 s1, s30  }
0xba: {  	s0 =	sor.u32 s3, s0;
	s1 =	sshll.u32 s1, $0x11  }
0xbb: {  	s0 =	sor.u32 s1, s0  }
0xbc: {  	s0 =	sadd.s32 $0x8F2B, s0  }
0xbd: {  	[sflag:s0] =	ssyncadd.remote.s32 $0x1  }
0xbe: {  	_ =	sfence.sel $0xFFFF  }
0xbf: {  	[dreg:$0x0] =	wrdreg $0xFFFFFFFF;
	(pc) =	sbr.abs _section_cstart, $3  }
0xc0: {  	[dreg:$0x1] =	wrdreg $0xFFFFFFFF  }
0xc1: {  	_ =	task.clear_ibuf [dreg:s6], $0x2FFFF;
	_ =	strace $0x9FFFFFFF  }
0xc2: {  	(tm) =	ssettm $0x7FFFFFFF  }
0xc3: {  	_ =	shalt  }
tec
execute0_lowered:
.L_overlay_start_1:
0x0: {  	(tag) =	ssettag $0x1  }
0x1: {  	s6 =	rddreg [dreg:$0x0]  }
0x2: {  	s1 =	rddreg [dreg:$0x1];
	s3 =	srdreg.scid  }
0x3: {  	s0 =	rddreg [dreg:$0x2];
	s2 =	simm.s32 $0x0;
	s11 =	simm.s32 $0x80  }
0x4: {  	s12 =	simm.s32 $0x680;
	s13 =	simm.s32 $0x300;
	s14 =	simm.s32 $0x380  }
0x5: {  	s15 =	simm.s32 $0x400;
	s16 =	simm.s32 $0x480;
	s17 =	simm.s32 $0x500  }
0x6: {  	s18 =	simm.s32 $0x580;
	s19 =	simm.s32 $0x600;
	s22 =	simm.s32 $0x0  }
0x7: {  	s4 =	sand.u32 $0x1, s3;
	[smem:$0x7FF] =	sst s2;
	s3 =	stileid.u32  }
0x8: {  	s5 =	smul.u32 $0x5000, s4;
	s7 =	ssub.s32 $0x2, s4;
	_ =	strace $0x80000047  }
0x9: {  	s30 =	smul.u32 $0x280, s3;
	p0 =	seq.s32 s4, $0x1;
	s20 =	sshll.u32 s3, $0x6  }
0xa: {  	s10 =	smul.u32 $0x500, s3;
	s8 =	sshrl.u32 s7, $0x1;
	s20 =	sor.u32 $0x1C01, s20  }
0xb: {  	s9 =	sadd.s32 s5, s6;
	s29 =	ssub.s32 s7, s8;
	s8 =	simm.s32 $0x18600  }
0xc: {  	s4 =	sadd.s32 s30, s1;
	s7 =	sshrl.u32 s30, $0x3;
	s8 =	simm.s32 @!p0 $0x18C00  }
0xd: {  	s5 =	smax.u32 s29, $0x1;
	s31 =	sadd.s32 s10, s9;
	s9 =	simm.s32 $0x1  }
0xe: {  	s10 =	simm.s32 $0x280;
	s21 =	sshrl.u32 s4, $0x3;
	s6 =	sadd.s32 s8, s6  }
0xf: {  	v0 =	vimm.f32 $1.000000000e+00;
	v1 =	vimm.f32 $0.0e+00;
	s8 =	simm.s32 $0x700;
	s6 =	sadd.s32 s6, s7;
	s7 =	sadd.s32 $0xE600, s31  }
.LBB2_1:
0x10: {  	[tilespmem:$0x680] =	vst v0  }
0x11: {  	[tilespmem:$0x690] =	vst v0  }
0x12: {  	[tilespmem:$0x6A0] =	vst v0  }
0x13: {  	[tilespmem:$0x6B0] =	vst v0  }
0x14: {  	[tilespmem:$0x6C0] =	vst v0  }
0x15: {  	[tilespmem:$0x6D0] =	vst v0  }
0x16: {  	[tilespmem:$0x6E0] =	vst v0  }
0x17: {  	[tilespmem:$0x6F0] =	vst v0  }
0x18: {  	[tilespmem:$0x700] =	vst v1  }
0x19: {  	[tilespmem:$0x710] =	vst v1  }
0x1a: {  	[tilespmem:$0x720] =	vst v1  }
0x1b: {  	[tilespmem:$0x730] =	vst v1  }
0x1c: {  	[tilespmem:$0x740] =	vst v1  }
0x1d: {  	[tilespmem:$0x750] =	vst v1  }
0x1e: {  	[tilespmem:$0x760] =	vst v1  }
0x1f: {  	[tilespmem:$0x770] =	vst v1  }
0x20: {  	[tilespmem:$0x780] =	vst v1  }
0x21: {  	[tilespmem:$0x790] =	vst v1  }
0x22: {  	[tilespmem:$0x7A0] =	vst v1  }
0x23: {  	[tilespmem:$0x7B0] =	vst v1  }
0x24: {  	[tilespmem:$0x7C0] =	vst v1  }
0x25: {  	[tilespmem:$0x7D0] =	vst v1  }
0x26: {  	[tilespmem:$0x7E0] =	vst v1  }
0x27: {  	[tilespmem:$0x7F0] =	vst v1  }
0x28: {  	[tilespmem:$0x800] =	vst v1  }
0x29: {  	[tilespmem:$0x810] =	vst v1  }
0x2a: {  	[tilespmem:$0x820] =	vst v1  }
0x2b: {  	[tilespmem:$0x830] =	vst v1  }
0x2c: {  	[tilespmem:$0x840] =	vst v1  }
0x2d: {  	[tilespmem:$0x850] =	vst v1  }
0x2e: {  	[tilespmem:$0x860] =	vst v1  }
0x2f: {  	[tilespmem:$0x870] =	vst v1  }
0x30: {  	[tilespmem:$0x880] =	vst v1  }
0x31: {  	[tilespmem:$0x890] =	vst v1  }
0x32: {  	[tilespmem:$0x8A0] =	vst v1  }
0x33: {  	[tilespmem:$0x8B0] =	vst v1  }
0x34: {  	[tilespmem:$0x8C0] =	vst v1  }
0x35: {  	[tilespmem:$0x8D0] =	vst v1  }
0x36: {  	[tilespmem:$0x8E0] =	vst v1  }
0x37: {  	[tilespmem:$0x8F0] =	vst v1  }
0x38: {  	[tilespmem:$0x900] =	vst v1  }
0x39: {  	[tilespmem:$0x910] =	vst v1  }
0x3a: {  	[tilespmem:$0x920] =	vst v1  }
0x3b: {  	[tilespmem:$0x930] =	vst v1  }
0x3c: {  	[tilespmem:$0x940] =	vst v1  }
0x3d: {  	[tilespmem:$0x950] =	vst v1  }
0x3e: {  	[tilespmem:$0x960] =	vst v1  }
0x3f: {  	[tilespmem:$0x970] =	vst v1  }
0x40: {  	[spmem:s4] =	stream.linear.scatter [tilespmem:s8], [sflag:$0x1], $0x280, $0x38;
	[tilespmem:$0x980] =	vst v63  }
0x41: {  	_ =	swait.ge [sflag:s9], $0x280  }
0x42: {  	[sflag:s9] =	ssyncset.done $0x0  }
0x43: {  	[sflag:s9] =	ssyncadd.s32 $0xFFFFFD80  }
0x44: {  	s23 =	sadd.s32 $0x0, s7;
	[bflag:$0x0] =	sbarrier.arrive $0xFFFF  }
0x45: {  	[tilespmem:s10], [sflag:$0x1] =	stream.linear.gather [hbm4b:s23+s2], $0x400, $0x38;
	[tilespmem:$0x980] =	vst v63  }
0x46: {  	_ =	swait.ge [sflag:s9], $0x400  }
0x47: {  	[sflag:s9] =	ssyncset.done $0x0  }
0x48: {  	[sflag:s9] =	ssyncadd.s32 $0xFFFFFC00  }
0x49: {  	[spmem:s1] =	stream.indirect.scatter.add.f32 [tilespmem:s12], [sflag:$0x1], $0x1, s10, s11, $0xb8;
	[tilespmem:$0x980] =	vst v63  }
0x4a: {  	_ =	swait.ge [sflag:s9], $0x80  }
0x4b: {  	[sflag:s9] =	ssyncset.done $0x0  }
0x4c: {  	[sflag:s9] =	ssyncadd.s32 $0xFFFFFF80  }
0x4d: {  	[spmem:s1] =	stream.indirect.scatter.add.f32 [tilespmem:s12], [sflag:$0x1], $0x1, s13, s11, $0xb8;
	[tilespmem:$0x980] =	vst v63  }
0x4e: {  	_ =	swait.ge [sflag:s9], $0x80  }
0x4f: {  	[sflag:s9] =	ssyncset.done $0x0  }
0x50: {  	[sflag:s9] =	ssyncadd.s32 $0xFFFFFF80  }
0x51: {  	[spmem:s1] =	stream.indirect.scatter.add.f32 [tilespmem:s12], [sflag:$0x1], $0x1, s14, s11, $0xb8;
	[tilespmem:$0x980] =	vst v63  }
0x52: {  	_ =	swait.ge [sflag:s9], $0x80  }
0x53: {  	[sflag:s9] =	ssyncset.done $0x0  }
0x54: {  	[sflag:s9] =	ssyncadd.s32 $0xFFFFFF80  }
0x55: {  	[spmem:s1] =	stream.indirect.scatter.add.f32 [tilespmem:s12], [sflag:$0x1], $0x1, s15, s11, $0xb8;
	[tilespmem:$0x980] =	vst v63  }
0x56: {  	_ =	swait.ge [sflag:s9], $0x80  }
0x57: {  	[sflag:s9] =	ssyncset.done $0x0  }
0x58: {  	[sflag:s9] =	ssyncadd.s32 $0xFFFFFF80  }
0x59: {  	[spmem:s1] =	stream.indirect.scatter.add.f32 [tilespmem:s12], [sflag:$0x1], $0x1, s16, s11, $0xb8;
	[tilespmem:$0x980] =	vst v63  }
0x5a: {  	_ =	swait.ge [sflag:s9], $0x80  }
0x5b: {  	[sflag:s9] =	ssyncset.done $0x0  }
0x5c: {  	[sflag:s9] =	ssyncadd.s32 $0xFFFFFF80  }
0x5d: {  	[spmem:s1] =	stream.indirect.scatter.add.f32 [tilespmem:s12], [sflag:$0x1], $0x1, s17, s11, $0xb8;
	[tilespmem:$0x980] =	vst v63  }
0x5e: {  	_ =	swait.ge [sflag:s9], $0x80  }
0x5f: {  	[sflag:s9] =	ssyncset.done $0x0  }
0x60: {  	[sflag:s9] =	ssyncadd.s32 $0xFFFFFF80  }
0x61: {  	[spmem:s1] =	stream.indirect.scatter.add.f32 [tilespmem:s12], [sflag:$0x1], $0x1, s18, s11, $0xb8;
	[tilespmem:$0x980] =	vst v63  }
0x62: {  	_ =	swait.ge [sflag:s9], $0x80  }
0x63: {  	[sflag:s9] =	ssyncset.done $0x0  }
0x64: {  	[sflag:s9] =	ssyncadd.s32 $0xFFFFFF80  }
0x65: {  	[spmem:s1] =	stream.indirect.scatter.add.f32 [tilespmem:s12], [sflag:$0x1], $0x1, s19, s11, $0xb8;
	[tilespmem:$0x980] =	vst v63  }
0x66: {  	_ =	swait.ge [sflag:s9], $0x80  }
0x67: {  	s25 =	simm.s32 $0x100;
	s23 =	simm.s32 $0x80;
	[sflag:s9] =	ssyncset.done $0x0  }
.LBB2_2:
0x68: {  	s26 =	sadd.s32 s23, s7  }
0x69: {  	[sflag:s9] =	ssyncadd.s32 $0xFFFFFF80;
	s23 =	smov.u32 s25;
	s24 =	sadd.s32 $0x80, s25  }
0x6a: {  	[tilespmem:s10], [sflag:$0x1] =	stream.linear.gather [hbm4b:s26+s2], $0x400, $0x38;
	[tilespmem:$0x980] =	vst v63  }
0x6b: {  	p0 =	sne.s32 s25, $0x480;
	_ =	swait.ge [sflag:s9], $0x400  }
0x6c: {  	[sflag:s9] =	ssyncset.done $0x0  }
0x6d: {  	[sflag:s9] =	ssyncadd.s32 $0xFFFFFC00  }
0x6e: {  	[spmem:s1] =	stream.indirect.scatter.add.f32 [tilespmem:s12], [sflag:$0x1], $0x1, s10, s11, $0xb8;
	[tilespmem:$0x980] =	vst v63  }
0x6f: {  	_ =	swait.ge [sflag:s9], $0x80  }
0x70: {  	[sflag:s9] =	ssyncset.done $0x0  }
0x71: {  	[sflag:s9] =	ssyncadd.s32 $0xFFFFFF80  }
0x72: {  	[spmem:s1] =	stream.indirect.scatter.add.f32 [tilespmem:s12], [sflag:$0x1], $0x1, s13, s11, $0xb8;
	[tilespmem:$0x980] =	vst v63  }
0x73: {  	_ =	swait.ge [sflag:s9], $0x80  }
0x74: {  	[sflag:s9] =	ssyncset.done $0x0  }
0x75: {  	[sflag:s9] =	ssyncadd.s32 $0xFFFFFF80  }
0x76: {  	[spmem:s1] =	stream.indirect.scatter.add.f32 [tilespmem:s12], [sflag:$0x1], $0x1, s14, s11, $0xb8;
	[tilespmem:$0x980] =	vst v63  }
0x77: {  	_ =	swait.ge [sflag:s9], $0x80  }
0x78: {  	[sflag:s9] =	ssyncset.done $0x0  }
0x79: {  	[sflag:s9] =	ssyncadd.s32 $0xFFFFFF80  }
0x7a: {  	[spmem:s1] =	stream.indirect.scatter.add.f32 [tilespmem:s12], [sflag:$0x1], $0x1, s15, s11, $0xb8;
	[tilespmem:$0x980] =	vst v63  }
0x7b: {  	_ =	swait.ge [sflag:s9], $0x80  }
0x7c: {  	[sflag:s9] =	ssyncset.done $0x0  }
0x7d: {  	[sflag:s9] =	ssyncadd.s32 $0xFFFFFF80  }
0x7e: {  	[spmem:s1] =	stream.indirect.scatter.add.f32 [tilespmem:s12], [sflag:$0x1], $0x1, s16, s11, $0xb8;
	[tilespmem:$0x980] =	vst v63  }
0x7f: {  	_ =	swait.ge [sflag:s9], $0x80  }
0x80: {  	[sflag:s9] =	ssyncset.done $0x0  }
0x81: {  	[sflag:s9] =	ssyncadd.s32 $0xFFFFFF80  }
0x82: {  	[spmem:s1] =	stream.indirect.scatter.add.f32 [tilespmem:s12], [sflag:$0x1], $0x1, s17, s11, $0xb8;
	[tilespmem:$0x980] =	vst v63  }
0x83: {  	_ =	swait.ge [sflag:s9], $0x80  }
0x84: {  	[sflag:s9] =	ssyncset.done $0x0  }
0x85: {  	[sflag:s9] =	ssyncadd.s32 $0xFFFFFF80  }
0x86: {  	[spmem:s1] =	stream.indirect.scatter.add.f32 [tilespmem:s12], [sflag:$0x1], $0x1, s18, s11, $0xb8;
	[tilespmem:$0x980] =	vst v63  }
0x87: {  	_ =	swait.ge [sflag:s9], $0x80  }
.Ltmp0:
0x88: {  	[sflag:s9] =	ssyncset.done $0x0;
	(pc) =	sbr.rel @p0 .LBB2_2-.Ltmp0, $4  }
0x89: {  	[sflag:s9] =	ssyncadd.s32 $0xFFFFFF80  }
0x8a: {  	[spmem:s1] =	stream.indirect.scatter.add.f32 [tilespmem:s12], [sflag:$0x1], $0x1, s19, s11, $0xb8;
	[tilespmem:$0x980] =	vst v63  }
0x8b: {  	_ =	swait.ge [sflag:s9], $0x80  }
0x8c: {  	s25 =	smov.u32 s24;
	[sflag:s9] =	ssyncset.done $0x0  }
0x8d: {  	s23 =	sadd.s32 s23, s7;
	[sflag:s9] =	ssyncadd.s32 $0xFFFFFF80  }
0x8e: {  	[tilespmem:s10], [sflag:$0x1] =	stream.linear.gather [hbm4b:s23+s2], $0x400, $0x38;
	[tilespmem:$0x980] =	vst v63  }
0x8f: {  	_ =	swait.ge [sflag:s9], $0x400  }
0x90: {  	[sflag:s9] =	ssyncset.done $0x0  }
0x91: {  	[sflag:s9] =	ssyncadd.s32 $0xFFFFFC00  }
0x92: {  	[spmem:s1] =	stream.indirect.scatter.add.f32 [tilespmem:s12], [sflag:$0x1], $0x1, s10, s11, $0xb8;
	[tilespmem:$0x980] =	vst v63  }
0x93: {  	_ =	swait.ge [sflag:s9], $0x80  }
0x94: {  	[sflag:s9] =	ssyncset.done $0x0  }
0x95: {  	[sflag:s9] =	ssyncadd.s32 $0xFFFFFF80  }
0x96: {  	[spmem:s1] =	stream.indirect.scatter.add.f32 [tilespmem:s12], [sflag:$0x1], $0x1, s13, s11, $0xb8;
	[tilespmem:$0x980] =	vst v63  }
0x97: {  	_ =	swait.ge [sflag:s9], $0x80  }
0x98: {  	[sflag:s9] =	ssyncset.done $0x0  }
0x99: {  	[sflag:s9] =	ssyncadd.s32 $0xFFFFFF80  }
0x9a: {  	[spmem:s1] =	stream.indirect.scatter.add.f32 [tilespmem:s12], [sflag:$0x1], $0x1, s14, s11, $0xb8;
	[tilespmem:$0x980] =	vst v63  }
0x9b: {  	_ =	swait.ge [sflag:s9], $0x80  }
0x9c: {  	[sflag:s9] =	ssyncset.done $0x0  }
0x9d: {  	[sflag:s9] =	ssyncadd.s32 $0xFFFFFF80  }
0x9e: {  	[spmem:s1] =	stream.indirect.scatter.add.f32 [tilespmem:s12], [sflag:$0x1], $0x1, s15, s11, $0xb8;
	[tilespmem:$0x980] =	vst v63  }
0x9f: {  	_ =	swait.ge [sflag:s9], $0x80  }
0xa0: {  	[sflag:s9] =	ssyncset.done $0x0  }
0xa1: {  	[sflag:s9] =	ssyncadd.s32 $0xFFFFFF80  }
0xa2: {  	[spmem:s1] =	stream.indirect.scatter.add.f32 [tilespmem:s12], [sflag:$0x1], $0x1, s16, s11, $0xb8;
	[tilespmem:$0x980] =	vst v63  }
0xa3: {  	_ =	swait.ge [sflag:s9], $0x80  }
0xa4: {  	[sflag:s9] =	ssyncset.done $0x0  }
0xa5: {  	[sflag:s9] =	ssyncadd.s32 $0xFFFFFF80  }
0xa6: {  	[spmem:s1] =	stream.indirect.scatter.add.f32 [tilespmem:s12], [sflag:$0x1], $0x1, s17, s11, $0xb8;
	[tilespmem:$0x980] =	vst v63  }
0xa7: {  	_ =	swait.ge [sflag:s9], $0x80  }
0xa8: {  	[sflag:s9] =	ssyncset.done $0x0  }
0xa9: {  	[sflag:s9] =	ssyncadd.s32 $0xFFFFFF80  }
0xaa: {  	[spmem:s1] =	stream.indirect.scatter.add.f32 [tilespmem:s12], [sflag:$0x1], $0x1, s18, s11, $0xb8;
	[tilespmem:$0x980] =	vst v63  }
0xab: {  	_ =	swait.ge [sflag:s9], $0x80  }
0xac: {  	[sflag:s9] =	ssyncset.done $0x0  }
0xad: {  	[sflag:s9] =	ssyncadd.s32 $0xFFFFFF80  }
0xae: {  	[spmem:s1] =	stream.indirect.scatter.add.f32 [tilespmem:s12], [sflag:$0x1], $0x1, s19, s11, $0xb8;
	[tilespmem:$0x980] =	vst v63  }
0xaf: {  	_ =	swait.ge [sflag:s9], $0x80  }
0xb0: {  	s22 =	sadd.s32 $0x1, s22;
	[sflag:s9] =	ssyncset.done $0x0  }
0xb1: {  	p0 =	sne.s32 s22, s5;
	[sflag:s9] =	ssyncadd.s32 $0xFFFFFF80  }
.Ltmp1:
0xb2: {  	[bflag:$0x0] =	sbarrier.arrive $0xFFFF;
	(pc) =	sbr.rel @p0 .LBB2_1-.Ltmp1, $4  }
0xb3: {  	[hbm:s6], [sflag:s20] =	dma.local [spmem:s21], $0x50  }
0xb4: {  	_ =	swait.ge [sflag:s9], $0x50  }
0xb5: {  	[sflag:s9] =	ssyncset.done $0x0  }
0xb6: {  	[sflag:s9] =	ssyncadd.s32 $0xFFFFFFB0  }
0xb7: {  	_ =	sfence.sel $0x180000  }
0xb8: {  	[bflag:$0x0] =	sbarrier.arrive $0xFFFF  }
0xb9: {  	p0 =	sne.s32 s3, $0x0;
	_ =	strace $0x90000047  }
0xba: {  	s0 =	sadd.s32 @!p0 $0x100000, s0;
	[bflag:$0x2] =	sbarrier.arrive $0xFFFF  }
0xbb: {  	[sflag:s0] =	ssyncadd.tile.s32 @!p0 $0x1;
	_ =	shalt  }
.Lfunc_end2:
_tile_overlayer_lowered:
.L_overlay_start_2:
0xbc: {  	(tag) =	ssettag $0x2  }
0xbd: {  	s0 =	rddreg [dreg:$0x0];
	s2 =	stileid.u32  }
0xbe: {  	s1 =	rddreg [dreg:$0x1];
	p0 =	sne.s32 s2, $0x0  }
0xbf: {  	s3 =	rddreg [dreg:$0x2];
	[bflag:$0x3] =	sbarrier.arrive $0xFFFF;
	s2 =	simm.s32 @!p0 $0x1C01  }
0xc0: {  	[timem:s3], [sflag:s2] =	dma.local @!p0 [hbm:s0], s1  }
0xc1: {  	s0 =	simm.s32 @!p0 $0x1  }
0xc2: {  	_ =	swait.ge @!p0 [sflag:s0], s1  }
0xc3: {  	s1 =	ssub.s32 @!p0 $0x0, s1;
	[sflag:s0] =	ssyncset.done @!p0 $0x0  }
0xc4: {  	[sflag:s0] =	ssyncadd.s32 @!p0 s1  }
0xc5: {  	[bflag:$0x3] =	sbarrier.arrive $0xFFFF  }
0xc6: {  	_ =	shalt  }

// kernel: kernel.13.cloned.1.call-start
scs
__scs_entry_jumppad:
0x0: {  	(pc) =	sbr.rel $0x88, $3  }
0x1: {  	(tag) =	ssettag $0x0;
	lr =	simm.s32 $0x1  }
0x2: {  	[smem:$0x3F9F] =	sst lr;
	_ =	strace $0xD0000000  }
0x3: {  	_ = 	snop  }
0x4: {  	_ = 	snop  }
0x5: {  	_ = 	snop  }
0x6: {  	_ = 	snop  }
0x7: {  	_ = 	snop  }
__scs_overlays_trampoline_lowered:
0x8: {  	[smem:$0x3FAE] =	sst s0  }
0x9: {  	[smem:$0x3FAF] =	sst s1  }
0xa: {  	[smem:$0x3FB0] =	sst s2  }
0xb: {  	[smem:$0x3FB1] =	sst s3  }
0xc: {  	[smem:$0x3FB2] =	sst s4  }
0xd: {  	[smem:$0x3FB3] =	sst s5  }
0xe: {  	[smem:$0x3FB4] =	sst s6  }
0xf: {  	[smem:$0x3FB5] =	sst s7  }
0x10: {  	[smem:$0x3FB6] =	sst s8  }
0x11: {  	[smem:$0x3FB7] =	sst s9;
	s0 =	simm.s32 @!p0 $0x0  }
0x12: {  	s1 =	sld [smem:$0x3F9D];
	s0 =	simm.s32 @p0 $0x1  }
0x13: {  	[smem:$0x3FB8] =	sst s0;
	s0 =	simm.s32 @!p1 $0x0  }
0x14: {  	s2 =	sld [smem:$0x3F9C];
	s0 =	simm.s32 @p1 $0x1  }
0x15: {  	[smem:$0x3FB9] =	sst s0;
	s0 =	simm.s32 @!p2 $0x0  }
0x16: {  	s3 =	sld [smem:$0x3FDB];
	s0 =	simm.s32 @p2 $0x1  }
0x17: {  	s4 =	simm.s32 $0x1BF5;
	[smem:$0x3FBB] =	sst s0  }
0x18: {  	s0 =	sld [smem:$0x3F9E];
	_ =	swait.ge [sflag:s4], $0x0  }
0x19: {  	s7 =	sld [smem:$0x3F9F]  }
0x1a: {  	s8 =	sadd.s32 $0xFFFFE003, lr  }
0x1b: {  	s9 =	sadd.s32 $0xFFFFFEF7, lr;
	s5 =	simm.s32 $0xFFFFFFFF;
	p2 =	slt.u32 s8, $0xFFFFF086  }
0x1c: {  	p1 =	slt.u32 s9, $0xF7A;
	s5 =	simm.s32 @!p2 $0x0  }
0x1d: {  	s5 =	simm.s32 @p1 $0x1;
	p0 =	seq.s32 s7, s2  }
0x1e: {  	s7 =	smul.u32 @!p0 $0xF7A, s2;
	p2 =	seq.s32 @!p0 s5, $0x0  }
0x1f: {  	s9 =	smul.u32 $0xF7A, s1;
	s8 =	simm.s32 @!p0 $0x1BF5;
	p2 =	por !p2, p0  }
0x20: {  	[sflag:s8] =	ssyncset.s32 @!p0 $0xFFFFF086;
	s6 =	sadd.s32 @!p0 s3, s7;
	s7 =	simm.s32 @!p0 $0x108  }
0x21: {  	s3 =	sadd.s32 s3, s9;
	s6 =	sadd.s32 @!p0 $0x88, s6;
	s7 =	simm.s32 @p2 $0x1082  }
0x22: {  	[simem:s7], [sflag:s8] =	dma.local @!p0 [hbm:s6], $0xF7A  }
0x23: {  	s9 =	sor.u32 $0xD0000000, s2;
	s6 =	simm.s32 $0x108;
	_ =	swait.ge @!p0 [sflag:s8], $0x0  }
0x24: {  	s3 =	sadd.s32 $0x88, s3;
	s6 =	simm.s32 @!p1 $0x1082;
	[sflag:s4] =	ssyncset.s32 $0xFFFFF086  }
0x25: {  	[simem:s6], [sflag:s4] =	dma.local [hbm:s3], $0xF7A  }
0x26: {  	[smem:$0x3F9F] =	sst s1;
	(tag) =	ssettag s2;
	_ =	strace s9  }
0x27: {  	s1 =	sld [smem:$0x3FAF]  }
0x28: {  	s2 =	sld [smem:$0x3FB0]  }
0x29: {  	s4 =	sld [smem:$0x3FB2]  }
0x2a: {  	p0 =	seq.s32 s5, $0x0;
	s5 =	sld [smem:$0x3FB3]  }
0x2b: {  	s6 =	sld [smem:$0x3FB4]  }
0x2c: {  	s7 =	sld [smem:$0x3FB5]  }
0x2d: {  	s3 =	simm.s32 $0x108;
	s8 =	sld [smem:$0x3FB6]  }
0x2e: {  	s3 =	simm.s32 @!p0 $0x1082;
	s9 =	sld [smem:$0x3FB7]  }
0x2f: {  	lr =	sadd.s32 s0, s3;
	s0 =	sld [smem:$0x3FAE]  }
0x30: {  	s3 =	sld [smem:$0x3FB1]  }
0x31: {  	[smem:$0x3FBA] =	sst s10  }
0x32: {  	s10 =	sld [smem:$0x3FB8];
	_ =	sdelay $0x3  }
0x33: {  	p0 =	seq.s32 s10, $0x1;
	s10 =	sld [smem:$0x3FBA];
	_ =	sdelay $0x3  }
0x34: {  	[smem:$0x3FBA] =	sst s10  }
0x35: {  	s10 =	sld [smem:$0x3FB9];
	_ =	sdelay $0x3  }
0x36: {  	p1 =	seq.s32 s10, $0x1;
	s10 =	sld [smem:$0x3FBA];
	_ =	sdelay $0x3  }
0x37: {  	[smem:$0x3FBA] =	sst s10  }
0x38: {  	s10 =	sld [smem:$0x3FBB]  }
0x39: {  	_ = 	snop;
	(pc) =	sbr.ind lr, $3  }
0x3a: {  	_ = 	snop  }
0x3b: {  	_ = 	snop  }
0x3c: {  	p2 =	seq.s32 s10, $0x1;
	s10 =	sld [smem:$0x3FBA]  }
0x3d: {  	_ =	shalt  }
0x3e: {  	_ =	shalt  }
0x3f: {  	_ =	shalt  }
0x40: {  	_ =	shalt  }
0x41: {  	_ =	shalt  }
0x42: {  	_ =	shalt  }
0x43: {  	_ =	shalt  }
0x44: {  	_ =	shalt  }
0x45: {  	_ =	shalt  }
0x46: {  	_ =	shalt  }
0x47: {  	_ =	shalt  }
0x48: {  	_ =	shalt  }
0x49: {  	_ =	shalt  }
0x4a: {  	_ =	shalt  }
0x4b: {  	_ =	shalt  }
0x4c: {  	_ =	shalt  }
0x4d: {  	_ =	shalt  }
0x4e: {  	_ =	shalt  }
0x4f: {  	_ =	shalt  }
0x50: {  	_ =	shalt  }
0x51: {  	_ =	shalt  }
0x52: {  	_ =	shalt  }
0x53: {  	_ =	shalt  }
0x54: {  	_ =	shalt  }
0x55: {  	_ =	shalt  }
0x56: {  	_ =	shalt  }
0x57: {  	_ =	shalt  }
0x58: {  	_ =	shalt  }
0x59: {  	_ =	shalt  }
0x5a: {  	_ =	shalt  }
0x5b: {  	_ =	shalt  }
0x5c: {  	_ =	shalt  }
0x5d: {  	_ =	shalt  }
0x5e: {  	_ =	shalt  }
0x5f: {  	_ =	shalt  }
0x60: {  	_ =	shalt  }
0x61: {  	_ =	shalt  }
0x62: {  	_ =	shalt  }
0x63: {  	_ =	shalt  }
0x64: {  	_ =	shalt  }
0x65: {  	_ =	shalt  }
0x66: {  	_ =	shalt  }
0x67: {  	_ =	shalt  }
0x68: {  	_ =	shalt  }
0x69: {  	_ =	shalt  }
0x6a: {  	_ =	shalt  }
0x6b: {  	_ =	shalt  }
0x6c: {  	_ =	shalt  }
0x6d: {  	_ =	shalt  }
0x6e: {  	_ =	shalt  }
0x6f: {  	_ =	shalt  }
0x70: {  	_ =	shalt  }
0x71: {  	_ =	shalt  }
0x72: {  	_ =	shalt  }
0x73: {  	_ =	shalt  }
0x74: {  	_ =	shalt  }
0x75: {  	_ =	shalt  }
0x76: {  	_ =	shalt  }
0x77: {  	_ =	shalt  }
0x78: {  	_ =	shalt  }
0x79: {  	_ =	shalt  }
0x7a: {  	_ =	shalt  }
0x7b: {  	_ =	shalt  }
0x7c: {  	_ =	shalt  }
0x7d: {  	_ =	shalt  }
0x7e: {  	_ =	shalt  }
0x7f: {  	_ =	shalt  }
0x80: {  	_ =	shalt  }
0x81: {  	_ =	shalt  }
0x82: {  	_ =	shalt  }
0x83: {  	_ =	shalt  }
0x84: {  	_ =	shalt  }
0x85: {  	_ =	shalt  }
0x86: {  	_ =	shalt  }
0x87: {  	_ =	shalt  }
.Lfunc_end0:
.L_simem_size_0:
called_computation.1_lowered:
.L_overlay_start_0:
0x88: {  	s2 =	sld [smem:$0x3FD9]  }
0x89: {  	s3 =	sld [smem:$0x3FFE];
	_ =	sdelay $0x1  }
0x8a: {  	s1 =	srdreg.scid  }
0x8b: {  	s0 =	sand.u32 $0x1, s1  }
0x8c: {  	s16 =	sshll.u32 s0, $0xA;
	s2 =	sadd.s32 s3, s2  }
0x8d: {  	s2 =	sadd.s32 s2, s16  }
0x8e: {  	[smem:$0x3FC6] =	sst s2  }
0x8f: {  	_ = 	snop  }
0x90: {  	(tm) =	ssettm $0x1  }
0x91: {  	s17 =	sld [smem:$0x3FFB];
	_ =	sdelay $0x3  }
0x92: {  	_ =	strace s17  }
0x93: {  	s2 =	sld [smem:$0x3FFC];
	_ =	sdelay $0x3  }
0x94: {  	_ =	strace s2  }
0x95: {  	s2 =	sld [smem:$0x3FFD];
	_ =	sdelay $0x3  }
0x96: {  	_ =	strace s2  }
0x97: {  	_ =	strace $0x8FFFFFFF  }
0x98: {  	s18 =	sld [smem:$0x3FDB];
	_ =	sdelay $0x1  }
0x99: {  	s19 =	simm.s32 $_scs_section_size  }
0x9a: {  	s4 =	simm.s32 $_size__tile_overlayer_lowered;
	s5 =	simm.s32 $_tile_overlayer_lowered  }
0x9b: {  	s22 =	simm.s32 $0x1BFF;
	s21 =	sshll.u32 s5, $0x1;
	s2 =	sadd.s32 s19, s18  }
0x9c: {  	s6 =	simm.s32 $0x0;
	s20 =	sshll.u32 s4, $0x1;
	s4 =	sadd.s32 s21, s2  }
0x9d: {  	[timem:s6], [sflag:s22] =	dma.local [hbm:s4], s20  }
0x9e: {  	_ =	swait.ge [sflag:s22], s20  }
0x9f: {  	s3 =	ssub.s32 $0x0, s20;
	[sflag:s22] =	ssyncset.done $0x0  }
0xa0: {  	[sflag:s22] =	ssyncadd.s32 s3;
	_ =	sdelay $0x1  }
0xa1: {  	s23 =	simm.s32 $0x1B8B  }
0xa2: {  	_ =	swait.ge [sflag:s23], $0x1  }
0xa3: {  	[sflag:s23] =	ssyncset.done $0x0  }
0xa4: {  	s25 =	simm.s32 $0x1B8E;
	s24 =	sld [smem:$0x3FFE];
	[sflag:s23] =	ssyncadd.s32 $0xFFFFFFFF  }
0xa5: {  	s26 =	simm.s32 $execute0_lowered;
	[smem:$0x3FD2] =	sst s25  }
0xa6: {  	s4 =	sshll.u32 s26, $0x1;
	_ =	strace $0x80000049;
	[dreg:$0x1] =	wrdreg $0xFFFFFFFF  }
0xa7: {  	s28 =	simm.s32 $_size_execute0_lowered;
	s2 =	sadd.s32 s2, s4;
	[dreg:$0x0] =	wrdreg $0x0  }
0xa8: {  	s4 =	sshll.u32 s28, $0x1;
	[dreg:$0x2] =	wrdreg s2  }
0xa9: {  	[dreg:$0x3] =	wrdreg s4  }
0xaa: {  	[dreg:$0x4] =	wrdreg $0xC0  }
0xab: {  	_ =	task [dreg:s6], $0x5FFFF  }
0xac: {  	[dreg:$0x1] =	wrdreg $0xFFFFFFFF  }
0xad: {  	[dreg:$0x0] =	wrdreg $0x60  }
0xae: {  	[dreg:$0x2] =	wrdreg s24  }
0xaf: {  	[dreg:$0x3] =	wrdreg $0x0  }
0xb0: {  	[dreg:$0x4] =	wrdreg $0x9  }
0xb1: {  	_ =	task.clear_ibuf [dreg:s6], $0x5FFFF;
	_ =	strace $0x90000049  }
0xb2: {  	s29 =	simm.s32 $0x9;
	_ =	strace $0x8000004B  }
0xb3: {  	_ =	swait.ge [sflag:s29], $0x1  }
0xb4: {  	[sflag:s29] =	ssyncadd.s32 $0xFFFFFFFF  }
0xb5: {  	_ =	strace $0x9000004B  }
0xb6: {  	_ =	sfence  }
0xb7: {  	s30 =	sld [smem:$0x0];
	_ =	sdelay $0x2  }
0xb8: {  	s31 =	sshll.u32 s1, $0xD;
	s1 =	sshrl.u32 s1, $0x2  }
0xb9: {  	s3 =	sand.u32 $0x4000, s31;
	s1 =	sadd.s32 s1, s30  }
0xba: {  	s0 =	sor.u32 s3, s0;
	s1 =	sshll.u32 s1, $0x11  }
0xbb: {  	s0 =	sor.u32 s1, s0  }
0xbc: {  	s0 =	sadd.s32 $0x8F2B, s0  }
0xbd: {  	[sflag:s0] =	ssyncadd.remote.s32 $0x1  }
0xbe: {  	_ =	sfence.sel $0xFFFF  }
0xbf: {  	[dreg:$0x0] =	wrdreg $0xFFFFFFFF;
	(pc) =	sbr.abs _section_cstart, $3  }
0xc0: {  	[dreg:$0x1] =	wrdreg $0xFFFFFFFF  }
0xc1: {  	_ =	task.clear_ibuf [dreg:s6], $0x2FFFF;
	_ =	strace $0x9FFFFFFF  }
0xc2: {  	(tm) =	ssettm $0x7FFFFFFF  }
0xc3: {  	_ =	shalt  }
tec
execute0_lowered:
.L_overlay_start_1:
0x0: {  	(tag) =	ssettag $0x1  }
0x1: {  	s0 =	rddreg [dreg:$0x0]  }
0x2: {  	s2 =	rddreg [dreg:$0x1]  }
0x3: {  	s3 =	simm.s32 $0x0;
	s1 =	srdreg.scid;
	s13 =	stileid.u32  }
0x4: {  	s25 =	simm.s32 $0x14080;
	s14 =	simm.s32 $0x14980;
	s15 =	simm.s32 $0x14280  }
0x5: {  	s16 =	simm.s32 $0x14A00;
	s28 =	simm.s32 $0x14680;
	s29 =	simm.s32 $0x14E00  }
0x6: {  	s30 =	simm.s32 $0x14700;
	s31 =	simm.s32 $0x14E80;
	[smem:$0x7FF] =	sst s3  }
0x7: {  	s1 =	sand.u32 $0x1, s1;
	s5 =	smul.u32 $0x50000, s13;
	s4 =	sadd.s32 $0x18600, s0  }
0x8: {  	s9 =	smul.u32 $0xA, s13;
	_ =	strace $0x8000004A;
	[dreg:$0x7] =	wrdreg s25  }
0x9: {  	s10 =	sadd.s32 $0x4600, s0;
	s11 =	sadd.s32 $0xE600, s0;
	[dreg:$0xd] =	wrdreg s14  }
0xa: {  	s6 =	ssub.s32 $0x2, s1;
	s7 =	smul.u32 $0xA0, s1;
	[dreg:$0xe] =	wrdreg s15  }
0xb: {  	s17 =	sshll.u32 s1, $0x4;
	p0 =	seq.s32 s1, $0x1;
	[dreg:$0xf] =	wrdreg s16  }
0xc: {  	s25 =	simm.s32 $0x14580;
	s8 =	sshrl.u32 s6, $0x1;
	s5 =	sshrl.u32 s5, $0x2  }
0xd: {  	[dreg:$0x18] =	wrdreg s25;
	s6 =	ssub.s32 s6, s8;
	s5 =	sadd.s32 s5, s2  }
0xe: {  	s8 =	sor.u32 s13, s17;
	s17 =	simm.s32 $0x14300;
	[dreg:$0x1a] =	wrdreg s5  }
0xf: {  	s14 =	simm.s32 $0x15000;
	s18 =	sadd.s32 $0x4000, s5;
	[dreg:$0x10] =	wrdreg s17  }
0x10: {  	s15 =	simm.s32 $0x4;
	s19 =	sadd.s32 $0x8000, s5;
	[dreg:$0x1b] =	wrdreg s18  }
0x11: {  	s16 =	simm.s32 $0x14000;
	s12 =	sadd.s32 $0xC000, s5;
	[dreg:$0x1c] =	wrdreg s19  }
0x12: {  	s1 =	simm.s32 $0x14F00;
	s5 =	sadd.s32 $0x10000, s5;
	[dreg:$0x1d] =	wrdreg s12  }
0x13: {  	s25 =	simm.s32 $0x14600;
	[dreg:$0x1e] =	wrdreg s5;
	s5 =	simm.s32 $0x14100  }
0x14: {  	s7 =	sadd.s32 s9, s7;
	s12 =	simm.s32 $0x14900;
	[dreg:$0x8] =	wrdreg s5  }
0x15: {  	s7 =	sshll.u32 s7, $0x7;
	s18 =	simm.s32 $0x14A80;
	[dreg:$0xb] =	wrdreg s12  }
0x16: {  	s20 =	sadd.s32 $0x100, s7;
	s19 =	simm.s32 $0x14380;
	[dreg:$0x11] =	wrdreg s18  }
0x17: {  	s8 =	smul.u32 $0x500, s8;
	s21 =	sadd.s32 s20, s10;
	[dreg:$0x12] =	wrdreg s19  }
0x18: {  	s22 =	sadd.s32 s7, s10;
	s9 =	sadd.s32 s20, s11;
	[dreg:$0x3] =	wrdreg s21  }
0x19: {  	s17 =	simm.s32 $0x14800;
	s23 =	sadd.s32 $0x80, s22;
	[dreg:$0x4] =	wrdreg s9  }
0x1a: {  	s7 =	sadd.s32 s7, s11;
	s24 =	sadd.s32 s10, s8;
	[dreg:$0x5] =	wrdreg s23  }
0x1b: {  	s7 =	sadd.s32 $0x80, s7;
	s26 =	sadd.s32 s11, s8;
	[dreg:$0x1f] =	wrdreg s24  }
0x1c: {  	s8 =	simm.s32 $0x14880;
	s10 =	simm.s32 $0x14180;
	[dreg:$0x6] =	wrdreg s7  }
0x1d: {  	s11 =	smax.u32 s6, $0x1;
	s6 =	simm.s32 $0x90600;
	[smem:$0x7FB] =	sst s26  }
0x1e: {  	s20 =	simm.s32 $0x14B00;
	s18 =	simm.s32 $0x3;
	[dreg:$0x9] =	wrdreg s8  }
0x1f: {  	s19 =	simm.s32 $0x14400;
	s22 =	simm.s32 $0x14480;
	[smem:$0x7FC] =	sst s11  }
0x20: {  	s9 =	smul.u32 $0x2800, s13;
	[dreg:$0xa] =	wrdreg s10;
	s13 =	simm.s32 $0x14200  }
0x21: {  	s6 =	simm.s32 @!p0 $0x68600;
	[dreg:$0x13] =	wrdreg s20;
	s21 =	simm.s32 $0x14B80  }
0x22: {  	s20 =	simm.s32 $0x14C00;
	[dreg:$0x15] =	wrdreg s22;
	s23 =	simm.s32 $0x14500  }
0x23: {  	s24 =	simm.s32 $0x14C80;
	s22 =	simm.s32 $0x19000;
	[dreg:$0xc] =	wrdreg s13  }
0x24: {  	s26 =	simm.s32 $0x14D00;
	s7 =	simm.s32 $0x0;
	[dreg:$0x14] =	wrdreg s21  }
0x25: {  	s0 =	sadd.s32 s6, s0;
	s21 =	simm.s32 $0x80;
	[dreg:$0x16] =	wrdreg s23  }
0x26: {  	[dreg:$0x17] =	wrdreg s24;
	s23 =	simm.s32 $0x1;
	s24 =	simm.s32 $0x2  }
0x27: {  	[dreg:$0x19] =	wrdreg s26;
	s26 =	simm.s32 $0x14D80;
	s0 =	sadd.s32 s0, s9  }
0x28: {  	v0 =	vimm.f32 $0.0e+00;
	s6 =	simm.s32 $0x14F80;
	[smem:$0x7FD] =	sst s0;
	s0 =	simm.s32 $0x14780  }
.LBB2_1:
0x29: {  	s8 =	simm.s32 $0x0;
	s9 =	simm.s32 $0x200  }
.LBB2_2:
0x2a: {  	p0 =	sne.s32 s9, $0xFE00;
	[tilespmem:s8+$0x15070] =	vst v0  }
0x2b: {  	[tilespmem:s8+$0x15000] =	vst v0  }
0x2c: {  	[tilespmem:s8+$0x15010] =	vst v0  }
.Ltmp0:
0x2d: {  	[tilespmem:s8+$0x15020] =	vst v0;
	(pc) =	sbr.rel @p0 .LBB2_2-.Ltmp0, $4  }
0x2e: {  	[tilespmem:s8+$0x15030] =	vst v0  }
0x2f: {  	[tilespmem:s8+$0x15040] =	vst v0  }
0x30: {  	[tilespmem:s8+$0x15050] =	vst v0  }
0x31: {  	[tilespmem:s8+$0x15060] =	vst v0;
	s8 =	sshra.s32 s9, $0x2;
	s9 =	sadd.s32 $0x200, s9  }
0x32: {  	[tilespmem:s8+$0x15070] =	vst v0  }
0x33: {  	[tilespmem:s8+$0x15000] =	vst v0  }
0x34: {  	[tilespmem:s8+$0x15010] =	vst v0  }
0x35: {  	[tilespmem:s8+$0x15020] =	vst v0  }
0x36: {  	[tilespmem:s8+$0x15030] =	vst v0  }
0x37: {  	[tilespmem:s8+$0x15040] =	vst v0  }
0x38: {  	[tilespmem:s8+$0x15050] =	vst v0  }
0x39: {  	[tilespmem:s8+$0x15060] =	vst v0;
	s5 =	rddreg [dreg:$0x1a]  }
0x3a: {  	[spmem:s5] =	stream.linear.scatter [tilespmem:s14], [sflag:$0x4], $0x4000, $0x38;
	[tilespmem:$0x1D000] =	vst v63  }
0x3b: {  	_ =	swait.ge [sflag:s15], $0x4000  }
0x3c: {  	[sflag:s15] =	ssyncset.done $0x0  }
0x3d: {  	s9 =	rddreg [dreg:$0x1b];
	[sflag:s15] =	ssyncadd.s32 $0xFFFFC000  }
0x3e: {  	[spmem:s9] =	stream.linear.scatter [tilespmem:s14], [sflag:$0x4], $0x4000, $0x38;
	[tilespmem:$0x1D000] =	vst v63  }
0x3f: {  	_ =	swait.ge [sflag:s15], $0x4000  }
0x40: {  	[sflag:s15] =	ssyncset.done $0x0  }
0x41: {  	s10 =	rddreg [dreg:$0x1c];
	[sflag:s15] =	ssyncadd.s32 $0xFFFFC000  }
0x42: {  	[spmem:s10] =	stream.linear.scatter [tilespmem:s14], [sflag:$0x4], $0x4000, $0x38;
	[tilespmem:$0x1D000] =	vst v63  }
0x43: {  	_ =	swait.ge [sflag:s15], $0x4000  }
0x44: {  	[sflag:s15] =	ssyncset.done $0x0  }
0x45: {  	s11 =	rddreg [dreg:$0x1d];
	[sflag:s15] =	ssyncadd.s32 $0xFFFFC000  }
0x46: {  	[spmem:s11] =	stream.linear.scatter [tilespmem:s14], [sflag:$0x4], $0x4000, $0x38;
	[tilespmem:$0x1D000] =	vst v63  }
0x47: {  	_ =	swait.ge [sflag:s15], $0x4000  }
0x48: {  	[sflag:s15] =	ssyncset.done $0x0  }
0x49: {  	s12 =	rddreg [dreg:$0x1e];
	[sflag:s15] =	ssyncadd.s32 $0xFFFFC000  }
0x4a: {  	[spmem:s12] =	stream.linear.scatter [tilespmem:s14], [sflag:$0x4], $0x4000, $0x38;
	[tilespmem:$0x1D000] =	vst v63  }
0x4b: {  	_ =	swait.ge [sflag:s15], $0x4000  }
0x4c: {  	[sflag:s15] =	ssyncset.done $0x0  }
0x4d: {  	[sflag:s15] =	ssyncadd.s32 $0xFFFFC000  }
0x4e: {  	[bflag:$0x0] =	sbarrier.arrive $0xFFFF  }
0x4f: {  	s9 =	rddreg [dreg:$0x1f]  }
0x50: {  	s13 =	simm.s32 $0x0;
	s10 =	sld [smem:$0x7FB]  }
0x51: {  	[tilespmem:s16], [sflag:$0x3] =	stream.linear.gather [hbm4b:s9+s13], $0x400, $0x38;
	[tilespmem:$0x1D000] =	vst v63  }
0x52: {  	_ = 	snop  }
0x53: {  	[tilespmem:s17], [sflag:$0x3] =	stream.linear.gather [hbm4b:s10+s13], $0x400, $0x38;
	[tilespmem:$0x1D000] =	vst v63  }
0x54: {  	_ =	swait.ge [sflag:s18], $0x400  }
0x55: {  	[sflag:s18] =	ssyncset.done $0x0  }
0x56: {  	[sflag:s18] =	ssyncadd.s32 $0xFFFFFC00  }
0x57: {  	_ =	swait.ge [sflag:s18], $0x400  }
0x58: {  	s11 =	rddreg [dreg:$0x5];
	[sflag:s18] =	ssyncset.done $0x0  }
0x59: {  	s9 =	rddreg [dreg:$0x6];
	[sflag:s18] =	ssyncadd.s32 $0xFFFFFC00;
	s8 =	sadd.s32 $0x0, s11  }
0x5a: {  	[tilespmem:s19], [sflag:$0x3] =	stream.linear.gather [hbm4b:s8+s3], $0x400, $0x38;
	[tilespmem:$0x1D000] =	vst v63  }
0x5b: {  	s12 =	sadd.s32 $0x0, s9  }
0x5c: {  	[tilespmem:s20], [sflag:$0x3] =	stream.linear.gather [hbm4b:s12+s3], $0x400, $0x38;
	[tilespmem:$0x1D000] =	vst v63  }
0x5d: {  	_ = 	snop  }
0x5e: {  	[tilespmem:s14], [sflag:$0x1] =	stream.indirect.gather [hbm4b:s4+s21], $0x80, s16, s21, $0xb8;
	[tilespmem:$0x1D000] =	vst v63  }
0x5f: {  	s13 =	rddreg [dreg:$0x7]  }
0x60: {  	[tilespmem:s22], [sflag:$0x2] =	stream.indirect.gather [hbm4b:s4+s21], $0x80, s13, s21, $0xb8;
	[tilespmem:$0x1D000] =	vst v63  }
0x61: {  	_ =	swait.ge [sflag:s23], $0x4000  }
0x62: {  	[sflag:s23] =	ssyncset.done $0x0  }
0x63: {  	[sflag:s23] =	ssyncadd.s32 $0xFFFFC000  }
0x64: {  	[spmem:s2] =	stream.indirect.scatter.add.f32 [tilespmem:s14], [sflag:$0x4], $0x80, s17, s21, $0xb8;
	[tilespmem:$0x1D000] =	vst v63  }
0x65: {  	_ =	swait.ge [sflag:s15], $0x4000  }
0x66: {  	[sflag:s15] =	ssyncset.done $0x0  }
0x67: {  	s5 =	rddreg [dreg:$0x8];
	[sflag:s15] =	ssyncadd.s32 $0xFFFFC000  }
0x68: {  	[tilespmem:s14], [sflag:$0x1] =	stream.indirect.gather [hbm4b:s4+s21], $0x80, s5, s21, $0xb8;
	[tilespmem:$0x1D000] =	vst v63  }
0x69: {  	_ =	swait.ge [sflag:s24], $0x4000  }
0x6a: {  	[sflag:s24] =	ssyncset.done $0x0  }
0x6b: {  	s9 =	rddreg [dreg:$0x9];
	[sflag:s24] =	ssyncadd.s32 $0xFFFFC000  }
0x6c: {  	[spmem:s2] =	stream.indirect.scatter.add.f32 [tilespmem:s22], [sflag:$0x4], $0x80, s9, s21, $0xb8;
	[tilespmem:$0x1D000] =	vst v63  }
0x6d: {  	_ =	swait.ge [sflag:s15], $0x4000  }
0x6e: {  	[sflag:s15] =	ssyncset.done $0x0  }
0x6f: {  	s10 =	rddreg [dreg:$0xa];
	[sflag:s15] =	ssyncadd.s32 $0xFFFFC000  }
0x70: {  	[tilespmem:s22], [sflag:$0x2] =	stream.indirect.gather [hbm4b:s4+s21], $0x80, s10, s21, $0xb8;
	[tilespmem:$0x1D000] =	vst v63  }
0x71: {  	_ =	swait.ge [sflag:s23], $0x4000  }
0x72: {  	[sflag:s23] =	ssyncset.done $0x0  }
0x73: {  	s11 =	rddreg [dreg:$0xb];
	[sflag:s23] =	ssyncadd.s32 $0xFFFFC000  }
0x74: {  	[spmem:s2] =	stream.indirect.scatter.add.f32 [tilespmem:s14], [sflag:$0x4], $0x80, s11, s21, $0xb8;
	[tilespmem:$0x1D000] =	vst v63  }
0x75: {  	_ =	swait.ge [sflag:s15], $0x4000  }
0x76: {  	[sflag:s15] =	ssyncset.done $0x0  }
0x77: {  	s12 =	rddreg [dreg:$0xc];
	[sflag:s15] =	ssyncadd.s32 $0xFFFFC000  }
0x78: {  	[tilespmem:s14], [sflag:$0x1] =	stream.indirect.gather [hbm4b:s4+s21], $0x80, s12, s21, $0xb8;
	[tilespmem:$0x1D000] =	vst v63  }
0x79: {  	_ =	swait.ge [sflag:s24], $0x4000  }
0x7a: {  	[sflag:s24] =	ssyncset.done $0x0  }
0x7b: {  	s13 =	rddreg [dreg:$0xd];
	[sflag:s24] =	ssyncadd.s32 $0xFFFFC000  }
0x7c: {  	[spmem:s2] =	stream.indirect.scatter.add.f32 [tilespmem:s22], [sflag:$0x4], $0x80, s13, s21, $0xb8;
	[tilespmem:$0x1D000] =	vst v63  }
0x7d: {  	_ =	swait.ge [sflag:s15], $0x4000  }
0x7e: {  	[sflag:s15] =	ssyncset.done $0x0  }
0x7f: {  	s5 =	rddreg [dreg:$0xe];
	[sflag:s15] =	ssyncadd.s32 $0xFFFFC000  }
0x80: {  	[tilespmem:s22], [sflag:$0x2] =	stream.indirect.gather [hbm4b:s4+s21], $0x80, s5, s21, $0xb8;
	[tilespmem:$0x1D000] =	vst v63  }
0x81: {  	_ =	swait.ge [sflag:s23], $0x4000  }
0x82: {  	[sflag:s23] =	ssyncset.done $0x0  }
0x83: {  	s9 =	rddreg [dreg:$0xf];
	[sflag:s23] =	ssyncadd.s32 $0xFFFFC000  }
0x84: {  	[spmem:s2] =	stream.indirect.scatter.add.f32 [tilespmem:s14], [sflag:$0x4], $0x80, s9, s21, $0xb8;
	[tilespmem:$0x1D000] =	vst v63  }
0x85: {  	_ =	swait.ge [sflag:s15], $0x4000  }
0x86: {  	[sflag:s15] =	ssyncset.done $0x0  }
0x87: {  	s10 =	rddreg [dreg:$0x10];
	[sflag:s15] =	ssyncadd.s32 $0xFFFFC000  }
0x88: {  	[tilespmem:s14], [sflag:$0x1] =	stream.indirect.gather [hbm4b:s4+s21], $0x80, s10, s21, $0xb8;
	[tilespmem:$0x1D000] =	vst v63  }
0x89: {  	_ =	swait.ge [sflag:s24], $0x4000  }
0x8a: {  	[sflag:s24] =	ssyncset.done $0x0  }
0x8b: {  	s11 =	rddreg [dreg:$0x11];
	[sflag:s24] =	ssyncadd.s32 $0xFFFFC000  }
0x8c: {  	[spmem:s2] =	stream.indirect.scatter.add.f32 [tilespmem:s22], [sflag:$0x4], $0x80, s11, s21, $0xb8;
	[tilespmem:$0x1D000] =	vst v63  }
0x8d: {  	_ =	swait.ge [sflag:s15], $0x4000  }
0x8e: {  	[sflag:s15] =	ssyncset.done $0x0  }
0x8f: {  	s12 =	rddreg [dreg:$0x12];
	[sflag:s15] =	ssyncadd.s32 $0xFFFFC000  }
0x90: {  	[tilespmem:s22], [sflag:$0x2] =	stream.indirect.gather [hbm4b:s4+s21], $0x80, s12, s21, $0xb8;
	[tilespmem:$0x1D000] =	vst v63  }
0x91: {  	_ =	swait.ge [sflag:s23], $0x4000  }
0x92: {  	[sflag:s23] =	ssyncset.done $0x0  }
0x93: {  	s13 =	rddreg [dreg:$0x13];
	[sflag:s23] =	ssyncadd.s32 $0xFFFFC000  }
0x94: {  	[spmem:s2] =	stream.indirect.scatter.add.f32 [tilespmem:s14], [sflag:$0x4], $0x80, s13, s21, $0xb8;
	[tilespmem:$0x1D000] =	vst v63  }
0x95: {  	_ =	swait.ge [sflag:s15], $0x4000  }
0x96: {  	[sflag:s15] =	ssyncset.done $0x0  }
0x97: {  	[sflag:s15] =	ssyncadd.s32 $0xFFFFC000  }
0x98: {  	_ =	swait.ge [sflag:s24], $0x4000  }
0x99: {  	[sflag:s24] =	ssyncset.done $0x0  }
0x9a: {  	s5 =	rddreg [dreg:$0x14];
	[sflag:s24] =	ssyncadd.s32 $0xFFFFC000  }
0x9b: {  	[spmem:s2] =	stream.indirect.scatter.add.f32 [tilespmem:s22], [sflag:$0x4], $0x80, s5, s21, $0xb8;
	[tilespmem:$0x1D000] =	vst v63  }
0x9c: {  	_ =	swait.ge [sflag:s15], $0x4000  }
0x9d: {  	[sflag:s15] =	ssyncset.done $0x0  }
0x9e: {  	[sflag:s15] =	ssyncadd.s32 $0xFFFFC000  }
0x9f: {  	_ =	swait.ge [sflag:s18], $0x400  }
0xa0: {  	[sflag:s18] =	ssyncset.done $0x0  }
0xa1: {  	p0 =	por $0x0, $0x0;
	[sflag:s18] =	ssyncadd.s32 $0xFFFFFC00  }
0xa2: {  	s10 =	simm.s32 @!p0 $0x0;
	_ =	swait.ge [sflag:s18], $0x400  }
0xa3: {  	s11 =	simm.s32 @!p0 $0x14000;
	s8 =	rddreg [dreg:$0x3];
	[sflag:s18] =	ssyncset.done $0x0  }
0xa4: {  	s9 =	rddreg [dreg:$0x4];
	[sflag:s18] =	ssyncadd.s32 $0xFFFFFC00;
	s8 =	sadd.s32 @!p0 $0x0, s8  }
0xa5: {  	[tilespmem:s11], [sflag:$0x3] =	stream.linear.gather @!p0 [hbm4b:s8+s10], $0x400, $0x38;
	[tilespmem:$0x1D000] =	vst v63  }
0xa6: {  	s9 =	sadd.s32 @!p0 $0x0, s9;
	s8 =	simm.s32 @!p0 $0x14800  }
0xa7: {  	[tilespmem:s8], [sflag:$0x3] =	stream.linear.gather @!p0 [hbm4b:s9+s10], $0x400, $0x38;
	[tilespmem:$0x1D000] =	vst v63  }
0xa8: {  	_ = 	snop  }
0xa9: {  	[tilespmem:s14], [sflag:$0x1] =	stream.indirect.gather [hbm4b:s4+s21], $0x80, s19, s21, $0xb8;
	[tilespmem:$0x1D000] =	vst v63  }
0xaa: {  	s9 =	rddreg [dreg:$0x15]  }
0xab: {  	[tilespmem:s22], [sflag:$0x2] =	stream.indirect.gather [hbm4b:s4+s21], $0x80, s9, s21, $0xb8;
	[tilespmem:$0x1D000] =	vst v63  }
0xac: {  	_ =	swait.ge [sflag:s23], $0x4000  }
0xad: {  	[sflag:s23] =	ssyncset.done $0x0  }
0xae: {  	[sflag:s23] =	ssyncadd.s32 $0xFFFFC000  }
0xaf: {  	[spmem:s2] =	stream.indirect.scatter.add.f32 [tilespmem:s14], [sflag:$0x4], $0x80, s20, s21, $0xb8;
	[tilespmem:$0x1D000] =	vst v63  }
0xb0: {  	_ =	swait.ge [sflag:s15], $0x4000  }
0xb1: {  	[sflag:s15] =	ssyncset.done $0x0  }
0xb2: {  	s10 =	rddreg [dreg:$0x16];
	[sflag:s15] =	ssyncadd.s32 $0xFFFFC000  }
0xb3: {  	[tilespmem:s14], [sflag:$0x1] =	stream.indirect.gather [hbm4b:s4+s21], $0x80, s10, s21, $0xb8;
	[tilespmem:$0x1D000] =	vst v63  }
0xb4: {  	_ =	swait.ge [sflag:s24], $0x4000  }
0xb5: {  	[sflag:s24] =	ssyncset.done $0x0  }
0xb6: {  	s11 =	rddreg [dreg:$0x17];
	[sflag:s24] =	ssyncadd.s32 $0xFFFFC000  }
0xb7: {  	[spmem:s2] =	stream.indirect.scatter.add.f32 [tilespmem:s22], [sflag:$0x4], $0x80, s11, s21, $0xb8;
	[tilespmem:$0x1D000] =	vst v63  }
0xb8: {  	_ =	swait.ge [sflag:s15], $0x4000  }
0xb9: {  	[sflag:s15] =	ssyncset.done $0x0  }
0xba: {  	s12 =	rddreg [dreg:$0x18];
	[sflag:s15] =	ssyncadd.s32 $0xFFFFC000  }
0xbb: {  	[tilespmem:s22], [sflag:$0x2] =	stream.indirect.gather [hbm4b:s4+s21], $0x80, s12, s21, $0xb8;
	[tilespmem:$0x1D000] =	vst v63  }
0xbc: {  	_ =	swait.ge [sflag:s23], $0x4000  }
0xbd: {  	[sflag:s23] =	ssyncset.done $0x0  }
0xbe: {  	s13 =	rddreg [dreg:$0x19];
	[sflag:s23] =	ssyncadd.s32 $0xFFFFC000  }
0xbf: {  	[spmem:s2] =	stream.indirect.scatter.add.f32 [tilespmem:s14], [sflag:$0x4], $0x80, s13, s21, $0xb8;
	[tilespmem:$0x1D000] =	vst v63  }
0xc0: {  	_ =	swait.ge [sflag:s15], $0x4000  }
0xc1: {  	[sflag:s15] =	ssyncset.done $0x0  }
0xc2: {  	[sflag:s15] =	ssyncadd.s32 $0xFFFFC000  }
0xc3: {  	[tilespmem:s14], [sflag:$0x1] =	stream.indirect.gather [hbm4b:s4+s21], $0x80, s25, s21, $0xb8;
	[tilespmem:$0x1D000] =	vst v63  }
0xc4: {  	_ =	swait.ge [sflag:s24], $0x4000  }
0xc5: {  	[sflag:s24] =	ssyncset.done $0x0  }
0xc6: {  	[sflag:s24] =	ssyncadd.s32 $0xFFFFC000  }
0xc7: {  	[spmem:s2] =	stream.indirect.scatter.add.f32 [tilespmem:s22], [sflag:$0x4], $0x80, s26, s21, $0xb8;
	[tilespmem:$0x1D000] =	vst v63  }
0xc8: {  	_ =	swait.ge [sflag:s15], $0x4000  }
0xc9: {  	[sflag:s15] =	ssyncset.done $0x0  }
0xca: {  	[sflag:s15] =	ssyncadd.s32 $0xFFFFC000  }
0xcb: {  	[tilespmem:s22], [sflag:$0x2] =	stream.indirect.gather [hbm4b:s4+s21], $0x80, s28, s21, $0xb8;
	[tilespmem:$0x1D000] =	vst v63  }
0xcc: {  	_ =	swait.ge [sflag:s23], $0x4000  }
0xcd: {  	[sflag:s23] =	ssyncset.done $0x0  }
0xce: {  	[sflag:s23] =	ssyncadd.s32 $0xFFFFC000  }
0xcf: {  	[spmem:s2] =	stream.indirect.scatter.add.f32 [tilespmem:s14], [sflag:$0x4], $0x80, s29, s21, $0xb8;
	[tilespmem:$0x1D000] =	vst v63  }
0xd0: {  	_ =	swait.ge [sflag:s15], $0x4000  }
0xd1: {  	[sflag:s15] =	ssyncset.done $0x0  }
0xd2: {  	[sflag:s15] =	ssyncadd.s32 $0xFFFFC000  }
0xd3: {  	[tilespmem:s14], [sflag:$0x1] =	stream.indirect.gather [hbm4b:s4+s21], $0x80, s30, s21, $0xb8;
	[tilespmem:$0x1D000] =	vst v63  }
0xd4: {  	_ =	swait.ge [sflag:s24], $0x4000  }
0xd5: {  	[sflag:s24] =	ssyncset.done $0x0  }
0xd6: {  	[sflag:s24] =	ssyncadd.s32 $0xFFFFC000  }
0xd7: {  	[spmem:s2] =	stream.indirect.scatter.add.f32 [tilespmem:s22], [sflag:$0x4], $0x80, s31, s21, $0xb8;
	[tilespmem:$0x1D000] =	vst v63  }
0xd8: {  	_ =	swait.ge [sflag:s15], $0x4000  }
0xd9: {  	[sflag:s15] =	ssyncset.done $0x0  }
0xda: {  	[sflag:s15] =	ssyncadd.s32 $0xFFFFC000  }
0xdb: {  	[tilespmem:s22], [sflag:$0x2] =	stream.indirect.gather [hbm4b:s4+s21], $0x80, s0, s21, $0xb8;
	[tilespmem:$0x1D000] =	vst v63  }
0xdc: {  	_ =	swait.ge [sflag:s23], $0x4000  }
0xdd: {  	[sflag:s23] =	ssyncset.done $0x0  }
0xde: {  	[sflag:s23] =	ssyncadd.s32 $0xFFFFC000  }
0xdf: {  	[spmem:s2] =	stream.indirect.scatter.add.f32 [tilespmem:s14], [sflag:$0x4], $0x80, s1, s21, $0xb8;
	[tilespmem:$0x1D000] =	vst v63  }
0xe0: {  	_ =	swait.ge [sflag:s15], $0x4000  }
0xe1: {  	[sflag:s15] =	ssyncset.done $0x0  }
0xe2: {  	[sflag:s15] =	ssyncadd.s32 $0xFFFFC000  }
0xe3: {  	_ =	swait.ge [sflag:s24], $0x4000  }
0xe4: {  	[sflag:s24] =	ssyncset.done $0x0  }
0xe5: {  	[sflag:s24] =	ssyncadd.s32 $0xFFFFC000  }
0xe6: {  	[spmem:s2] =	stream.indirect.scatter.add.f32 [tilespmem:s22], [sflag:$0x4], $0x80, s6, s21, $0xb8;
	[tilespmem:$0x1D000] =	vst v63  }
0xe7: {  	s8 =	simm.s32 $0x100;
	_ =	swait.ge [sflag:s15], $0x4000  }
.LBB2_4:
0xe8: {  	[sflag:s15] =	ssyncset.done $0x0  }
0xe9: {  	[sflag:s15] =	ssyncadd.s32 $0xFFFFC000  }
0xea: {  	_ =	swait.ge [sflag:s18], $0x400  }
0xeb: {  	[sflag:s18] =	ssyncset.done $0x0  }
0xec: {  	[sflag:s18] =	ssyncadd.s32 $0xFFFFFC00  }
0xed: {  	_ =	swait.ge [sflag:s18], $0x400  }
0xee: {  	s9 =	smov.u32 s8;
	s10 =	rddreg [dreg:$0x5];
	[sflag:s18] =	ssyncset.done $0x0  }
0xef: {  	s11 =	rddreg [dreg:$0x6];
	[sflag:s18] =	ssyncadd.s32 $0xFFFFFC00;
	s10 =	sadd.s32 s9, s10  }
0xf0: {  	[tilespmem:s19], [sflag:$0x3] =	stream.linear.gather [hbm4b:s10+s3], $0x400, $0x38;
	[tilespmem:$0x1D000] =	vst v63  }
0xf1: {  	s12 =	sadd.s32 s9, s11  }
0xf2: {  	[tilespmem:s20], [sflag:$0x3] =	stream.linear.gather [hbm4b:s12+s3], $0x400, $0x38;
	[tilespmem:$0x1D000] =	vst v63  }
0xf3: {  	_ = 	snop  }
0xf4: {  	[tilespmem:s14], [sflag:$0x1] =	stream.indirect.gather [hbm4b:s4+s21], $0x80, s16, s21, $0xb8;
	[tilespmem:$0x1D000] =	vst v63  }
0xf5: {  	s13 =	rddreg [dreg:$0x7]  }
0xf6: {  	[tilespmem:s22], [sflag:$0x2] =	stream.indirect.gather [hbm4b:s4+s21], $0x80, s13, s21, $0xb8;
	[tilespmem:$0x1D000] =	vst v63  }
0xf7: {  	_ =	swait.ge [sflag:s23], $0x4000  }
0xf8: {  	[sflag:s23] =	ssyncset.done $0x0  }
0xf9: {  	[sflag:s23] =	ssyncadd.s32 $0xFFFFC000  }
0xfa: {  	[spmem:s2] =	stream.indirect.scatter.add.f32 [tilespmem:s14], [sflag:$0x4], $0x80, s17, s21, $0xb8;
	[tilespmem:$0x1D000] =	vst v63  }
0xfb: {  	_ =	swait.ge [sflag:s15], $0x4000  }
0xfc: {  	[sflag:s15] =	ssyncset.done $0x0  }
0xfd: {  	s5 =	rddreg [dreg:$0x8];
	[sflag:s15] =	ssyncadd.s32 $0xFFFFC000  }
0xfe: {  	[tilespmem:s14], [sflag:$0x1] =	stream.indirect.gather [hbm4b:s4+s21], $0x80, s5, s21, $0xb8;
	[tilespmem:$0x1D000] =	vst v63  }
0xff: {  	_ =	swait.ge [sflag:s24], $0x4000  }
0x100: {  	[sflag:s24] =	ssyncset.done $0x0  }
0x101: {  	s11 =	rddreg [dreg:$0x9];
	[sflag:s24] =	ssyncadd.s32 $0xFFFFC000  }
0x102: {  	[spmem:s2] =	stream.indirect.scatter.add.f32 [tilespmem:s22], [sflag:$0x4], $0x80, s11, s21, $0xb8;
	[tilespmem:$0x1D000] =	vst v63  }
0x103: {  	_ =	swait.ge [sflag:s15], $0x4000  }
0x104: {  	[sflag:s15] =	ssyncset.done $0x0  }
0x105: {  	s12 =	rddreg [dreg:$0xa];
	[sflag:s15] =	ssyncadd.s32 $0xFFFFC000  }
0x106: {  	[tilespmem:s22], [sflag:$0x2] =	stream.indirect.gather [hbm4b:s4+s21], $0x80, s12, s21, $0xb8;
	[tilespmem:$0x1D000] =	vst v63  }
0x107: {  	_ =	swait.ge [sflag:s23], $0x4000  }
0x108: {  	[sflag:s23] =	ssyncset.done $0x0  }
0x109: {  	s13 =	rddreg [dreg:$0xb];
	[sflag:s23] =	ssyncadd.s32 $0xFFFFC000  }
0x10a: {  	[spmem:s2] =	stream.indirect.scatter.add.f32 [tilespmem:s14], [sflag:$0x4], $0x80, s13, s21, $0xb8;
	[tilespmem:$0x1D000] =	vst v63  }
0x10b: {  	_ =	swait.ge [sflag:s15], $0x4000  }
0x10c: {  	[sflag:s15] =	ssyncset.done $0x0  }
0x10d: {  	s5 =	rddreg [dreg:$0xc];
	[sflag:s15] =	ssyncadd.s32 $0xFFFFC000  }
0x10e: {  	[tilespmem:s14], [sflag:$0x1] =	stream.indirect.gather [hbm4b:s4+s21], $0x80, s5, s21, $0xb8;
	[tilespmem:$0x1D000] =	vst v63  }
0x10f: {  	_ =	swait.ge [sflag:s24], $0x4000  }
0x110: {  	[sflag:s24] =	ssyncset.done $0x0  }
0x111: {  	s11 =	rddreg [dreg:$0xd];
	[sflag:s24] =	ssyncadd.s32 $0xFFFFC000  }
0x112: {  	[spmem:s2] =	stream.indirect.scatter.add.f32 [tilespmem:s22], [sflag:$0x4], $0x80, s11, s21, $0xb8;
	[tilespmem:$0x1D000] =	vst v63  }
0x113: {  	_ =	swait.ge [sflag:s15], $0x4000  }
0x114: {  	[sflag:s15] =	ssyncset.done $0x0  }
0x115: {  	s12 =	rddreg [dreg:$0xe];
	[sflag:s15] =	ssyncadd.s32 $0xFFFFC000  }
0x116: {  	[tilespmem:s22], [sflag:$0x2] =	stream.indirect.gather [hbm4b:s4+s21], $0x80, s12, s21, $0xb8;
	[tilespmem:$0x1D000] =	vst v63  }
0x117: {  	_ =	swait.ge [sflag:s23], $0x4000  }
0x118: {  	[sflag:s23] =	ssyncset.done $0x0  }
0x119: {  	s13 =	rddreg [dreg:$0xf];
	[sflag:s23] =	ssyncadd.s32 $0xFFFFC000  }
0x11a: {  	[spmem:s2] =	stream.indirect.scatter.add.f32 [tilespmem:s14], [sflag:$0x4], $0x80, s13, s21, $0xb8;
	[tilespmem:$0x1D000] =	vst v63  }
0x11b: {  	_ =	swait.ge [sflag:s15], $0x4000  }
0x11c: {  	[sflag:s15] =	ssyncset.done $0x0  }
0x11d: {  	s5 =	rddreg [dreg:$0x10];
	[sflag:s15] =	ssyncadd.s32 $0xFFFFC000  }
0x11e: {  	[tilespmem:s14], [sflag:$0x1] =	stream.indirect.gather [hbm4b:s4+s21], $0x80, s5, s21, $0xb8;
	[tilespmem:$0x1D000] =	vst v63  }
0x11f: {  	_ =	swait.ge [sflag:s24], $0x4000  }
0x120: {  	[sflag:s24] =	ssyncset.done $0x0  }
0x121: {  	s11 =	rddreg [dreg:$0x11];
	[sflag:s24] =	ssyncadd.s32 $0xFFFFC000  }
0x122: {  	[spmem:s2] =	stream.indirect.scatter.add.f32 [tilespmem:s22], [sflag:$0x4], $0x80, s11, s21, $0xb8;
	[tilespmem:$0x1D000] =	vst v63  }
0x123: {  	_ =	swait.ge [sflag:s15], $0x4000  }
0x124: {  	[sflag:s15] =	ssyncset.done $0x0  }
0x125: {  	s12 =	rddreg [dreg:$0x12];
	[sflag:s15] =	ssyncadd.s32 $0xFFFFC000  }
0x126: {  	[tilespmem:s22], [sflag:$0x2] =	stream.indirect.gather [hbm4b:s4+s21], $0x80, s12, s21, $0xb8;
	[tilespmem:$0x1D000] =	vst v63  }
0x127: {  	_ =	swait.ge [sflag:s23], $0x4000  }
0x128: {  	[sflag:s23] =	ssyncset.done $0x0  }
0x129: {  	s13 =	rddreg [dreg:$0x13];
	[sflag:s23] =	ssyncadd.s32 $0xFFFFC000  }
0x12a: {  	[spmem:s2] =	stream.indirect.scatter.add.f32 [tilespmem:s14], [sflag:$0x4], $0x80, s13, s21, $0xb8;
	[tilespmem:$0x1D000] =	vst v63  }
0x12b: {  	_ =	swait.ge [sflag:s15], $0x4000  }
0x12c: {  	[sflag:s15] =	ssyncset.done $0x0  }
0x12d: {  	[sflag:s15] =	ssyncadd.s32 $0xFFFFC000  }
0x12e: {  	_ =	swait.ge [sflag:s24], $0x4000  }
0x12f: {  	[sflag:s24] =	ssyncset.done $0x0  }
0x130: {  	s5 =	rddreg [dreg:$0x14];
	[sflag:s24] =	ssyncadd.s32 $0xFFFFC000  }
0x131: {  	[spmem:s2] =	stream.indirect.scatter.add.f32 [tilespmem:s22], [sflag:$0x4], $0x80, s5, s21, $0xb8;
	[tilespmem:$0x1D000] =	vst v63  }
0x132: {  	_ =	swait.ge [sflag:s15], $0x4000  }
0x133: {  	[sflag:s15] =	ssyncset.done $0x0  }
0x134: {  	[sflag:s15] =	ssyncadd.s32 $0xFFFFC000  }
0x135: {  	_ =	swait.ge [sflag:s18], $0x400  }
0x136: {  	[sflag:s18] =	ssyncset.done $0x0  }
0x137: {  	p1 =	seq.s32 s9, $0x400;
	[sflag:s18] =	ssyncadd.s32 $0xFFFFFC00  }
0x138: {  	s12 =	simm.s32 @!p1 $0x0;
	_ =	swait.ge [sflag:s18], $0x400  }
0x139: {  	s13 =	simm.s32 @!p1 $0x14000;
	s10 =	rddreg [dreg:$0x3];
	[sflag:s18] =	ssyncset.done $0x0  }
0x13a: {  	s11 =	rddreg [dreg:$0x4];
	[sflag:s18] =	ssyncadd.s32 $0xFFFFFC00;
	s10 =	sadd.s32 @!p1 s9, s10  }
0x13b: {  	[tilespmem:s13], [sflag:$0x3] =	stream.linear.gather @!p1 [hbm4b:s10+s12], $0x400, $0x38;
	[tilespmem:$0x1D000] =	vst v63  }
0x13c: {  	s5 =	simm.s32 @!p1 $0x14800;
	s9 =	sadd.s32 @!p1 s9, s11  }
0x13d: {  	[tilespmem:s5], [sflag:$0x3] =	stream.linear.gather @!p1 [hbm4b:s9+s12], $0x400, $0x38;
	[tilespmem:$0x1D000] =	vst v63  }
0x13e: {  	_ = 	snop  }
0x13f: {  	[tilespmem:s14], [sflag:$0x1] =	stream.indirect.gather [hbm4b:s4+s21], $0x80, s19, s21, $0xb8;
	[tilespmem:$0x1D000] =	vst v63  }
0x140: {  	s9 =	rddreg [dreg:$0x15]  }
0x141: {  	[tilespmem:s22], [sflag:$0x2] =	stream.indirect.gather [hbm4b:s4+s21], $0x80, s9, s21, $0xb8;
	[tilespmem:$0x1D000] =	vst v63  }
0x142: {  	_ =	swait.ge [sflag:s23], $0x4000  }
0x143: {  	[sflag:s23] =	ssyncset.done $0x0  }
0x144: {  	[sflag:s23] =	ssyncadd.s32 $0xFFFFC000  }
0x145: {  	[spmem:s2] =	stream.indirect.scatter.add.f32 [tilespmem:s14], [sflag:$0x4], $0x80, s20, s21, $0xb8;
	[tilespmem:$0x1D000] =	vst v63  }
0x146: {  	_ =	swait.ge [sflag:s15], $0x4000  }
0x147: {  	[sflag:s15] =	ssyncset.done $0x0  }
0x148: {  	s10 =	rddreg [dreg:$0x16];
	[sflag:s15] =	ssyncadd.s32 $0xFFFFC000  }
0x149: {  	[tilespmem:s14], [sflag:$0x1] =	stream.indirect.gather [hbm4b:s4+s21], $0x80, s10, s21, $0xb8;
	[tilespmem:$0x1D000] =	vst v63  }
0x14a: {  	_ =	swait.ge [sflag:s24], $0x4000  }
0x14b: {  	[sflag:s24] =	ssyncset.done $0x0  }
0x14c: {  	s11 =	rddreg [dreg:$0x17];
	[sflag:s24] =	ssyncadd.s32 $0xFFFFC000  }
0x14d: {  	[spmem:s2] =	stream.indirect.scatter.add.f32 [tilespmem:s22], [sflag:$0x4], $0x80, s11, s21, $0xb8;
	[tilespmem:$0x1D000] =	vst v63  }
0x14e: {  	_ =	swait.ge [sflag:s15], $0x4000  }
0x14f: {  	[sflag:s15] =	ssyncset.done $0x0  }
0x150: {  	s12 =	rddreg [dreg:$0x18];
	[sflag:s15] =	ssyncadd.s32 $0xFFFFC000  }
0x151: {  	[tilespmem:s22], [sflag:$0x2] =	stream.indirect.gather [hbm4b:s4+s21], $0x80, s12, s21, $0xb8;
	[tilespmem:$0x1D000] =	vst v63  }
0x152: {  	_ =	swait.ge [sflag:s23], $0x4000  }
0x153: {  	[sflag:s23] =	ssyncset.done $0x0  }
0x154: {  	s13 =	rddreg [dreg:$0x19];
	[sflag:s23] =	ssyncadd.s32 $0xFFFFC000  }
0x155: {  	[spmem:s2] =	stream.indirect.scatter.add.f32 [tilespmem:s14], [sflag:$0x4], $0x80, s13, s21, $0xb8;
	[tilespmem:$0x1D000] =	vst v63  }
0x156: {  	_ =	swait.ge [sflag:s15], $0x4000  }
0x157: {  	[sflag:s15] =	ssyncset.done $0x0  }
0x158: {  	[sflag:s15] =	ssyncadd.s32 $0xFFFFC000  }
0x159: {  	[tilespmem:s14], [sflag:$0x1] =	stream.indirect.gather [hbm4b:s4+s21], $0x80, s25, s21, $0xb8;
	[tilespmem:$0x1D000] =	vst v63  }
0x15a: {  	_ =	swait.ge [sflag:s24], $0x4000  }
0x15b: {  	[sflag:s24] =	ssyncset.done $0x0  }
0x15c: {  	[sflag:s24] =	ssyncadd.s32 $0xFFFFC000  }
0x15d: {  	[spmem:s2] =	stream.indirect.scatter.add.f32 [tilespmem:s22], [sflag:$0x4], $0x80, s26, s21, $0xb8;
	[tilespmem:$0x1D000] =	vst v63  }
0x15e: {  	_ =	swait.ge [sflag:s15], $0x4000  }
0x15f: {  	[sflag:s15] =	ssyncset.done $0x0  }
0x160: {  	[sflag:s15] =	ssyncadd.s32 $0xFFFFC000  }
0x161: {  	[tilespmem:s22], [sflag:$0x2] =	stream.indirect.gather [hbm4b:s4+s21], $0x80, s28, s21, $0xb8;
	[tilespmem:$0x1D000] =	vst v63  }
0x162: {  	_ =	swait.ge [sflag:s23], $0x4000  }
0x163: {  	[sflag:s23] =	ssyncset.done $0x0  }
0x164: {  	[sflag:s23] =	ssyncadd.s32 $0xFFFFC000  }
0x165: {  	[spmem:s2] =	stream.indirect.scatter.add.f32 [tilespmem:s14], [sflag:$0x4], $0x80, s29, s21, $0xb8;
	[tilespmem:$0x1D000] =	vst v63  }
0x166: {  	_ =	swait.ge [sflag:s15], $0x4000  }
0x167: {  	[sflag:s15] =	ssyncset.done $0x0  }
0x168: {  	[sflag:s15] =	ssyncadd.s32 $0xFFFFC000  }
0x169: {  	[tilespmem:s14], [sflag:$0x1] =	stream.indirect.gather [hbm4b:s4+s21], $0x80, s30, s21, $0xb8;
	[tilespmem:$0x1D000] =	vst v63  }
0x16a: {  	_ =	swait.ge [sflag:s24], $0x4000  }
0x16b: {  	[sflag:s24] =	ssyncset.done $0x0  }
0x16c: {  	[sflag:s24] =	ssyncadd.s32 $0xFFFFC000  }
0x16d: {  	[spmem:s2] =	stream.indirect.scatter.add.f32 [tilespmem:s22], [sflag:$0x4], $0x80, s31, s21, $0xb8;
	[tilespmem:$0x1D000] =	vst v63  }
0x16e: {  	_ =	swait.ge [sflag:s15], $0x4000  }
0x16f: {  	[sflag:s15] =	ssyncset.done $0x0  }
0x170: {  	[sflag:s15] =	ssyncadd.s32 $0xFFFFC000  }
0x171: {  	[tilespmem:s22], [sflag:$0x2] =	stream.indirect.gather [hbm4b:s4+s21], $0x80, s0, s21, $0xb8;
	[tilespmem:$0x1D000] =	vst v63  }
0x172: {  	_ =	swait.ge [sflag:s23], $0x4000  }
0x173: {  	[sflag:s23] =	ssyncset.done $0x0  }
0x174: {  	[sflag:s23] =	ssyncadd.s32 $0xFFFFC000  }
0x175: {  	[spmem:s2] =	stream.indirect.scatter.add.f32 [tilespmem:s14], [sflag:$0x4], $0x80, s1, s21, $0xb8;
	[tilespmem:$0x1D000] =	vst v63  }
0x176: {  	_ =	swait.ge [sflag:s15], $0x4000  }
0x177: {  	s8 =	sadd.s32 $0x100, s8;
	[sflag:s15] =	ssyncset.done $0x0  }
0x178: {  	p0 =	sne.s32 s8, $0x500;
	[sflag:s15] =	ssyncadd.s32 $0xFFFFC000  }
.Ltmp1:
0x179: {  	_ =	swait.ge [sflag:s24], $0x4000;
	(pc) =	sbr.rel @p0 .LBB2_4-.Ltmp1, $4  }
0x17a: {  	[sflag:s24] =	ssyncset.done $0x0  }
0x17b: {  	[sflag:s24] =	ssyncadd.s32 $0xFFFFC000  }
0x17c: {  	[spmem:s2] =	stream.indirect.scatter.add.f32 [tilespmem:s22], [sflag:$0x4], $0x80, s6, s21, $0xb8;
	[tilespmem:$0x1D000] =	vst v63  }
0x17d: {  	_ =	swait.ge [sflag:s15], $0x4000  }
0x17e: {  	[sflag:s15] =	ssyncset.done $0x0  }
0x17f: {  	[sflag:s15] =	ssyncadd.s32 $0xFFFFC000  }
0x180: {  	[bflag:$0x0] =	sbarrier.arrive $0xFFFF  }
0x181: {  	s5 =	stileid.u32;
	s9 =	sld [smem:$0x7FD]  }
0x182: {  	s5 =	sshll.u32 s5, $0x6;
	s8 =	rddreg [dreg:$0x1a]  }
0x183: {  	s5 =	sor.u32 $0x1C04, s5;
	s8 =	sshrl.u32 s8, $0x3  }
0x184: {  	[hbm:s9], [sflag:s5] =	dma.local [spmem:s8], $0x2800  }
0x185: {  	_ =	swait.ge [sflag:s15], $0x2800  }
0x186: {  	s13 =	sld [smem:$0x7FC];
	_ =	sdelay $0x1  }
0x187: {  	s7 =	sadd.s32 $0x1, s7  }
0x188: {  	p0 =	sne.s32 s7, s13  }
.Ltmp2:
0x189: {  	_ = 	snop;
	(pc) =	sbr.rel @p0 .LBB2_1-.Ltmp2, $3  }
0x18a: {  	_ =	sdelay $0x1  }
0x18b: {  	[sflag:s15] =	ssyncset.done $0x0  }
0x18c: {  	[sflag:s15] =	ssyncadd.s32 $0xFFFFD800  }
0x18d: {  	_ =	sfence.sel $0x180000  }
0x18e: {  	[bflag:$0x0] =	sbarrier.arrive $0xFFFF  }
0x18f: {  	_ =	strace $0x9000004A  }
0x190: {  	s0 =	stileid.u32;
	[bflag:$0x2] =	sbarrier.arrive $0xFFFF  }
0x191: {  	p0 =	sne.s32 s0, $0x0;
	s0 =	rddreg [dreg:$0x2]  }
0x192: {  	s0 =	sadd.s32 @!p0 $0x100000, s0  }
0x193: {  	[sflag:s0] =	ssyncadd.tile.s32 @!p0 $0x1;
	_ =	shalt  }
.Lfunc_end2:
_tile_overlayer_lowered:
.L_overlay_start_2:
0x194: {  	(tag) =	ssettag $0x2  }
0x195: {  	s0 =	rddreg [dreg:$0x0];
	s2 =	stileid.u32  }
0x196: {  	s1 =	rddreg [dreg:$0x1];
	p0 =	sne.s32 s2, $0x0  }
0x197: {  	s3 =	rddreg [dreg:$0x2];
	[bflag:$0x3] =	sbarrier.arrive $0xFFFF;
	s2 =	simm.s32 @!p0 $0x1C04  }
0x198: {  	[timem:s3], [sflag:s2] =	dma.local @!p0 [hbm:s0], s1  }
0x199: {  	s0 =	simm.s32 @!p0 $0x4  }
0x19a: {  	_ =	swait.ge @!p0 [sflag:s0], s1  }
0x19b: {  	s1 =	ssub.s32 @!p0 $0x0, s1;
	[sflag:s0] =	ssyncset.done @!p0 $0x0  }
0x19c: {  	[sflag:s0] =	ssyncadd.s32 @!p0 s1  }
0x19d: {  	[bflag:$0x3] =	sbarrier.arrive $0xFFFF  }
0x19e: {  	_ =	shalt  }

// kernel: kernel.16.cloned.1.call-start
scs
__scs_entry_jumppad:
0x0: {  	(pc) =	sbr.rel $0x88, $3  }
0x1: {  	(tag) =	ssettag $0x0;
	lr =	simm.s32 $0x1  }
0x2: {  	[smem:$0x3F9F] =	sst lr;
	_ =	strace $0xD0000000  }
0x3: {  	_ = 	snop  }
0x4: {  	_ = 	snop  }
0x5: {  	_ = 	snop  }
0x6: {  	_ = 	snop  }
0x7: {  	_ = 	snop  }
__scs_overlays_trampoline_lowered:
0x8: {  	[smem:$0x3FAE] =	sst s0  }
0x9: {  	[smem:$0x3FAF] =	sst s1  }
0xa: {  	[smem:$0x3FB0] =	sst s2  }
0xb: {  	[smem:$0x3FB1] =	sst s3  }
0xc: {  	[smem:$0x3FB2] =	sst s4  }
0xd: {  	[smem:$0x3FB3] =	sst s5  }
0xe: {  	[smem:$0x3FB4] =	sst s6  }
0xf: {  	[smem:$0x3FB5] =	sst s7  }
0x10: {  	[smem:$0x3FB6] =	sst s8  }
0x11: {  	[smem:$0x3FB7] =	sst s9;
	s0 =	simm.s32 @!p0 $0x0  }
0x12: {  	s1 =	sld [smem:$0x3F9D];
	s0 =	simm.s32 @p0 $0x1  }
0x13: {  	[smem:$0x3FB8] =	sst s0;
	s0 =	simm.s32 @!p1 $0x0  }
0x14: {  	s2 =	sld [smem:$0x3F9C];
	s0 =	simm.s32 @p1 $0x1  }
0x15: {  	[smem:$0x3FB9] =	sst s0;
	s0 =	simm.s32 @!p2 $0x0  }
0x16: {  	s3 =	sld [smem:$0x3FDB];
	s0 =	simm.s32 @p2 $0x1  }
0x17: {  	s4 =	simm.s32 $0x1BF5;
	[smem:$0x3FBB] =	sst s0  }
0x18: {  	s0 =	sld [smem:$0x3F9E];
	_ =	swait.ge [sflag:s4], $0x0  }
0x19: {  	s7 =	sld [smem:$0x3F9F]  }
0x1a: {  	s8 =	sadd.s32 $0xFFFFE003, lr  }
0x1b: {  	s9 =	sadd.s32 $0xFFFFFEF7, lr;
	s5 =	simm.s32 $0xFFFFFFFF;
	p2 =	slt.u32 s8, $0xFFFFF086  }
0x1c: {  	p1 =	slt.u32 s9, $0xF7A;
	s5 =	simm.s32 @!p2 $0x0  }
0x1d: {  	s5 =	simm.s32 @p1 $0x1;
	p0 =	seq.s32 s7, s2  }
0x1e: {  	s7 =	smul.u32 @!p0 $0xF7A, s2;
	p2 =	seq.s32 @!p0 s5, $0x0  }
0x1f: {  	s9 =	smul.u32 $0xF7A, s1;
	s8 =	simm.s32 @!p0 $0x1BF5;
	p2 =	por !p2, p0  }
0x20: {  	[sflag:s8] =	ssyncset.s32 @!p0 $0xFFFFF086;
	s6 =	sadd.s32 @!p0 s3, s7;
	s7 =	simm.s32 @!p0 $0x108  }
0x21: {  	s3 =	sadd.s32 s3, s9;
	s6 =	sadd.s32 @!p0 $0x88, s6;
	s7 =	simm.s32 @p2 $0x1082  }
0x22: {  	[simem:s7], [sflag:s8] =	dma.local @!p0 [hbm:s6], $0xF7A  }
0x23: {  	s9 =	sor.u32 $0xD0000000, s2;
	s6 =	simm.s32 $0x108;
	_ =	swait.ge @!p0 [sflag:s8], $0x0  }
0x24: {  	s3 =	sadd.s32 $0x88, s3;
	s6 =	simm.s32 @!p1 $0x1082;
	[sflag:s4] =	ssyncset.s32 $0xFFFFF086  }
0x25: {  	[simem:s6], [sflag:s4] =	dma.local [hbm:s3], $0xF7A  }
0x26: {  	[smem:$0x3F9F] =	sst s1;
	(tag) =	ssettag s2;
	_ =	strace s9  }
0x27: {  	s1 =	sld [smem:$0x3FAF]  }
0x28: {  	s2 =	sld [smem:$0x3FB0]  }
0x29: {  	s4 =	sld [smem:$0x3FB2]  }
0x2a: {  	p0 =	seq.s32 s5, $0x0;
	s5 =	sld [smem:$0x3FB3]  }
0x2b: {  	s6 =	sld [smem:$0x3FB4]  }
0x2c: {  	s7 =	sld [smem:$0x3FB5]  }
0x2d: {  	s3 =	simm.s32 $0x108;
	s8 =	sld [smem:$0x3FB6]  }
0x2e: {  	s3 =	simm.s32 @!p0 $0x1082;
	s9 =	sld [smem:$0x3FB7]  }
0x2f: {  	lr =	sadd.s32 s0, s3;
	s0 =	sld [smem:$0x3FAE]  }
0x30: {  	s3 =	sld [smem:$0x3FB1]  }
0x31: {  	[smem:$0x3FBA] =	sst s10  }
0x32: {  	s10 =	sld [smem:$0x3FB8];
	_ =	sdelay $0x3  }
0x33: {  	p0 =	seq.s32 s10, $0x1;
	s10 =	sld [smem:$0x3FBA];
	_ =	sdelay $0x3  }
0x34: {  	[smem:$0x3FBA] =	sst s10  }
0x35: {  	s10 =	sld [smem:$0x3FB9];
	_ =	sdelay $0x3  }
0x36: {  	p1 =	seq.s32 s10, $0x1;
	s10 =	sld [smem:$0x3FBA];
	_ =	sdelay $0x3  }
0x37: {  	[smem:$0x3FBA] =	sst s10  }
0x38: {  	s10 =	sld [smem:$0x3FBB]  }
0x39: {  	_ = 	snop;
	(pc) =	sbr.ind lr, $3  }
0x3a: {  	_ = 	snop  }
0x3b: {  	_ = 	snop  }
0x3c: {  	p2 =	seq.s32 s10, $0x1;
	s10 =	sld [smem:$0x3FBA]  }
0x3d: {  	_ =	shalt  }
0x3e: {  	_ =	shalt  }
0x3f: {  	_ =	shalt  }
0x40: {  	_ =	shalt  }
0x41: {  	_ =	shalt  }
0x42: {  	_ =	shalt  }
0x43: {  	_ =	shalt  }
0x44: {  	_ =	shalt  }
0x45: {  	_ =	shalt  }
0x46: {  	_ =	shalt  }
0x47: {  	_ =	shalt  }
0x48: {  	_ =	shalt  }
0x49: {  	_ =	shalt  }
0x4a: {  	_ =	shalt  }
0x4b: {  	_ =	shalt  }
0x4c: {  	_ =	shalt  }
0x4d: {  	_ =	shalt  }
0x4e: {  	_ =	shalt  }
0x4f: {  	_ =	shalt  }
0x50: {  	_ =	shalt  }
0x51: {  	_ =	shalt  }
0x52: {  	_ =	shalt  }
0x53: {  	_ =	shalt  }
0x54: {  	_ =	shalt  }
0x55: {  	_ =	shalt  }
0x56: {  	_ =	shalt  }
0x57: {  	_ =	shalt  }
0x58: {  	_ =	shalt  }
0x59: {  	_ =	shalt  }
0x5a: {  	_ =	shalt  }
0x5b: {  	_ =	shalt  }
0x5c: {  	_ =	shalt  }
0x5d: {  	_ =	shalt  }
0x5e: {  	_ =	shalt  }
0x5f: {  	_ =	shalt  }
0x60: {  	_ =	shalt  }
0x61: {  	_ =	shalt  }
0x62: {  	_ =	shalt  }
0x63: {  	_ =	shalt  }
0x64: {  	_ =	shalt  }
0x65: {  	_ =	shalt  }
0x66: {  	_ =	shalt  }
0x67: {  	_ =	shalt  }
0x68: {  	_ =	shalt  }
0x69: {  	_ =	shalt  }
0x6a: {  	_ =	shalt  }
0x6b: {  	_ =	shalt  }
0x6c: {  	_ =	shalt  }
0x6d: {  	_ =	shalt  }
0x6e: {  	_ =	shalt  }
0x6f: {  	_ =	shalt  }
0x70: {  	_ =	shalt  }
0x71: {  	_ =	shalt  }
0x72: {  	_ =	shalt  }
0x73: {  	_ =	shalt  }
0x74: {  	_ =	shalt  }
0x75: {  	_ =	shalt  }
0x76: {  	_ =	shalt  }
0x77: {  	_ =	shalt  }
0x78: {  	_ =	shalt  }
0x79: {  	_ =	shalt  }
0x7a: {  	_ =	shalt  }
0x7b: {  	_ =	shalt  }
0x7c: {  	_ =	shalt  }
0x7d: {  	_ =	shalt  }
0x7e: {  	_ =	shalt  }
0x7f: {  	_ =	shalt  }
0x80: {  	_ =	shalt  }
0x81: {  	_ =	shalt  }
0x82: {  	_ =	shalt  }
0x83: {  	_ =	shalt  }
0x84: {  	_ =	shalt  }
0x85: {  	_ =	shalt  }
0x86: {  	_ =	shalt  }
0x87: {  	_ =	shalt  }
.Lfunc_end0:
.L_simem_size_0:
called_computation.2_lowered:
.L_overlay_start_0:
0x88: {  	s2 =	sld [smem:$0x3FD9]  }
0x89: {  	s3 =	sld [smem:$0x3FFE];
	_ =	sdelay $0x1  }
0x8a: {  	s1 =	srdreg.scid  }
0x8b: {  	s0 =	sand.u32 $0x1, s1  }
0x8c: {  	s16 =	sshll.u32 s0, $0xA;
	s2 =	sadd.s32 s3, s2  }
0x8d: {  	s2 =	sadd.s32 s2, s16  }
0x8e: {  	[smem:$0x3FC6] =	sst s2  }
0x8f: {  	_ = 	snop  }
0x90: {  	(tm) =	ssettm $0x1  }
0x91: {  	s17 =	sld [smem:$0x3FFB];
	_ =	sdelay $0x3  }
0x92: {  	_ =	strace s17  }
0x93: {  	s2 =	sld [smem:$0x3FFC];
	_ =	sdelay $0x3  }
0x94: {  	_ =	strace s2  }
0x95: {  	s2 =	sld [smem:$0x3FFD];
	_ =	sdelay $0x3  }
0x96: {  	_ =	strace s2  }
0x97: {  	_ =	strace $0x8FFFFFFF  }
0x98: {  	s18 =	sld [smem:$0x3FDB];
	_ =	sdelay $0x1  }
0x99: {  	s19 =	simm.s32 $_scs_section_size  }
0x9a: {  	s4 =	simm.s32 $_size__tile_overlayer_lowered;
	s5 =	simm.s32 $_tile_overlayer_lowered  }
0x9b: {  	s22 =	simm.s32 $0x1BFF;
	s21 =	sshll.u32 s5, $0x1;
	s2 =	sadd.s32 s19, s18  }
0x9c: {  	s6 =	simm.s32 $0x0;
	s20 =	sshll.u32 s4, $0x1;
	s4 =	sadd.s32 s21, s2  }
0x9d: {  	[timem:s6], [sflag:s22] =	dma.local [hbm:s4], s20  }
0x9e: {  	_ =	swait.ge [sflag:s22], s20  }
0x9f: {  	s3 =	ssub.s32 $0x0, s20;
	[sflag:s22] =	ssyncset.done $0x0  }
0xa0: {  	[sflag:s22] =	ssyncadd.s32 s3;
	_ =	sdelay $0x1  }
0xa1: {  	s23 =	simm.s32 $0x1B8B  }
0xa2: {  	_ =	swait.ge [sflag:s23], $0x1  }
0xa3: {  	[sflag:s23] =	ssyncset.done $0x0  }
0xa4: {  	s25 =	simm.s32 $0x1B8E;
	s24 =	sld [smem:$0x3FFE];
	[sflag:s23] =	ssyncadd.s32 $0xFFFFFFFF  }
0xa5: {  	s26 =	simm.s32 $execute0_lowered;
	[smem:$0x3FD2] =	sst s25  }
0xa6: {  	s4 =	sshll.u32 s26, $0x1;
	_ =	strace $0x8000004C;
	[dreg:$0x1] =	wrdreg $0xFFFFFFFF  }
0xa7: {  	s28 =	simm.s32 $_size_execute0_lowered;
	s2 =	sadd.s32 s2, s4;
	[dreg:$0x0] =	wrdreg $0x0  }
0xa8: {  	s4 =	sshll.u32 s28, $0x1;
	[dreg:$0x2] =	wrdreg s2  }
0xa9: {  	[dreg:$0x3] =	wrdreg s4  }
0xaa: {  	[dreg:$0x4] =	wrdreg $0xC0  }
0xab: {  	_ =	task [dreg:s6], $0x5FFFF  }
0xac: {  	[dreg:$0x1] =	wrdreg $0xFFFFFFFF  }
0xad: {  	[dreg:$0x0] =	wrdreg $0x60  }
0xae: {  	[dreg:$0x2] =	wrdreg s24  }
0xaf: {  	[dreg:$0x3] =	wrdreg $0x0  }
0xb0: {  	[dreg:$0x4] =	wrdreg $0x9  }
0xb1: {  	_ =	task.clear_ibuf [dreg:s6], $0x5FFFF;
	_ =	strace $0x9000004C  }
0xb2: {  	s29 =	simm.s32 $0x9;
	_ =	strace $0x8000004E  }
0xb3: {  	_ =	swait.ge [sflag:s29], $0x1  }
0xb4: {  	[sflag:s29] =	ssyncadd.s32 $0xFFFFFFFF  }
0xb5: {  	_ =	strace $0x9000004E  }
0xb6: {  	_ =	sfence  }
0xb7: {  	s30 =	sld [smem:$0x0];
	_ =	sdelay $0x2  }
0xb8: {  	s31 =	sshll.u32 s1, $0xD;
	s1 =	sshrl.u32 s1, $0x2  }
0xb9: {  	s3 =	sand.u32 $0x4000, s31;
	s1 =	sadd.s32 s1, s30  }
0xba: {  	s0 =	sor.u32 s3, s0;
	s1 =	sshll.u32 s1, $0x11  }
0xbb: {  	s0 =	sor.u32 s1, s0  }
0xbc: {  	s0 =	sadd.s32 $0x8F2B, s0  }
0xbd: {  	[sflag:s0] =	ssyncadd.remote.s32 $0x1  }
0xbe: {  	_ =	sfence.sel $0xFFFF  }
0xbf: {  	[dreg:$0x0] =	wrdreg $0xFFFFFFFF;
	(pc) =	sbr.abs _section_cstart, $3  }
0xc0: {  	[dreg:$0x1] =	wrdreg $0xFFFFFFFF  }
0xc1: {  	_ =	task.clear_ibuf [dreg:s6], $0x2FFFF;
	_ =	strace $0x9FFFFFFF  }
0xc2: {  	(tm) =	ssettm $0x7FFFFFFF  }
0xc3: {  	_ =	shalt  }
tec
execute0_lowered:
.L_overlay_start_1:
0x0: {  	(tag) =	ssettag $0x1  }
0x1: {  	s0 =	rddreg [dreg:$0x0]  }
0x2: {  	s2 =	rddreg [dreg:$0x1]  }
0x3: {  	s3 =	simm.s32 $0x0;
	s1 =	srdreg.scid;
	s13 =	stileid.u32  }
0x4: {  	s25 =	simm.s32 $0x14080;
	s14 =	simm.s32 $0x14980;
	s15 =	simm.s32 $0x14280  }
0x5: {  	s16 =	simm.s32 $0x14A00;
	s28 =	simm.s32 $0x14680;
	s29 =	simm.s32 $0x14E00  }
0x6: {  	s30 =	simm.s32 $0x14700;
	s31 =	simm.s32 $0x14E80;
	[smem:$0x7FF] =	sst s3  }
0x7: {  	s1 =	sand.u32 $0x1, s1;
	s5 =	smul.u32 $0x50000, s13;
	s4 =	sadd.s32 $0x18600, s0  }
0x8: {  	s9 =	smul.u32 $0xA, s13;
	_ =	strace $0x8000004D;
	[dreg:$0x7] =	wrdreg s25  }
0x9: {  	s10 =	sadd.s32 $0x4600, s0;
	s11 =	sadd.s32 $0xE600, s0;
	[dreg:$0xd] =	wrdreg s14  }
0xa: {  	s6 =	ssub.s32 $0x2, s1;
	s7 =	smul.u32 $0xA0, s1;
	[dreg:$0xe] =	wrdreg s15  }
0xb: {  	s17 =	sshll.u32 s1, $0x4;
	p0 =	seq.s32 s1, $0x1;
	[dreg:$0xf] =	wrdreg s16  }
0xc: {  	s25 =	simm.s32 $0x14580;
	s8 =	sshrl.u32 s6, $0x1;
	s5 =	sshrl.u32 s5, $0x2  }
0xd: {  	[dreg:$0x18] =	wrdreg s25;
	s6 =	ssub.s32 s6, s8;
	s5 =	sadd.s32 s5, s2  }
0xe: {  	s8 =	sor.u32 s13, s17;
	s17 =	simm.s32 $0x14300;
	[dreg:$0x1a] =	wrdreg s5  }
0xf: {  	s14 =	simm.s32 $0x15000;
	s18 =	sadd.s32 $0x4000, s5;
	[dreg:$0x10] =	wrdreg s17  }
0x10: {  	s15 =	simm.s32 $0x4;
	s19 =	sadd.s32 $0x8000, s5;
	[dreg:$0x1b] =	wrdreg s18  }
0x11: {  	s16 =	simm.s32 $0x14000;
	s12 =	sadd.s32 $0xC000, s5;
	[dreg:$0x1c] =	wrdreg s19  }
0x12: {  	s1 =	simm.s32 $0x14F00;
	s5 =	sadd.s32 $0x10000, s5;
	[dreg:$0x1d] =	wrdreg s12  }
0x13: {  	s25 =	simm.s32 $0x14600;
	[dreg:$0x1e] =	wrdreg s5;
	s5 =	simm.s32 $0x14100  }
0x14: {  	s7 =	sadd.s32 s9, s7;
	s12 =	simm.s32 $0x14900;
	[dreg:$0x8] =	wrdreg s5  }
0x15: {  	s7 =	sshll.u32 s7, $0x7;
	s18 =	simm.s32 $0x14A80;
	[dreg:$0xb] =	wrdreg s12  }
0x16: {  	s20 =	sadd.s32 $0x100, s7;
	s19 =	simm.s32 $0x14380;
	[dreg:$0x11] =	wrdreg s18  }
0x17: {  	s8 =	smul.u32 $0x500, s8;
	s21 =	sadd.s32 s20, s10;
	[dreg:$0x12] =	wrdreg s19  }
0x18: {  	s22 =	sadd.s32 s7, s10;
	s9 =	sadd.s32 s20, s11;
	[dreg:$0x3] =	wrdreg s21  }
0x19: {  	s17 =	simm.s32 $0x14800;
	s23 =	sadd.s32 $0x80, s22;
	[dreg:$0x4] =	wrdreg s9  }
0x1a: {  	s7 =	sadd.s32 s7, s11;
	s24 =	sadd.s32 s10, s8;
	[dreg:$0x5] =	wrdreg s23  }
0x1b: {  	s7 =	sadd.s32 $0x80, s7;
	s26 =	sadd.s32 s11, s8;
	[dreg:$0x1f] =	wrdreg s24  }
0x1c: {  	s8 =	simm.s32 $0x14880;
	s10 =	simm.s32 $0x14180;
	[dreg:$0x6] =	wrdreg s7  }
0x1d: {  	s11 =	smax.u32 s6, $0x1;
	s6 =	simm.s32 $0x90600;
	[smem:$0x7FB] =	sst s26  }
0x1e: {  	s20 =	simm.s32 $0x14B00;
	s18 =	simm.s32 $0x3;
	[dreg:$0x9] =	wrdreg s8  }
0x1f: {  	s19 =	simm.s32 $0x14400;
	s22 =	simm.s32 $0x14480;
	[smem:$0x7FC] =	sst s11  }
0x20: {  	s9 =	smul.u32 $0x2800, s13;
	[dreg:$0xa] =	wrdreg s10;
	s13 =	simm.s32 $0x14200  }
0x21: {  	s6 =	simm.s32 @!p0 $0x68600;
	[dreg:$0x13] =	wrdreg s20;
	s21 =	simm.s32 $0x14B80  }
0x22: {  	s20 =	simm.s32 $0x14C00;
	[dreg:$0x15] =	wrdreg s22;
	s23 =	simm.s32 $0x14500  }
0x23: {  	s24 =	simm.s32 $0x14C80;
	s22 =	simm.s32 $0x19000;
	[dreg:$0xc] =	wrdreg s13  }
0x24: {  	s26 =	simm.s32 $0x14D00;
	s7 =	simm.s32 $0x0;
	[dreg:$0x14] =	wrdreg s21  }
0x25: {  	s0 =	sadd.s32 s6, s0;
	s21 =	simm.s32 $0x80;
	[dreg:$0x16] =	wrdreg s23  }
0x26: {  	[dreg:$0x17] =	wrdreg s24;
	s23 =	simm.s32 $0x1;
	s24 =	simm.s32 $0x2  }
0x27: {  	[dreg:$0x19] =	wrdreg s26;
	s26 =	simm.s32 $0x14D80;
	s0 =	sadd.s32 s0, s9  }
0x28: {  	v0 =	vimm.f32 $0.0e+00;
	s6 =	simm.s32 $0x14F80;
	[smem:$0x7FD] =	sst s0;
	s0 =	simm.s32 $0x14780  }
.LBB2_1:
0x29: {  	s8 =	simm.s32 $0x0;
	s9 =	simm.s32 $0x200  }
.LBB2_2:
0x2a: {  	p0 =	sne.s32 s9, $0xFE00;
	[tilespmem:s8+$0x15070] =	vst v0  }
0x2b: {  	[tilespmem:s8+$0x15000] =	vst v0  }
0x2c: {  	[tilespmem:s8+$0x15010] =	vst v0  }
.Ltmp0:
0x2d: {  	[tilespmem:s8+$0x15020] =	vst v0;
	(pc) =	sbr.rel @p0 .LBB2_2-.Ltmp0, $4  }
0x2e: {  	[tilespmem:s8+$0x15030] =	vst v0  }
0x2f: {  	[tilespmem:s8+$0x15040] =	vst v0  }
0x30: {  	[tilespmem:s8+$0x15050] =	vst v0  }
0x31: {  	[tilespmem:s8+$0x15060] =	vst v0;
	s8 =	sshra.s32 s9, $0x2;
	s9 =	sadd.s32 $0x200, s9  }
0x32: {  	[tilespmem:s8+$0x15070] =	vst v0  }
0x33: {  	[tilespmem:s8+$0x15000] =	vst v0  }
0x34: {  	[tilespmem:s8+$0x15010] =	vst v0  }
0x35: {  	[tilespmem:s8+$0x15020] =	vst v0  }
0x36: {  	[tilespmem:s8+$0x15030] =	vst v0  }
0x37: {  	[tilespmem:s8+$0x15040] =	vst v0  }
0x38: {  	[tilespmem:s8+$0x15050] =	vst v0  }
0x39: {  	[tilespmem:s8+$0x15060] =	vst v0;
	s5 =	rddreg [dreg:$0x1a]  }
0x3a: {  	[spmem:s5] =	stream.linear.scatter [tilespmem:s14], [sflag:$0x4], $0x4000, $0x38;
	[tilespmem:$0x1D000] =	vst v63  }
0x3b: {  	_ =	swait.ge [sflag:s15], $0x4000  }
0x3c: {  	[sflag:s15] =	ssyncset.done $0x0  }
0x3d: {  	s9 =	rddreg [dreg:$0x1b];
	[sflag:s15] =	ssyncadd.s32 $0xFFFFC000  }
0x3e: {  	[spmem:s9] =	stream.linear.scatter [tilespmem:s14], [sflag:$0x4], $0x4000, $0x38;
	[tilespmem:$0x1D000] =	vst v63  }
0x3f: {  	_ =	swait.ge [sflag:s15], $0x4000  }
0x40: {  	[sflag:s15] =	ssyncset.done $0x0  }
0x41: {  	s10 =	rddreg [dreg:$0x1c];
	[sflag:s15] =	ssyncadd.s32 $0xFFFFC000  }
0x42: {  	[spmem:s10] =	stream.linear.scatter [tilespmem:s14], [sflag:$0x4], $0x4000, $0x38;
	[tilespmem:$0x1D000] =	vst v63  }
0x43: {  	_ =	swait.ge [sflag:s15], $0x4000  }
0x44: {  	[sflag:s15] =	ssyncset.done $0x0  }
0x45: {  	s11 =	rddreg [dreg:$0x1d];
	[sflag:s15] =	ssyncadd.s32 $0xFFFFC000  }
0x46: {  	[spmem:s11] =	stream.linear.scatter [tilespmem:s14], [sflag:$0x4], $0x4000, $0x38;
	[tilespmem:$0x1D000] =	vst v63  }
0x47: {  	_ =	swait.ge [sflag:s15], $0x4000  }
0x48: {  	[sflag:s15] =	ssyncset.done $0x0  }
0x49: {  	s12 =	rddreg [dreg:$0x1e];
	[sflag:s15] =	ssyncadd.s32 $0xFFFFC000  }
0x4a: {  	[spmem:s12] =	stream.linear.scatter [tilespmem:s14], [sflag:$0x4], $0x4000, $0x38;
	[tilespmem:$0x1D000] =	vst v63  }
0x4b: {  	_ =	swait.ge [sflag:s15], $0x4000  }
0x4c: {  	[sflag:s15] =	ssyncset.done $0x0  }
0x4d: {  	[sflag:s15] =	ssyncadd.s32 $0xFFFFC000  }
0x4e: {  	[bflag:$0x0] =	sbarrier.arrive $0xFFFF  }
0x4f: {  	s9 =	rddreg [dreg:$0x1f]  }
0x50: {  	s13 =	simm.s32 $0x0;
	s10 =	sld [smem:$0x7FB]  }
0x51: {  	[tilespmem:s16], [sflag:$0x3] =	stream.linear.gather [hbm4b:s9+s13], $0x400, $0x38;
	[tilespmem:$0x1D000] =	vst v63  }
0x52: {  	_ = 	snop  }
0x53: {  	[tilespmem:s17], [sflag:$0x3] =	stream.linear.gather [hbm4b:s10+s13], $0x400, $0x38;
	[tilespmem:$0x1D000] =	vst v63  }
0x54: {  	_ =	swait.ge [sflag:s18], $0x400  }
0x55: {  	[sflag:s18] =	ssyncset.done $0x0  }
0x56: {  	[sflag:s18] =	ssyncadd.s32 $0xFFFFFC00  }
0x57: {  	_ =	swait.ge [sflag:s18], $0x400  }
0x58: {  	s11 =	rddreg [dreg:$0x5];
	[sflag:s18] =	ssyncset.done $0x0  }
0x59: {  	s9 =	rddreg [dreg:$0x6];
	[sflag:s18] =	ssyncadd.s32 $0xFFFFFC00;
	s8 =	sadd.s32 $0x0, s11  }
0x5a: {  	[tilespmem:s19], [sflag:$0x3] =	stream.linear.gather [hbm4b:s8+s3], $0x400, $0x38;
	[tilespmem:$0x1D000] =	vst v63  }
0x5b: {  	s12 =	sadd.s32 $0x0, s9  }
0x5c: {  	[tilespmem:s20], [sflag:$0x3] =	stream.linear.gather [hbm4b:s12+s3], $0x400, $0x38;
	[tilespmem:$0x1D000] =	vst v63  }
0x5d: {  	_ = 	snop  }
0x5e: {  	[tilespmem:s14], [sflag:$0x1] =	stream.indirect.gather [hbm4b:s4+s21], $0x80, s16, s21, $0xb8;
	[tilespmem:$0x1D000] =	vst v63  }
0x5f: {  	s13 =	rddreg [dreg:$0x7]  }
0x60: {  	[tilespmem:s22], [sflag:$0x2] =	stream.indirect.gather [hbm4b:s4+s21], $0x80, s13, s21, $0xb8;
	[tilespmem:$0x1D000] =	vst v63  }
0x61: {  	_ =	swait.ge [sflag:s23], $0x4000  }
0x62: {  	[sflag:s23] =	ssyncset.done $0x0  }
0x63: {  	[sflag:s23] =	ssyncadd.s32 $0xFFFFC000  }
0x64: {  	[spmem:s2] =	stream.indirect.scatter.add.f32 [tilespmem:s14], [sflag:$0x4], $0x80, s17, s21, $0xb8;
	[tilespmem:$0x1D000] =	vst v63  }
0x65: {  	_ =	swait.ge [sflag:s15], $0x4000  }
0x66: {  	[sflag:s15] =	ssyncset.done $0x0  }
0x67: {  	s5 =	rddreg [dreg:$0x8];
	[sflag:s15] =	ssyncadd.s32 $0xFFFFC000  }
0x68: {  	[tilespmem:s14], [sflag:$0x1] =	stream.indirect.gather [hbm4b:s4+s21], $0x80, s5, s21, $0xb8;
	[tilespmem:$0x1D000] =	vst v63  }
0x69: {  	_ =	swait.ge [sflag:s24], $0x4000  }
0x6a: {  	[sflag:s24] =	ssyncset.done $0x0  }
0x6b: {  	s9 =	rddreg [dreg:$0x9];
	[sflag:s24] =	ssyncadd.s32 $0xFFFFC000  }
0x6c: {  	[spmem:s2] =	stream.indirect.scatter.add.f32 [tilespmem:s22], [sflag:$0x4], $0x80, s9, s21, $0xb8;
	[tilespmem:$0x1D000] =	vst v63  }
0x6d: {  	_ =	swait.ge [sflag:s15], $0x4000  }
0x6e: {  	[sflag:s15] =	ssyncset.done $0x0  }
0x6f: {  	s10 =	rddreg [dreg:$0xa];
	[sflag:s15] =	ssyncadd.s32 $0xFFFFC000  }
0x70: {  	[tilespmem:s22], [sflag:$0x2] =	stream.indirect.gather [hbm4b:s4+s21], $0x80, s10, s21, $0xb8;
	[tilespmem:$0x1D000] =	vst v63  }
0x71: {  	_ =	swait.ge [sflag:s23], $0x4000  }
0x72: {  	[sflag:s23] =	ssyncset.done $0x0  }
0x73: {  	s11 =	rddreg [dreg:$0xb];
	[sflag:s23] =	ssyncadd.s32 $0xFFFFC000  }
0x74: {  	[spmem:s2] =	stream.indirect.scatter.add.f32 [tilespmem:s14], [sflag:$0x4], $0x80, s11, s21, $0xb8;
	[tilespmem:$0x1D000] =	vst v63  }
0x75: {  	_ =	swait.ge [sflag:s15], $0x4000  }
0x76: {  	[sflag:s15] =	ssyncset.done $0x0  }
0x77: {  	s12 =	rddreg [dreg:$0xc];
	[sflag:s15] =	ssyncadd.s32 $0xFFFFC000  }
0x78: {  	[tilespmem:s14], [sflag:$0x1] =	stream.indirect.gather [hbm4b:s4+s21], $0x80, s12, s21, $0xb8;
	[tilespmem:$0x1D000] =	vst v63  }
0x79: {  	_ =	swait.ge [sflag:s24], $0x4000  }
0x7a: {  	[sflag:s24] =	ssyncset.done $0x0  }
0x7b: {  	s13 =	rddreg [dreg:$0xd];
	[sflag:s24] =	ssyncadd.s32 $0xFFFFC000  }
0x7c: {  	[spmem:s2] =	stream.indirect.scatter.add.f32 [tilespmem:s22], [sflag:$0x4], $0x80, s13, s21, $0xb8;
	[tilespmem:$0x1D000] =	vst v63  }
0x7d: {  	_ =	swait.ge [sflag:s15], $0x4000  }
0x7e: {  	[sflag:s15] =	ssyncset.done $0x0  }
0x7f: {  	s5 =	rddreg [dreg:$0xe];
	[sflag:s15] =	ssyncadd.s32 $0xFFFFC000  }
0x80: {  	[tilespmem:s22], [sflag:$0x2] =	stream.indirect.gather [hbm4b:s4+s21], $0x80, s5, s21, $0xb8;
	[tilespmem:$0x1D000] =	vst v63  }
0x81: {  	_ =	swait.ge [sflag:s23], $0x4000  }
0x82: {  	[sflag:s23] =	ssyncset.done $0x0  }
0x83: {  	s9 =	rddreg [dreg:$0xf];
	[sflag:s23] =	ssyncadd.s32 $0xFFFFC000  }
0x84: {  	[spmem:s2] =	stream.indirect.scatter.add.f32 [tilespmem:s14], [sflag:$0x4], $0x80, s9, s21, $0xb8;
	[tilespmem:$0x1D000] =	vst v63  }
0x85: {  	_ =	swait.ge [sflag:s15], $0x4000  }
0x86: {  	[sflag:s15] =	ssyncset.done $0x0  }
0x87: {  	s10 =	rddreg [dreg:$0x10];
	[sflag:s15] =	ssyncadd.s32 $0xFFFFC000  }
0x88: {  	[tilespmem:s14], [sflag:$0x1] =	stream.indirect.gather [hbm4b:s4+s21], $0x80, s10, s21, $0xb8;
	[tilespmem:$0x1D000] =	vst v63  }
0x89: {  	_ =	swait.ge [sflag:s24], $0x4000  }
0x8a: {  	[sflag:s24] =	ssyncset.done $0x0  }
0x8b: {  	s11 =	rddreg [dreg:$0x11];
	[sflag:s24] =	ssyncadd.s32 $0xFFFFC000  }
0x8c: {  	[spmem:s2] =	stream.indirect.scatter.add.f32 [tilespmem:s22], [sflag:$0x4], $0x80, s11, s21, $0xb8;
	[tilespmem:$0x1D000] =	vst v63  }
0x8d: {  	_ =	swait.ge [sflag:s15], $0x4000  }
0x8e: {  	[sflag:s15] =	ssyncset.done $0x0  }
0x8f: {  	s12 =	rddreg [dreg:$0x12];
	[sflag:s15] =	ssyncadd.s32 $0xFFFFC000  }
0x90: {  	[tilespmem:s22], [sflag:$0x2] =	stream.indirect.gather [hbm4b:s4+s21], $0x80, s12, s21, $0xb8;
	[tilespmem:$0x1D000] =	vst v63  }
0x91: {  	_ =	swait.ge [sflag:s23], $0x4000  }
0x92: {  	[sflag:s23] =	ssyncset.done $0x0  }
0x93: {  	s13 =	rddreg [dreg:$0x13];
	[sflag:s23] =	ssyncadd.s32 $0xFFFFC000  }
0x94: {  	[spmem:s2] =	stream.indirect.scatter.add.f32 [tilespmem:s14], [sflag:$0x4], $0x80, s13, s21, $0xb8;
	[tilespmem:$0x1D000] =	vst v63  }
0x95: {  	_ =	swait.ge [sflag:s15], $0x4000  }
0x96: {  	[sflag:s15] =	ssyncset.done $0x0  }
0x97: {  	[sflag:s15] =	ssyncadd.s32 $0xFFFFC000  }
0x98: {  	_ =	swait.ge [sflag:s24], $0x4000  }
0x99: {  	[sflag:s24] =	ssyncset.done $0x0  }
0x9a: {  	s5 =	rddreg [dreg:$0x14];
	[sflag:s24] =	ssyncadd.s32 $0xFFFFC000  }
0x9b: {  	[spmem:s2] =	stream.indirect.scatter.add.f32 [tilespmem:s22], [sflag:$0x4], $0x80, s5, s21, $0xb8;
	[tilespmem:$0x1D000] =	vst v63  }
0x9c: {  	_ =	swait.ge [sflag:s15], $0x4000  }
0x9d: {  	[sflag:s15] =	ssyncset.done $0x0  }
0x9e: {  	[sflag:s15] =	ssyncadd.s32 $0xFFFFC000  }
0x9f: {  	_ =	swait.ge [sflag:s18], $0x400  }
0xa0: {  	[sflag:s18] =	ssyncset.done $0x0  }
0xa1: {  	p0 =	por $0x0, $0x0;
	[sflag:s18] =	ssyncadd.s32 $0xFFFFFC00  }
0xa2: {  	s10 =	simm.s32 @!p0 $0x0;
	_ =	swait.ge [sflag:s18], $0x400  }
0xa3: {  	s11 =	simm.s32 @!p0 $0x14000;
	s8 =	rddreg [dreg:$0x3];
	[sflag:s18] =	ssyncset.done $0x0  }
0xa4: {  	s9 =	rddreg [dreg:$0x4];
	[sflag:s18] =	ssyncadd.s32 $0xFFFFFC00;
	s8 =	sadd.s32 @!p0 $0x0, s8  }
0xa5: {  	[tilespmem:s11], [sflag:$0x3] =	stream.linear.gather @!p0 [hbm4b:s8+s10], $0x400, $0x38;
	[tilespmem:$0x1D000] =	vst v63  }
0xa6: {  	s9 =	sadd.s32 @!p0 $0x0, s9;
	s8 =	simm.s32 @!p0 $0x14800  }
0xa7: {  	[tilespmem:s8], [sflag:$0x3] =	stream.linear.gather @!p0 [hbm4b:s9+s10], $0x400, $0x38;
	[tilespmem:$0x1D000] =	vst v63  }
0xa8: {  	_ = 	snop  }
0xa9: {  	[tilespmem:s14], [sflag:$0x1] =	stream.indirect.gather [hbm4b:s4+s21], $0x80, s19, s21, $0xb8;
	[tilespmem:$0x1D000] =	vst v63  }
0xaa: {  	s9 =	rddreg [dreg:$0x15]  }
0xab: {  	[tilespmem:s22], [sflag:$0x2] =	stream.indirect.gather [hbm4b:s4+s21], $0x80, s9, s21, $0xb8;
	[tilespmem:$0x1D000] =	vst v63  }
0xac: {  	_ =	swait.ge [sflag:s23], $0x4000  }
0xad: {  	[sflag:s23] =	ssyncset.done $0x0  }
0xae: {  	[sflag:s23] =	ssyncadd.s32 $0xFFFFC000  }
0xaf: {  	[spmem:s2] =	stream.indirect.scatter.add.f32 [tilespmem:s14], [sflag:$0x4], $0x80, s20, s21, $0xb8;
	[tilespmem:$0x1D000] =	vst v63  }
0xb0: {  	_ =	swait.ge [sflag:s15], $0x4000  }
0xb1: {  	[sflag:s15] =	ssyncset.done $0x0  }
0xb2: {  	s10 =	rddreg [dreg:$0x16];
	[sflag:s15] =	ssyncadd.s32 $0xFFFFC000  }
0xb3: {  	[tilespmem:s14], [sflag:$0x1] =	stream.indirect.gather [hbm4b:s4+s21], $0x80, s10, s21, $0xb8;
	[tilespmem:$0x1D000] =	vst v63  }
0xb4: {  	_ =	swait.ge [sflag:s24], $0x4000  }
0xb5: {  	[sflag:s24] =	ssyncset.done $0x0  }
0xb6: {  	s11 =	rddreg [dreg:$0x17];
	[sflag:s24] =	ssyncadd.s32 $0xFFFFC000  }
0xb7: {  	[spmem:s2] =	stream.indirect.scatter.add.f32 [tilespmem:s22], [sflag:$0x4], $0x80, s11, s21, $0xb8;
	[tilespmem:$0x1D000] =	vst v63  }
0xb8: {  	_ =	swait.ge [sflag:s15], $0x4000  }
0xb9: {  	[sflag:s15] =	ssyncset.done $0x0  }
0xba: {  	s12 =	rddreg [dreg:$0x18];
	[sflag:s15] =	ssyncadd.s32 $0xFFFFC000  }
0xbb: {  	[tilespmem:s22], [sflag:$0x2] =	stream.indirect.gather [hbm4b:s4+s21], $0x80, s12, s21, $0xb8;
	[tilespmem:$0x1D000] =	vst v63  }
0xbc: {  	_ =	swait.ge [sflag:s23], $0x4000  }
0xbd: {  	[sflag:s23] =	ssyncset.done $0x0  }
0xbe: {  	s13 =	rddreg [dreg:$0x19];
	[sflag:s23] =	ssyncadd.s32 $0xFFFFC000  }
0xbf: {  	[spmem:s2] =	stream.indirect.scatter.add.f32 [tilespmem:s14], [sflag:$0x4], $0x80, s13, s21, $0xb8;
	[tilespmem:$0x1D000] =	vst v63  }
0xc0: {  	_ =	swait.ge [sflag:s15], $0x4000  }
0xc1: {  	[sflag:s15] =	ssyncset.done $0x0  }
0xc2: {  	[sflag:s15] =	ssyncadd.s32 $0xFFFFC000  }
0xc3: {  	[tilespmem:s14], [sflag:$0x1] =	stream.indirect.gather [hbm4b:s4+s21], $0x80, s25, s21, $0xb8;
	[tilespmem:$0x1D000] =	vst v63  }
0xc4: {  	_ =	swait.ge [sflag:s24], $0x4000  }
0xc5: {  	[sflag:s24] =	ssyncset.done $0x0  }
0xc6: {  	[sflag:s24] =	ssyncadd.s32 $0xFFFFC000  }
0xc7: {  	[spmem:s2] =	stream.indirect.scatter.add.f32 [tilespmem:s22], [sflag:$0x4], $0x80, s26, s21, $0xb8;
	[tilespmem:$0x1D000] =	vst v63  }
0xc8: {  	_ =	swait.ge [sflag:s15], $0x4000  }
0xc9: {  	[sflag:s15] =	ssyncset.done $0x0  }
0xca: {  	[sflag:s15] =	ssyncadd.s32 $0xFFFFC000  }
0xcb: {  	[tilespmem:s22], [sflag:$0x2] =	stream.indirect.gather [hbm4b:s4+s21], $0x80, s28, s21, $0xb8;
	[tilespmem:$0x1D000] =	vst v63  }
0xcc: {  	_ =	swait.ge [sflag:s23], $0x4000  }
0xcd: {  	[sflag:s23] =	ssyncset.done $0x0  }
0xce: {  	[sflag:s23] =	ssyncadd.s32 $0xFFFFC000  }
0xcf: {  	[spmem:s2] =	stream.indirect.scatter.add.f32 [tilespmem:s14], [sflag:$0x4], $0x80, s29, s21, $0xb8;
	[tilespmem:$0x1D000] =	vst v63  }
0xd0: {  	_ =	swait.ge [sflag:s15], $0x4000  }
0xd1: {  	[sflag:s15] =	ssyncset.done $0x0  }
0xd2: {  	[sflag:s15] =	ssyncadd.s32 $0xFFFFC000  }
0xd3: {  	[tilespmem:s14], [sflag:$0x1] =	stream.indirect.gather [hbm4b:s4+s21], $0x80, s30, s21, $0xb8;
	[tilespmem:$0x1D000] =	vst v63  }
0xd4: {  	_ =	swait.ge [sflag:s24], $0x4000  }
0xd5: {  	[sflag:s24] =	ssyncset.done $0x0  }
0xd6: {  	[sflag:s24] =	ssyncadd.s32 $0xFFFFC000  }
0xd7: {  	[spmem:s2] =	stream.indirect.scatter.add.f32 [tilespmem:s22], [sflag:$0x4], $0x80, s31, s21, $0xb8;
	[tilespmem:$0x1D000] =	vst v63  }
0xd8: {  	_ =	swait.ge [sflag:s15], $0x4000  }
0xd9: {  	[sflag:s15] =	ssyncset.done $0x0  }
0xda: {  	[sflag:s15] =	ssyncadd.s32 $0xFFFFC000  }
0xdb: {  	[tilespmem:s22], [sflag:$0x2] =	stream.indirect.gather [hbm4b:s4+s21], $0x80, s0, s21, $0xb8;
	[tilespmem:$0x1D000] =	vst v63  }
0xdc: {  	_ =	swait.ge [sflag:s23], $0x4000  }
0xdd: {  	[sflag:s23] =	ssyncset.done $0x0  }
0xde: {  	[sflag:s23] =	ssyncadd.s32 $0xFFFFC000  }
0xdf: {  	[spmem:s2] =	stream.indirect.scatter.add.f32 [tilespmem:s14], [sflag:$0x4], $0x80, s1, s21, $0xb8;
	[tilespmem:$0x1D000] =	vst v63  }
0xe0: {  	_ =	swait.ge [sflag:s15], $0x4000  }
0xe1: {  	[sflag:s15] =	ssyncset.done $0x0  }
0xe2: {  	[sflag:s15] =	ssyncadd.s32 $0xFFFFC000  }
0xe3: {  	_ =	swait.ge [sflag:s24], $0x4000  }
0xe4: {  	[sflag:s24] =	ssyncset.done $0x0  }
0xe5: {  	[sflag:s24] =	ssyncadd.s32 $0xFFFFC000  }
0xe6: {  	[spmem:s2] =	stream.indirect.scatter.add.f32 [tilespmem:s22], [sflag:$0x4], $0x80, s6, s21, $0xb8;
	[tilespmem:$0x1D000] =	vst v63  }
0xe7: {  	s8 =	simm.s32 $0x100;
	_ =	swait.ge [sflag:s15], $0x4000  }
.LBB2_4:
0xe8: {  	[sflag:s15] =	ssyncset.done $0x0  }
0xe9: {  	[sflag:s15] =	ssyncadd.s32 $0xFFFFC000  }
0xea: {  	_ =	swait.ge [sflag:s18], $0x400  }
0xeb: {  	[sflag:s18] =	ssyncset.done $0x0  }
0xec: {  	[sflag:s18] =	ssyncadd.s32 $0xFFFFFC00  }
0xed: {  	_ =	swait.ge [sflag:s18], $0x400  }
0xee: {  	s9 =	smov.u32 s8;
	s10 =	rddreg [dreg:$0x5];
	[sflag:s18] =	ssyncset.done $0x0  }
0xef: {  	s11 =	rddreg [dreg:$0x6];
	[sflag:s18] =	ssyncadd.s32 $0xFFFFFC00;
	s10 =	sadd.s32 s9, s10  }
0xf0: {  	[tilespmem:s19], [sflag:$0x3] =	stream.linear.gather [hbm4b:s10+s3], $0x400, $0x38;
	[tilespmem:$0x1D000] =	vst v63  }
0xf1: {  	s12 =	sadd.s32 s9, s11  }
0xf2: {  	[tilespmem:s20], [sflag:$0x3] =	stream.linear.gather [hbm4b:s12+s3], $0x400, $0x38;
	[tilespmem:$0x1D000] =	vst v63  }
0xf3: {  	_ = 	snop  }
0xf4: {  	[tilespmem:s14], [sflag:$0x1] =	stream.indirect.gather [hbm4b:s4+s21], $0x80, s16, s21, $0xb8;
	[tilespmem:$0x1D000] =	vst v63  }
0xf5: {  	s13 =	rddreg [dreg:$0x7]  }
0xf6: {  	[tilespmem:s22], [sflag:$0x2] =	stream.indirect.gather [hbm4b:s4+s21], $0x80, s13, s21, $0xb8;
	[tilespmem:$0x1D000] =	vst v63  }
0xf7: {  	_ =	swait.ge [sflag:s23], $0x4000  }
0xf8: {  	[sflag:s23] =	ssyncset.done $0x0  }
0xf9: {  	[sflag:s23] =	ssyncadd.s32 $0xFFFFC000  }
0xfa: {  	[spmem:s2] =	stream.indirect.scatter.add.f32 [tilespmem:s14], [sflag:$0x4], $0x80, s17, s21, $0xb8;
	[tilespmem:$0x1D000] =	vst v63  }
0xfb: {  	_ =	swait.ge [sflag:s15], $0x4000  }
0xfc: {  	[sflag:s15] =	ssyncset.done $0x0  }
0xfd: {  	s5 =	rddreg [dreg:$0x8];
	[sflag:s15] =	ssyncadd.s32 $0xFFFFC000  }
0xfe: {  	[tilespmem:s14], [sflag:$0x1] =	stream.indirect.gather [hbm4b:s4+s21], $0x80, s5, s21, $0xb8;
	[tilespmem:$0x1D000] =	vst v63  }
0xff: {  	_ =	swait.ge [sflag:s24], $0x4000  }
0x100: {  	[sflag:s24] =	ssyncset.done $0x0  }
0x101: {  	s11 =	rddreg [dreg:$0x9];
	[sflag:s24] =	ssyncadd.s32 $0xFFFFC000  }
0x102: {  	[spmem:s2] =	stream.indirect.scatter.add.f32 [tilespmem:s22], [sflag:$0x4], $0x80, s11, s21, $0xb8;
	[tilespmem:$0x1D000] =	vst v63  }
0x103: {  	_ =	swait.ge [sflag:s15], $0x4000  }
0x104: {  	[sflag:s15] =	ssyncset.done $0x0  }
0x105: {  	s12 =	rddreg [dreg:$0xa];
	[sflag:s15] =	ssyncadd.s32 $0xFFFFC000  }
0x106: {  	[tilespmem:s22], [sflag:$0x2] =	stream.indirect.gather [hbm4b:s4+s21], $0x80, s12, s21, $0xb8;
	[tilespmem:$0x1D000] =	vst v63  }
0x107: {  	_ =	swait.ge [sflag:s23], $0x4000  }
0x108: {  	[sflag:s23] =	ssyncset.done $0x0  }
0x109: {  	s13 =	rddreg [dreg:$0xb];
	[sflag:s23] =	ssyncadd.s32 $0xFFFFC000  }
0x10a: {  	[spmem:s2] =	stream.indirect.scatter.add.f32 [tilespmem:s14], [sflag:$0x4], $0x80, s13, s21, $0xb8;
	[tilespmem:$0x1D000] =	vst v63  }
0x10b: {  	_ =	swait.ge [sflag:s15], $0x4000  }
0x10c: {  	[sflag:s15] =	ssyncset.done $0x0  }
0x10d: {  	s5 =	rddreg [dreg:$0xc];
	[sflag:s15] =	ssyncadd.s32 $0xFFFFC000  }
0x10e: {  	[tilespmem:s14], [sflag:$0x1] =	stream.indirect.gather [hbm4b:s4+s21], $0x80, s5, s21, $0xb8;
	[tilespmem:$0x1D000] =	vst v63  }
0x10f: {  	_ =	swait.ge [sflag:s24], $0x4000  }
0x110: {  	[sflag:s24] =	ssyncset.done $0x0  }
0x111: {  	s11 =	rddreg [dreg:$0xd];
	[sflag:s24] =	ssyncadd.s32 $0xFFFFC000  }
0x112: {  	[spmem:s2] =	stream.indirect.scatter.add.f32 [tilespmem:s22], [sflag:$0x4], $0x80, s11, s21, $0xb8;
	[tilespmem:$0x1D000] =	vst v63  }
0x113: {  	_ =	swait.ge [sflag:s15], $0x4000  }
0x114: {  	[sflag:s15] =	ssyncset.done $0x0  }
0x115: {  	s12 =	rddreg [dreg:$0xe];
	[sflag:s15] =	ssyncadd.s32 $0xFFFFC000  }
0x116: {  	[tilespmem:s22], [sflag:$0x2] =	stream.indirect.gather [hbm4b:s4+s21], $0x80, s12, s21, $0xb8;
	[tilespmem:$0x1D000] =	vst v63  }
0x117: {  	_ =	swait.ge [sflag:s23], $0x4000  }
0x118: {  	[sflag:s23] =	ssyncset.done $0x0  }
0x119: {  	s13 =	rddreg [dreg:$0xf];
	[sflag:s23] =	ssyncadd.s32 $0xFFFFC000  }
0x11a: {  	[spmem:s2] =	stream.indirect.scatter.add.f32 [tilespmem:s14], [sflag:$0x4], $0x80, s13, s21, $0xb8;
	[tilespmem:$0x1D000] =	vst v63  }
0x11b: {  	_ =	swait.ge [sflag:s15], $0x4000  }
0x11c: {  	[sflag:s15] =	ssyncset.done $0x0  }
0x11d: {  	s5 =	rddreg [dreg:$0x10];
	[sflag:s15] =	ssyncadd.s32 $0xFFFFC000  }
0x11e: {  	[tilespmem:s14], [sflag:$0x1] =	stream.indirect.gather [hbm4b:s4+s21], $0x80, s5, s21, $0xb8;
	[tilespmem:$0x1D000] =	vst v63  }
0x11f: {  	_ =	swait.ge [sflag:s24], $0x4000  }
0x120: {  	[sflag:s24] =	ssyncset.done $0x0  }
0x121: {  	s11 =	rddreg [dreg:$0x11];
	[sflag:s24] =	ssyncadd.s32 $0xFFFFC000  }
0x122: {  	[spmem:s2] =	stream.indirect.scatter.add.f32 [tilespmem:s22], [sflag:$0x4], $0x80, s11, s21, $0xb8;
	[tilespmem:$0x1D000] =	vst v63  }
0x123: {  	_ =	swait.ge [sflag:s15], $0x4000  }
0x124: {  	[sflag:s15] =	ssyncset.done $0x0  }
0x125: {  	s12 =	rddreg [dreg:$0x12];
	[sflag:s15] =	ssyncadd.s32 $0xFFFFC000  }
0x126: {  	[tilespmem:s22], [sflag:$0x2] =	stream.indirect.gather [hbm4b:s4+s21], $0x80, s12, s21, $0xb8;
	[tilespmem:$0x1D000] =	vst v63  }
0x127: {  	_ =	swait.ge [sflag:s23], $0x4000  }
0x128: {  	[sflag:s23] =	ssyncset.done $0x0  }
0x129: {  	s13 =	rddreg [dreg:$0x13];
	[sflag:s23] =	ssyncadd.s32 $0xFFFFC000  }
0x12a: {  	[spmem:s2] =	stream.indirect.scatter.add.f32 [tilespmem:s14], [sflag:$0x4], $0x80, s13, s21, $0xb8;
	[tilespmem:$0x1D000] =	vst v63  }
0x12b: {  	_ =	swait.ge [sflag:s15], $0x4000  }
0x12c: {  	[sflag:s15] =	ssyncset.done $0x0  }
0x12d: {  	[sflag:s15] =	ssyncadd.s32 $0xFFFFC000  }
0x12e: {  	_ =	swait.ge [sflag:s24], $0x4000  }
0x12f: {  	[sflag:s24] =	ssyncset.done $0x0  }
0x130: {  	s5 =	rddreg [dreg:$0x14];
	[sflag:s24] =	ssyncadd.s32 $0xFFFFC000  }
0x131: {  	[spmem:s2] =	stream.indirect.scatter.add.f32 [tilespmem:s22], [sflag:$0x4], $0x80, s5, s21, $0xb8;
	[tilespmem:$0x1D000] =	vst v63  }
0x132: {  	_ =	swait.ge [sflag:s15], $0x4000  }
0x133: {  	[sflag:s15] =	ssyncset.done $0x0  }
0x134: {  	[sflag:s15] =	ssyncadd.s32 $0xFFFFC000  }
0x135: {  	_ =	swait.ge [sflag:s18], $0x400  }
0x136: {  	[sflag:s18] =	ssyncset.done $0x0  }
0x137: {  	p1 =	seq.s32 s9, $0x400;
	[sflag:s18] =	ssyncadd.s32 $0xFFFFFC00  }
0x138: {  	s12 =	simm.s32 @!p1 $0x0;
	_ =	swait.ge [sflag:s18], $0x400  }
0x139: {  	s13 =	simm.s32 @!p1 $0x14000;
	s10 =	rddreg [dreg:$0x3];
	[sflag:s18] =	ssyncset.done $0x0  }
0x13a: {  	s11 =	rddreg [dreg:$0x4];
	[sflag:s18] =	ssyncadd.s32 $0xFFFFFC00;
	s10 =	sadd.s32 @!p1 s9, s10  }
0x13b: {  	[tilespmem:s13], [sflag:$0x3] =	stream.linear.gather @!p1 [hbm4b:s10+s12], $0x400, $0x38;
	[tilespmem:$0x1D000] =	vst v63  }
0x13c: {  	s5 =	simm.s32 @!p1 $0x14800;
	s9 =	sadd.s32 @!p1 s9, s11  }
0x13d: {  	[tilespmem:s5], [sflag:$0x3] =	stream.linear.gather @!p1 [hbm4b:s9+s12], $0x400, $0x38;
	[tilespmem:$0x1D000] =	vst v63  }
0x13e: {  	_ = 	snop  }
0x13f: {  	[tilespmem:s14], [sflag:$0x1] =	stream.indirect.gather [hbm4b:s4+s21], $0x80, s19, s21, $0xb8;
	[tilespmem:$0x1D000] =	vst v63  }
0x140: {  	s9 =	rddreg [dreg:$0x15]  }
0x141: {  	[tilespmem:s22], [sflag:$0x2] =	stream.indirect.gather [hbm4b:s4+s21], $0x80, s9, s21, $0xb8;
	[tilespmem:$0x1D000] =	vst v63  }
0x142: {  	_ =	swait.ge [sflag:s23], $0x4000  }
0x143: {  	[sflag:s23] =	ssyncset.done $0x0  }
0x144: {  	[sflag:s23] =	ssyncadd.s32 $0xFFFFC000  }
0x145: {  	[spmem:s2] =	stream.indirect.scatter.add.f32 [tilespmem:s14], [sflag:$0x4], $0x80, s20, s21, $0xb8;
	[tilespmem:$0x1D000] =	vst v63  }
0x146: {  	_ =	swait.ge [sflag:s15], $0x4000  }
0x147: {  	[sflag:s15] =	ssyncset.done $0x0  }
0x148: {  	s10 =	rddreg [dreg:$0x16];
	[sflag:s15] =	ssyncadd.s32 $0xFFFFC000  }
0x149: {  	[tilespmem:s14], [sflag:$0x1] =	stream.indirect.gather [hbm4b:s4+s21], $0x80, s10, s21, $0xb8;
	[tilespmem:$0x1D000] =	vst v63  }
0x14a: {  	_ =	swait.ge [sflag:s24], $0x4000  }
0x14b: {  	[sflag:s24] =	ssyncset.done $0x0  }
0x14c: {  	s11 =	rddreg [dreg:$0x17];
	[sflag:s24] =	ssyncadd.s32 $0xFFFFC000  }
0x14d: {  	[spmem:s2] =	stream.indirect.scatter.add.f32 [tilespmem:s22], [sflag:$0x4], $0x80, s11, s21, $0xb8;
	[tilespmem:$0x1D000] =	vst v63  }
0x14e: {  	_ =	swait.ge [sflag:s15], $0x4000  }
0x14f: {  	[sflag:s15] =	ssyncset.done $0x0  }
0x150: {  	s12 =	rddreg [dreg:$0x18];
	[sflag:s15] =	ssyncadd.s32 $0xFFFFC000  }
0x151: {  	[tilespmem:s22], [sflag:$0x2] =	stream.indirect.gather [hbm4b:s4+s21], $0x80, s12, s21, $0xb8;
	[tilespmem:$0x1D000] =	vst v63  }
0x152: {  	_ =	swait.ge [sflag:s23], $0x4000  }
0x153: {  	[sflag:s23] =	ssyncset.done $0x0  }
0x154: {  	s13 =	rddreg [dreg:$0x19];
	[sflag:s23] =	ssyncadd.s32 $0xFFFFC000  }
0x155: {  	[spmem:s2] =	stream.indirect.scatter.add.f32 [tilespmem:s14], [sflag:$0x4], $0x80, s13, s21, $0xb8;
	[tilespmem:$0x1D000] =	vst v63  }
0x156: {  	_ =	swait.ge [sflag:s15], $0x4000  }
0x157: {  	[sflag:s15] =	ssyncset.done $0x0  }
0x158: {  	[sflag:s15] =	ssyncadd.s32 $0xFFFFC000  }
0x159: {  	[tilespmem:s14], [sflag:$0x1] =	stream.indirect.gather [hbm4b:s4+s21], $0x80, s25, s21, $0xb8;
	[tilespmem:$0x1D000] =	vst v63  }
0x15a: {  	_ =	swait.ge [sflag:s24], $0x4000  }
0x15b: {  	[sflag:s24] =	ssyncset.done $0x0  }
0x15c: {  	[sflag:s24] =	ssyncadd.s32 $0xFFFFC000  }
0x15d: {  	[spmem:s2] =	stream.indirect.scatter.add.f32 [tilespmem:s22], [sflag:$0x4], $0x80, s26, s21, $0xb8;
	[tilespmem:$0x1D000] =	vst v63  }
0x15e: {  	_ =	swait.ge [sflag:s15], $0x4000  }
0x15f: {  	[sflag:s15] =	ssyncset.done $0x0  }
0x160: {  	[sflag:s15] =	ssyncadd.s32 $0xFFFFC000  }
0x161: {  	[tilespmem:s22], [sflag:$0x2] =	stream.indirect.gather [hbm4b:s4+s21], $0x80, s28, s21, $0xb8;
	[tilespmem:$0x1D000] =	vst v63  }
0x162: {  	_ =	swait.ge [sflag:s23], $0x4000  }
0x163: {  	[sflag:s23] =	ssyncset.done $0x0  }
0x164: {  	[sflag:s23] =	ssyncadd.s32 $0xFFFFC000  }
0x165: {  	[spmem:s2] =	stream.indirect.scatter.add.f32 [tilespmem:s14], [sflag:$0x4], $0x80, s29, s21, $0xb8;
	[tilespmem:$0x1D000] =	vst v63  }
0x166: {  	_ =	swait.ge [sflag:s15], $0x4000  }
0x167: {  	[sflag:s15] =	ssyncset.done $0x0  }
0x168: {  	[sflag:s15] =	ssyncadd.s32 $0xFFFFC000  }
0x169: {  	[tilespmem:s14], [sflag:$0x1] =	stream.indirect.gather [hbm4b:s4+s21], $0x80, s30, s21, $0xb8;
	[tilespmem:$0x1D000] =	vst v63  }
0x16a: {  	_ =	swait.ge [sflag:s24], $0x4000  }
0x16b: {  	[sflag:s24] =	ssyncset.done $0x0  }
0x16c: {  	[sflag:s24] =	ssyncadd.s32 $0xFFFFC000  }
0x16d: {  	[spmem:s2] =	stream.indirect.scatter.add.f32 [tilespmem:s22], [sflag:$0x4], $0x80, s31, s21, $0xb8;
	[tilespmem:$0x1D000] =	vst v63  }
0x16e: {  	_ =	swait.ge [sflag:s15], $0x4000  }
0x16f: {  	[sflag:s15] =	ssyncset.done $0x0  }
0x170: {  	[sflag:s15] =	ssyncadd.s32 $0xFFFFC000  }
0x171: {  	[tilespmem:s22], [sflag:$0x2] =	stream.indirect.gather [hbm4b:s4+s21], $0x80, s0, s21, $0xb8;
	[tilespmem:$0x1D000] =	vst v63  }
0x172: {  	_ =	swait.ge [sflag:s23], $0x4000  }
0x173: {  	[sflag:s23] =	ssyncset.done $0x0  }
0x174: {  	[sflag:s23] =	ssyncadd.s32 $0xFFFFC000  }
0x175: {  	[spmem:s2] =	stream.indirect.scatter.add.f32 [tilespmem:s14], [sflag:$0x4], $0x80, s1, s21, $0xb8;
	[tilespmem:$0x1D000] =	vst v63  }
0x176: {  	_ =	swait.ge [sflag:s15], $0x4000  }
0x177: {  	s8 =	sadd.s32 $0x100, s8;
	[sflag:s15] =	ssyncset.done $0x0  }
0x178: {  	p0 =	sne.s32 s8, $0x500;
	[sflag:s15] =	ssyncadd.s32 $0xFFFFC000  }
.Ltmp1:
0x179: {  	_ =	swait.ge [sflag:s24], $0x4000;
	(pc) =	sbr.rel @p0 .LBB2_4-.Ltmp1, $4  }
0x17a: {  	[sflag:s24] =	ssyncset.done $0x0  }
0x17b: {  	[sflag:s24] =	ssyncadd.s32 $0xFFFFC000  }
0x17c: {  	[spmem:s2] =	stream.indirect.scatter.add.f32 [tilespmem:s22], [sflag:$0x4], $0x80, s6, s21, $0xb8;
	[tilespmem:$0x1D000] =	vst v63  }
0x17d: {  	_ =	swait.ge [sflag:s15], $0x4000  }
0x17e: {  	[sflag:s15] =	ssyncset.done $0x0  }
0x17f: {  	[sflag:s15] =	ssyncadd.s32 $0xFFFFC000  }
0x180: {  	[bflag:$0x0] =	sbarrier.arrive $0xFFFF  }
0x181: {  	s5 =	stileid.u32;
	s9 =	sld [smem:$0x7FD]  }
0x182: {  	s5 =	sshll.u32 s5, $0x6;
	s8 =	rddreg [dreg:$0x1a]  }
0x183: {  	s5 =	sor.u32 $0x1C04, s5;
	s8 =	sshrl.u32 s8, $0x3  }
0x184: {  	[hbm:s9], [sflag:s5] =	dma.local [spmem:s8], $0x2800  }
0x185: {  	_ =	swait.ge [sflag:s15], $0x2800  }
0x186: {  	s13 =	sld [smem:$0x7FC];
	_ =	sdelay $0x1  }
0x187: {  	s7 =	sadd.s32 $0x1, s7  }
0x188: {  	p0 =	sne.s32 s7, s13  }
.Ltmp2:
0x189: {  	_ = 	snop;
	(pc) =	sbr.rel @p0 .LBB2_1-.Ltmp2, $3  }
0x18a: {  	_ =	sdelay $0x1  }
0x18b: {  	[sflag:s15] =	ssyncset.done $0x0  }
0x18c: {  	[sflag:s15] =	ssyncadd.s32 $0xFFFFD800  }
0x18d: {  	_ =	sfence.sel $0x180000  }
0x18e: {  	[bflag:$0x0] =	sbarrier.arrive $0xFFFF  }
0x18f: {  	_ =	strace $0x9000004D  }
0x190: {  	s0 =	stileid.u32;
	[bflag:$0x2] =	sbarrier.arrive $0xFFFF  }
0x191: {  	p0 =	sne.s32 s0, $0x0;
	s0 =	rddreg [dreg:$0x2]  }
0x192: {  	s0 =	sadd.s32 @!p0 $0x100000, s0  }
0x193: {  	[sflag:s0] =	ssyncadd.tile.s32 @!p0 $0x1;
	_ =	shalt  }
.Lfunc_end2:
_tile_overlayer_lowered:
.L_overlay_start_2:
0x194: {  	(tag) =	ssettag $0x2  }
0x195: {  	s0 =	rddreg [dreg:$0x0];
	s2 =	stileid.u32  }
0x196: {  	s1 =	rddreg [dreg:$0x1];
	p0 =	sne.s32 s2, $0x0  }
0x197: {  	s3 =	rddreg [dreg:$0x2];
	[bflag:$0x3] =	sbarrier.arrive $0xFFFF;
	s2 =	simm.s32 @!p0 $0x1C04  }
0x198: {  	[timem:s3], [sflag:s2] =	dma.local @!p0 [hbm:s0], s1  }
0x199: {  	s0 =	simm.s32 @!p0 $0x4  }
0x19a: {  	_ =	swait.ge @!p0 [sflag:s0], s1  }
0x19b: {  	s1 =	ssub.s32 @!p0 $0x0, s1;
	[sflag:s0] =	ssyncset.done @!p0 $0x0  }
0x19c: {  	[sflag:s0] =	ssyncadd.s32 @!p0 s1  }
0x19d: {  	[bflag:$0x3] =	sbarrier.arrive $0xFFFF  }
0x19e: {  	_ =	shalt  }

// kernel: kernel.19.cloned.1.call-start
scs
__scs_entry_jumppad:
0x0: {  	(pc) =	sbr.rel $0x88, $3  }
0x1: {  	(tag) =	ssettag $0x0;
	lr =	simm.s32 $0x1  }
0x2: {  	[smem:$0x3F9F] =	sst lr;
	_ =	strace $0xD0000000  }
0x3: {  	_ = 	snop  }
0x4: {  	_ = 	snop  }
0x5: {  	_ = 	snop  }
0x6: {  	_ = 	snop  }
0x7: {  	_ = 	snop  }
__scs_overlays_trampoline_lowered:
0x8: {  	[smem:$0x3FAE] =	sst s0  }
0x9: {  	[smem:$0x3FAF] =	sst s1  }
0xa: {  	[smem:$0x3FB0] =	sst s2  }
0xb: {  	[smem:$0x3FB1] =	sst s3  }
0xc: {  	[smem:$0x3FB2] =	sst s4  }
0xd: {  	[smem:$0x3FB3] =	sst s5  }
0xe: {  	[smem:$0x3FB4] =	sst s6  }
0xf: {  	[smem:$0x3FB5] =	sst s7  }
0x10: {  	[smem:$0x3FB6] =	sst s8  }
0x11: {  	[smem:$0x3FB7] =	sst s9;
	s0 =	simm.s32 @!p0 $0x0  }
0x12: {  	s1 =	sld [smem:$0x3F9D];
	s0 =	simm.s32 @p0 $0x1  }
0x13: {  	[smem:$0x3FB8] =	sst s0;
	s0 =	simm.s32 @!p1 $0x0  }
0x14: {  	s2 =	sld [smem:$0x3F9C];
	s0 =	simm.s32 @p1 $0x1  }
0x15: {  	[smem:$0x3FB9] =	sst s0;
	s0 =	simm.s32 @!p2 $0x0  }
0x16: {  	s3 =	sld [smem:$0x3FDB];
	s0 =	simm.s32 @p2 $0x1  }
0x17: {  	s4 =	simm.s32 $0x1BF5;
	[smem:$0x3FBB] =	sst s0  }
0x18: {  	s0 =	sld [smem:$0x3F9E];
	_ =	swait.ge [sflag:s4], $0x0  }
0x19: {  	s7 =	sld [smem:$0x3F9F]  }
0x1a: {  	s8 =	sadd.s32 $0xFFFFE003, lr  }
0x1b: {  	s9 =	sadd.s32 $0xFFFFFEF7, lr;
	s5 =	simm.s32 $0xFFFFFFFF;
	p2 =	slt.u32 s8, $0xFFFFF086  }
0x1c: {  	p1 =	slt.u32 s9, $0xF7A;
	s5 =	simm.s32 @!p2 $0x0  }
0x1d: {  	s5 =	simm.s32 @p1 $0x1;
	p0 =	seq.s32 s7, s2  }
0x1e: {  	s7 =	smul.u32 @!p0 $0xF7A, s2;
	p2 =	seq.s32 @!p0 s5, $0x0  }
0x1f: {  	s9 =	smul.u32 $0xF7A, s1;
	s8 =	simm.s32 @!p0 $0x1BF5;
	p2 =	por !p2, p0  }
0x20: {  	[sflag:s8] =	ssyncset.s32 @!p0 $0xFFFFF086;
	s6 =	sadd.s32 @!p0 s3, s7;
	s7 =	simm.s32 @!p0 $0x108  }
0x21: {  	s3 =	sadd.s32 s3, s9;
	s6 =	sadd.s32 @!p0 $0x88, s6;
	s7 =	simm.s32 @p2 $0x1082  }
0x22: {  	[simem:s7], [sflag:s8] =	dma.local @!p0 [hbm:s6], $0xF7A  }
0x23: {  	s9 =	sor.u32 $0xD0000000, s2;
	s6 =	simm.s32 $0x108;
	_ =	swait.ge @!p0 [sflag:s8], $0x0  }
0x24: {  	s3 =	sadd.s32 $0x88, s3;
	s6 =	simm.s32 @!p1 $0x1082;
	[sflag:s4] =	ssyncset.s32 $0xFFFFF086  }
0x25: {  	[simem:s6], [sflag:s4] =	dma.local [hbm:s3], $0xF7A  }
0x26: {  	[smem:$0x3F9F] =	sst s1;
	(tag) =	ssettag s2;
	_ =	strace s9  }
0x27: {  	s1 =	sld [smem:$0x3FAF]  }
0x28: {  	s2 =	sld [smem:$0x3FB0]  }
0x29: {  	s4 =	sld [smem:$0x3FB2]  }
0x2a: {  	p0 =	seq.s32 s5, $0x0;
	s5 =	sld [smem:$0x3FB3]  }
0x2b: {  	s6 =	sld [smem:$0x3FB4]  }
0x2c: {  	s7 =	sld [smem:$0x3FB5]  }
0x2d: {  	s3 =	simm.s32 $0x108;
	s8 =	sld [smem:$0x3FB6]  }
0x2e: {  	s3 =	simm.s32 @!p0 $0x1082;
	s9 =	sld [smem:$0x3FB7]  }
0x2f: {  	lr =	sadd.s32 s0, s3;
	s0 =	sld [smem:$0x3FAE]  }
0x30: {  	s3 =	sld [smem:$0x3FB1]  }
0x31: {  	[smem:$0x3FBA] =	sst s10  }
0x32: {  	s10 =	sld [smem:$0x3FB8];
	_ =	sdelay $0x3  }
0x33: {  	p0 =	seq.s32 s10, $0x1;
	s10 =	sld [smem:$0x3FBA];
	_ =	sdelay $0x3  }
0x34: {  	[smem:$0x3FBA] =	sst s10  }
0x35: {  	s10 =	sld [smem:$0x3FB9];
	_ =	sdelay $0x3  }
0x36: {  	p1 =	seq.s32 s10, $0x1;
	s10 =	sld [smem:$0x3FBA];
	_ =	sdelay $0x3  }
0x37: {  	[smem:$0x3FBA] =	sst s10  }
0x38: {  	s10 =	sld [smem:$0x3FBB]  }
0x39: {  	_ = 	snop;
	(pc) =	sbr.ind lr, $3  }
0x3a: {  	_ = 	snop  }
0x3b: {  	_ = 	snop  }
0x3c: {  	p2 =	seq.s32 s10, $0x1;
	s10 =	sld [smem:$0x3FBA]  }
0x3d: {  	_ =	shalt  }
0x3e: {  	_ =	shalt  }
0x3f: {  	_ =	shalt  }
0x40: {  	_ =	shalt  }
0x41: {  	_ =	shalt  }
0x42: {  	_ =	shalt  }
0x43: {  	_ =	shalt  }
0x44: {  	_ =	shalt  }
0x45: {  	_ =	shalt  }
0x46: {  	_ =	shalt  }
0x47: {  	_ =	shalt  }
0x48: {  	_ =	shalt  }
0x49: {  	_ =	shalt  }
0x4a: {  	_ =	shalt  }
0x4b: {  	_ =	shalt  }
0x4c: {  	_ =	shalt  }
0x4d: {  	_ =	shalt  }
0x4e: {  	_ =	shalt  }
0x4f: {  	_ =	shalt  }
0x50: {  	_ =	shalt  }
0x51: {  	_ =	shalt  }
0x52: {  	_ =	shalt  }
0x53: {  	_ =	shalt  }
0x54: {  	_ =	shalt  }
0x55: {  	_ =	shalt  }
0x56: {  	_ =	shalt  }
0x57: {  	_ =	shalt  }
0x58: {  	_ =	shalt  }
0x59: {  	_ =	shalt  }
0x5a: {  	_ =	shalt  }
0x5b: {  	_ =	shalt  }
0x5c: {  	_ =	shalt  }
0x5d: {  	_ =	shalt  }
0x5e: {  	_ =	shalt  }
0x5f: {  	_ =	shalt  }
0x60: {  	_ =	shalt  }
0x61: {  	_ =	shalt  }
0x62: {  	_ =	shalt  }
0x63: {  	_ =	shalt  }
0x64: {  	_ =	shalt  }
0x65: {  	_ =	shalt  }
0x66: {  	_ =	shalt  }
0x67: {  	_ =	shalt  }
0x68: {  	_ =	shalt  }
0x69: {  	_ =	shalt  }
0x6a: {  	_ =	shalt  }
0x6b: {  	_ =	shalt  }
0x6c: {  	_ =	shalt  }
0x6d: {  	_ =	shalt  }
0x6e: {  	_ =	shalt  }
0x6f: {  	_ =	shalt  }
0x70: {  	_ =	shalt  }
0x71: {  	_ =	shalt  }
0x72: {  	_ =	shalt  }
0x73: {  	_ =	shalt  }
0x74: {  	_ =	shalt  }
0x75: {  	_ =	shalt  }
0x76: {  	_ =	shalt  }
0x77: {  	_ =	shalt  }
0x78: {  	_ =	shalt  }
0x79: {  	_ =	shalt  }
0x7a: {  	_ =	shalt  }
0x7b: {  	_ =	shalt  }
0x7c: {  	_ =	shalt  }
0x7d: {  	_ =	shalt  }
0x7e: {  	_ =	shalt  }
0x7f: {  	_ =	shalt  }
0x80: {  	_ =	shalt  }
0x81: {  	_ =	shalt  }
0x82: {  	_ =	shalt  }
0x83: {  	_ =	shalt  }
0x84: {  	_ =	shalt  }
0x85: {  	_ =	shalt  }
0x86: {  	_ =	shalt  }
0x87: {  	_ =	shalt  }
.Lfunc_end0:
.L_simem_size_0:
called_computation.3_lowered:
.L_overlay_start_0:
0x88: {  	s2 =	sld [smem:$0x3FD9]  }
0x89: {  	s3 =	sld [smem:$0x3FFE];
	_ =	sdelay $0x1  }
0x8a: {  	s1 =	srdreg.scid  }
0x8b: {  	s0 =	sand.u32 $0x1, s1  }
0x8c: {  	s16 =	sshll.u32 s0, $0xA;
	s2 =	sadd.s32 s3, s2  }
0x8d: {  	s2 =	sadd.s32 s2, s16  }
0x8e: {  	[smem:$0x3FC6] =	sst s2  }
0x8f: {  	_ = 	snop  }
0x90: {  	(tm) =	ssettm $0x1  }
0x91: {  	s17 =	sld [smem:$0x3FFB];
	_ =	sdelay $0x3  }
0x92: {  	_ =	strace s17  }
0x93: {  	s2 =	sld [smem:$0x3FFC];
	_ =	sdelay $0x3  }
0x94: {  	_ =	strace s2  }
0x95: {  	s2 =	sld [smem:$0x3FFD];
	_ =	sdelay $0x3  }
0x96: {  	_ =	strace s2  }
0x97: {  	_ =	strace $0x8FFFFFFF  }
0x98: {  	s18 =	sld [smem:$0x3FDB];
	_ =	sdelay $0x1  }
0x99: {  	s19 =	simm.s32 $_scs_section_size  }
0x9a: {  	s4 =	simm.s32 $_size__tile_overlayer_lowered;
	s5 =	simm.s32 $_tile_overlayer_lowered  }
0x9b: {  	s22 =	simm.s32 $0x1BFF;
	s21 =	sshll.u32 s5, $0x1;
	s2 =	sadd.s32 s19, s18  }
0x9c: {  	s6 =	simm.s32 $0x0;
	s20 =	sshll.u32 s4, $0x1;
	s4 =	sadd.s32 s21, s2  }
0x9d: {  	[timem:s6], [sflag:s22] =	dma.local [hbm:s4], s20  }
0x9e: {  	_ =	swait.ge [sflag:s22], s20  }
0x9f: {  	s3 =	ssub.s32 $0x0, s20;
	[sflag:s22] =	ssyncset.done $0x0  }
0xa0: {  	[sflag:s22] =	ssyncadd.s32 s3;
	_ =	sdelay $0x1  }
0xa1: {  	s23 =	simm.s32 $0x1B8B  }
0xa2: {  	_ =	swait.ge [sflag:s23], $0x1  }
0xa3: {  	[sflag:s23] =	ssyncset.done $0x0  }
0xa4: {  	s25 =	simm.s32 $0x1B8E;
	s24 =	sld [smem:$0x3FFE];
	[sflag:s23] =	ssyncadd.s32 $0xFFFFFFFF  }
0xa5: {  	s26 =	simm.s32 $execute0_lowered;
	[smem:$0x3FD2] =	sst s25  }
0xa6: {  	s4 =	sshll.u32 s26, $0x1;
	_ =	strace $0x8000004F;
	[dreg:$0x1] =	wrdreg $0xFFFFFFFF  }
0xa7: {  	s28 =	simm.s32 $_size_execute0_lowered;
	s2 =	sadd.s32 s2, s4;
	[dreg:$0x0] =	wrdreg $0x0  }
0xa8: {  	s4 =	sshll.u32 s28, $0x1;
	[dreg:$0x2] =	wrdreg s2  }
0xa9: {  	[dreg:$0x3] =	wrdreg s4  }
0xaa: {  	[dreg:$0x4] =	wrdreg $0xC0  }
0xab: {  	_ =	task [dreg:s6], $0x5FFFF  }
0xac: {  	[dreg:$0x1] =	wrdreg $0xFFFFFFFF  }
0xad: {  	[dreg:$0x0] =	wrdreg $0x60  }
0xae: {  	[dreg:$0x2] =	wrdreg s24  }
0xaf: {  	[dreg:$0x3] =	wrdreg $0x0  }
0xb0: {  	[dreg:$0x4] =	wrdreg $0x9  }
0xb1: {  	_ =	task.clear_ibuf [dreg:s6], $0x5FFFF;
	_ =	strace $0x9000004F  }
0xb2: {  	s29 =	simm.s32 $0x9;
	_ =	strace $0x80000051  }
0xb3: {  	_ =	swait.ge [sflag:s29], $0x1  }
0xb4: {  	[sflag:s29] =	ssyncadd.s32 $0xFFFFFFFF  }
0xb5: {  	_ =	strace $0x90000051  }
0xb6: {  	_ =	sfence  }
0xb7: {  	s30 =	sld [smem:$0x0];
	_ =	sdelay $0x2  }
0xb8: {  	s31 =	sshll.u32 s1, $0xD;
	s1 =	sshrl.u32 s1, $0x2  }
0xb9: {  	s3 =	sand.u32 $0x4000, s31;
	s1 =	sadd.s32 s1, s30  }
0xba: {  	s0 =	sor.u32 s3, s0;
	s1 =	sshll.u32 s1, $0x11  }
0xbb: {  	s0 =	sor.u32 s1, s0  }
0xbc: {  	s0 =	sadd.s32 $0x8F2B, s0  }
0xbd: {  	[sflag:s0] =	ssyncadd.remote.s32 $0x1  }
0xbe: {  	_ =	sfence.sel $0xFFFF  }
0xbf: {  	[dreg:$0x0] =	wrdreg $0xFFFFFFFF;
	(pc) =	sbr.abs _section_cstart, $3  }
0xc0: {  	[dreg:$0x1] =	wrdreg $0xFFFFFFFF  }
0xc1: {  	_ =	task.clear_ibuf [dreg:s6], $0x2FFFF;
	_ =	strace $0x9FFFFFFF  }
0xc2: {  	(tm) =	ssettm $0x7FFFFFFF  }
0xc3: {  	_ =	shalt  }
tec
execute0_lowered:
.L_overlay_start_1:
0x0: {  	(tag) =	ssettag $0x1  }
0x1: {  	s0 =	rddreg [dreg:$0x0]  }
0x2: {  	s2 =	rddreg [dreg:$0x1]  }
0x3: {  	s3 =	simm.s32 $0x0;
	s1 =	srdreg.scid;
	s13 =	stileid.u32  }
0x4: {  	s25 =	simm.s32 $0x14080;
	s14 =	simm.s32 $0x14980;
	s15 =	simm.s32 $0x14280  }
0x5: {  	s16 =	simm.s32 $0x14A00;
	s28 =	simm.s32 $0x14680;
	s29 =	simm.s32 $0x14E00  }
0x6: {  	s30 =	simm.s32 $0x14700;
	s31 =	simm.s32 $0x14E80;
	[smem:$0x7FF] =	sst s3  }
0x7: {  	s1 =	sand.u32 $0x1, s1;
	s5 =	smul.u32 $0x50000, s13;
	s4 =	sadd.s32 $0x18600, s0  }
0x8: {  	s9 =	smul.u32 $0xA, s13;
	_ =	strace $0x80000050;
	[dreg:$0x7] =	wrdreg s25  }
0x9: {  	s10 =	sadd.s32 $0x4600, s0;
	s11 =	sadd.s32 $0xE600, s0;
	[dreg:$0xd] =	wrdreg s14  }
0xa: {  	s6 =	ssub.s32 $0x2, s1;
	s7 =	smul.u32 $0xA0, s1;
	[dreg:$0xe] =	wrdreg s15  }
0xb: {  	s17 =	sshll.u32 s1, $0x4;
	p0 =	seq.s32 s1, $0x1;
	[dreg:$0xf] =	wrdreg s16  }
0xc: {  	s25 =	simm.s32 $0x14580;
	s8 =	sshrl.u32 s6, $0x1;
	s5 =	sshrl.u32 s5, $0x2  }
0xd: {  	[dreg:$0x18] =	wrdreg s25;
	s6 =	ssub.s32 s6, s8;
	s5 =	sadd.s32 s5, s2  }
0xe: {  	s8 =	sor.u32 s13, s17;
	s17 =	simm.s32 $0x14300;
	[dreg:$0x1a] =	wrdreg s5  }
0xf: {  	s14 =	simm.s32 $0x15000;
	s18 =	sadd.s32 $0x4000, s5;
	[dreg:$0x10] =	wrdreg s17  }
0x10: {  	s15 =	simm.s32 $0x4;
	s19 =	sadd.s32 $0x8000, s5;
	[dreg:$0x1b] =	wrdreg s18  }
0x11: {  	s16 =	simm.s32 $0x14000;
	s12 =	sadd.s32 $0xC000, s5;
	[dreg:$0x1c] =	wrdreg s19  }
0x12: {  	s1 =	simm.s32 $0x14F00;
	s5 =	sadd.s32 $0x10000, s5;
	[dreg:$0x1d] =	wrdreg s12  }
0x13: {  	s25 =	simm.s32 $0x14600;
	[dreg:$0x1e] =	wrdreg s5;
	s5 =	simm.s32 $0x14100  }
0x14: {  	s7 =	sadd.s32 s9, s7;
	s12 =	simm.s32 $0x14900;
	[dreg:$0x8] =	wrdreg s5  }
0x15: {  	s7 =	sshll.u32 s7, $0x7;
	s18 =	simm.s32 $0x14A80;
	[dreg:$0xb] =	wrdreg s12  }
0x16: {  	s20 =	sadd.s32 $0x100, s7;
	s19 =	simm.s32 $0x14380;
	[dreg:$0x11] =	wrdreg s18  }
0x17: {  	s8 =	smul.u32 $0x500, s8;
	s21 =	sadd.s32 s20, s10;
	[dreg:$0x12] =	wrdreg s19  }
0x18: {  	s22 =	sadd.s32 s7, s10;
	s9 =	sadd.s32 s20, s11;
	[dreg:$0x3] =	wrdreg s21  }
0x19: {  	s17 =	simm.s32 $0x14800;
	s23 =	sadd.s32 $0x80, s22;
	[dreg:$0x4] =	wrdreg s9  }
0x1a: {  	s7 =	sadd.s32 s7, s11;
	s24 =	sadd.s32 s10, s8;
	[dreg:$0x5] =	wrdreg s23  }
0x1b: {  	s7 =	sadd.s32 $0x80, s7;
	s26 =	sadd.s32 s11, s8;
	[dreg:$0x1f] =	wrdreg s24  }
0x1c: {  	s8 =	simm.s32 $0x14880;
	s10 =	simm.s32 $0x14180;
	[dreg:$0x6] =	wrdreg s7  }
0x1d: {  	s11 =	smax.u32 s6, $0x1;
	s6 =	simm.s32 $0x68600;
	[smem:$0x7FB] =	sst s26  }
0x1e: {  	s20 =	simm.s32 $0x14B00;
	s18 =	simm.s32 $0x3;
	[dreg:$0x9] =	wrdreg s8  }
0x1f: {  	s19 =	simm.s32 $0x14400;
	s22 =	simm.s32 $0x14480;
	[smem:$0x7FC] =	sst s11  }
0x20: {  	s9 =	smul.u32 $0x2800, s13;
	[dreg:$0xa] =	wrdreg s10;
	s13 =	simm.s32 $0x14200  }
0x21: {  	s6 =	simm.s32 @!p0 $0x40600;
	[dreg:$0x13] =	wrdreg s20;
	s21 =	simm.s32 $0x14B80  }
0x22: {  	s20 =	simm.s32 $0x14C00;
	[dreg:$0x15] =	wrdreg s22;
	s23 =	simm.s32 $0x14500  }
0x23: {  	s24 =	simm.s32 $0x14C80;
	s22 =	simm.s32 $0x19000;
	[dreg:$0xc] =	wrdreg s13  }
0x24: {  	s26 =	simm.s32 $0x14D00;
	s7 =	simm.s32 $0x0;
	[dreg:$0x14] =	wrdreg s21  }
0x25: {  	s0 =	sadd.s32 s6, s0;
	s21 =	simm.s32 $0x80;
	[dreg:$0x16] =	wrdreg s23  }
0x26: {  	[dreg:$0x17] =	wrdreg s24;
	s23 =	simm.s32 $0x1;
	s24 =	simm.s32 $0x2  }
0x27: {  	[dreg:$0x19] =	wrdreg s26;
	s26 =	simm.s32 $0x14D80;
	s0 =	sadd.s32 s0, s9  }
0x28: {  	v0 =	vimm.f32 $0.0e+00;
	s6 =	simm.s32 $0x14F80;
	[smem:$0x7FD] =	sst s0;
	s0 =	simm.s32 $0x14780  }
.LBB2_1:
0x29: {  	s8 =	simm.s32 $0x0;
	s9 =	simm.s32 $0x200  }
.LBB2_2:
0x2a: {  	p0 =	sne.s32 s9, $0xFE00;
	[tilespmem:s8+$0x15070] =	vst v0  }
0x2b: {  	[tilespmem:s8+$0x15000] =	vst v0  }
0x2c: {  	[tilespmem:s8+$0x15010] =	vst v0  }
.Ltmp0:
0x2d: {  	[tilespmem:s8+$0x15020] =	vst v0;
	(pc) =	sbr.rel @p0 .LBB2_2-.Ltmp0, $4  }
0x2e: {  	[tilespmem:s8+$0x15030] =	vst v0  }
0x2f: {  	[tilespmem:s8+$0x15040] =	vst v0  }
0x30: {  	[tilespmem:s8+$0x15050] =	vst v0  }
0x31: {  	[tilespmem:s8+$0x15060] =	vst v0;
	s8 =	sshra.s32 s9, $0x2;
	s9 =	sadd.s32 $0x200, s9  }
0x32: {  	[tilespmem:s8+$0x15070] =	vst v0  }
0x33: {  	[tilespmem:s8+$0x15000] =	vst v0  }
0x34: {  	[tilespmem:s8+$0x15010] =	vst v0  }
0x35: {  	[tilespmem:s8+$0x15020] =	vst v0  }
0x36: {  	[tilespmem:s8+$0x15030] =	vst v0  }
0x37: {  	[tilespmem:s8+$0x15040] =	vst v0  }
0x38: {  	[tilespmem:s8+$0x15050] =	vst v0  }
0x39: {  	[tilespmem:s8+$0x15060] =	vst v0;
	s5 =	rddreg [dreg:$0x1a]  }
0x3a: {  	[spmem:s5] =	stream.linear.scatter [tilespmem:s14], [sflag:$0x4], $0x4000, $0x38;
	[tilespmem:$0x1D000] =	vst v63  }
0x3b: {  	_ =	swait.ge [sflag:s15], $0x4000  }
0x3c: {  	[sflag:s15] =	ssyncset.done $0x0  }
0x3d: {  	s9 =	rddreg [dreg:$0x1b];
	[sflag:s15] =	ssyncadd.s32 $0xFFFFC000  }
0x3e: {  	[spmem:s9] =	stream.linear.scatter [tilespmem:s14], [sflag:$0x4], $0x4000, $0x38;
	[tilespmem:$0x1D000] =	vst v63  }
0x3f: {  	_ =	swait.ge [sflag:s15], $0x4000  }
0x40: {  	[sflag:s15] =	ssyncset.done $0x0  }
0x41: {  	s10 =	rddreg [dreg:$0x1c];
	[sflag:s15] =	ssyncadd.s32 $0xFFFFC000  }
0x42: {  	[spmem:s10] =	stream.linear.scatter [tilespmem:s14], [sflag:$0x4], $0x4000, $0x38;
	[tilespmem:$0x1D000] =	vst v63  }
0x43: {  	_ =	swait.ge [sflag:s15], $0x4000  }
0x44: {  	[sflag:s15] =	ssyncset.done $0x0  }
0x45: {  	s11 =	rddreg [dreg:$0x1d];
	[sflag:s15] =	ssyncadd.s32 $0xFFFFC000  }
0x46: {  	[spmem:s11] =	stream.linear.scatter [tilespmem:s14], [sflag:$0x4], $0x4000, $0x38;
	[tilespmem:$0x1D000] =	vst v63  }
0x47: {  	_ =	swait.ge [sflag:s15], $0x4000  }
0x48: {  	[sflag:s15] =	ssyncset.done $0x0  }
0x49: {  	s12 =	rddreg [dreg:$0x1e];
	[sflag:s15] =	ssyncadd.s32 $0xFFFFC000  }
0x4a: {  	[spmem:s12] =	stream.linear.scatter [tilespmem:s14], [sflag:$0x4], $0x4000, $0x38;
	[tilespmem:$0x1D000] =	vst v63  }
0x4b: {  	_ =	swait.ge [sflag:s15], $0x4000  }
0x4c: {  	[sflag:s15] =	ssyncset.done $0x0  }
0x4d: {  	[sflag:s15] =	ssyncadd.s32 $0xFFFFC000  }
0x4e: {  	[bflag:$0x0] =	sbarrier.arrive $0xFFFF  }
0x4f: {  	s9 =	rddreg [dreg:$0x1f]  }
0x50: {  	s13 =	simm.s32 $0x0;
	s10 =	sld [smem:$0x7FB]  }
0x51: {  	[tilespmem:s16], [sflag:$0x3] =	stream.linear.gather [hbm4b:s9+s13], $0x400, $0x38;
	[tilespmem:$0x1D000] =	vst v63  }
0x52: {  	_ = 	snop  }
0x53: {  	[tilespmem:s17], [sflag:$0x3] =	stream.linear.gather [hbm4b:s10+s13], $0x400, $0x38;
	[tilespmem:$0x1D000] =	vst v63  }
0x54: {  	_ =	swait.ge [sflag:s18], $0x400  }
0x55: {  	[sflag:s18] =	ssyncset.done $0x0  }
0x56: {  	[sflag:s18] =	ssyncadd.s32 $0xFFFFFC00  }
0x57: {  	_ =	swait.ge [sflag:s18], $0x400  }
0x58: {  	s11 =	rddreg [dreg:$0x5];
	[sflag:s18] =	ssyncset.done $0x0  }
0x59: {  	s9 =	rddreg [dreg:$0x6];
	[sflag:s18] =	ssyncadd.s32 $0xFFFFFC00;
	s8 =	sadd.s32 $0x0, s11  }
0x5a: {  	[tilespmem:s19], [sflag:$0x3] =	stream.linear.gather [hbm4b:s8+s3], $0x400, $0x38;
	[tilespmem:$0x1D000] =	vst v63  }
0x5b: {  	s12 =	sadd.s32 $0x0, s9  }
0x5c: {  	[tilespmem:s20], [sflag:$0x3] =	stream.linear.gather [hbm4b:s12+s3], $0x400, $0x38;
	[tilespmem:$0x1D000] =	vst v63  }
0x5d: {  	_ = 	snop  }
0x5e: {  	[tilespmem:s14], [sflag:$0x1] =	stream.indirect.gather [hbm4b:s4+s21], $0x80, s16, s21, $0xb8;
	[tilespmem:$0x1D000] =	vst v63  }
0x5f: {  	s13 =	rddreg [dreg:$0x7]  }
0x60: {  	[tilespmem:s22], [sflag:$0x2] =	stream.indirect.gather [hbm4b:s4+s21], $0x80, s13, s21, $0xb8;
	[tilespmem:$0x1D000] =	vst v63  }
0x61: {  	_ =	swait.ge [sflag:s23], $0x4000  }
0x62: {  	[sflag:s23] =	ssyncset.done $0x0  }
0x63: {  	[sflag:s23] =	ssyncadd.s32 $0xFFFFC000  }
0x64: {  	[spmem:s2] =	stream.indirect.scatter.add.f32 [tilespmem:s14], [sflag:$0x4], $0x80, s17, s21, $0xb8;
	[tilespmem:$0x1D000] =	vst v63  }
0x65: {  	_ =	swait.ge [sflag:s15], $0x4000  }
0x66: {  	[sflag:s15] =	ssyncset.done $0x0  }
0x67: {  	s5 =	rddreg [dreg:$0x8];
	[sflag:s15] =	ssyncadd.s32 $0xFFFFC000  }
0x68: {  	[tilespmem:s14], [sflag:$0x1] =	stream.indirect.gather [hbm4b:s4+s21], $0x80, s5, s21, $0xb8;
	[tilespmem:$0x1D000] =	vst v63  }
0x69: {  	_ =	swait.ge [sflag:s24], $0x4000  }
0x6a: {  	[sflag:s24] =	ssyncset.done $0x0  }
0x6b: {  	s9 =	rddreg [dreg:$0x9];
	[sflag:s24] =	ssyncadd.s32 $0xFFFFC000  }
0x6c: {  	[spmem:s2] =	stream.indirect.scatter.add.f32 [tilespmem:s22], [sflag:$0x4], $0x80, s9, s21, $0xb8;
	[tilespmem:$0x1D000] =	vst v63  }
0x6d: {  	_ =	swait.ge [sflag:s15], $0x4000  }
0x6e: {  	[sflag:s15] =	ssyncset.done $0x0  }
0x6f: {  	s10 =	rddreg [dreg:$0xa];
	[sflag:s15] =	ssyncadd.s32 $0xFFFFC000  }
0x70: {  	[tilespmem:s22], [sflag:$0x2] =	stream.indirect.gather [hbm4b:s4+s21], $0x80, s10, s21, $0xb8;
	[tilespmem:$0x1D000] =	vst v63  }
0x71: {  	_ =	swait.ge [sflag:s23], $0x4000  }
0x72: {  	[sflag:s23] =	ssyncset.done $0x0  }
0x73: {  	s11 =	rddreg [dreg:$0xb];
	[sflag:s23] =	ssyncadd.s32 $0xFFFFC000  }
0x74: {  	[spmem:s2] =	stream.indirect.scatter.add.f32 [tilespmem:s14], [sflag:$0x4], $0x80, s11, s21, $0xb8;
	[tilespmem:$0x1D000] =	vst v63  }
0x75: {  	_ =	swait.ge [sflag:s15], $0x4000  }
0x76: {  	[sflag:s15] =	ssyncset.done $0x0  }
0x77: {  	s12 =	rddreg [dreg:$0xc];
	[sflag:s15] =	ssyncadd.s32 $0xFFFFC000  }
0x78: {  	[tilespmem:s14], [sflag:$0x1] =	stream.indirect.gather [hbm4b:s4+s21], $0x80, s12, s21, $0xb8;
	[tilespmem:$0x1D000] =	vst v63  }
0x79: {  	_ =	swait.ge [sflag:s24], $0x4000  }
0x7a: {  	[sflag:s24] =	ssyncset.done $0x0  }
0x7b: {  	s13 =	rddreg [dreg:$0xd];
	[sflag:s24] =	ssyncadd.s32 $0xFFFFC000  }
0x7c: {  	[spmem:s2] =	stream.indirect.scatter.add.f32 [tilespmem:s22], [sflag:$0x4], $0x80, s13, s21, $0xb8;
	[tilespmem:$0x1D000] =	vst v63  }
0x7d: {  	_ =	swait.ge [sflag:s15], $0x4000  }
0x7e: {  	[sflag:s15] =	ssyncset.done $0x0  }
0x7f: {  	s5 =	rddreg [dreg:$0xe];
	[sflag:s15] =	ssyncadd.s32 $0xFFFFC000  }
0x80: {  	[tilespmem:s22], [sflag:$0x2] =	stream.indirect.gather [hbm4b:s4+s21], $0x80, s5, s21, $0xb8;
	[tilespmem:$0x1D000] =	vst v63  }
0x81: {  	_ =	swait.ge [sflag:s23], $0x4000  }
0x82: {  	[sflag:s23] =	ssyncset.done $0x0  }
0x83: {  	s9 =	rddreg [dreg:$0xf];
	[sflag:s23] =	ssyncadd.s32 $0xFFFFC000  }
0x84: {  	[spmem:s2] =	stream.indirect.scatter.add.f32 [tilespmem:s14], [sflag:$0x4], $0x80, s9, s21, $0xb8;
	[tilespmem:$0x1D000] =	vst v63  }
0x85: {  	_ =	swait.ge [sflag:s15], $0x4000  }
0x86: {  	[sflag:s15] =	ssyncset.done $0x0  }
0x87: {  	s10 =	rddreg [dreg:$0x10];
	[sflag:s15] =	ssyncadd.s32 $0xFFFFC000  }
0x88: {  	[tilespmem:s14], [sflag:$0x1] =	stream.indirect.gather [hbm4b:s4+s21], $0x80, s10, s21, $0xb8;
	[tilespmem:$0x1D000] =	vst v63  }
0x89: {  	_ =	swait.ge [sflag:s24], $0x4000  }
0x8a: {  	[sflag:s24] =	ssyncset.done $0x0  }
0x8b: {  	s11 =	rddreg [dreg:$0x11];
	[sflag:s24] =	ssyncadd.s32 $0xFFFFC000  }
0x8c: {  	[spmem:s2] =	stream.indirect.scatter.add.f32 [tilespmem:s22], [sflag:$0x4], $0x80, s11, s21, $0xb8;
	[tilespmem:$0x1D000] =	vst v63  }
0x8d: {  	_ =	swait.ge [sflag:s15], $0x4000  }
0x8e: {  	[sflag:s15] =	ssyncset.done $0x0  }
0x8f: {  	s12 =	rddreg [dreg:$0x12];
	[sflag:s15] =	ssyncadd.s32 $0xFFFFC000  }
0x90: {  	[tilespmem:s22], [sflag:$0x2] =	stream.indirect.gather [hbm4b:s4+s21], $0x80, s12, s21, $0xb8;
	[tilespmem:$0x1D000] =	vst v63  }
0x91: {  	_ =	swait.ge [sflag:s23], $0x4000  }
0x92: {  	[sflag:s23] =	ssyncset.done $0x0  }
0x93: {  	s13 =	rddreg [dreg:$0x13];
	[sflag:s23] =	ssyncadd.s32 $0xFFFFC000  }
0x94: {  	[spmem:s2] =	stream.indirect.scatter.add.f32 [tilespmem:s14], [sflag:$0x4], $0x80, s13, s21, $0xb8;
	[tilespmem:$0x1D000] =	vst v63  }
0x95: {  	_ =	swait.ge [sflag:s15], $0x4000  }
0x96: {  	[sflag:s15] =	ssyncset.done $0x0  }
0x97: {  	[sflag:s15] =	ssyncadd.s32 $0xFFFFC000  }
0x98: {  	_ =	swait.ge [sflag:s24], $0x4000  }
0x99: {  	[sflag:s24] =	ssyncset.done $0x0  }
0x9a: {  	s5 =	rddreg [dreg:$0x14];
	[sflag:s24] =	ssyncadd.s32 $0xFFFFC000  }
0x9b: {  	[spmem:s2] =	stream.indirect.scatter.add.f32 [tilespmem:s22], [sflag:$0x4], $0x80, s5, s21, $0xb8;
	[tilespmem:$0x1D000] =	vst v63  }
0x9c: {  	_ =	swait.ge [sflag:s15], $0x4000  }
0x9d: {  	[sflag:s15] =	ssyncset.done $0x0  }
0x9e: {  	[sflag:s15] =	ssyncadd.s32 $0xFFFFC000  }
0x9f: {  	_ =	swait.ge [sflag:s18], $0x400  }
0xa0: {  	[sflag:s18] =	ssyncset.done $0x0  }
0xa1: {  	p0 =	por $0x0, $0x0;
	[sflag:s18] =	ssyncadd.s32 $0xFFFFFC00  }
0xa2: {  	s10 =	simm.s32 @!p0 $0x0;
	_ =	swait.ge [sflag:s18], $0x400  }
0xa3: {  	s11 =	simm.s32 @!p0 $0x14000;
	s8 =	rddreg [dreg:$0x3];
	[sflag:s18] =	ssyncset.done $0x0  }
0xa4: {  	s9 =	rddreg [dreg:$0x4];
	[sflag:s18] =	ssyncadd.s32 $0xFFFFFC00;
	s8 =	sadd.s32 @!p0 $0x0, s8  }
0xa5: {  	[tilespmem:s11], [sflag:$0x3] =	stream.linear.gather @!p0 [hbm4b:s8+s10], $0x400, $0x38;
	[tilespmem:$0x1D000] =	vst v63  }
0xa6: {  	s9 =	sadd.s32 @!p0 $0x0, s9;
	s8 =	simm.s32 @!p0 $0x14800  }
0xa7: {  	[tilespmem:s8], [sflag:$0x3] =	stream.linear.gather @!p0 [hbm4b:s9+s10], $0x400, $0x38;
	[tilespmem:$0x1D000] =	vst v63  }
0xa8: {  	_ = 	snop  }
0xa9: {  	[tilespmem:s14], [sflag:$0x1] =	stream.indirect.gather [hbm4b:s4+s21], $0x80, s19, s21, $0xb8;
	[tilespmem:$0x1D000] =	vst v63  }
0xaa: {  	s9 =	rddreg [dreg:$0x15]  }
0xab: {  	[tilespmem:s22], [sflag:$0x2] =	stream.indirect.gather [hbm4b:s4+s21], $0x80, s9, s21, $0xb8;
	[tilespmem:$0x1D000] =	vst v63  }
0xac: {  	_ =	swait.ge [sflag:s23], $0x4000  }
0xad: {  	[sflag:s23] =	ssyncset.done $0x0  }
0xae: {  	[sflag:s23] =	ssyncadd.s32 $0xFFFFC000  }
0xaf: {  	[spmem:s2] =	stream.indirect.scatter.add.f32 [tilespmem:s14], [sflag:$0x4], $0x80, s20, s21, $0xb8;
	[tilespmem:$0x1D000] =	vst v63  }
0xb0: {  	_ =	swait.ge [sflag:s15], $0x4000  }
0xb1: {  	[sflag:s15] =	ssyncset.done $0x0  }
0xb2: {  	s10 =	rddreg [dreg:$0x16];
	[sflag:s15] =	ssyncadd.s32 $0xFFFFC000  }
0xb3: {  	[tilespmem:s14], [sflag:$0x1] =	stream.indirect.gather [hbm4b:s4+s21], $0x80, s10, s21, $0xb8;
	[tilespmem:$0x1D000] =	vst v63  }
0xb4: {  	_ =	swait.ge [sflag:s24], $0x4000  }
0xb5: {  	[sflag:s24] =	ssyncset.done $0x0  }
0xb6: {  	s11 =	rddreg [dreg:$0x17];
	[sflag:s24] =	ssyncadd.s32 $0xFFFFC000  }
0xb7: {  	[spmem:s2] =	stream.indirect.scatter.add.f32 [tilespmem:s22], [sflag:$0x4], $0x80, s11, s21, $0xb8;
	[tilespmem:$0x1D000] =	vst v63  }
0xb8: {  	_ =	swait.ge [sflag:s15], $0x4000  }
0xb9: {  	[sflag:s15] =	ssyncset.done $0x0  }
0xba: {  	s12 =	rddreg [dreg:$0x18];
	[sflag:s15] =	ssyncadd.s32 $0xFFFFC000  }
0xbb: {  	[tilespmem:s22], [sflag:$0x2] =	stream.indirect.gather [hbm4b:s4+s21], $0x80, s12, s21, $0xb8;
	[tilespmem:$0x1D000] =	vst v63  }
0xbc: {  	_ =	swait.ge [sflag:s23], $0x4000  }
0xbd: {  	[sflag:s23] =	ssyncset.done $0x0  }
0xbe: {  	s13 =	rddreg [dreg:$0x19];
	[sflag:s23] =	ssyncadd.s32 $0xFFFFC000  }
0xbf: {  	[spmem:s2] =	stream.indirect.scatter.add.f32 [tilespmem:s14], [sflag:$0x4], $0x80, s13, s21, $0xb8;
	[tilespmem:$0x1D000] =	vst v63  }
0xc0: {  	_ =	swait.ge [sflag:s15], $0x4000  }
0xc1: {  	[sflag:s15] =	ssyncset.done $0x0  }
0xc2: {  	[sflag:s15] =	ssyncadd.s32 $0xFFFFC000  }
0xc3: {  	[tilespmem:s14], [sflag:$0x1] =	stream.indirect.gather [hbm4b:s4+s21], $0x80, s25, s21, $0xb8;
	[tilespmem:$0x1D000] =	vst v63  }
0xc4: {  	_ =	swait.ge [sflag:s24], $0x4000  }
0xc5: {  	[sflag:s24] =	ssyncset.done $0x0  }
0xc6: {  	[sflag:s24] =	ssyncadd.s32 $0xFFFFC000  }
0xc7: {  	[spmem:s2] =	stream.indirect.scatter.add.f32 [tilespmem:s22], [sflag:$0x4], $0x80, s26, s21, $0xb8;
	[tilespmem:$0x1D000] =	vst v63  }
0xc8: {  	_ =	swait.ge [sflag:s15], $0x4000  }
0xc9: {  	[sflag:s15] =	ssyncset.done $0x0  }
0xca: {  	[sflag:s15] =	ssyncadd.s32 $0xFFFFC000  }
0xcb: {  	[tilespmem:s22], [sflag:$0x2] =	stream.indirect.gather [hbm4b:s4+s21], $0x80, s28, s21, $0xb8;
	[tilespmem:$0x1D000] =	vst v63  }
0xcc: {  	_ =	swait.ge [sflag:s23], $0x4000  }
0xcd: {  	[sflag:s23] =	ssyncset.done $0x0  }
0xce: {  	[sflag:s23] =	ssyncadd.s32 $0xFFFFC000  }
0xcf: {  	[spmem:s2] =	stream.indirect.scatter.add.f32 [tilespmem:s14], [sflag:$0x4], $0x80, s29, s21, $0xb8;
	[tilespmem:$0x1D000] =	vst v63  }
0xd0: {  	_ =	swait.ge [sflag:s15], $0x4000  }
0xd1: {  	[sflag:s15] =	ssyncset.done $0x0  }
0xd2: {  	[sflag:s15] =	ssyncadd.s32 $0xFFFFC000  }
0xd3: {  	[tilespmem:s14], [sflag:$0x1] =	stream.indirect.gather [hbm4b:s4+s21], $0x80, s30, s21, $0xb8;
	[tilespmem:$0x1D000] =	vst v63  }
0xd4: {  	_ =	swait.ge [sflag:s24], $0x4000  }
0xd5: {  	[sflag:s24] =	ssyncset.done $0x0  }
0xd6: {  	[sflag:s24] =	ssyncadd.s32 $0xFFFFC000  }
0xd7: {  	[spmem:s2] =	stream.indirect.scatter.add.f32 [tilespmem:s22], [sflag:$0x4], $0x80, s31, s21, $0xb8;
	[tilespmem:$0x1D000] =	vst v63  }
0xd8: {  	_ =	swait.ge [sflag:s15], $0x4000  }
0xd9: {  	[sflag:s15] =	ssyncset.done $0x0  }
0xda: {  	[sflag:s15] =	ssyncadd.s32 $0xFFFFC000  }
0xdb: {  	[tilespmem:s22], [sflag:$0x2] =	stream.indirect.gather [hbm4b:s4+s21], $0x80, s0, s21, $0xb8;
	[tilespmem:$0x1D000] =	vst v63  }
0xdc: {  	_ =	swait.ge [sflag:s23], $0x4000  }
0xdd: {  	[sflag:s23] =	ssyncset.done $0x0  }
0xde: {  	[sflag:s23] =	ssyncadd.s32 $0xFFFFC000  }
0xdf: {  	[spmem:s2] =	stream.indirect.scatter.add.f32 [tilespmem:s14], [sflag:$0x4], $0x80, s1, s21, $0xb8;
	[tilespmem:$0x1D000] =	vst v63  }
0xe0: {  	_ =	swait.ge [sflag:s15], $0x4000  }
0xe1: {  	[sflag:s15] =	ssyncset.done $0x0  }
0xe2: {  	[sflag:s15] =	ssyncadd.s32 $0xFFFFC000  }
0xe3: {  	_ =	swait.ge [sflag:s24], $0x4000  }
0xe4: {  	[sflag:s24] =	ssyncset.done $0x0  }
0xe5: {  	[sflag:s24] =	ssyncadd.s32 $0xFFFFC000  }
0xe6: {  	[spmem:s2] =	stream.indirect.scatter.add.f32 [tilespmem:s22], [sflag:$0x4], $0x80, s6, s21, $0xb8;
	[tilespmem:$0x1D000] =	vst v63  }
0xe7: {  	s8 =	simm.s32 $0x100;
	_ =	swait.ge [sflag:s15], $0x4000  }
.LBB2_4:
0xe8: {  	[sflag:s15] =	ssyncset.done $0x0  }
0xe9: {  	[sflag:s15] =	ssyncadd.s32 $0xFFFFC000  }
0xea: {  	_ =	swait.ge [sflag:s18], $0x400  }
0xeb: {  	[sflag:s18] =	ssyncset.done $0x0  }
0xec: {  	[sflag:s18] =	ssyncadd.s32 $0xFFFFFC00  }
0xed: {  	_ =	swait.ge [sflag:s18], $0x400  }
0xee: {  	s9 =	smov.u32 s8;
	s10 =	rddreg [dreg:$0x5];
	[sflag:s18] =	ssyncset.done $0x0  }
0xef: {  	s11 =	rddreg [dreg:$0x6];
	[sflag:s18] =	ssyncadd.s32 $0xFFFFFC00;
	s10 =	sadd.s32 s9, s10  }
0xf0: {  	[tilespmem:s19], [sflag:$0x3] =	stream.linear.gather [hbm4b:s10+s3], $0x400, $0x38;
	[tilespmem:$0x1D000] =	vst v63  }
0xf1: {  	s12 =	sadd.s32 s9, s11  }
0xf2: {  	[tilespmem:s20], [sflag:$0x3] =	stream.linear.gather [hbm4b:s12+s3], $0x400, $0x38;
	[tilespmem:$0x1D000] =	vst v63  }
0xf3: {  	_ = 	snop  }
0xf4: {  	[tilespmem:s14], [sflag:$0x1] =	stream.indirect.gather [hbm4b:s4+s21], $0x80, s16, s21, $0xb8;
	[tilespmem:$0x1D000] =	vst v63  }
0xf5: {  	s13 =	rddreg [dreg:$0x7]  }
0xf6: {  	[tilespmem:s22], [sflag:$0x2] =	stream.indirect.gather [hbm4b:s4+s21], $0x80, s13, s21, $0xb8;
	[tilespmem:$0x1D000] =	vst v63  }
0xf7: {  	_ =	swait.ge [sflag:s23], $0x4000  }
0xf8: {  	[sflag:s23] =	ssyncset.done $0x0  }
0xf9: {  	[sflag:s23] =	ssyncadd.s32 $0xFFFFC000  }
0xfa: {  	[spmem:s2] =	stream.indirect.scatter.add.f32 [tilespmem:s14], [sflag:$0x4], $0x80, s17, s21, $0xb8;
	[tilespmem:$0x1D000] =	vst v63  }
0xfb: {  	_ =	swait.ge [sflag:s15], $0x4000  }
0xfc: {  	[sflag:s15] =	ssyncset.done $0x0  }
0xfd: {  	s5 =	rddreg [dreg:$0x8];
	[sflag:s15] =	ssyncadd.s32 $0xFFFFC000  }
0xfe: {  	[tilespmem:s14], [sflag:$0x1] =	stream.indirect.gather [hbm4b:s4+s21], $0x80, s5, s21, $0xb8;
	[tilespmem:$0x1D000] =	vst v63  }
0xff: {  	_ =	swait.ge [sflag:s24], $0x4000  }
0x100: {  	[sflag:s24] =	ssyncset.done $0x0  }
0x101: {  	s11 =	rddreg [dreg:$0x9];
	[sflag:s24] =	ssyncadd.s32 $0xFFFFC000  }
0x102: {  	[spmem:s2] =	stream.indirect.scatter.add.f32 [tilespmem:s22], [sflag:$0x4], $0x80, s11, s21, $0xb8;
	[tilespmem:$0x1D000] =	vst v63  }
0x103: {  	_ =	swait.ge [sflag:s15], $0x4000  }
0x104: {  	[sflag:s15] =	ssyncset.done $0x0  }
0x105: {  	s12 =	rddreg [dreg:$0xa];
	[sflag:s15] =	ssyncadd.s32 $0xFFFFC000  }
0x106: {  	[tilespmem:s22], [sflag:$0x2] =	stream.indirect.gather [hbm4b:s4+s21], $0x80, s12, s21, $0xb8;
	[tilespmem:$0x1D000] =	vst v63  }
0x107: {  	_ =	swait.ge [sflag:s23], $0x4000  }
0x108: {  	[sflag:s23] =	ssyncset.done $0x0  }
0x109: {  	s13 =	rddreg [dreg:$0xb];
	[sflag:s23] =	ssyncadd.s32 $0xFFFFC000  }
0x10a: {  	[spmem:s2] =	stream.indirect.scatter.add.f32 [tilespmem:s14], [sflag:$0x4], $0x80, s13, s21, $0xb8;
	[tilespmem:$0x1D000] =	vst v63  }
0x10b: {  	_ =	swait.ge [sflag:s15], $0x4000  }
0x10c: {  	[sflag:s15] =	ssyncset.done $0x0  }
0x10d: {  	s5 =	rddreg [dreg:$0xc];
	[sflag:s15] =	ssyncadd.s32 $0xFFFFC000  }
0x10e: {  	[tilespmem:s14], [sflag:$0x1] =	stream.indirect.gather [hbm4b:s4+s21], $0x80, s5, s21, $0xb8;
	[tilespmem:$0x1D000] =	vst v63  }
0x10f: {  	_ =	swait.ge [sflag:s24], $0x4000  }
0x110: {  	[sflag:s24] =	ssyncset.done $0x0  }
0x111: {  	s11 =	rddreg [dreg:$0xd];
	[sflag:s24] =	ssyncadd.s32 $0xFFFFC000  }
0x112: {  	[spmem:s2] =	stream.indirect.scatter.add.f32 [tilespmem:s22], [sflag:$0x4], $0x80, s11, s21, $0xb8;
	[tilespmem:$0x1D000] =	vst v63  }
0x113: {  	_ =	swait.ge [sflag:s15], $0x4000  }
0x114: {  	[sflag:s15] =	ssyncset.done $0x0  }
0x115: {  	s12 =	rddreg [dreg:$0xe];
	[sflag:s15] =	ssyncadd.s32 $0xFFFFC000  }
0x116: {  	[tilespmem:s22], [sflag:$0x2] =	stream.indirect.gather [hbm4b:s4+s21], $0x80, s12, s21, $0xb8;
	[tilespmem:$0x1D000] =	vst v63  }
0x117: {  	_ =	swait.ge [sflag:s23], $0x4000  }
0x118: {  	[sflag:s23] =	ssyncset.done $0x0  }
0x119: {  	s13 =	rddreg [dreg:$0xf];
	[sflag:s23] =	ssyncadd.s32 $0xFFFFC000  }
0x11a: {  	[spmem:s2] =	stream.indirect.scatter.add.f32 [tilespmem:s14], [sflag:$0x4], $0x80, s13, s21, $0xb8;
	[tilespmem:$0x1D000] =	vst v63  }
0x11b: {  	_ =	swait.ge [sflag:s15], $0x4000  }
0x11c: {  	[sflag:s15] =	ssyncset.done $0x0  }
0x11d: {  	s5 =	rddreg [dreg:$0x10];
	[sflag:s15] =	ssyncadd.s32 $0xFFFFC000  }
0x11e: {  	[tilespmem:s14], [sflag:$0x1] =	stream.indirect.gather [hbm4b:s4+s21], $0x80, s5, s21, $0xb8;
	[tilespmem:$0x1D000] =	vst v63  }
0x11f: {  	_ =	swait.ge [sflag:s24], $0x4000  }
0x120: {  	[sflag:s24] =	ssyncset.done $0x0  }
0x121: {  	s11 =	rddreg [dreg:$0x11];
	[sflag:s24] =	ssyncadd.s32 $0xFFFFC000  }
0x122: {  	[spmem:s2] =	stream.indirect.scatter.add.f32 [tilespmem:s22], [sflag:$0x4], $0x80, s11, s21, $0xb8;
	[tilespmem:$0x1D000] =	vst v63  }
0x123: {  	_ =	swait.ge [sflag:s15], $0x4000  }
0x124: {  	[sflag:s15] =	ssyncset.done $0x0  }
0x125: {  	s12 =	rddreg [dreg:$0x12];
	[sflag:s15] =	ssyncadd.s32 $0xFFFFC000  }
0x126: {  	[tilespmem:s22], [sflag:$0x2] =	stream.indirect.gather [hbm4b:s4+s21], $0x80, s12, s21, $0xb8;
	[tilespmem:$0x1D000] =	vst v63  }
0x127: {  	_ =	swait.ge [sflag:s23], $0x4000  }
0x128: {  	[sflag:s23] =	ssyncset.done $0x0  }
0x129: {  	s13 =	rddreg [dreg:$0x13];
	[sflag:s23] =	ssyncadd.s32 $0xFFFFC000  }
0x12a: {  	[spmem:s2] =	stream.indirect.scatter.add.f32 [tilespmem:s14], [sflag:$0x4], $0x80, s13, s21, $0xb8;
	[tilespmem:$0x1D000] =	vst v63  }
0x12b: {  	_ =	swait.ge [sflag:s15], $0x4000  }
0x12c: {  	[sflag:s15] =	ssyncset.done $0x0  }
0x12d: {  	[sflag:s15] =	ssyncadd.s32 $0xFFFFC000  }
0x12e: {  	_ =	swait.ge [sflag:s24], $0x4000  }
0x12f: {  	[sflag:s24] =	ssyncset.done $0x0  }
0x130: {  	s5 =	rddreg [dreg:$0x14];
	[sflag:s24] =	ssyncadd.s32 $0xFFFFC000  }
0x131: {  	[spmem:s2] =	stream.indirect.scatter.add.f32 [tilespmem:s22], [sflag:$0x4], $0x80, s5, s21, $0xb8;
	[tilespmem:$0x1D000] =	vst v63  }
0x132: {  	_ =	swait.ge [sflag:s15], $0x4000  }
0x133: {  	[sflag:s15] =	ssyncset.done $0x0  }
0x134: {  	[sflag:s15] =	ssyncadd.s32 $0xFFFFC000  }
0x135: {  	_ =	swait.ge [sflag:s18], $0x400  }
0x136: {  	[sflag:s18] =	ssyncset.done $0x0  }
0x137: {  	p1 =	seq.s32 s9, $0x400;
	[sflag:s18] =	ssyncadd.s32 $0xFFFFFC00  }
0x138: {  	s12 =	simm.s32 @!p1 $0x0;
	_ =	swait.ge [sflag:s18], $0x400  }
0x139: {  	s13 =	simm.s32 @!p1 $0x14000;
	s10 =	rddreg [dreg:$0x3];
	[sflag:s18] =	ssyncset.done $0x0  }
0x13a: {  	s11 =	rddreg [dreg:$0x4];
	[sflag:s18] =	ssyncadd.s32 $0xFFFFFC00;
	s10 =	sadd.s32 @!p1 s9, s10  }
0x13b: {  	[tilespmem:s13], [sflag:$0x3] =	stream.linear.gather @!p1 [hbm4b:s10+s12], $0x400, $0x38;
	[tilespmem:$0x1D000] =	vst v63  }
0x13c: {  	s5 =	simm.s32 @!p1 $0x14800;
	s9 =	sadd.s32 @!p1 s9, s11  }
0x13d: {  	[tilespmem:s5], [sflag:$0x3] =	stream.linear.gather @!p1 [hbm4b:s9+s12], $0x400, $0x38;
	[tilespmem:$0x1D000] =	vst v63  }
0x13e: {  	_ = 	snop  }
0x13f: {  	[tilespmem:s14], [sflag:$0x1] =	stream.indirect.gather [hbm4b:s4+s21], $0x80, s19, s21, $0xb8;
	[tilespmem:$0x1D000] =	vst v63  }
0x140: {  	s9 =	rddreg [dreg:$0x15]  }
0x141: {  	[tilespmem:s22], [sflag:$0x2] =	stream.indirect.gather [hbm4b:s4+s21], $0x80, s9, s21, $0xb8;
	[tilespmem:$0x1D000] =	vst v63  }
0x142: {  	_ =	swait.ge [sflag:s23], $0x4000  }
0x143: {  	[sflag:s23] =	ssyncset.done $0x0  }
0x144: {  	[sflag:s23] =	ssyncadd.s32 $0xFFFFC000  }
0x145: {  	[spmem:s2] =	stream.indirect.scatter.add.f32 [tilespmem:s14], [sflag:$0x4], $0x80, s20, s21, $0xb8;
	[tilespmem:$0x1D000] =	vst v63  }
0x146: {  	_ =	swait.ge [sflag:s15], $0x4000  }
0x147: {  	[sflag:s15] =	ssyncset.done $0x0  }
0x148: {  	s10 =	rddreg [dreg:$0x16];
	[sflag:s15] =	ssyncadd.s32 $0xFFFFC000  }
0x149: {  	[tilespmem:s14], [sflag:$0x1] =	stream.indirect.gather [hbm4b:s4+s21], $0x80, s10, s21, $0xb8;
	[tilespmem:$0x1D000] =	vst v63  }
0x14a: {  	_ =	swait.ge [sflag:s24], $0x4000  }
0x14b: {  	[sflag:s24] =	ssyncset.done $0x0  }
0x14c: {  	s11 =	rddreg [dreg:$0x17];
	[sflag:s24] =	ssyncadd.s32 $0xFFFFC000  }
0x14d: {  	[spmem:s2] =	stream.indirect.scatter.add.f32 [tilespmem:s22], [sflag:$0x4], $0x80, s11, s21, $0xb8;
	[tilespmem:$0x1D000] =	vst v63  }
0x14e: {  	_ =	swait.ge [sflag:s15], $0x4000  }
0x14f: {  	[sflag:s15] =	ssyncset.done $0x0  }
0x150: {  	s12 =	rddreg [dreg:$0x18];
	[sflag:s15] =	ssyncadd.s32 $0xFFFFC000  }
0x151: {  	[tilespmem:s22], [sflag:$0x2] =	stream.indirect.gather [hbm4b:s4+s21], $0x80, s12, s21, $0xb8;
	[tilespmem:$0x1D000] =	vst v63  }
0x152: {  	_ =	swait.ge [sflag:s23], $0x4000  }
0x153: {  	[sflag:s23] =	ssyncset.done $0x0  }
0x154: {  	s13 =	rddreg [dreg:$0x19];
	[sflag:s23] =	ssyncadd.s32 $0xFFFFC000  }
0x155: {  	[spmem:s2] =	stream.indirect.scatter.add.f32 [tilespmem:s14], [sflag:$0x4], $0x80, s13, s21, $0xb8;
	[tilespmem:$0x1D000] =	vst v63  }
0x156: {  	_ =	swait.ge [sflag:s15], $0x4000  }
0x157: {  	[sflag:s15] =	ssyncset.done $0x0  }
0x158: {  	[sflag:s15] =	ssyncadd.s32 $0xFFFFC000  }
0x159: {  	[tilespmem:s14], [sflag:$0x1] =	stream.indirect.gather [hbm4b:s4+s21], $0x80, s25, s21, $0xb8;
	[tilespmem:$0x1D000] =	vst v63  }
0x15a: {  	_ =	swait.ge [sflag:s24], $0x4000  }
0x15b: {  	[sflag:s24] =	ssyncset.done $0x0  }
0x15c: {  	[sflag:s24] =	ssyncadd.s32 $0xFFFFC000  }
0x15d: {  	[spmem:s2] =	stream.indirect.scatter.add.f32 [tilespmem:s22], [sflag:$0x4], $0x80, s26, s21, $0xb8;
	[tilespmem:$0x1D000] =	vst v63  }
0x15e: {  	_ =	swait.ge [sflag:s15], $0x4000  }
0x15f: {  	[sflag:s15] =	ssyncset.done $0x0  }
0x160: {  	[sflag:s15] =	ssyncadd.s32 $0xFFFFC000  }
0x161: {  	[tilespmem:s22], [sflag:$0x2] =	stream.indirect.gather [hbm4b:s4+s21], $0x80, s28, s21, $0xb8;
	[tilespmem:$0x1D000] =	vst v63  }
0x162: {  	_ =	swait.ge [sflag:s23], $0x4000  }
0x163: {  	[sflag:s23] =	ssyncset.done $0x0  }
0x164: {  	[sflag:s23] =	ssyncadd.s32 $0xFFFFC000  }
0x165: {  	[spmem:s2] =	stream.indirect.scatter.add.f32 [tilespmem:s14], [sflag:$0x4], $0x80, s29, s21, $0xb8;
	[tilespmem:$0x1D000] =	vst v63  }
0x166: {  	_ =	swait.ge [sflag:s15], $0x4000  }
0x167: {  	[sflag:s15] =	ssyncset.done $0x0  }
0x168: {  	[sflag:s15] =	ssyncadd.s32 $0xFFFFC000  }
0x169: {  	[tilespmem:s14], [sflag:$0x1] =	stream.indirect.gather [hbm4b:s4+s21], $0x80, s30, s21, $0xb8;
	[tilespmem:$0x1D000] =	vst v63  }
0x16a: {  	_ =	swait.ge [sflag:s24], $0x4000  }
0x16b: {  	[sflag:s24] =	ssyncset.done $0x0  }
0x16c: {  	[sflag:s24] =	ssyncadd.s32 $0xFFFFC000  }
0x16d: {  	[spmem:s2] =	stream.indirect.scatter.add.f32 [tilespmem:s22], [sflag:$0x4], $0x80, s31, s21, $0xb8;
	[tilespmem:$0x1D000] =	vst v63  }
0x16e: {  	_ =	swait.ge [sflag:s15], $0x4000  }
0x16f: {  	[sflag:s15] =	ssyncset.done $0x0  }
0x170: {  	[sflag:s15] =	ssyncadd.s32 $0xFFFFC000  }
0x171: {  	[tilespmem:s22], [sflag:$0x2] =	stream.indirect.gather [hbm4b:s4+s21], $0x80, s0, s21, $0xb8;
	[tilespmem:$0x1D000] =	vst v63  }
0x172: {  	_ =	swait.ge [sflag:s23], $0x4000  }
0x173: {  	[sflag:s23] =	ssyncset.done $0x0  }
0x174: {  	[sflag:s23] =	ssyncadd.s32 $0xFFFFC000  }
0x175: {  	[spmem:s2] =	stream.indirect.scatter.add.f32 [tilespmem:s14], [sflag:$0x4], $0x80, s1, s21, $0xb8;
	[tilespmem:$0x1D000] =	vst v63  }
0x176: {  	_ =	swait.ge [sflag:s15], $0x4000  }
0x177: {  	s8 =	sadd.s32 $0x100, s8;
	[sflag:s15] =	ssyncset.done $0x0  }
0x178: {  	p0 =	sne.s32 s8, $0x500;
	[sflag:s15] =	ssyncadd.s32 $0xFFFFC000  }
.Ltmp1:
0x179: {  	_ =	swait.ge [sflag:s24], $0x4000;
	(pc) =	sbr.rel @p0 .LBB2_4-.Ltmp1, $4  }
0x17a: {  	[sflag:s24] =	ssyncset.done $0x0  }
0x17b: {  	[sflag:s24] =	ssyncadd.s32 $0xFFFFC000  }
0x17c: {  	[spmem:s2] =	stream.indirect.scatter.add.f32 [tilespmem:s22], [sflag:$0x4], $0x80, s6, s21, $0xb8;
	[tilespmem:$0x1D000] =	vst v63  }
0x17d: {  	_ =	swait.ge [sflag:s15], $0x4000  }
0x17e: {  	[sflag:s15] =	ssyncset.done $0x0  }
0x17f: {  	[sflag:s15] =	ssyncadd.s32 $0xFFFFC000  }
0x180: {  	[bflag:$0x0] =	sbarrier.arrive $0xFFFF  }
0x181: {  	s5 =	stileid.u32;
	s9 =	sld [smem:$0x7FD]  }
0x182: {  	s5 =	sshll.u32 s5, $0x6;
	s8 =	rddreg [dreg:$0x1a]  }
0x183: {  	s5 =	sor.u32 $0x1C04, s5;
	s8 =	sshrl.u32 s8, $0x3  }
0x184: {  	[hbm:s9], [sflag:s5] =	dma.local [spmem:s8], $0x2800  }
0x185: {  	_ =	swait.ge [sflag:s15], $0x2800  }
0x186: {  	s13 =	sld [smem:$0x7FC];
	_ =	sdelay $0x1  }
0x187: {  	s7 =	sadd.s32 $0x1, s7  }
0x188: {  	p0 =	sne.s32 s7, s13  }
.Ltmp2:
0x189: {  	_ = 	snop;
	(pc) =	sbr.rel @p0 .LBB2_1-.Ltmp2, $3  }
0x18a: {  	_ =	sdelay $0x1  }
0x18b: {  	[sflag:s15] =	ssyncset.done $0x0  }
0x18c: {  	[sflag:s15] =	ssyncadd.s32 $0xFFFFD800  }
0x18d: {  	_ =	sfence.sel $0x180000  }
0x18e: {  	[bflag:$0x0] =	sbarrier.arrive $0xFFFF  }
0x18f: {  	_ =	strace $0x90000050  }
0x190: {  	s0 =	stileid.u32;
	[bflag:$0x2] =	sbarrier.arrive $0xFFFF  }
0x191: {  	p0 =	sne.s32 s0, $0x0;
	s0 =	rddreg [dreg:$0x2]  }
0x192: {  	s0 =	sadd.s32 @!p0 $0x100000, s0  }
0x193: {  	[sflag:s0] =	ssyncadd.tile.s32 @!p0 $0x1;
	_ =	shalt  }
.Lfunc_end2:
_tile_overlayer_lowered:
.L_overlay_start_2:
0x194: {  	(tag) =	ssettag $0x2  }
0x195: {  	s0 =	rddreg [dreg:$0x0];
	s2 =	stileid.u32  }
0x196: {  	s1 =	rddreg [dreg:$0x1];
	p0 =	sne.s32 s2, $0x0  }
0x197: {  	s3 =	rddreg [dreg:$0x2];
	[bflag:$0x3] =	sbarrier.arrive $0xFFFF;
	s2 =	simm.s32 @!p0 $0x1C04  }
0x198: {  	[timem:s3], [sflag:s2] =	dma.local @!p0 [hbm:s0], s1  }
0x199: {  	s0 =	simm.s32 @!p0 $0x4  }
0x19a: {  	_ =	swait.ge @!p0 [sflag:s0], s1  }
0x19b: {  	s1 =	ssub.s32 @!p0 $0x0, s1;
	[sflag:s0] =	ssyncset.done @!p0 $0x0  }
0x19c: {  	[sflag:s0] =	ssyncadd.s32 @!p0 s1  }
0x19d: {  	[bflag:$0x3] =	sbarrier.arrive $0xFFFF  }
0x19e: {  	_ =	shalt  }

</sc_bundles>
